<compile_context>
chip_gen: v7x
topology: tpu7x:2x2x1
jax: 0.10.2.dev20260603
libtpu: 0.0.44.dev20260713+nightly
codegen_flags: <defaults>
</compile_context>

<pallas_src>
import math

import jax
import jax.numpy as jnp
import numpy as np
from jax import lax
from jax.experimental import pallas as pl
from jax.experimental.pallas import tpu as pltpu
from jax.experimental.pallas import tpu_sc as plsc

DIM = 192
NUM_HEADS = 8
HD = DIM // NUM_HEADS
WIN = 2
NUM_VALUES = 4
TEMP = 10000.0
H = 224
W = 224
HW = H * W
C = 96
NPF = 48
NFREQ = 24

NW = 32
PPW = HW // NW
CB = 16
NCHUNK = PPW // CB
NPAIR = NCHUNK // 2

KVP = 384
RB = 8
BA = RB * W
BC = RB * W
NB = BA + 2 * RB
NBLK = HW // BA


def _build_constants():
    perm = np.zeros(DIM, dtype=np.int32)
    for u in range(DIM // 16):
        for l in range(16):
            head = l if l < 8 else 15 - l
            d = 2 * u + (1 if l >= 8 else 0)
            perm[16 * u + l] = head * HD + d
    lanes = np.arange(16)
    pal = np.where(lanes < 8, lanes, 15 - lanes)
    head_of = pal[np.arange(DIM) % 16]

    scale2 = 2 * math.pi
    eps = 1e-06
    ones = np.ones((WIN, WIN), dtype=np.float64)
    y_emb = np.cumsum(ones, axis=0)
    x_emb = np.cumsum(ones, axis=1)
    y_emb = y_emb / (y_emb[-1:, :] + eps) * scale2
    x_emb = x_emb / (x_emb[:, -1:] + eps) * scale2
    dim_t = np.arange(NPF, dtype=np.float64)
    dim_t = TEMP ** (2 * (dim_t // 2) / NPF)
    pos_x = x_emb[..., None] / dim_t
    pos_y = y_emb[..., None] / dim_t
    pos_x = np.stack((np.sin(pos_x[..., 0::2]), np.cos(pos_x[..., 1::2])),
                     axis=3).reshape(WIN, WIN, NPF)
    pos_y = np.stack((np.sin(pos_y[..., 0::2]), np.cos(pos_y[..., 1::2])),
                     axis=3).reshape(WIN, WIN, NPF)
    pe_win = np.concatenate((pos_y, pos_x), axis=2).reshape(NUM_VALUES, 2 * NPF)

    pe_feat = np.zeros(2 * NPF, dtype=np.int32)
    for m in range(NFREQ):
        pe_feat[m] = 2 * m
        pe_feat[NFREQ + m] = 2 * m + 1
        pe_feat[2 * NFREQ + m] = NPF + 2 * m
        pe_feat[3 * NFREQ + m] = NPF + 2 * m + 1
    a_sel = np.zeros(2 * DIM // 2, dtype=np.int32)
    b_sel = np.zeros(2 * DIM // 2, dtype=np.int32)
    for q in range(2 * DIM // 32):
        for t in range(16):
            a_sel[16 * q + t] = 32 * q + t
            b_sel[16 * q + t] = 32 * q + 16 + t
    return perm, head_of, pal, pe_win.astype(np.float32), pe_feat, a_sel, b_sel


_PERM, _HEAD_OF, _PAL, _PE_WIN, _PE_FEAT, _ASEL, _BSEL = _build_constants()



def _phase_a_body(y4_ref, x4_ref, fl_ref, kvwa_ref, kvwb_ref, qw_ref,
                  qpew_ref, qb_ref, wkc_ref, kv_ref, q_ref, qkc_ref, idx_ref):
    i = pl.program_id(0)
    f32 = jnp.float32

    def rnbits(x):
        b = lax.bitcast_convert_type(x, jnp.int32)
        return b + 0x7FFF + (lax.shift_right_logical(b, 16) & 1)

    specials = []
    for r in range(RB):
        ra = lax.dot_general(
            y4_ref[0, :, r, :], kvwa_ref[...], (((0,), (1,)), ((), ())),
            preferred_element_type=f32)
        rb = lax.dot_general(
            y4_ref[0, :, r, :], kvwb_ref[...], (((0,), (1,)), ((), ())),
            preferred_element_type=f32)
        packed = (lax.shift_right_logical(rnbits(ra), 16)
                  | (rnbits(rb) & jnp.int32(-65536)))
        shifted = jnp.concatenate(
            [packed[1:W, :], packed[W - 1:W, :]], axis=0)
        kv_ref[pl.ds(r * W, W), :] = jnp.concatenate(
            [packed, shifted], axis=1)
        sl = packed[0:1, :]
        sr = packed[W - 1:W, :]
        specials.append(jnp.concatenate([sl, sl], axis=1))
        specials.append(jnp.concatenate([sr, sr], axis=1))
    kv_ref[pl.ds(BA, 2 * RB), :] = jnp.concatenate(specials, axis=0)

    p0 = i * BA
    lin = lax.broadcasted_iota(jnp.int32, (1, BA), 1) + p0
    r = lin // W
    cc = lin - r * W
    wx = cc.astype(f32) + fl_ref[0:1, :]
    wy = r.astype(f32) + fl_ref[1:2, :]
    fx = jnp.floor(wx)
    fy = jnp.floor(wy)
    ox = wx - fx
    oy = wy - fy
    ix = jnp.clip(fx, -1.0, W).astype(jnp.int32)
    iy = jnp.clip(fy, -1.0, H).astype(jnp.int32)
    cs = jnp.clip(ix, 0, W - 2)
    clipped = (ix < 0) | (ix >= W - 1)
    side = (ix >= W - 1).astype(jnp.int32)
    rows = []
    for dy in range(WIN):
        rr = jnp.clip(iy + dy, 0, H - 1)
        blk = rr // RB
        off = rr - blk * RB
        main = blk * NB + off * W + cs
        spec = blk * NB + BA + 2 * off + side
        rows.append(jnp.where(clipped, spec, main))
    idx_ref[...] = jnp.concatenate(rows, axis=0)

    sc2 = 2 * math.pi
    a = oy * (sc2 / (WIN + 1e-06))
    b = ox * (sc2 / (WIN + 1e-06))
    di = lax.broadcasted_iota(jnp.int32, (NFREQ, 1), 0).astype(f32)
    invd = jnp.exp(di * (-2.0 * math.log(TEMP) / NPF))
    th_y = invd * a
    th_x = invd * b
    xpe = jnp.concatenate(
        [jnp.sin(th_y), jnp.cos(th_y), jnp.sin(th_x), jnp.cos(th_x)], axis=0)

    qpe = lax.dot_general(
        xpe, qpew_ref[...], (((0,), (1,)), ((), ())),
        preferred_element_type=f32)
    for r in range(RB):
        q_ref[pl.ds(r * W, W), :] = (
            lax.dot_general(
                x4_ref[0, :, r, :], qw_ref[...],
                (((0,), (1,)), ((), ())),
                preferred_element_type=f32)
            + qpe[r * W:(r + 1) * W, :] + qb_ref[...])
    qkc_ref[...] = lax.dot_general(
        q_ref[...], wkc_ref[...], (((1,), (0,)), ((), ())),
        preferred_element_type=f32)


def _phase_a(y4, x4, fl, kv_wa, kv_wb, qw, qpew, qb, wkc):
    grid = (HW // BA,)
    return pl.pallas_call(
        _phase_a_body,
        grid=grid,
        in_specs=[
            pl.BlockSpec((1, C, RB, W), lambda i: (0, 0, i, 0)),
            pl.BlockSpec((1, C, RB, W), lambda i: (0, 0, i, 0)),
            pl.BlockSpec((2, BA), lambda i: (0, i)),
            pl.BlockSpec((DIM, C), lambda i: (0, 0)),
            pl.BlockSpec((DIM, C), lambda i: (0, 0)),
            pl.BlockSpec((DIM, C), lambda i: (0, 0)),
            pl.BlockSpec((DIM, C), lambda i: (0, 0)),
            pl.BlockSpec((1, DIM), lambda i: (0, 0)),
            pl.BlockSpec((DIM, 4 * 16), lambda i: (0, 0)),
        ],
        out_specs=[
            pl.BlockSpec((NB, KVP), lambda i: (i, 0)),
            pl.BlockSpec((BA, DIM), lambda i: (i, 0)),
            pl.BlockSpec((BA, 4 * 16), lambda i: (i, 0)),
            pl.BlockSpec((2, BA), lambda i: (0, i)),
        ],
        out_shape=[
            jax.ShapeDtypeStruct((NBLK * NB, KVP), jnp.int32),
            jax.ShapeDtypeStruct((HW, DIM), jnp.float32),
            jax.ShapeDtypeStruct((HW, 4 * 16), jnp.float32),
            jax.ShapeDtypeStruct((2, HW), jnp.int32),
        ],
    )(y4, x4, fl, kv_wa, kv_wb, qw, qpew, qb, wkc)



def _phase_b_body(kv_hbm, q_hbm, qkc_hbm, idx_hbm, out_hbm, att_hbm,
                  ix0, ix1,
                  r00, r01, r10, r11,
                  q0, q1, qk0, qk1, o0, o1, a0, a1,
                  sg0, sg1, ss0, ss1):
    wid = lax.axis_index("s") * 2 + lax.axis_index("c")
    base_w = wid * PPW
    idxb = (ix0, ix1)
    rows = ((r00, r01), (r10, r11))
    qb = (q0, q1)
    qkb = (qk0, qk1)
    ob = (o0, o1)
    ab = (a0, a1)
    gsem = (sg0, sg1)
    ssem = (ss0, ss1)

    for j in range(WIN):
        pltpu.sync_copy(idx_hbm.at[pl.ds(j * HW + base_w, PPW)], idxb[j])

    def issue(k, s):
        kk = jnp.minimum(k, NCHUNK - 1)
        base = base_w + kk * CB
        for j in range(WIN):
            iv = idxb[j][pl.ds(kk * CB, CB)]
            pltpu.async_copy(kv_hbm.at[iv], rows[s][j], gsem[s])
        pltpu.async_copy(q_hbm.at[pl.ds(base, CB)], qb[s], gsem[s])
        pltpu.async_copy(qkc_hbm.at[pl.ds(base, CB)], qkb[s], gsem[s])

    def wait_gathers(s):
        iv0 = idxb[0][pl.ds(0, CB)]
        for j in range(WIN):
            pltpu.make_async_copy(kv_hbm.at[iv0], rows[s][j], gsem[s]).wait()
        pltpu.make_async_copy(q_hbm.at[pl.ds(base_w, CB)], qb[s],
                              gsem[s]).wait()
        pltpu.make_async_copy(qkc_hbm.at[pl.ds(base_w, CB)], qkb[s],
                              gsem[s]).wait()

    def wait_stores(s):
        pltpu.make_async_copy(ob[s], out_hbm.at[pl.ds(base_w, CB)],
                              ssem[s]).wait()
        pltpu.make_async_copy(ab[s], att_hbm.at[pl.ds(base_w, CB)],
                              ssem[s]).wait()

    def compute(base, s):
        rj = rows[s]
        q_v = qb[s]
        qkc_v = qkb[s]
        out_v = ob[s]
        att_v = ab[s]

        @plsc.parallel_loop(0, CB)
        def pix_body(p):
            qv = [q_v[p, pl.ds(16 * v, 16)] for v in range(12)]
            es = []
            mx = None
            for j in range(NUM_VALUES):
                acc = qkc_v[p, pl.ds(16 * j, 16)]
                half = DIM * (j & 1)
                for u in range(6):
                    kw = rj[j // 2][p, pl.ds(half + 16 * u, 16)]
                    ka = lax.bitcast_convert_type(
                        lax.shift_left(kw, 16), jnp.float32)
                    kb = lax.bitcast_convert_type(
                        kw & jnp.int32(-65536), jnp.float32)
                    acc = acc + qv[2 * u] * ka + qv[2 * u + 1] * kb
                lg = acc + lax.rev(acc, (0,))
                es.append(lg)
                mx = lg if mx is None else jnp.maximum(mx, lg)
            ssum = None
            for j in range(NUM_VALUES):
                e = jnp.exp(es[j] - mx)
                es[j] = e
                ssum = e if ssum is None else ssum + e
            rinv = 1.0 / ssum
            attn = []
            for j in range(NUM_VALUES):
                aj = es[j] * rinv
                attn.append(aj)
                att_v[p, pl.ds(16 * j, 16)] = aj
            for u in range(6):
                oa = None
                ob = None
                for j in range(NUM_VALUES):
                    vw = rj[j // 2][p, pl.ds(DIM * (j & 1) + 96 + 16 * u, 16)]
                    va = lax.bitcast_convert_type(
                        lax.shift_left(vw, 16), jnp.float32)
                    vb = lax.bitcast_convert_type(
                        vw & jnp.int32(-65536), jnp.float32)
                    if oa is None:
                        oa = attn[j] * va
                        ob = attn[j] * vb
                    else:
                        oa = oa + attn[j] * va
                        ob = ob + attn[j] * vb
                out_v[p, pl.ds(32 * u, 16)] = oa
                out_v[p, pl.ds(32 * u + 16, 16)] = ob
        pltpu.async_copy(out_v, out_hbm.at[pl.ds(base, CB)], ssem[s])
        pltpu.async_copy(att_v, att_hbm.at[pl.ds(base, CB)], ssem[s])

    issue(0, 0)

    def pair_body(h, carry):
        base0 = base_w + (2 * h) * CB
        base1 = base0 + CB
        issue(2 * h + 1, 1)
        wait_gathers(0)

        @pl.when(h > 0)
        def _():
            wait_stores(0)

        compute(base0, 0)
        issue(2 * h + 2, 0)
        wait_gathers(1)

        @pl.when(h > 0)
        def _():
            wait_stores(1)

        compute(base1, 1)
        return carry

    lax.fori_loop(0, NPAIR, pair_body, 0)
    wait_gathers(0)
    wait_stores(0)
    wait_stores(1)


def _phase_b(kv, q, qkc, idx4):
    mesh = plsc.VectorSubcoreMesh(core_axis_name="c", subcore_axis_name="s")
    f = pl.kernel(
        _phase_b_body,
        out_type=[
            jax.ShapeDtypeStruct((HW, DIM), jnp.float32),
            jax.ShapeDtypeStruct((HW, 4 * 16), jnp.float32),
        ],
        mesh=mesh,
        scratch_types=(
            [pltpu.VMEM((PPW,), jnp.int32)] * 2
            + [pltpu.VMEM((CB, KVP), jnp.int32)] * 4
            + [pltpu.VMEM((CB, DIM), jnp.float32),
               pltpu.VMEM((CB, DIM), jnp.float32),
               pltpu.VMEM((CB, 4 * 16), jnp.float32),
               pltpu.VMEM((CB, 4 * 16), jnp.float32),
               pltpu.VMEM((CB, DIM), jnp.float32),
               pltpu.VMEM((CB, DIM), jnp.float32),
               pltpu.VMEM((CB, 4 * 16), jnp.float32),
               pltpu.VMEM((CB, 4 * 16), jnp.float32)]
            + [pltpu.SemaphoreType.DMA] * 4
        ),
    )
    return f(kv, q, qkc, idx4)



def _phase_c_body(o_ref, att_ref, wvc_ref, pt_ref, out_ref):
    t = o_ref[...] + lax.dot_general(
        att_ref[...], wvc_ref[...], (((1,), (0,)), ((), ())),
        preferred_element_type=jnp.float32)
    for r in range(RB):
        out_ref[0, :, r, :] = lax.dot_general(
            pt_ref[...], t[r * W:(r + 1) * W, :], (((1,), (1,)), ((), ())),
            preferred_element_type=jnp.float32)


def _phase_c(o, att, wvc, pt):
    grid = (HW // BC,)
    return pl.pallas_call(
        _phase_c_body,
        grid=grid,
        in_specs=[
            pl.BlockSpec((BC, DIM), lambda i: (i, 0)),
            pl.BlockSpec((BC, 4 * 16), lambda i: (i, 0)),
            pl.BlockSpec((4 * 16, DIM), lambda i: (0, 0)),
            pl.BlockSpec((DIM, DIM), lambda i: (0, 0)),
        ],
        out_specs=pl.BlockSpec((1, DIM, RB, W), lambda i: (0, 0, i, 0)),
        out_shape=jax.ShapeDtypeStruct((1, DIM, H, W), jnp.float32),
    )(o, att, wvc, pt)



@jax.jit
def kernel(y, x, flow, q_w, q_b, k_w, k_b, v_w, v_b):
    scale = HD ** (-0.5)
    perm = jnp.asarray(_PERM)
    head_of = _HEAD_OF
    pe_win = jnp.asarray(_PE_WIN)

    k_wp = k_w[perm, :]
    v_wp = v_w[perm, :]
    q_wp = q_w[perm, :] * scale
    q_bp = (q_b[perm] * scale).reshape(1, DIM)
    kc = pe_win @ k_wp.T + k_b[perm]
    vc = pe_win @ v_wp.T + v_b[perm]

    kv_w = jnp.concatenate([k_wp, v_wp], axis=0)
    kv_wa = kv_w[jnp.asarray(_ASEL), :]
    kv_wb = kv_w[jnp.asarray(_BSEL), :]
    q_w_pe = q_wp[:, jnp.asarray(_PE_FEAT)]

    lanes = np.arange(16)
    sel_kc = jnp.asarray(_HEAD_OF[:, None, None] == _PAL[None, None, :])
    wkc = jnp.where(sel_kc, 0.5 * kc.T[:, :, None], 0.0)
    wkc = wkc.reshape(DIM, NUM_VALUES * 16)

    sel_vc = jnp.asarray(
        (_PAL[None, :, None] == _HEAD_OF[None, None, :])
        & (lanes[None, :, None] < 8))
    wvc = jnp.where(sel_vc, vc[:, None, :], 0.0)
    wvc = wvc.reshape(NUM_VALUES * 16, DIM)

    pt = jnp.asarray(np.eye(DIM, dtype=np.float32)[_PERM].T)

    fl = flow.reshape(HW, 2).T

    kv, q, qkc, idx4 = _phase_a(y, x, fl, kv_wa, kv_wb, q_wp, q_w_pe,
                                q_bp, wkc)
    o, att = _phase_b(kv, q, qkc, idx4.reshape(WIN * HW))
    return _phase_c(o, att, wvc, pt)

# --- scband reference (transcript-rebuilt; emitter-appended) ---
"""Pipeline reference for scband-implicit-warp-module-31696858644753 (READ-ONLY COPY).

The authoritative reference and input builder live on the scoring server;
editing this copy changes nothing except your own understanding.
"""

import math
import jax, jax.numpy as jnp
import numpy as np

DIM = 192
PE_DIM = 96
NUM_HEADS = 8
WIN = 2
NUM_VALUES = WIN * WIN
TEMP = 10000.0


def _sine_pe_window():
    npf = PE_DIM // 2
    scale = 2 * math.pi
    eps = 1e-06
    not_mask = jnp.ones((1, WIN, WIN), dtype=jnp.float32)
    y_embed = jnp.cumsum(not_mask, axis=1)
    x_embed = jnp.cumsum(not_mask, axis=2)
    y_embed = y_embed / (y_embed[:, -1:, :] + eps) * scale
    x_embed = x_embed / (x_embed[:, :, -1:] + eps) * scale
    dim_t = jnp.arange(npf, dtype=jnp.float32)
    dim_t = TEMP ** (2 * (dim_t // 2) / npf)
    pos_x = x_embed[..., None] / dim_t
    pos_y = y_embed[..., None] / dim_t
    pos_x = jnp.stack((jnp.sin(pos_x[..., 0::2]), jnp.cos(pos_x[..., 1::2])), axis=4).reshape(1, WIN, WIN, npf)
    pos_y = jnp.stack((jnp.sin(pos_y[..., 0::2]), jnp.cos(pos_y[..., 1::2])), axis=4).reshape(1, WIN, WIN, npf)
    pe = jnp.concatenate((pos_y, pos_x), axis=3)
    return pe.reshape(1, WIN * WIN, PE_DIM)


def _sine_pe_points(points):
    npf = PE_DIM // 2
    scale = 2 * math.pi
    eps = 1e-06
    y_embed = points[:, :, 0] / (WIN + eps) * scale
    x_embed = points[:, :, 1] / (WIN + eps) * scale
    dim_t = jnp.arange(npf, dtype=jnp.float32)
    dim_t = TEMP ** (2 * (dim_t // 2) / npf)
    pos_x = x_embed[..., None] / dim_t
    pos_y = y_embed[..., None] / dim_t
    n, hw = points.shape[0], points.shape[1]
    pos_x = jnp.stack((jnp.sin(pos_x[..., 0::2]), jnp.cos(pos_x[..., 1::2])), axis=-1).reshape(n, hw, npf)
    pos_y = jnp.stack((jnp.sin(pos_y[..., 0::2]), jnp.cos(pos_y[..., 1::2])), axis=-1).reshape(n, hw, npf)
    return jnp.concatenate((pos_y, pos_x), axis=-1)


def setup_inputs(seed: int = 0) -> dict:
    key = jax.random.key(seed)
    ks = jax.random.split(key, 9)
    n, c, h, w = 1, 96, 224, 224
    y = jax.random.normal(ks[0], (n, c, h, w), dtype=jnp.float32)
    x = jax.random.normal(ks[1], (n, c, h, w), dtype=jnp.float32)
    flow = jax.random.normal(ks[2], (n, h, w, 2), dtype=jnp.float32)
    q_w = jax.random.normal(ks[3], (DIM, PE_DIM), dtype=jnp.float32) * 0.05
    q_b = jax.random.normal(ks[4], (DIM,), dtype=jnp.float32) * 0.05
    k_w = jax.random.normal(ks[5], (DIM, PE_DIM), dtype=jnp.float32) * 0.05
    k_b = jax.random.normal(ks[6], (DIM,), dtype=jnp.float32) * 0.05
    v_w = jax.random.normal(ks[7], (DIM, PE_DIM), dtype=jnp.float32) * 0.05
    v_b = jax.random.normal(ks[8], (DIM,), dtype=jnp.float32) * 0.05
    return {"y": y, "x": x, "flow": flow, "q_w": q_w, "q_b": q_b, "k_w": k_w, "k_b": k_b, "v_w": v_w, "v_b": v_b}


def reference(y, x, flow, q_w, q_b, k_w, k_b, v_w, v_b):
    n, c, h, w = x.shape
    hd = DIM // NUM_HEADS
    scale = hd ** (-0.5)
    grid_h, grid_w = jnp.meshgrid(jnp.arange(h, dtype=x.dtype), jnp.arange(w, dtype=x.dtype), indexing='ij')
    grid = jnp.stack((grid_h, grid_w), axis=2)[None]
    grid_wrp = grid + flow[..., ::-1]
    grid_wrp_flr = jnp.floor(grid_wrp)
    grid_wrp_off = (grid_wrp - grid_wrp_flr).reshape(n, h * w, 2)
    flr_i = grid_wrp_flr.astype(jnp.int32).reshape(n, h * w, 2)
    win_off = jnp.stack(jnp.meshgrid(jnp.arange(WIN), jnp.arange(WIN), indexing='ij'), axis=2).reshape(NUM_VALUES, 2)
    gw = (flr_i[:, :, None, :] + win_off).reshape(n, h * w * NUM_VALUES, 2)
    idx0 = jnp.clip(gw[:, :, 0], 0, h - 1)
    idx1 = jnp.clip(gw[:, :, 1], 0, w - 1)
    lin = idx1 + w * idx0
    y_flat = y.reshape(n, c, h * w)
    idx = jnp.broadcast_to(lin[:, None, :], (n, c, lin.shape[1]))
    wrp = jnp.take_along_axis(y_flat, idx, axis=2)
    wrp = wrp.reshape(n, c, h * w, NUM_VALUES).transpose(0, 2, 3, 1).reshape(n, h * w * NUM_VALUES, c)
    pb = _sine_pe_window()
    wrp_pe = jnp.tile(pb, (n, h * w, 1))
    wrp = jnp.tile(wrp, (1, 1, PE_DIM // c)) + wrp_pe
    xt = x.reshape(n, c, h * w).transpose(0, 2, 1)
    x_pe = _sine_pe_points(grid_wrp_off)
    xt = jnp.tile(xt, (1, 1, PE_DIM // c)) + x_pe
    nhw = n * h * w
    kw = (wrp @ k_w.T + k_b).reshape(nhw, NUM_VALUES, NUM_HEADS, hd).transpose(0, 2, 1, 3)
    vw = (wrp @ v_w.T + v_b).reshape(nhw, NUM_VALUES, NUM_HEADS, hd).transpose(0, 2, 1, 3)
    qx = (xt @ q_w.T + q_b).reshape(nhw, NUM_HEADS, 1, hd)
    attn = jax.nn.softmax((qx * scale) @ jnp.swapaxes(kw, -2, -1), axis=-1)
    out = (attn @ vw).transpose(0, 2, 1, 3).reshape(nhw, DIM)
    return out.reshape(n, h, w, DIM).transpose(0, 3, 1, 2)

if __name__ == "__main__":
    import jax
    _d = setup_inputs()
    print(jax.jit(kernel)(*tuple(_d.values())))

</pallas_src>

<mosaic_0001>
#map = affine_map<(d0, d1) -> (0, 0)>
#map1 = affine_map<(d0, d1) -> (0)>
module attributes {stable_mosaic.version = 14 : i64} {
  func.func @_phase_b_body(%arg0: i32, %arg1: i32, %arg2: memref<50624x384xi32, #tpu.memory_space<hbm>>, %arg3: memref<50176x192xf32, #tpu.memory_space<hbm>>, %arg4: memref<50176x64xf32, #tpu.memory_space<hbm>>, %arg5: memref<100352xi32, #tpu.memory_space<hbm>>, %arg6: memref<50176x192xf32, #tpu.memory_space<hbm>>, %arg7: memref<50176x64xf32, #tpu.memory_space<hbm>>, %arg8: memref<1568xi32, #tpu.memory_space<vmem>>, %arg9: memref<1568xi32, #tpu.memory_space<vmem>>, %arg10: memref<16x384xi32, #tpu.memory_space<vmem>>, %arg11: memref<16x384xi32, #tpu.memory_space<vmem>>, %arg12: memref<16x384xi32, #tpu.memory_space<vmem>>, %arg13: memref<16x384xi32, #tpu.memory_space<vmem>>, %arg14: memref<16x192xf32, #tpu.memory_space<vmem>>, %arg15: memref<16x192xf32, #tpu.memory_space<vmem>>, %arg16: memref<16x64xf32, #tpu.memory_space<vmem>>, %arg17: memref<16x64xf32, #tpu.memory_space<vmem>>, %arg18: memref<16x192xf32, #tpu.memory_space<vmem>>, %arg19: memref<16x192xf32, #tpu.memory_space<vmem>>, %arg20: memref<16x64xf32, #tpu.memory_space<vmem>>, %arg21: memref<16x64xf32, #tpu.memory_space<vmem>>, %arg22: memref<!tpu.dma_semaphore, #tpu.memory_space<semaphore_mem>>, %arg23: memref<!tpu.dma_semaphore, #tpu.memory_space<semaphore_mem>>, %arg24: memref<!tpu.dma_semaphore, #tpu.memory_space<semaphore_mem>>, %arg25: memref<!tpu.dma_semaphore, #tpu.memory_space<semaphore_mem>>) attributes {dimension_semantics = [#tpu.dimension_semantics<core_parallel>, #tpu.dimension_semantics<subcore_parallel>], iteration_bounds = array<i64: 2, 16>, scalar_prefetch = 0 : i64, scratch_operands = 18 : i64, tpu.core_type = #tpu.core_type<sc_vector_subcore>, window_params = [{transform_indices = #map}, {transform_indices = #map}, {transform_indices = #map}, {transform_indices = #map1}, {transform_indices = #map}, {transform_indices = #map}]} {
    %mul3A = arith.constant 2 : i32
    %mul3A_0 = arith.muli %arg1, %mul3A : i32
    %add3A = arith.addi %mul3A_0, %arg0 : i32
    %mul3A_1 = arith.constant 1568 : i32
    %mul3A_2 = arith.muli %add3A, %mul3A_1 : i32
    %add3A_3 = arith.constant 0 : i32
    %add3A_4 = arith.addi %add3A_3, %mul3A_2 : i32
    "tpu.region"() ({
      %run_scoped3A = tpu.sem_alloc : memref<!tpu.dma_semaphore, #tpu.memory_space<semaphore_mem>>
      %dma_start3A_71 = tpu.memref_slice %arg5[%add3A_4] : memref<100352xi32, #tpu.memory_space<hbm>> -> memref<1568xi32, #tpu.memory_space<hbm>>
      %dma_start3A_72 = tpu.memref_slice %arg5[%add3A_4] : memref<100352xi32, #tpu.memory_space<hbm>> -> memref<1568xi32, #tpu.memory_space<hbm>>
      tpu.enqueue_dma source(%dma_start3A_72 : memref<1568xi32, #tpu.memory_space<hbm>>) target(%arg8 : memref<1568xi32, #tpu.memory_space<vmem>>) target_semaphore(%run_scoped3A : memref<!tpu.dma_semaphore, #tpu.memory_space<semaphore_mem>>)
      %dma_wait3A_73 = tpu.memref_slice %arg5[%add3A_4] : memref<100352xi32, #tpu.memory_space<hbm>> -> memref<1568xi32, #tpu.memory_space<hbm>>
      %dma_wait3A_74 = tpu.memref_slice %arg5[%add3A_4] : memref<100352xi32, #tpu.memory_space<hbm>> -> memref<1568xi32, #tpu.memory_space<hbm>>
      tpu.wait_dma2 semaphore(%run_scoped3A : memref<!tpu.dma_semaphore, #tpu.memory_space<semaphore_mem>>) src(%dma_wait3A_74 : memref<1568xi32, #tpu.memory_space<hbm>>) dst(%arg8 : memref<1568xi32, #tpu.memory_space<vmem>>)
      tpu.yield
    }) : () -> ()
    %add3A_5 = arith.constant 50176 : i32
    %add3A_6 = arith.addi %add3A_5, %mul3A_2 : i32
    "tpu.region"() ({
      %run_scoped3A = tpu.sem_alloc : memref<!tpu.dma_semaphore, #tpu.memory_space<semaphore_mem>>
      %dma_start3A_71 = tpu.memref_slice %arg5[%add3A_6] : memref<100352xi32, #tpu.memory_space<hbm>> -> memref<1568xi32, #tpu.memory_space<hbm>>
      %dma_start3A_72 = tpu.memref_slice %arg5[%add3A_6] : memref<100352xi32, #tpu.memory_space<hbm>> -> memref<1568xi32, #tpu.memory_space<hbm>>
      tpu.enqueue_dma source(%dma_start3A_72 : memref<1568xi32, #tpu.memory_space<hbm>>) target(%arg9 : memref<1568xi32, #tpu.memory_space<vmem>>) target_semaphore(%run_scoped3A : memref<!tpu.dma_semaphore, #tpu.memory_space<semaphore_mem>>)
      %dma_wait3A_73 = tpu.memref_slice %arg5[%add3A_6] : memref<100352xi32, #tpu.memory_space<hbm>> -> memref<1568xi32, #tpu.memory_space<hbm>>
      %dma_wait3A_74 = tpu.memref_slice %arg5[%add3A_6] : memref<100352xi32, #tpu.memory_space<hbm>> -> memref<1568xi32, #tpu.memory_space<hbm>>
      tpu.wait_dma2 semaphore(%run_scoped3A : memref<!tpu.dma_semaphore, #tpu.memory_space<semaphore_mem>>) src(%dma_wait3A_74 : memref<1568xi32, #tpu.memory_space<hbm>>) dst(%arg9 : memref<1568xi32, #tpu.memory_space<vmem>>)
      tpu.yield
    }) : () -> ()
    %min3A = arith.constant 0 : i32
    %min3A_7 = arith.constant 97 : i32
    %min3A_8 = arith.minsi %min3A, %min3A_7 : i32
    %mul3A_9 = arith.constant 16 : i32
    %mul3A_10 = arith.muli %min3A_8, %mul3A_9 : i32
    %add3A_11 = arith.addi %mul3A_2, %mul3A_10 : i32
    %mul3A_12 = arith.constant 16 : i32
    %mul3A_13 = arith.muli %min3A_8, %mul3A_12 : i32
    %get3A = arith.index_cast %mul3A_13 : i32 to index
    %get3A_14 = tpu.vector_load %arg8[%get3A] {strides = array<i32>} : memref<1568xi32, #tpu.memory_space<vmem>>, vector<16xi32>,
    %get3A_15 = vector.shape_cast %get3A_14 : vector<16xi32> to vector<16xi32>
    %dma_start3A = arith.constant 0 : i32
    %dma_start3A_16 = arith.constant 0 : i32
    %dma_start3A_17 = tpu.memref_slice %arg2[%dma_start3A, %dma_start3A_16] : memref<50624x384xi32, #tpu.memory_space<hbm>> -> memref<50624x384xi32, #tpu.memory_space<hbm>>
    tpu.enqueue_indirect_dma source(%dma_start3A_17 : memref<50624x384xi32, #tpu.memory_space<hbm>>) target(%arg10 : memref<16x384xi32, #tpu.memory_space<vmem>>) offsets(%get3A_15 : vector<16xi32>) semaphore(%arg22 : memref<!tpu.dma_semaphore, #tpu.memory_space<semaphore_mem>>)
    %mul3A_18 = arith.constant 16 : i32
    %mul3A_19 = arith.muli %min3A_8, %mul3A_18 : i32
    %get3A_20 = arith.index_cast %mul3A_19 : i32 to index
    %get3A_21 = tpu.vector_load %arg9[%get3A_20] {strides = array<i32>} : memref<1568xi32, #tpu.memory_space<vmem>>, vector<16xi32>,
    %get3A_22 = vector.shape_cast %get3A_21 : vector<16xi32> to vector<16xi32>
    %dma_start3A_23 = arith.constant 0 : i32
    %dma_start3A_24 = arith.constant 0 : i32
    %dma_start3A_25 = tpu.memref_slice %arg2[%dma_start3A_23, %dma_start3A_24] : memref<50624x384xi32, #tpu.memory_space<hbm>> -> memref<50624x384xi32, #tpu.memory_space<hbm>>
    tpu.enqueue_indirect_dma source(%dma_start3A_25 : memref<50624x384xi32, #tpu.memory_space<hbm>>) target(%arg11 : memref<16x384xi32, #tpu.memory_space<vmem>>) offsets(%get3A_22 : vector<16xi32>) semaphore(%arg22 : memref<!tpu.dma_semaphore, #tpu.memory_space<semaphore_mem>>)
    %dma_start3A_26 = arith.constant 0 : i32
    %dma_start3A_27 = tpu.memref_slice %arg3[%add3A_11, %dma_start3A_26] : memref<50176x192xf32, #tpu.memory_space<hbm>> -> memref<16x192xf32, #tpu.memory_space<hbm>>
    %dma_start3A_28 = arith.constant 0 : i32
    %dma_start3A_29 = tpu.memref_slice %arg3[%add3A_11, %dma_start3A_28] : memref<50176x192xf32, #tpu.memory_space<hbm>> -> memref<16x192xf32, #tpu.memory_space<hbm>>
    tpu.enqueue_dma source(%dma_start3A_29 : memref<16x192xf32, #tpu.memory_space<hbm>>) target(%arg14 : memref<16x192xf32, #tpu.memory_space<vmem>>) target_semaphore(%arg22 : memref<!tpu.dma_semaphore, #tpu.memory_space<semaphore_mem>>)
    %dma_start3A_30 = arith.constant 0 : i32
    %dma_start3A_31 = tpu.memref_slice %arg4[%add3A_11, %dma_start3A_30] : memref<50176x64xf32, #tpu.memory_space<hbm>> -> memref<16x64xf32, #tpu.memory_space<hbm>>
    %dma_start3A_32 = arith.constant 0 : i32
    %dma_start3A_33 = tpu.memref_slice %arg4[%add3A_11, %dma_start3A_32] : memref<50176x64xf32, #tpu.memory_space<hbm>> -> memref<16x64xf32, #tpu.memory_space<hbm>>
    tpu.enqueue_dma source(%dma_start3A_33 : memref<16x64xf32, #tpu.memory_space<hbm>>) target(%arg16 : memref<16x64xf32, #tpu.memory_space<vmem>>) target_semaphore(%arg22 : memref<!tpu.dma_semaphore, #tpu.memory_space<semaphore_mem>>)
    %scan3A = arith.constant 0 : i32
    %scan3A_34 = arith.constant 0 : i32
    %scan3A_35 = arith.constant 49 : i32
    %scan3A_36 = arith.addi %scan3A_34, %scan3A_35 : i32
    %scan3A_37 = arith.constant 1 : i32
    scf.for %scan3A_71 = %scan3A_34 to %scan3A_36 step %scan3A_37  : i32 {
      %mul3A_72 = arith.constant 2 : i32
      %mul3A_73 = arith.muli %mul3A_72, %scan3A_71 : i32
      %mul3A_74 = arith.constant 16 : i32
      %mul3A_75 = arith.muli %mul3A_73, %mul3A_74 : i32
      %add3A_76 = arith.addi %mul3A_2, %mul3A_75 : i32
      %add3A_77 = arith.constant 16 : i32
      %add3A_78 = arith.addi %add3A_76, %add3A_77 : i32
      %mul3A_79 = arith.constant 2 : i32
      %mul3A_80 = arith.muli %mul3A_79, %scan3A_71 : i32
      %add3A_81 = arith.constant 1 : i32
      %add3A_82 = arith.addi %mul3A_80, %add3A_81 : i32
      %min3A_83 = arith.constant 97 : i32
      %min3A_84 = arith.minsi %add3A_82, %min3A_83 : i32
      %mul3A_85 = arith.constant 16 : i32
      %mul3A_86 = arith.muli %min3A_84, %mul3A_85 : i32
      %add3A_87 = arith.addi %mul3A_2, %mul3A_86 : i32
      %mul3A_88 = arith.constant 16 : i32
      %mul3A_89 = arith.muli %min3A_84, %mul3A_88 : i32
      %get3A_90 = arith.index_cast %mul3A_89 : i32 to index
      %get3A_91 = tpu.vector_load %arg8[%get3A_90] {strides = array<i32>} : memref<1568xi32, #tpu.memory_space<vmem>>, vector<16xi32>,
      %get3A_92 = vector.shape_cast %get3A_91 : vector<16xi32> to vector<16xi32>
      %dma_start3A_93 = arith.constant 0 : i32
      %dma_start3A_94 = arith.constant 0 : i32
      %dma_start3A_95 = tpu.memref_slice %arg2[%dma_start3A_93, %dma_start3A_94] : memref<50624x384xi32, #tpu.memory_space<hbm>> -> memref<50624x384xi32, #tpu.memory_space<hbm>>
      tpu.enqueue_indirect_dma source(%dma_start3A_95 : memref<50624x384xi32, #tpu.memory_space<hbm>>) target(%arg12 : memref<16x384xi32, #tpu.memory_space<vmem>>) offsets(%get3A_92 : vector<16xi32>) semaphore(%arg23 : memref<!tpu.dma_semaphore, #tpu.memory_space<semaphore_mem>>)
      %mul3A_96 = arith.constant 16 : i32
      %mul3A_97 = arith.muli %min3A_84, %mul3A_96 : i32
      %get3A_98 = arith.index_cast %mul3A_97 : i32 to index
      %get3A_99 = tpu.vector_load %arg9[%get3A_98] {strides = array<i32>} : memref<1568xi32, #tpu.memory_space<vmem>>, vector<16xi32>,
      %get3A_100 = vector.shape_cast %get3A_99 : vector<16xi32> to vector<16xi32>
      %dma_start3A_101 = arith.constant 0 : i32
      %dma_start3A_102 = arith.constant 0 : i32
      %dma_start3A_103 = tpu.memref_slice %arg2[%dma_start3A_101, %dma_start3A_102] : memref<50624x384xi32, #tpu.memory_space<hbm>> -> memref<50624x384xi32, #tpu.memory_space<hbm>>
      tpu.enqueue_indirect_dma source(%dma_start3A_103 : memref<50624x384xi32, #tpu.memory_space<hbm>>) target(%arg13 : memref<16x384xi32, #tpu.memory_space<vmem>>) offsets(%get3A_100 : vector<16xi32>) semaphore(%arg23 : memref<!tpu.dma_semaphore, #tpu.memory_space<semaphore_mem>>)
      %dma_start3A_104 = arith.constant 0 : i32
      %dma_start3A_105 = tpu.memref_slice %arg3[%add3A_87, %dma_start3A_104] : memref<50176x192xf32, #tpu.memory_space<hbm>> -> memref<16x192xf32, #tpu.memory_space<hbm>>
      %dma_start3A_106 = arith.constant 0 : i32
      %dma_start3A_107 = tpu.memref_slice %arg3[%add3A_87, %dma_start3A_106] : memref<50176x192xf32, #tpu.memory_space<hbm>> -> memref<16x192xf32, #tpu.memory_space<hbm>>
      tpu.enqueue_dma source(%dma_start3A_107 : memref<16x192xf32, #tpu.memory_space<hbm>>) target(%arg15 : memref<16x192xf32, #tpu.memory_space<vmem>>) target_semaphore(%arg23 : memref<!tpu.dma_semaphore, #tpu.memory_space<semaphore_mem>>)
      %dma_start3A_108 = arith.constant 0 : i32
      %dma_start3A_109 = tpu.memref_slice %arg4[%add3A_87, %dma_start3A_108] : memref<50176x64xf32, #tpu.memory_space<hbm>> -> memref<16x64xf32, #tpu.memory_space<hbm>>
      %dma_start3A_110 = arith.constant 0 : i32
      %dma_start3A_111 = tpu.memref_slice %arg4[%add3A_87, %dma_start3A_110] : memref<50176x64xf32, #tpu.memory_space<hbm>> -> memref<16x64xf32, #tpu.memory_space<hbm>>
      tpu.enqueue_dma source(%dma_start3A_111 : memref<16x64xf32, #tpu.memory_space<hbm>>) target(%arg17 : memref<16x64xf32, #tpu.memory_space<vmem>>) target_semaphore(%arg23 : memref<!tpu.dma_semaphore, #tpu.memory_space<semaphore_mem>>)
      %get3A_112 = arith.constant 0 : index
      %get3A_113 = tpu.vector_load %arg8[%get3A_112] {strides = array<i32>} : memref<1568xi32, #tpu.memory_space<vmem>>, vector<16xi32>,
      %get3A_114 = vector.shape_cast %get3A_113 : vector<16xi32> to vector<16xi32>
      %dma_wait3A_115 = arith.constant 0 : i32
      %dma_wait3A_116 = arith.constant 0 : i32
      %dma_wait3A_117 = tpu.memref_slice %arg2[%dma_wait3A_115, %dma_wait3A_116] : memref<50624x384xi32, #tpu.memory_space<hbm>> -> memref<50624x384xi32, #tpu.memory_space<hbm>>
      tpu.wait_indirect_dma semaphore(%arg22 : memref<!tpu.dma_semaphore, #tpu.memory_space<semaphore_mem>>) src(%dma_wait3A_117 : memref<50624x384xi32, #tpu.memory_space<hbm>>) dst(%arg10 : memref<16x384xi32, #tpu.memory_space<vmem>>)
      %dma_wait3A_118 = arith.constant 0 : i32
      %dma_wait3A_119 = arith.constant 0 : i32
      %dma_wait3A_120 = tpu.memref_slice %arg2[%dma_wait3A_118, %dma_wait3A_119] : memref<50624x384xi32, #tpu.memory_space<hbm>> -> memref<50624x384xi32, #tpu.memory_space<hbm>>
      tpu.wait_indirect_dma semaphore(%arg22 : memref<!tpu.dma_semaphore, #tpu.memory_space<semaphore_mem>>) src(%dma_wait3A_120 : memref<50624x384xi32, #tpu.memory_space<hbm>>) dst(%arg11 : memref<16x384xi32, #tpu.memory_space<vmem>>)
      %dma_wait3A_121 = arith.constant 0 : i32
      %dma_wait3A_122 = tpu.memref_slice %arg3[%mul3A_2, %dma_wait3A_121] : memref<50176x192xf32, #tpu.memory_space<hbm>> -> memref<16x192xf32, #tpu.memory_space<hbm>>
      %dma_wait3A_123 = arith.constant 0 : i32
      %dma_wait3A_124 = tpu.memref_slice %arg3[%mul3A_2, %dma_wait3A_123] : memref<50176x192xf32, #tpu.memory_space<hbm>> -> memref<16x192xf32, #tpu.memory_space<hbm>>
      tpu.wait_dma2 semaphore(%arg22 : memref<!tpu.dma_semaphore, #tpu.memory_space<semaphore_mem>>) src(%dma_wait3A_124 : memref<16x192xf32, #tpu.memory_space<hbm>>) dst(%arg14 : memref<16x192xf32, #tpu.memory_space<vmem>>)
      %dma_wait3A_125 = arith.constant 0 : i32
      %dma_wait3A_126 = tpu.memref_slice %arg4[%mul3A_2, %dma_wait3A_125] : memref<50176x64xf32, #tpu.memory_space<hbm>> -> memref<16x64xf32, #tpu.memory_space<hbm>>
      %dma_wait3A_127 = arith.constant 0 : i32
      %dma_wait3A_128 = tpu.memref_slice %arg4[%mul3A_2, %dma_wait3A_127] : memref<50176x64xf32, #tpu.memory_space<hbm>> -> memref<16x64xf32, #tpu.memory_space<hbm>>
      tpu.wait_dma2 semaphore(%arg22 : memref<!tpu.dma_semaphore, #tpu.memory_space<semaphore_mem>>) src(%dma_wait3A_128 : memref<16x64xf32, #tpu.memory_space<hbm>>) dst(%arg16 : memref<16x64xf32, #tpu.memory_space<vmem>>)
      %gt3A = arith.constant 0 : i32
      %gt3A_129 = arith.cmpi sgt, %scan3A_71, %gt3A : i32
      %convert_element_type3A = arith.extui %gt3A_129 : i1 to i32
      %cond3A = arith.constant 0 : i32
      %cond3A_130 = arith.cmpi ne, %convert_element_type3A, %cond3A : i32
      scf.if %cond3A_130 {
        %dma_wait3A_207 = arith.constant 0 : i32
        %dma_wait3A_208 = tpu.memref_slice %arg6[%mul3A_2, %dma_wait3A_207] : memref<50176x192xf32, #tpu.memory_space<hbm>> -> memref<16x192xf32, #tpu.memory_space<hbm>>
        %dma_wait3A_209 = arith.constant 0 : i32
        %dma_wait3A_210 = tpu.memref_slice %arg6[%mul3A_2, %dma_wait3A_209] : memref<50176x192xf32, #tpu.memory_space<hbm>> -> memref<16x192xf32, #tpu.memory_space<hbm>>
        tpu.wait_dma2 semaphore(%arg24 : memref<!tpu.dma_semaphore, #tpu.memory_space<semaphore_mem>>) src(%arg18 : memref<16x192xf32, #tpu.memory_space<vmem>>) dst(%dma_wait3A_210 : memref<16x192xf32, #tpu.memory_space<hbm>>)
        %dma_wait3A_211 = arith.constant 0 : i32
        %dma_wait3A_212 = tpu.memref_slice %arg7[%mul3A_2, %dma_wait3A_211] : memref<50176x64xf32, #tpu.memory_space<hbm>> -> memref<16x64xf32, #tpu.memory_space<hbm>>
        %dma_wait3A_213 = arith.constant 0 : i32
        %dma_wait3A_214 = tpu.memref_slice %arg7[%mul3A_2, %dma_wait3A_213] : memref<50176x64xf32, #tpu.memory_space<hbm>> -> memref<16x64xf32, #tpu.memory_space<hbm>>
        tpu.wait_dma2 semaphore(%arg24 : memref<!tpu.dma_semaphore, #tpu.memory_space<semaphore_mem>>) src(%arg20 : memref<16x64xf32, #tpu.memory_space<vmem>>) dst(%dma_wait3A_214 : memref<16x64xf32, #tpu.memory_space<hbm>>)
      } else {
      }
      %parallel_loop3A = arith.constant 0 : i32
      %parallel_loop3A_131 = arith.constant 16 : i32
      %parallel_loop3A_132 = arith.constant 1 : i32
      scf.for %parallel_loop3A_207 = %parallel_loop3A to %parallel_loop3A_131 step %parallel_loop3A_132  : i32 {
        %parallel_loop3A_208 = arith.index_cast %parallel_loop3A_207 : i32 to index
        %parallel_loop3A_209 = arith.constant 0 : index
        %parallel_loop3A_210 = tpu.vector_load %arg14[%parallel_loop3A_208, %parallel_loop3A_209] {strides = array<i32>} : memref<16x192xf32, #tpu.memory_space<vmem>>, vector<1x16xf32>,
        %parallel_loop3A_211 = vector.shape_cast %parallel_loop3A_210 : vector<1x16xf32> to vector<16xf32>
        %parallel_loop3A_212 = arith.index_cast %parallel_loop3A_207 : i32 to index
        %parallel_loop3A_213 = arith.constant 16 : index
        %parallel_loop3A_214 = tpu.vector_load %arg14[%parallel_loop3A_212, %parallel_loop3A_213] {strides = array<i32>} : memref<16x192xf32, #tpu.memory_space<vmem>>, vector<1x16xf32>,
        %parallel_loop3A_215 = vector.shape_cast %parallel_loop3A_214 : vector<1x16xf32> to vector<16xf32>
        %parallel_loop3A_216 = arith.index_cast %parallel_loop3A_207 : i32 to index
        %parallel_loop3A_217 = arith.constant 32 : index
        %parallel_loop3A_218 = tpu.vector_load %arg14[%parallel_loop3A_216, %parallel_loop3A_217] {strides = array<i32>} : memref<16x192xf32, #tpu.memory_space<vmem>>, vector<1x16xf32>,
        %parallel_loop3A_219 = vector.shape_cast %parallel_loop3A_218 : vector<1x16xf32> to vector<16xf32>
        %parallel_loop3A_220 = arith.index_cast %parallel_loop3A_207 : i32 to index
        %parallel_loop3A_221 = arith.constant 48 : index
        %parallel_loop3A_222 = tpu.vector_load %arg14[%parallel_loop3A_220, %parallel_loop3A_221] {strides = array<i32>} : memref<16x192xf32, #tpu.memory_space<vmem>>, vector<1x16xf32>,
        %parallel_loop3A_223 = vector.shape_cast %parallel_loop3A_222 : vector<1x16xf32> to vector<16xf32>
        %parallel_loop3A_224 = arith.index_cast %parallel_loop3A_207 : i32 to index
        %parallel_loop3A_225 = arith.constant 64 : index
        %parallel_loop3A_226 = tpu.vector_load %arg14[%parallel_loop3A_224, %parallel_loop3A_225] {strides = array<i32>} : memref<16x192xf32, #tpu.memory_space<vmem>>, vector<1x16xf32>,
        %parallel_loop3A_227 = vector.shape_cast %parallel_loop3A_226 : vector<1x16xf32> to vector<16xf32>
        %parallel_loop3A_228 = arith.index_cast %parallel_loop3A_207 : i32 to index
        %parallel_loop3A_229 = arith.constant 80 : index
        %parallel_loop3A_230 = tpu.vector_load %arg14[%parallel_loop3A_228, %parallel_loop3A_229] {strides = array<i32>} : memref<16x192xf32, #tpu.memory_space<vmem>>, vector<1x16xf32>,
        %parallel_loop3A_231 = vector.shape_cast %parallel_loop3A_230 : vector<1x16xf32> to vector<16xf32>
        %parallel_loop3A_232 = arith.index_cast %parallel_loop3A_207 : i32 to index
        %parallel_loop3A_233 = arith.constant 96 : index
        %parallel_loop3A_234 = tpu.vector_load %arg14[%parallel_loop3A_232, %parallel_loop3A_233] {strides = array<i32>} : memref<16x192xf32, #tpu.memory_space<vmem>>, vector<1x16xf32>,
        %parallel_loop3A_235 = vector.shape_cast %parallel_loop3A_234 : vector<1x16xf32> to vector<16xf32>
        %parallel_loop3A_236 = arith.index_cast %parallel_loop3A_207 : i32 to index
        %parallel_loop3A_237 = arith.constant 112 : index
        %parallel_loop3A_238 = tpu.vector_load %arg14[%parallel_loop3A_236, %parallel_loop3A_237] {strides = array<i32>} : memref<16x192xf32, #tpu.memory_space<vmem>>, vector<1x16xf32>,
        %parallel_loop3A_239 = vector.shape_cast %parallel_loop3A_238 : vector<1x16xf32> to vector<16xf32>
        %parallel_loop3A_240 = arith.index_cast %parallel_loop3A_207 : i32 to index
        %parallel_loop3A_241 = arith.constant 128 : index
        %parallel_loop3A_242 = tpu.vector_load %arg14[%parallel_loop3A_240, %parallel_loop3A_241] {strides = array<i32>} : memref<16x192xf32, #tpu.memory_space<vmem>>, vector<1x16xf32>,
        %parallel_loop3A_243 = vector.shape_cast %parallel_loop3A_242 : vector<1x16xf32> to vector<16xf32>
        %parallel_loop3A_244 = arith.index_cast %parallel_loop3A_207 : i32 to index
        %parallel_loop3A_245 = arith.constant 144 : index
        %parallel_loop3A_246 = tpu.vector_load %arg14[%parallel_loop3A_244, %parallel_loop3A_245] {strides = array<i32>} : memref<16x192xf32, #tpu.memory_space<vmem>>, vector<1x16xf32>,
        %parallel_loop3A_247 = vector.shape_cast %parallel_loop3A_246 : vector<1x16xf32> to vector<16xf32>
        %parallel_loop3A_248 = arith.index_cast %parallel_loop3A_207 : i32 to index
        %parallel_loop3A_249 = arith.constant 160 : index
        %parallel_loop3A_250 = tpu.vector_load %arg14[%parallel_loop3A_248, %parallel_loop3A_249] {strides = array<i32>} : memref<16x192xf32, #tpu.memory_space<vmem>>, vector<1x16xf32>,
        %parallel_loop3A_251 = vector.shape_cast %parallel_loop3A_250 : vector<1x16xf32> to vector<16xf32>
        %parallel_loop3A_252 = arith.index_cast %parallel_loop3A_207 : i32 to index
        %parallel_loop3A_253 = arith.constant 176 : index
        %parallel_loop3A_254 = tpu.vector_load %arg14[%parallel_loop3A_252, %parallel_loop3A_253] {strides = array<i32>} : memref<16x192xf32, #tpu.memory_space<vmem>>, vector<1x16xf32>,
        %parallel_loop3A_255 = vector.shape_cast %parallel_loop3A_254 : vector<1x16xf32> to vector<16xf32>
        %parallel_loop3A_256 = arith.index_cast %parallel_loop3A_207 : i32 to index
        %parallel_loop3A_257 = arith.constant 0 : index
        %parallel_loop3A_258 = tpu.vector_load %arg16[%parallel_loop3A_256, %parallel_loop3A_257] {strides = array<i32>} : memref<16x64xf32, #tpu.memory_space<vmem>>, vector<1x16xf32>,
        %parallel_loop3A_259 = vector.shape_cast %parallel_loop3A_258 : vector<1x16xf32> to vector<16xf32>
        %parallel_loop3A_260 = arith.index_cast %parallel_loop3A_207 : i32 to index
        %parallel_loop3A_261 = arith.constant 0 : index
        %parallel_loop3A_262 = tpu.vector_load %arg10[%parallel_loop3A_260, %parallel_loop3A_261] {strides = array<i32>} : memref<16x384xi32, #tpu.memory_space<vmem>>, vector<1x16xi32>,
        %parallel_loop3A_263 = vector.shape_cast %parallel_loop3A_262 : vector<1x16xi32> to vector<16xi32>
        %parallel_loop3A_264 = arith.constant 16 : i32
        %parallel_loop3A_265 = vector.broadcast %parallel_loop3A_264 : i32 to vector<16xi32>
        %parallel_loop3A_266 = arith.shli %parallel_loop3A_263, %parallel_loop3A_265 : vector<16xi32>
        %parallel_loop3A_267 = tpu.bitcast %parallel_loop3A_266 : vector<16xi32> -> vector<16xf32>
        %parallel_loop3A_268 = arith.constant -65536 : i32
        %parallel_loop3A_269 = vector.broadcast %parallel_loop3A_268 : i32 to vector<16xi32>
        %parallel_loop3A_270 = arith.andi %parallel_loop3A_263, %parallel_loop3A_269 : vector<16xi32>
        %parallel_loop3A_271 = tpu.bitcast %parallel_loop3A_270 : vector<16xi32> -> vector<16xf32>
        %parallel_loop3A_272 = arith.mulf %parallel_loop3A_211, %parallel_loop3A_267 : vector<16xf32>
        %parallel_loop3A_273 = arith.addf %parallel_loop3A_259, %parallel_loop3A_272 : vector<16xf32>
        %parallel_loop3A_274 = arith.mulf %parallel_loop3A_215, %parallel_loop3A_271 : vector<16xf32>
        %parallel_loop3A_275 = arith.addf %parallel_loop3A_273, %parallel_loop3A_274 : vector<16xf32>
        %parallel_loop3A_276 = arith.index_cast %parallel_loop3A_207 : i32 to index
        %parallel_loop3A_277 = arith.constant 16 : index
        %parallel_loop3A_278 = tpu.vector_load %arg10[%parallel_loop3A_276, %parallel_loop3A_277] {strides = array<i32>} : memref<16x384xi32, #tpu.memory_space<vmem>>, vector<1x16xi32>,
        %parallel_loop3A_279 = vector.shape_cast %parallel_loop3A_278 : vector<1x16xi32> to vector<16xi32>
        %parallel_loop3A_280 = arith.constant 16 : i32
        %parallel_loop3A_281 = vector.broadcast %parallel_loop3A_280 : i32 to vector<16xi32>
        %parallel_loop3A_282 = arith.shli %parallel_loop3A_279, %parallel_loop3A_281 : vector<16xi32>
        %parallel_loop3A_283 = tpu.bitcast %parallel_loop3A_282 : vector<16xi32> -> vector<16xf32>
        %parallel_loop3A_284 = arith.constant -65536 : i32
        %parallel_loop3A_285 = vector.broadcast %parallel_loop3A_284 : i32 to vector<16xi32>
        %parallel_loop3A_286 = arith.andi %parallel_loop3A_279, %parallel_loop3A_285 : vector<16xi32>
        %parallel_loop3A_287 = tpu.bitcast %parallel_loop3A_286 : vector<16xi32> -> vector<16xf32>
        %parallel_loop3A_288 = arith.mulf %parallel_loop3A_219, %parallel_loop3A_283 : vector<16xf32>
        %parallel_loop3A_289 = arith.addf %parallel_loop3A_275, %parallel_loop3A_288 : vector<16xf32>
        %parallel_loop3A_290 = arith.mulf %parallel_loop3A_223, %parallel_loop3A_287 : vector<16xf32>
        %parallel_loop3A_291 = arith.addf %parallel_loop3A_289, %parallel_loop3A_290 : vector<16xf32>
        %parallel_loop3A_292 = arith.index_cast %parallel_loop3A_207 : i32 to index
        %parallel_loop3A_293 = arith.constant 32 : index
        %parallel_loop3A_294 = tpu.vector_load %arg10[%parallel_loop3A_292, %parallel_loop3A_293] {strides = array<i32>} : memref<16x384xi32, #tpu.memory_space<vmem>>, vector<1x16xi32>,
        %parallel_loop3A_295 = vector.shape_cast %parallel_loop3A_294 : vector<1x16xi32> to vector<16xi32>
        %parallel_loop3A_296 = arith.constant 16 : i32
        %parallel_loop3A_297 = vector.broadcast %parallel_loop3A_296 : i32 to vector<16xi32>
        %parallel_loop3A_298 = arith.shli %parallel_loop3A_295, %parallel_loop3A_297 : vector<16xi32>
        %parallel_loop3A_299 = tpu.bitcast %parallel_loop3A_298 : vector<16xi32> -> vector<16xf32>
        %parallel_loop3A_300 = arith.constant -65536 : i32
        %parallel_loop3A_301 = vector.broadcast %parallel_loop3A_300 : i32 to vector<16xi32>
        %parallel_loop3A_302 = arith.andi %parallel_loop3A_295, %parallel_loop3A_301 : vector<16xi32>
        %parallel_loop3A_303 = tpu.bitcast %parallel_loop3A_302 : vector<16xi32> -> vector<16xf32>
        %parallel_loop3A_304 = arith.mulf %parallel_loop3A_227, %parallel_loop3A_299 : vector<16xf32>
        %parallel_loop3A_305 = arith.addf %parallel_loop3A_291, %parallel_loop3A_304 : vector<16xf32>
        %parallel_loop3A_306 = arith.mulf %parallel_loop3A_231, %parallel_loop3A_303 : vector<16xf32>
        %parallel_loop3A_307 = arith.addf %parallel_loop3A_305, %parallel_loop3A_306 : vector<16xf32>
        %parallel_loop3A_308 = arith.index_cast %parallel_loop3A_207 : i32 to index
        %parallel_loop3A_309 = arith.constant 48 : index
        %parallel_loop3A_310 = tpu.vector_load %arg10[%parallel_loop3A_308, %parallel_loop3A_309] {strides = array<i32>} : memref<16x384xi32, #tpu.memory_space<vmem>>, vector<1x16xi32>,
        %parallel_loop3A_311 = vector.shape_cast %parallel_loop3A_310 : vector<1x16xi32> to vector<16xi32>
        %parallel_loop3A_312 = arith.constant 16 : i32
        %parallel_loop3A_313 = vector.broadcast %parallel_loop3A_312 : i32 to vector<16xi32>
        %parallel_loop3A_314 = arith.shli %parallel_loop3A_311, %parallel_loop3A_313 : vector<16xi32>
        %parallel_loop3A_315 = tpu.bitcast %parallel_loop3A_314 : vector<16xi32> -> vector<16xf32>
        %parallel_loop3A_316 = arith.constant -65536 : i32
        %parallel_loop3A_317 = vector.broadcast %parallel_loop3A_316 : i32 to vector<16xi32>
        %parallel_loop3A_318 = arith.andi %parallel_loop3A_311, %parallel_loop3A_317 : vector<16xi32>
        %parallel_loop3A_319 = tpu.bitcast %parallel_loop3A_318 : vector<16xi32> -> vector<16xf32>
        %parallel_loop3A_320 = arith.mulf %parallel_loop3A_235, %parallel_loop3A_315 : vector<16xf32>
        %parallel_loop3A_321 = arith.addf %parallel_loop3A_307, %parallel_loop3A_320 : vector<16xf32>
        %parallel_loop3A_322 = arith.mulf %parallel_loop3A_239, %parallel_loop3A_319 : vector<16xf32>
        %parallel_loop3A_323 = arith.addf %parallel_loop3A_321, %parallel_loop3A_322 : vector<16xf32>
        %parallel_loop3A_324 = arith.index_cast %parallel_loop3A_207 : i32 to index
        %parallel_loop3A_325 = arith.constant 64 : index
        %parallel_loop3A_326 = tpu.vector_load %arg10[%parallel_loop3A_324, %parallel_loop3A_325] {strides = array<i32>} : memref<16x384xi32, #tpu.memory_space<vmem>>, vector<1x16xi32>,
        %parallel_loop3A_327 = vector.shape_cast %parallel_loop3A_326 : vector<1x16xi32> to vector<16xi32>
        %parallel_loop3A_328 = arith.constant 16 : i32
        %parallel_loop3A_329 = vector.broadcast %parallel_loop3A_328 : i32 to vector<16xi32>
        %parallel_loop3A_330 = arith.shli %parallel_loop3A_327, %parallel_loop3A_329 : vector<16xi32>
        %parallel_loop3A_331 = tpu.bitcast %parallel_loop3A_330 : vector<16xi32> -> vector<16xf32>
        %parallel_loop3A_332 = arith.constant -65536 : i32
        %parallel_loop3A_333 = vector.broadcast %parallel_loop3A_332 : i32 to vector<16xi32>
        %parallel_loop3A_334 = arith.andi %parallel_loop3A_327, %parallel_loop3A_333 : vector<16xi32>
        %parallel_loop3A_335 = tpu.bitcast %parallel_loop3A_334 : vector<16xi32> -> vector<16xf32>
        %parallel_loop3A_336 = arith.mulf %parallel_loop3A_243, %parallel_loop3A_331 : vector<16xf32>
        %parallel_loop3A_337 = arith.addf %parallel_loop3A_323, %parallel_loop3A_336 : vector<16xf32>
        %parallel_loop3A_338 = arith.mulf %parallel_loop3A_247, %parallel_loop3A_335 : vector<16xf32>
        %parallel_loop3A_339 = arith.addf %parallel_loop3A_337, %parallel_loop3A_338 : vector<16xf32>
        %parallel_loop3A_340 = arith.index_cast %parallel_loop3A_207 : i32 to index
        %parallel_loop3A_341 = arith.constant 80 : index
        %parallel_loop3A_342 = tpu.vector_load %arg10[%parallel_loop3A_340, %parallel_loop3A_341] {strides = array<i32>} : memref<16x384xi32, #tpu.memory_space<vmem>>, vector<1x16xi32>,
        %parallel_loop3A_343 = vector.shape_cast %parallel_loop3A_342 : vector<1x16xi32> to vector<16xi32>
        %parallel_loop3A_344 = arith.constant 16 : i32
        %parallel_loop3A_345 = vector.broadcast %parallel_loop3A_344 : i32 to vector<16xi32>
        %parallel_loop3A_346 = arith.shli %parallel_loop3A_343, %parallel_loop3A_345 : vector<16xi32>
        %parallel_loop3A_347 = tpu.bitcast %parallel_loop3A_346 : vector<16xi32> -> vector<16xf32>
        %parallel_loop3A_348 = arith.constant -65536 : i32
        %parallel_loop3A_349 = vector.broadcast %parallel_loop3A_348 : i32 to vector<16xi32>
        %parallel_loop3A_350 = arith.andi %parallel_loop3A_343, %parallel_loop3A_349 : vector<16xi32>
        %parallel_loop3A_351 = tpu.bitcast %parallel_loop3A_350 : vector<16xi32> -> vector<16xf32>
        %parallel_loop3A_352 = arith.mulf %parallel_loop3A_251, %parallel_loop3A_347 : vector<16xf32>
        %parallel_loop3A_353 = arith.addf %parallel_loop3A_339, %parallel_loop3A_352 : vector<16xf32>
        %parallel_loop3A_354 = arith.mulf %parallel_loop3A_255, %parallel_loop3A_351 : vector<16xf32>
        %parallel_loop3A_355 = arith.addf %parallel_loop3A_353, %parallel_loop3A_354 : vector<16xf32>
        %parallel_loop3A_356 = arith.constant 15 : i32
        %parallel_loop3A_357 = vector.broadcast %parallel_loop3A_356 : i32 to vector<16xi32>
        %parallel_loop3A_358 = tpu.iota {dimensions = array<i32: 0>} : vector<16xi32>
        %parallel_loop3A_359 = arith.subi %parallel_loop3A_357, %parallel_loop3A_358 : vector<16xi32>
        %parallel_loop3A_360 = tpu.dynamic_gather %parallel_loop3A_355[%parallel_loop3A_359] in [0] : vector<16xf32>, vector<16xi32> -> vector<16xf32>
        %parallel_loop3A_361 = arith.addf %parallel_loop3A_355, %parallel_loop3A_360 : vector<16xf32>
        %parallel_loop3A_362 = arith.index_cast %parallel_loop3A_207 : i32 to index
        %parallel_loop3A_363 = arith.constant 16 : index
        %parallel_loop3A_364 = tpu.vector_load %arg16[%parallel_loop3A_362, %parallel_loop3A_363] {strides = array<i32>} : memref<16x64xf32, #tpu.memory_space<vmem>>, vector<1x16xf32>,
        %parallel_loop3A_365 = vector.shape_cast %parallel_loop3A_364 : vector<1x16xf32> to vector<16xf32>
        %parallel_loop3A_366 = arith.index_cast %parallel_loop3A_207 : i32 to index
        %parallel_loop3A_367 = arith.constant 192 : index
        %parallel_loop3A_368 = tpu.vector_load %arg10[%parallel_loop3A_366, %parallel_loop3A_367] {strides = array<i32>} : memref<16x384xi32, #tpu.memory_space<vmem>>, vector<1x16xi32>,
        %parallel_loop3A_369 = vector.shape_cast %parallel_loop3A_368 : vector<1x16xi32> to vector<16xi32>
        %parallel_loop3A_370 = arith.constant 16 : i32
        %parallel_loop3A_371 = vector.broadcast %parallel_loop3A_370 : i32 to vector<16xi32>
        %parallel_loop3A_372 = arith.shli %parallel_loop3A_369, %parallel_loop3A_371 : vector<16xi32>
        %parallel_loop3A_373 = tpu.bitcast %parallel_loop3A_372 : vector<16xi32> -> vector<16xf32>
        %parallel_loop3A_374 = arith.constant -65536 : i32
        %parallel_loop3A_375 = vector.broadcast %parallel_loop3A_374 : i32 to vector<16xi32>
        %parallel_loop3A_376 = arith.andi %parallel_loop3A_369, %parallel_loop3A_375 : vector<16xi32>
        %parallel_loop3A_377 = tpu.bitcast %parallel_loop3A_376 : vector<16xi32> -> vector<16xf32>
        %parallel_loop3A_378 = arith.mulf %parallel_loop3A_211, %parallel_loop3A_373 : vector<16xf32>
        %parallel_loop3A_379 = arith.addf %parallel_loop3A_365, %parallel_loop3A_378 : vector<16xf32>
        %parallel_loop3A_380 = arith.mulf %parallel_loop3A_215, %parallel_loop3A_377 : vector<16xf32>
        %parallel_loop3A_381 = arith.addf %parallel_loop3A_379, %parallel_loop3A_380 : vector<16xf32>
        %parallel_loop3A_382 = arith.index_cast %parallel_loop3A_207 : i32 to index
        %parallel_loop3A_383 = arith.constant 208 : index
        %parallel_loop3A_384 = tpu.vector_load %arg10[%parallel_loop3A_382, %parallel_loop3A_383] {strides = array<i32>} : memref<16x384xi32, #tpu.memory_space<vmem>>, vector<1x16xi32>,
        %parallel_loop3A_385 = vector.shape_cast %parallel_loop3A_384 : vector<1x16xi32> to vector<16xi32>
        %parallel_loop3A_386 = arith.constant 16 : i32
        %parallel_loop3A_387 = vector.broadcast %parallel_loop3A_386 : i32 to vector<16xi32>
        %parallel_loop3A_388 = arith.shli %parallel_loop3A_385, %parallel_loop3A_387 : vector<16xi32>
        %parallel_loop3A_389 = tpu.bitcast %parallel_loop3A_388 : vector<16xi32> -> vector<16xf32>
        %parallel_loop3A_390 = arith.constant -65536 : i32
        %parallel_loop3A_391 = vector.broadcast %parallel_loop3A_390 : i32 to vector<16xi32>
        %parallel_loop3A_392 = arith.andi %parallel_loop3A_385, %parallel_loop3A_391 : vector<16xi32>
        %parallel_loop3A_393 = tpu.bitcast %parallel_loop3A_392 : vector<16xi32> -> vector<16xf32>
        %parallel_loop3A_394 = arith.mulf %parallel_loop3A_219, %parallel_loop3A_389 : vector<16xf32>
        %parallel_loop3A_395 = arith.addf %parallel_loop3A_381, %parallel_loop3A_394 : vector<16xf32>
        %parallel_loop3A_396 = arith.mulf %parallel_loop3A_223, %parallel_loop3A_393 : vector<16xf32>
        %parallel_loop3A_397 = arith.addf %parallel_loop3A_395, %parallel_loop3A_396 : vector<16xf32>
        %parallel_loop3A_398 = arith.index_cast %parallel_loop3A_207 : i32 to index
        %parallel_loop3A_399 = arith.constant 224 : index
        %parallel_loop3A_400 = tpu.vector_load %arg10[%parallel_loop3A_398, %parallel_loop3A_399] {strides = array<i32>} : memref<16x384xi32, #tpu.memory_space<vmem>>, vector<1x16xi32>,
        %parallel_loop3A_401 = vector.shape_cast %parallel_loop3A_400 : vector<1x16xi32> to vector<16xi32>
        %parallel_loop3A_402 = arith.constant 16 : i32
        %parallel_loop3A_403 = vector.broadcast %parallel_loop3A_402 : i32 to vector<16xi32>
        %parallel_loop3A_404 = arith.shli %parallel_loop3A_401, %parallel_loop3A_403 : vector<16xi32>
        %parallel_loop3A_405 = tpu.bitcast %parallel_loop3A_404 : vector<16xi32> -> vector<16xf32>
        %parallel_loop3A_406 = arith.constant -65536 : i32
        %parallel_loop3A_407 = vector.broadcast %parallel_loop3A_406 : i32 to vector<16xi32>
        %parallel_loop3A_408 = arith.andi %parallel_loop3A_401, %parallel_loop3A_407 : vector<16xi32>
        %parallel_loop3A_409 = tpu.bitcast %parallel_loop3A_408 : vector<16xi32> -> vector<16xf32>
        %parallel_loop3A_410 = arith.mulf %parallel_loop3A_227, %parallel_loop3A_405 : vector<16xf32>
        %parallel_loop3A_411 = arith.addf %parallel_loop3A_397, %parallel_loop3A_410 : vector<16xf32>
        %parallel_loop3A_412 = arith.mulf %parallel_loop3A_231, %parallel_loop3A_409 : vector<16xf32>
        %parallel_loop3A_413 = arith.addf %parallel_loop3A_411, %parallel_loop3A_412 : vector<16xf32>
        %parallel_loop3A_414 = arith.index_cast %parallel_loop3A_207 : i32 to index
        %parallel_loop3A_415 = arith.constant 240 : index
        %parallel_loop3A_416 = tpu.vector_load %arg10[%parallel_loop3A_414, %parallel_loop3A_415] {strides = array<i32>} : memref<16x384xi32, #tpu.memory_space<vmem>>, vector<1x16xi32>,
        %parallel_loop3A_417 = vector.shape_cast %parallel_loop3A_416 : vector<1x16xi32> to vector<16xi32>
        %parallel_loop3A_418 = arith.constant 16 : i32
        %parallel_loop3A_419 = vector.broadcast %parallel_loop3A_418 : i32 to vector<16xi32>
        %parallel_loop3A_420 = arith.shli %parallel_loop3A_417, %parallel_loop3A_419 : vector<16xi32>
        %parallel_loop3A_421 = tpu.bitcast %parallel_loop3A_420 : vector<16xi32> -> vector<16xf32>
        %parallel_loop3A_422 = arith.constant -65536 : i32
        %parallel_loop3A_423 = vector.broadcast %parallel_loop3A_422 : i32 to vector<16xi32>
        %parallel_loop3A_424 = arith.andi %parallel_loop3A_417, %parallel_loop3A_423 : vector<16xi32>
        %parallel_loop3A_425 = tpu.bitcast %parallel_loop3A_424 : vector<16xi32> -> vector<16xf32>
        %parallel_loop3A_426 = arith.mulf %parallel_loop3A_235, %parallel_loop3A_421 : vector<16xf32>
        %parallel_loop3A_427 = arith.addf %parallel_loop3A_413, %parallel_loop3A_426 : vector<16xf32>
        %parallel_loop3A_428 = arith.mulf %parallel_loop3A_239, %parallel_loop3A_425 : vector<16xf32>
        %parallel_loop3A_429 = arith.addf %parallel_loop3A_427, %parallel_loop3A_428 : vector<16xf32>
        %parallel_loop3A_430 = arith.index_cast %parallel_loop3A_207 : i32 to index
        %parallel_loop3A_431 = arith.constant 256 : index
        %parallel_loop3A_432 = tpu.vector_load %arg10[%parallel_loop3A_430, %parallel_loop3A_431] {strides = array<i32>} : memref<16x384xi32, #tpu.memory_space<vmem>>, vector<1x16xi32>,
        %parallel_loop3A_433 = vector.shape_cast %parallel_loop3A_432 : vector<1x16xi32> to vector<16xi32>
        %parallel_loop3A_434 = arith.constant 16 : i32
        %parallel_loop3A_435 = vector.broadcast %parallel_loop3A_434 : i32 to vector<16xi32>
        %parallel_loop3A_436 = arith.shli %parallel_loop3A_433, %parallel_loop3A_435 : vector<16xi32>
        %parallel_loop3A_437 = tpu.bitcast %parallel_loop3A_436 : vector<16xi32> -> vector<16xf32>
        %parallel_loop3A_438 = arith.constant -65536 : i32
        %parallel_loop3A_439 = vector.broadcast %parallel_loop3A_438 : i32 to vector<16xi32>
        %parallel_loop3A_440 = arith.andi %parallel_loop3A_433, %parallel_loop3A_439 : vector<16xi32>
        %parallel_loop3A_441 = tpu.bitcast %parallel_loop3A_440 : vector<16xi32> -> vector<16xf32>
        %parallel_loop3A_442 = arith.mulf %parallel_loop3A_243, %parallel_loop3A_437 : vector<16xf32>
        %parallel_loop3A_443 = arith.addf %parallel_loop3A_429, %parallel_loop3A_442 : vector<16xf32>
        %parallel_loop3A_444 = arith.mulf %parallel_loop3A_247, %parallel_loop3A_441 : vector<16xf32>
        %parallel_loop3A_445 = arith.addf %parallel_loop3A_443, %parallel_loop3A_444 : vector<16xf32>
        %parallel_loop3A_446 = arith.index_cast %parallel_loop3A_207 : i32 to index
        %parallel_loop3A_447 = arith.constant 272 : index
        %parallel_loop3A_448 = tpu.vector_load %arg10[%parallel_loop3A_446, %parallel_loop3A_447] {strides = array<i32>} : memref<16x384xi32, #tpu.memory_space<vmem>>, vector<1x16xi32>,
        %parallel_loop3A_449 = vector.shape_cast %parallel_loop3A_448 : vector<1x16xi32> to vector<16xi32>
        %parallel_loop3A_450 = arith.constant 16 : i32
        %parallel_loop3A_451 = vector.broadcast %parallel_loop3A_450 : i32 to vector<16xi32>
        %parallel_loop3A_452 = arith.shli %parallel_loop3A_449, %parallel_loop3A_451 : vector<16xi32>
        %parallel_loop3A_453 = tpu.bitcast %parallel_loop3A_452 : vector<16xi32> -> vector<16xf32>
        %parallel_loop3A_454 = arith.constant -65536 : i32
        %parallel_loop3A_455 = vector.broadcast %parallel_loop3A_454 : i32 to vector<16xi32>
        %parallel_loop3A_456 = arith.andi %parallel_loop3A_449, %parallel_loop3A_455 : vector<16xi32>
        %parallel_loop3A_457 = tpu.bitcast %parallel_loop3A_456 : vector<16xi32> -> vector<16xf32>
        %parallel_loop3A_458 = arith.mulf %parallel_loop3A_251, %parallel_loop3A_453 : vector<16xf32>
        %parallel_loop3A_459 = arith.addf %parallel_loop3A_445, %parallel_loop3A_458 : vector<16xf32>
        %parallel_loop3A_460 = arith.mulf %parallel_loop3A_255, %parallel_loop3A_457 : vector<16xf32>
        %parallel_loop3A_461 = arith.addf %parallel_loop3A_459, %parallel_loop3A_460 : vector<16xf32>
        %parallel_loop3A_462 = arith.constant 15 : i32
        %parallel_loop3A_463 = vector.broadcast %parallel_loop3A_462 : i32 to vector<16xi32>
        %parallel_loop3A_464 = tpu.iota {dimensions = array<i32: 0>} : vector<16xi32>
        %parallel_loop3A_465 = arith.subi %parallel_loop3A_463, %parallel_loop3A_464 : vector<16xi32>
        %parallel_loop3A_466 = tpu.dynamic_gather %parallel_loop3A_461[%parallel_loop3A_465] in [0] : vector<16xf32>, vector<16xi32> -> vector<16xf32>
        %parallel_loop3A_467 = arith.addf %parallel_loop3A_461, %parallel_loop3A_466 : vector<16xf32>
        %parallel_loop3A_468 = arith.maximumf %parallel_loop3A_361, %parallel_loop3A_467 : vector<16xf32>
        %parallel_loop3A_469 = arith.index_cast %parallel_loop3A_207 : i32 to index
        %parallel_loop3A_470 = arith.constant 32 : index
        %parallel_loop3A_471 = tpu.vector_load %arg16[%parallel_loop3A_469, %parallel_loop3A_470] {strides = array<i32>} : memref<16x64xf32, #tpu.memory_space<vmem>>, vector<1x16xf32>,
        %parallel_loop3A_472 = vector.shape_cast %parallel_loop3A_471 : vector<1x16xf32> to vector<16xf32>
        %parallel_loop3A_473 = arith.index_cast %parallel_loop3A_207 : i32 to index
        %parallel_loop3A_474 = arith.constant 0 : index
        %parallel_loop3A_475 = tpu.vector_load %arg11[%parallel_loop3A_473, %parallel_loop3A_474] {strides = array<i32>} : memref<16x384xi32, #tpu.memory_space<vmem>>, vector<1x16xi32>,
        %parallel_loop3A_476 = vector.shape_cast %parallel_loop3A_475 : vector<1x16xi32> to vector<16xi32>
        %parallel_loop3A_477 = arith.constant 16 : i32
        %parallel_loop3A_478 = vector.broadcast %parallel_loop3A_477 : i32 to vector<16xi32>
        %parallel_loop3A_479 = arith.shli %parallel_loop3A_476, %parallel_loop3A_478 : vector<16xi32>
        %parallel_loop3A_480 = tpu.bitcast %parallel_loop3A_479 : vector<16xi32> -> vector<16xf32>
        %parallel_loop3A_481 = arith.constant -65536 : i32
        %parallel_loop3A_482 = vector.broadcast %parallel_loop3A_481 : i32 to vector<16xi32>
        %parallel_loop3A_483 = arith.andi %parallel_loop3A_476, %parallel_loop3A_482 : vector<16xi32>
        %parallel_loop3A_484 = tpu.bitcast %parallel_loop3A_483 : vector<16xi32> -> vector<16xf32>
        %parallel_loop3A_485 = arith.mulf %parallel_loop3A_211, %parallel_loop3A_480 : vector<16xf32>
        %parallel_loop3A_486 = arith.addf %parallel_loop3A_472, %parallel_loop3A_485 : vector<16xf32>
        %parallel_loop3A_487 = arith.mulf %parallel_loop3A_215, %parallel_loop3A_484 : vector<16xf32>
        %parallel_loop3A_488 = arith.addf %parallel_loop3A_486, %parallel_loop3A_487 : vector<16xf32>
        %parallel_loop3A_489 = arith.index_cast %parallel_loop3A_207 : i32 to index
        %parallel_loop3A_490 = arith.constant 16 : index
        %parallel_loop3A_491 = tpu.vector_load %arg11[%parallel_loop3A_489, %parallel_loop3A_490] {strides = array<i32>} : memref<16x384xi32, #tpu.memory_space<vmem>>, vector<1x16xi32>,
        %parallel_loop3A_492 = vector.shape_cast %parallel_loop3A_491 : vector<1x16xi32> to vector<16xi32>
        %parallel_loop3A_493 = arith.constant 16 : i32
        %parallel_loop3A_494 = vector.broadcast %parallel_loop3A_493 : i32 to vector<16xi32>
        %parallel_loop3A_495 = arith.shli %parallel_loop3A_492, %parallel_loop3A_494 : vector<16xi32>
        %parallel_loop3A_496 = tpu.bitcast %parallel_loop3A_495 : vector<16xi32> -> vector<16xf32>
        %parallel_loop3A_497 = arith.constant -65536 : i32
        %parallel_loop3A_498 = vector.broadcast %parallel_loop3A_497 : i32 to vector<16xi32>
        %parallel_loop3A_499 = arith.andi %parallel_loop3A_492, %parallel_loop3A_498 : vector<16xi32>
        %parallel_loop3A_500 = tpu.bitcast %parallel_loop3A_499 : vector<16xi32> -> vector<16xf32>
        %parallel_loop3A_501 = arith.mulf %parallel_loop3A_219, %parallel_loop3A_496 : vector<16xf32>
        %parallel_loop3A_502 = arith.addf %parallel_loop3A_488, %parallel_loop3A_501 : vector<16xf32>
        %parallel_loop3A_503 = arith.mulf %parallel_loop3A_223, %parallel_loop3A_500 : vector<16xf32>
        %parallel_loop3A_504 = arith.addf %parallel_loop3A_502, %parallel_loop3A_503 : vector<16xf32>
        %parallel_loop3A_505 = arith.index_cast %parallel_loop3A_207 : i32 to index
        %parallel_loop3A_506 = arith.constant 32 : index
        %parallel_loop3A_507 = tpu.vector_load %arg11[%parallel_loop3A_505, %parallel_loop3A_506] {strides = array<i32>} : memref<16x384xi32, #tpu.memory_space<vmem>>, vector<1x16xi32>,
        %parallel_loop3A_508 = vector.shape_cast %parallel_loop3A_507 : vector<1x16xi32> to vector<16xi32>
        %parallel_loop3A_509 = arith.constant 16 : i32
        %parallel_loop3A_510 = vector.broadcast %parallel_loop3A_509 : i32 to vector<16xi32>
        %parallel_loop3A_511 = arith.shli %parallel_loop3A_508, %parallel_loop3A_510 : vector<16xi32>
        %parallel_loop3A_512 = tpu.bitcast %parallel_loop3A_511 : vector<16xi32> -> vector<16xf32>
        %parallel_loop3A_513 = arith.constant -65536 : i32
        %parallel_loop3A_514 = vector.broadcast %parallel_loop3A_513 : i32 to vector<16xi32>
        %parallel_loop3A_515 = arith.andi %parallel_loop3A_508, %parallel_loop3A_514 : vector<16xi32>
        %parallel_loop3A_516 = tpu.bitcast %parallel_loop3A_515 : vector<16xi32> -> vector<16xf32>
        %parallel_loop3A_517 = arith.mulf %parallel_loop3A_227, %parallel_loop3A_512 : vector<16xf32>
        %parallel_loop3A_518 = arith.addf %parallel_loop3A_504, %parallel_loop3A_517 : vector<16xf32>
        %parallel_loop3A_519 = arith.mulf %parallel_loop3A_231, %parallel_loop3A_516 : vector<16xf32>
        %parallel_loop3A_520 = arith.addf %parallel_loop3A_518, %parallel_loop3A_519 : vector<16xf32>
        %parallel_loop3A_521 = arith.index_cast %parallel_loop3A_207 : i32 to index
        %parallel_loop3A_522 = arith.constant 48 : index
        %parallel_loop3A_523 = tpu.vector_load %arg11[%parallel_loop3A_521, %parallel_loop3A_522] {strides = array<i32>} : memref<16x384xi32, #tpu.memory_space<vmem>>, vector<1x16xi32>,
        %parallel_loop3A_524 = vector.shape_cast %parallel_loop3A_523 : vector<1x16xi32> to vector<16xi32>
        %parallel_loop3A_525 = arith.constant 16 : i32
        %parallel_loop3A_526 = vector.broadcast %parallel_loop3A_525 : i32 to vector<16xi32>
        %parallel_loop3A_527 = arith.shli %parallel_loop3A_524, %parallel_loop3A_526 : vector<16xi32>
        %parallel_loop3A_528 = tpu.bitcast %parallel_loop3A_527 : vector<16xi32> -> vector<16xf32>
        %parallel_loop3A_529 = arith.constant -65536 : i32
        %parallel_loop3A_530 = vector.broadcast %parallel_loop3A_529 : i32 to vector<16xi32>
        %parallel_loop3A_531 = arith.andi %parallel_loop3A_524, %parallel_loop3A_530 : vector<16xi32>
        %parallel_loop3A_532 = tpu.bitcast %parallel_loop3A_531 : vector<16xi32> -> vector<16xf32>
        %parallel_loop3A_533 = arith.mulf %parallel_loop3A_235, %parallel_loop3A_528 : vector<16xf32>
        %parallel_loop3A_534 = arith.addf %parallel_loop3A_520, %parallel_loop3A_533 : vector<16xf32>
        %parallel_loop3A_535 = arith.mulf %parallel_loop3A_239, %parallel_loop3A_532 : vector<16xf32>
        %parallel_loop3A_536 = arith.addf %parallel_loop3A_534, %parallel_loop3A_535 : vector<16xf32>
        %parallel_loop3A_537 = arith.index_cast %parallel_loop3A_207 : i32 to index
        %parallel_loop3A_538 = arith.constant 64 : index
        %parallel_loop3A_539 = tpu.vector_load %arg11[%parallel_loop3A_537, %parallel_loop3A_538] {strides = array<i32>} : memref<16x384xi32, #tpu.memory_space<vmem>>, vector<1x16xi32>,
        %parallel_loop3A_540 = vector.shape_cast %parallel_loop3A_539 : vector<1x16xi32> to vector<16xi32>
        %parallel_loop3A_541 = arith.constant 16 : i32
        %parallel_loop3A_542 = vector.broadcast %parallel_loop3A_541 : i32 to vector<16xi32>
        %parallel_loop3A_543 = arith.shli %parallel_loop3A_540, %parallel_loop3A_542 : vector<16xi32>
        %parallel_loop3A_544 = tpu.bitcast %parallel_loop3A_543 : vector<16xi32> -> vector<16xf32>
        %parallel_loop3A_545 = arith.constant -65536 : i32
        %parallel_loop3A_546 = vector.broadcast %parallel_loop3A_545 : i32 to vector<16xi32>
        %parallel_loop3A_547 = arith.andi %parallel_loop3A_540, %parallel_loop3A_546 : vector<16xi32>
        %parallel_loop3A_548 = tpu.bitcast %parallel_loop3A_547 : vector<16xi32> -> vector<16xf32>
        %parallel_loop3A_549 = arith.mulf %parallel_loop3A_243, %parallel_loop3A_544 : vector<16xf32>
        %parallel_loop3A_550 = arith.addf %parallel_loop3A_536, %parallel_loop3A_549 : vector<16xf32>
        %parallel_loop3A_551 = arith.mulf %parallel_loop3A_247, %parallel_loop3A_548 : vector<16xf32>
        %parallel_loop3A_552 = arith.addf %parallel_loop3A_550, %parallel_loop3A_551 : vector<16xf32>
        %parallel_loop3A_553 = arith.index_cast %parallel_loop3A_207 : i32 to index
        %parallel_loop3A_554 = arith.constant 80 : index
        %parallel_loop3A_555 = tpu.vector_load %arg11[%parallel_loop3A_553, %parallel_loop3A_554] {strides = array<i32>} : memref<16x384xi32, #tpu.memory_space<vmem>>, vector<1x16xi32>,
        %parallel_loop3A_556 = vector.shape_cast %parallel_loop3A_555 : vector<1x16xi32> to vector<16xi32>
        %parallel_loop3A_557 = arith.constant 16 : i32
        %parallel_loop3A_558 = vector.broadcast %parallel_loop3A_557 : i32 to vector<16xi32>
        %parallel_loop3A_559 = arith.shli %parallel_loop3A_556, %parallel_loop3A_558 : vector<16xi32>
        %parallel_loop3A_560 = tpu.bitcast %parallel_loop3A_559 : vector<16xi32> -> vector<16xf32>
        %parallel_loop3A_561 = arith.constant -65536 : i32
        %parallel_loop3A_562 = vector.broadcast %parallel_loop3A_561 : i32 to vector<16xi32>
        %parallel_loop3A_563 = arith.andi %parallel_loop3A_556, %parallel_loop3A_562 : vector<16xi32>
        %parallel_loop3A_564 = tpu.bitcast %parallel_loop3A_563 : vector<16xi32> -> vector<16xf32>
        %parallel_loop3A_565 = arith.mulf %parallel_loop3A_251, %parallel_loop3A_560 : vector<16xf32>
        %parallel_loop3A_566 = arith.addf %parallel_loop3A_552, %parallel_loop3A_565 : vector<16xf32>
        %parallel_loop3A_567 = arith.mulf %parallel_loop3A_255, %parallel_loop3A_564 : vector<16xf32>
        %parallel_loop3A_568 = arith.addf %parallel_loop3A_566, %parallel_loop3A_567 : vector<16xf32>
        %parallel_loop3A_569 = arith.constant 15 : i32
        %parallel_loop3A_570 = vector.broadcast %parallel_loop3A_569 : i32 to vector<16xi32>
        %parallel_loop3A_571 = tpu.iota {dimensions = array<i32: 0>} : vector<16xi32>
        %parallel_loop3A_572 = arith.subi %parallel_loop3A_570, %parallel_loop3A_571 : vector<16xi32>
        %parallel_loop3A_573 = tpu.dynamic_gather %parallel_loop3A_568[%parallel_loop3A_572] in [0] : vector<16xf32>, vector<16xi32> -> vector<16xf32>
        %parallel_loop3A_574 = arith.addf %parallel_loop3A_568, %parallel_loop3A_573 : vector<16xf32>
        %parallel_loop3A_575 = arith.maximumf %parallel_loop3A_468, %parallel_loop3A_574 : vector<16xf32>
        %parallel_loop3A_576 = arith.index_cast %parallel_loop3A_207 : i32 to index
        %parallel_loop3A_577 = arith.constant 48 : index
        %parallel_loop3A_578 = tpu.vector_load %arg16[%parallel_loop3A_576, %parallel_loop3A_577] {strides = array<i32>} : memref<16x64xf32, #tpu.memory_space<vmem>>, vector<1x16xf32>,
        %parallel_loop3A_579 = vector.shape_cast %parallel_loop3A_578 : vector<1x16xf32> to vector<16xf32>
        %parallel_loop3A_580 = arith.index_cast %parallel_loop3A_207 : i32 to index
        %parallel_loop3A_581 = arith.constant 192 : index
        %parallel_loop3A_582 = tpu.vector_load %arg11[%parallel_loop3A_580, %parallel_loop3A_581] {strides = array<i32>} : memref<16x384xi32, #tpu.memory_space<vmem>>, vector<1x16xi32>,
        %parallel_loop3A_583 = vector.shape_cast %parallel_loop3A_582 : vector<1x16xi32> to vector<16xi32>
        %parallel_loop3A_584 = arith.constant 16 : i32
        %parallel_loop3A_585 = vector.broadcast %parallel_loop3A_584 : i32 to vector<16xi32>
        %parallel_loop3A_586 = arith.shli %parallel_loop3A_583, %parallel_loop3A_585 : vector<16xi32>
        %parallel_loop3A_587 = tpu.bitcast %parallel_loop3A_586 : vector<16xi32> -> vector<16xf32>
        %parallel_loop3A_588 = arith.constant -65536 : i32
        %parallel_loop3A_589 = vector.broadcast %parallel_loop3A_588 : i32 to vector<16xi32>
        %parallel_loop3A_590 = arith.andi %parallel_loop3A_583, %parallel_loop3A_589 : vector<16xi32>
        %parallel_loop3A_591 = tpu.bitcast %parallel_loop3A_590 : vector<16xi32> -> vector<16xf32>
        %parallel_loop3A_592 = arith.mulf %parallel_loop3A_211, %parallel_loop3A_587 : vector<16xf32>
        %parallel_loop3A_593 = arith.addf %parallel_loop3A_579, %parallel_loop3A_592 : vector<16xf32>
        %parallel_loop3A_594 = arith.mulf %parallel_loop3A_215, %parallel_loop3A_591 : vector<16xf32>
        %parallel_loop3A_595 = arith.addf %parallel_loop3A_593, %parallel_loop3A_594 : vector<16xf32>
        %parallel_loop3A_596 = arith.index_cast %parallel_loop3A_207 : i32 to index
        %parallel_loop3A_597 = arith.constant 208 : index
        %parallel_loop3A_598 = tpu.vector_load %arg11[%parallel_loop3A_596, %parallel_loop3A_597] {strides = array<i32>} : memref<16x384xi32, #tpu.memory_space<vmem>>, vector<1x16xi32>,
        %parallel_loop3A_599 = vector.shape_cast %parallel_loop3A_598 : vector<1x16xi32> to vector<16xi32>
        %parallel_loop3A_600 = arith.constant 16 : i32
        %parallel_loop3A_601 = vector.broadcast %parallel_loop3A_600 : i32 to vector<16xi32>
        %parallel_loop3A_602 = arith.shli %parallel_loop3A_599, %parallel_loop3A_601 : vector<16xi32>
        %parallel_loop3A_603 = tpu.bitcast %parallel_loop3A_602 : vector<16xi32> -> vector<16xf32>
        %parallel_loop3A_604 = arith.constant -65536 : i32
        %parallel_loop3A_605 = vector.broadcast %parallel_loop3A_604 : i32 to vector<16xi32>
        %parallel_loop3A_606 = arith.andi %parallel_loop3A_599, %parallel_loop3A_605 : vector<16xi32>
        %parallel_loop3A_607 = tpu.bitcast %parallel_loop3A_606 : vector<16xi32> -> vector<16xf32>
        %parallel_loop3A_608 = arith.mulf %parallel_loop3A_219, %parallel_loop3A_603 : vector<16xf32>
        %parallel_loop3A_609 = arith.addf %parallel_loop3A_595, %parallel_loop3A_608 : vector<16xf32>
        %parallel_loop3A_610 = arith.mulf %parallel_loop3A_223, %parallel_loop3A_607 : vector<16xf32>
        %parallel_loop3A_611 = arith.addf %parallel_loop3A_609, %parallel_loop3A_610 : vector<16xf32>
        %parallel_loop3A_612 = arith.index_cast %parallel_loop3A_207 : i32 to index
        %parallel_loop3A_613 = arith.constant 224 : index
        %parallel_loop3A_614 = tpu.vector_load %arg11[%parallel_loop3A_612, %parallel_loop3A_613] {strides = array<i32>} : memref<16x384xi32, #tpu.memory_space<vmem>>, vector<1x16xi32>,
        %parallel_loop3A_615 = vector.shape_cast %parallel_loop3A_614 : vector<1x16xi32> to vector<16xi32>
        %parallel_loop3A_616 = arith.constant 16 : i32
        %parallel_loop3A_617 = vector.broadcast %parallel_loop3A_616 : i32 to vector<16xi32>
        %parallel_loop3A_618 = arith.shli %parallel_loop3A_615, %parallel_loop3A_617 : vector<16xi32>
        %parallel_loop3A_619 = tpu.bitcast %parallel_loop3A_618 : vector<16xi32> -> vector<16xf32>
        %parallel_loop3A_620 = arith.constant -65536 : i32
        %parallel_loop3A_621 = vector.broadcast %parallel_loop3A_620 : i32 to vector<16xi32>
        %parallel_loop3A_622 = arith.andi %parallel_loop3A_615, %parallel_loop3A_621 : vector<16xi32>
        %parallel_loop3A_623 = tpu.bitcast %parallel_loop3A_622 : vector<16xi32> -> vector<16xf32>
        %parallel_loop3A_624 = arith.mulf %parallel_loop3A_227, %parallel_loop3A_619 : vector<16xf32>
        %parallel_loop3A_625 = arith.addf %parallel_loop3A_611, %parallel_loop3A_624 : vector<16xf32>
        %parallel_loop3A_626 = arith.mulf %parallel_loop3A_231, %parallel_loop3A_623 : vector<16xf32>
        %parallel_loop3A_627 = arith.addf %parallel_loop3A_625, %parallel_loop3A_626 : vector<16xf32>
        %parallel_loop3A_628 = arith.index_cast %parallel_loop3A_207 : i32 to index
        %parallel_loop3A_629 = arith.constant 240 : index
        %parallel_loop3A_630 = tpu.vector_load %arg11[%parallel_loop3A_628, %parallel_loop3A_629] {strides = array<i32>} : memref<16x384xi32, #tpu.memory_space<vmem>>, vector<1x16xi32>,
        %parallel_loop3A_631 = vector.shape_cast %parallel_loop3A_630 : vector<1x16xi32> to vector<16xi32>
        %parallel_loop3A_632 = arith.constant 16 : i32
        %parallel_loop3A_633 = vector.broadcast %parallel_loop3A_632 : i32 to vector<16xi32>
        %parallel_loop3A_634 = arith.shli %parallel_loop3A_631, %parallel_loop3A_633 : vector<16xi32>
        %parallel_loop3A_635 = tpu.bitcast %parallel_loop3A_634 : vector<16xi32> -> vector<16xf32>
        %parallel_loop3A_636 = arith.constant -65536 : i32
        %parallel_loop3A_637 = vector.broadcast %parallel_loop3A_636 : i32 to vector<16xi32>
        %parallel_loop3A_638 = arith.andi %parallel_loop3A_631, %parallel_loop3A_637 : vector<16xi32>
        %parallel_loop3A_639 = tpu.bitcast %parallel_loop3A_638 : vector<16xi32> -> vector<16xf32>
        %parallel_loop3A_640 = arith.mulf %parallel_loop3A_235, %parallel_loop3A_635 : vector<16xf32>
        %parallel_loop3A_641 = arith.addf %parallel_loop3A_627, %parallel_loop3A_640 : vector<16xf32>
        %parallel_loop3A_642 = arith.mulf %parallel_loop3A_239, %parallel_loop3A_639 : vector<16xf32>
        %parallel_loop3A_643 = arith.addf %parallel_loop3A_641, %parallel_loop3A_642 : vector<16xf32>
        %parallel_loop3A_644 = arith.index_cast %parallel_loop3A_207 : i32 to index
        %parallel_loop3A_645 = arith.constant 256 : index
        %parallel_loop3A_646 = tpu.vector_load %arg11[%parallel_loop3A_644, %parallel_loop3A_645] {strides = array<i32>} : memref<16x384xi32, #tpu.memory_space<vmem>>, vector<1x16xi32>,
        %parallel_loop3A_647 = vector.shape_cast %parallel_loop3A_646 : vector<1x16xi32> to vector<16xi32>
        %parallel_loop3A_648 = arith.constant 16 : i32
        %parallel_loop3A_649 = vector.broadcast %parallel_loop3A_648 : i32 to vector<16xi32>
        %parallel_loop3A_650 = arith.shli %parallel_loop3A_647, %parallel_loop3A_649 : vector<16xi32>
        %parallel_loop3A_651 = tpu.bitcast %parallel_loop3A_650 : vector<16xi32> -> vector<16xf32>
        %parallel_loop3A_652 = arith.constant -65536 : i32
        %parallel_loop3A_653 = vector.broadcast %parallel_loop3A_652 : i32 to vector<16xi32>
        %parallel_loop3A_654 = arith.andi %parallel_loop3A_647, %parallel_loop3A_653 : vector<16xi32>
        %parallel_loop3A_655 = tpu.bitcast %parallel_loop3A_654 : vector<16xi32> -> vector<16xf32>
        %parallel_loop3A_656 = arith.mulf %parallel_loop3A_243, %parallel_loop3A_651 : vector<16xf32>
        %parallel_loop3A_657 = arith.addf %parallel_loop3A_643, %parallel_loop3A_656 : vector<16xf32>
        %parallel_loop3A_658 = arith.mulf %parallel_loop3A_247, %parallel_loop3A_655 : vector<16xf32>
        %parallel_loop3A_659 = arith.addf %parallel_loop3A_657, %parallel_loop3A_658 : vector<16xf32>
        %parallel_loop3A_660 = arith.index_cast %parallel_loop3A_207 : i32 to index
        %parallel_loop3A_661 = arith.constant 272 : index
        %parallel_loop3A_662 = tpu.vector_load %arg11[%parallel_loop3A_660, %parallel_loop3A_661] {strides = array<i32>} : memref<16x384xi32, #tpu.memory_space<vmem>>, vector<1x16xi32>,
        %parallel_loop3A_663 = vector.shape_cast %parallel_loop3A_662 : vector<1x16xi32> to vector<16xi32>
        %parallel_loop3A_664 = arith.constant 16 : i32
        %parallel_loop3A_665 = vector.broadcast %parallel_loop3A_664 : i32 to vector<16xi32>
        %parallel_loop3A_666 = arith.shli %parallel_loop3A_663, %parallel_loop3A_665 : vector<16xi32>
        %parallel_loop3A_667 = tpu.bitcast %parallel_loop3A_666 : vector<16xi32> -> vector<16xf32>
        %parallel_loop3A_668 = arith.constant -65536 : i32
        %parallel_loop3A_669 = vector.broadcast %parallel_loop3A_668 : i32 to vector<16xi32>
        %parallel_loop3A_670 = arith.andi %parallel_loop3A_663, %parallel_loop3A_669 : vector<16xi32>
        %parallel_loop3A_671 = tpu.bitcast %parallel_loop3A_670 : vector<16xi32> -> vector<16xf32>
        %parallel_loop3A_672 = arith.mulf %parallel_loop3A_251, %parallel_loop3A_667 : vector<16xf32>
        %parallel_loop3A_673 = arith.addf %parallel_loop3A_659, %parallel_loop3A_672 : vector<16xf32>
        %parallel_loop3A_674 = arith.mulf %parallel_loop3A_255, %parallel_loop3A_671 : vector<16xf32>
        %parallel_loop3A_675 = arith.addf %parallel_loop3A_673, %parallel_loop3A_674 : vector<16xf32>
        %parallel_loop3A_676 = arith.constant 15 : i32
        %parallel_loop3A_677 = vector.broadcast %parallel_loop3A_676 : i32 to vector<16xi32>
        %parallel_loop3A_678 = tpu.iota {dimensions = array<i32: 0>} : vector<16xi32>
        %parallel_loop3A_679 = arith.subi %parallel_loop3A_677, %parallel_loop3A_678 : vector<16xi32>
        %parallel_loop3A_680 = tpu.dynamic_gather %parallel_loop3A_675[%parallel_loop3A_679] in [0] : vector<16xf32>, vector<16xi32> -> vector<16xf32>
        %parallel_loop3A_681 = arith.addf %parallel_loop3A_675, %parallel_loop3A_680 : vector<16xf32>
        %parallel_loop3A_682 = arith.maximumf %parallel_loop3A_575, %parallel_loop3A_681 : vector<16xf32>
        %parallel_loop3A_683 = arith.subf %parallel_loop3A_361, %parallel_loop3A_682 : vector<16xf32>
        %parallel_loop3A_684 = math.exp %parallel_loop3A_683 : vector<16xf32>
        %parallel_loop3A_685 = arith.subf %parallel_loop3A_467, %parallel_loop3A_682 : vector<16xf32>
        %parallel_loop3A_686 = math.exp %parallel_loop3A_685 : vector<16xf32>
        %parallel_loop3A_687 = arith.addf %parallel_loop3A_684, %parallel_loop3A_686 : vector<16xf32>
        %parallel_loop3A_688 = arith.subf %parallel_loop3A_574, %parallel_loop3A_682 : vector<16xf32>
        %parallel_loop3A_689 = math.exp %parallel_loop3A_688 : vector<16xf32>
        %parallel_loop3A_690 = arith.addf %parallel_loop3A_687, %parallel_loop3A_689 : vector<16xf32>
        %parallel_loop3A_691 = arith.subf %parallel_loop3A_681, %parallel_loop3A_682 : vector<16xf32>
        %parallel_loop3A_692 = math.exp %parallel_loop3A_691 : vector<16xf32>
        %parallel_loop3A_693 = arith.addf %parallel_loop3A_690, %parallel_loop3A_692 : vector<16xf32>
        %parallel_loop3A_694 = arith.constant 1.000000e+00 : f32
        %parallel_loop3A_695 = vector.broadcast %parallel_loop3A_694 : f32 to vector<16xf32>
        %parallel_loop3A_696 = arith.divf %parallel_loop3A_695, %parallel_loop3A_693 : vector<16xf32>
        %parallel_loop3A_697 = arith.mulf %parallel_loop3A_684, %parallel_loop3A_696 : vector<16xf32>
        %parallel_loop3A_698 = arith.index_cast %parallel_loop3A_207 : i32 to index
        %parallel_loop3A_699 = arith.constant 0 : index
        %parallel_loop3A_700 = tpu.vector_load %arg20[%parallel_loop3A_698, %parallel_loop3A_699] {strides = array<i32>} : memref<16x64xf32, #tpu.memory_space<vmem>>, vector<1x16xf32>,
        %parallel_loop3A_701 = vector.shape_cast %parallel_loop3A_700 : vector<1x16xf32> to vector<16xf32>
        %parallel_loop3A_702 = vector.shape_cast %parallel_loop3A_697 : vector<16xf32> to vector<1x16xf32>
        tpu.vector_store %arg20[%parallel_loop3A_698, %parallel_loop3A_699], %parallel_loop3A_702 {strides = array<i32>} : memref<16x64xf32, #tpu.memory_space<vmem>>, vector<1x16xf32>,
        %parallel_loop3A_703 = arith.mulf %parallel_loop3A_686, %parallel_loop3A_696 : vector<16xf32>
        %parallel_loop3A_704 = arith.index_cast %parallel_loop3A_207 : i32 to index
        %parallel_loop3A_705 = arith.constant 16 : index
        %parallel_loop3A_706 = tpu.vector_load %arg20[%parallel_loop3A_704, %parallel_loop3A_705] {strides = array<i32>} : memref<16x64xf32, #tpu.memory_space<vmem>>, vector<1x16xf32>,
        %parallel_loop3A_707 = vector.shape_cast %parallel_loop3A_706 : vector<1x16xf32> to vector<16xf32>
        %parallel_loop3A_708 = vector.shape_cast %parallel_loop3A_703 : vector<16xf32> to vector<1x16xf32>
        tpu.vector_store %arg20[%parallel_loop3A_704, %parallel_loop3A_705], %parallel_loop3A_708 {strides = array<i32>} : memref<16x64xf32, #tpu.memory_space<vmem>>, vector<1x16xf32>,
        %parallel_loop3A_709 = arith.mulf %parallel_loop3A_689, %parallel_loop3A_696 : vector<16xf32>
        %parallel_loop3A_710 = arith.index_cast %parallel_loop3A_207 : i32 to index
        %parallel_loop3A_711 = arith.constant 32 : index
        %parallel_loop3A_712 = tpu.vector_load %arg20[%parallel_loop3A_710, %parallel_loop3A_711] {strides = array<i32>} : memref<16x64xf32, #tpu.memory_space<vmem>>, vector<1x16xf32>,
        %parallel_loop3A_713 = vector.shape_cast %parallel_loop3A_712 : vector<1x16xf32> to vector<16xf32>
        %parallel_loop3A_714 = vector.shape_cast %parallel_loop3A_709 : vector<16xf32> to vector<1x16xf32>
        tpu.vector_store %arg20[%parallel_loop3A_710, %parallel_loop3A_711], %parallel_loop3A_714 {strides = array<i32>} : memref<16x64xf32, #tpu.memory_space<vmem>>, vector<1x16xf32>,
        %parallel_loop3A_715 = arith.mulf %parallel_loop3A_692, %parallel_loop3A_696 : vector<16xf32>
        %parallel_loop3A_716 = arith.index_cast %parallel_loop3A_207 : i32 to index
        %parallel_loop3A_717 = arith.constant 48 : index
        %parallel_loop3A_718 = tpu.vector_load %arg20[%parallel_loop3A_716, %parallel_loop3A_717] {strides = array<i32>} : memref<16x64xf32, #tpu.memory_space<vmem>>, vector<1x16xf32>,
        %parallel_loop3A_719 = vector.shape_cast %parallel_loop3A_718 : vector<1x16xf32> to vector<16xf32>
        %parallel_loop3A_720 = vector.shape_cast %parallel_loop3A_715 : vector<16xf32> to vector<1x16xf32>
        tpu.vector_store %arg20[%parallel_loop3A_716, %parallel_loop3A_717], %parallel_loop3A_720 {strides = array<i32>} : memref<16x64xf32, #tpu.memory_space<vmem>>, vector<1x16xf32>,
        %parallel_loop3A_721 = arith.index_cast %parallel_loop3A_207 : i32 to index
        %parallel_loop3A_722 = arith.constant 96 : index
        %parallel_loop3A_723 = tpu.vector_load %arg10[%parallel_loop3A_721, %parallel_loop3A_722] {strides = array<i32>} : memref<16x384xi32, #tpu.memory_space<vmem>>, vector<1x16xi32>,
        %parallel_loop3A_724 = vector.shape_cast %parallel_loop3A_723 : vector<1x16xi32> to vector<16xi32>
        %parallel_loop3A_725 = arith.constant 16 : i32
        %parallel_loop3A_726 = vector.broadcast %parallel_loop3A_725 : i32 to vector<16xi32>
        %parallel_loop3A_727 = arith.shli %parallel_loop3A_724, %parallel_loop3A_726 : vector<16xi32>
        %parallel_loop3A_728 = tpu.bitcast %parallel_loop3A_727 : vector<16xi32> -> vector<16xf32>
        %parallel_loop3A_729 = arith.constant -65536 : i32
        %parallel_loop3A_730 = vector.broadcast %parallel_loop3A_729 : i32 to vector<16xi32>
        %parallel_loop3A_731 = arith.andi %parallel_loop3A_724, %parallel_loop3A_730 : vector<16xi32>
        %parallel_loop3A_732 = tpu.bitcast %parallel_loop3A_731 : vector<16xi32> -> vector<16xf32>
        %parallel_loop3A_733 = arith.mulf %parallel_loop3A_697, %parallel_loop3A_728 : vector<16xf32>
        %parallel_loop3A_734 = arith.mulf %parallel_loop3A_697, %parallel_loop3A_732 : vector<16xf32>
        %parallel_loop3A_735 = arith.index_cast %parallel_loop3A_207 : i32 to index
        %parallel_loop3A_736 = arith.constant 288 : index
        %parallel_loop3A_737 = tpu.vector_load %arg10[%parallel_loop3A_735, %parallel_loop3A_736] {strides = array<i32>} : memref<16x384xi32, #tpu.memory_space<vmem>>, vector<1x16xi32>,
        %parallel_loop3A_738 = vector.shape_cast %parallel_loop3A_737 : vector<1x16xi32> to vector<16xi32>
        %parallel_loop3A_739 = arith.constant 16 : i32
        %parallel_loop3A_740 = vector.broadcast %parallel_loop3A_739 : i32 to vector<16xi32>
        %parallel_loop3A_741 = arith.shli %parallel_loop3A_738, %parallel_loop3A_740 : vector<16xi32>
        %parallel_loop3A_742 = tpu.bitcast %parallel_loop3A_741 : vector<16xi32> -> vector<16xf32>
        %parallel_loop3A_743 = arith.constant -65536 : i32
        %parallel_loop3A_744 = vector.broadcast %parallel_loop3A_743 : i32 to vector<16xi32>
        %parallel_loop3A_745 = arith.andi %parallel_loop3A_738, %parallel_loop3A_744 : vector<16xi32>
        %parallel_loop3A_746 = tpu.bitcast %parallel_loop3A_745 : vector<16xi32> -> vector<16xf32>
        %parallel_loop3A_747 = arith.mulf %parallel_loop3A_703, %parallel_loop3A_742 : vector<16xf32>
        %parallel_loop3A_748 = arith.addf %parallel_loop3A_733, %parallel_loop3A_747 : vector<16xf32>
        %parallel_loop3A_749 = arith.mulf %parallel_loop3A_703, %parallel_loop3A_746 : vector<16xf32>
        %parallel_loop3A_750 = arith.addf %parallel_loop3A_734, %parallel_loop3A_749 : vector<16xf32>
        %parallel_loop3A_751 = arith.index_cast %parallel_loop3A_207 : i32 to index
        %parallel_loop3A_752 = arith.constant 96 : index
        %parallel_loop3A_753 = tpu.vector_load %arg11[%parallel_loop3A_751, %parallel_loop3A_752] {strides = array<i32>} : memref<16x384xi32, #tpu.memory_space<vmem>>, vector<1x16xi32>,
        %parallel_loop3A_754 = vector.shape_cast %parallel_loop3A_753 : vector<1x16xi32> to vector<16xi32>
        %parallel_loop3A_755 = arith.constant 16 : i32
        %parallel_loop3A_756 = vector.broadcast %parallel_loop3A_755 : i32 to vector<16xi32>
        %parallel_loop3A_757 = arith.shli %parallel_loop3A_754, %parallel_loop3A_756 : vector<16xi32>
        %parallel_loop3A_758 = tpu.bitcast %parallel_loop3A_757 : vector<16xi32> -> vector<16xf32>
        %parallel_loop3A_759 = arith.constant -65536 : i32
        %parallel_loop3A_760 = vector.broadcast %parallel_loop3A_759 : i32 to vector<16xi32>
        %parallel_loop3A_761 = arith.andi %parallel_loop3A_754, %parallel_loop3A_760 : vector<16xi32>
        %parallel_loop3A_762 = tpu.bitcast %parallel_loop3A_761 : vector<16xi32> -> vector<16xf32>
        %parallel_loop3A_763 = arith.mulf %parallel_loop3A_709, %parallel_loop3A_758 : vector<16xf32>
        %parallel_loop3A_764 = arith.addf %parallel_loop3A_748, %parallel_loop3A_763 : vector<16xf32>
        %parallel_loop3A_765 = arith.mulf %parallel_loop3A_709, %parallel_loop3A_762 : vector<16xf32>
        %parallel_loop3A_766 = arith.addf %parallel_loop3A_750, %parallel_loop3A_765 : vector<16xf32>
        %parallel_loop3A_767 = arith.index_cast %parallel_loop3A_207 : i32 to index
        %parallel_loop3A_768 = arith.constant 288 : index
        %parallel_loop3A_769 = tpu.vector_load %arg11[%parallel_loop3A_767, %parallel_loop3A_768] {strides = array<i32>} : memref<16x384xi32, #tpu.memory_space<vmem>>, vector<1x16xi32>,
        %parallel_loop3A_770 = vector.shape_cast %parallel_loop3A_769 : vector<1x16xi32> to vector<16xi32>
        %parallel_loop3A_771 = arith.constant 16 : i32
        %parallel_loop3A_772 = vector.broadcast %parallel_loop3A_771 : i32 to vector<16xi32>
        %parallel_loop3A_773 = arith.shli %parallel_loop3A_770, %parallel_loop3A_772 : vector<16xi32>
        %parallel_loop3A_774 = tpu.bitcast %parallel_loop3A_773 : vector<16xi32> -> vector<16xf32>
        %parallel_loop3A_775 = arith.constant -65536 : i32
        %parallel_loop3A_776 = vector.broadcast %parallel_loop3A_775 : i32 to vector<16xi32>
        %parallel_loop3A_777 = arith.andi %parallel_loop3A_770, %parallel_loop3A_776 : vector<16xi32>
        %parallel_loop3A_778 = tpu.bitcast %parallel_loop3A_777 : vector<16xi32> -> vector<16xf32>
        %parallel_loop3A_779 = arith.mulf %parallel_loop3A_715, %parallel_loop3A_774 : vector<16xf32>
        %parallel_loop3A_780 = arith.addf %parallel_loop3A_764, %parallel_loop3A_779 : vector<16xf32>
        %parallel_loop3A_781 = arith.mulf %parallel_loop3A_715, %parallel_loop3A_778 : vector<16xf32>
        %parallel_loop3A_782 = arith.addf %parallel_loop3A_766, %parallel_loop3A_781 : vector<16xf32>
        %parallel_loop3A_783 = arith.index_cast %parallel_loop3A_207 : i32 to index
        %parallel_loop3A_784 = arith.constant 0 : index
        %parallel_loop3A_785 = tpu.vector_load %arg18[%parallel_loop3A_783, %parallel_loop3A_784] {strides = array<i32>} : memref<16x192xf32, #tpu.memory_space<vmem>>, vector<1x16xf32>,
        %parallel_loop3A_786 = vector.shape_cast %parallel_loop3A_785 : vector<1x16xf32> to vector<16xf32>
        %parallel_loop3A_787 = vector.shape_cast %parallel_loop3A_780 : vector<16xf32> to vector<1x16xf32>
        tpu.vector_store %arg18[%parallel_loop3A_783, %parallel_loop3A_784], %parallel_loop3A_787 {strides = array<i32>} : memref<16x192xf32, #tpu.memory_space<vmem>>, vector<1x16xf32>,
        %parallel_loop3A_788 = arith.index_cast %parallel_loop3A_207 : i32 to index
        %parallel_loop3A_789 = arith.constant 16 : index
        %parallel_loop3A_790 = tpu.vector_load %arg18[%parallel_loop3A_788, %parallel_loop3A_789] {strides = array<i32>} : memref<16x192xf32, #tpu.memory_space<vmem>>, vector<1x16xf32>,
        %parallel_loop3A_791 = vector.shape_cast %parallel_loop3A_790 : vector<1x16xf32> to vector<16xf32>
        %parallel_loop3A_792 = vector.shape_cast %parallel_loop3A_782 : vector<16xf32> to vector<1x16xf32>
        tpu.vector_store %arg18[%parallel_loop3A_788, %parallel_loop3A_789], %parallel_loop3A_792 {strides = array<i32>} : memref<16x192xf32, #tpu.memory_space<vmem>>, vector<1x16xf32>,
        %parallel_loop3A_793 = arith.index_cast %parallel_loop3A_207 : i32 to index
        %parallel_loop3A_794 = arith.constant 112 : index
        %parallel_loop3A_795 = tpu.vector_load %arg10[%parallel_loop3A_793, %parallel_loop3A_794] {strides = array<i32>} : memref<16x384xi32, #tpu.memory_space<vmem>>, vector<1x16xi32>,
        %parallel_loop3A_796 = vector.shape_cast %parallel_loop3A_795 : vector<1x16xi32> to vector<16xi32>
        %parallel_loop3A_797 = arith.constant 16 : i32
        %parallel_loop3A_798 = vector.broadcast %parallel_loop3A_797 : i32 to vector<16xi32>
        %parallel_loop3A_799 = arith.shli %parallel_loop3A_796, %parallel_loop3A_798 : vector<16xi32>
        %parallel_loop3A_800 = tpu.bitcast %parallel_loop3A_799 : vector<16xi32> -> vector<16xf32>
        %parallel_loop3A_801 = arith.constant -65536 : i32
        %parallel_loop3A_802 = vector.broadcast %parallel_loop3A_801 : i32 to vector<16xi32>
        %parallel_loop3A_803 = arith.andi %parallel_loop3A_796, %parallel_loop3A_802 : vector<16xi32>
        %parallel_loop3A_804 = tpu.bitcast %parallel_loop3A_803 : vector<16xi32> -> vector<16xf32>
        %parallel_loop3A_805 = arith.mulf %parallel_loop3A_697, %parallel_loop3A_800 : vector<16xf32>
        %parallel_loop3A_806 = arith.mulf %parallel_loop3A_697, %parallel_loop3A_804 : vector<16xf32>
        %parallel_loop3A_807 = arith.index_cast %parallel_loop3A_207 : i32 to index
        %parallel_loop3A_808 = arith.constant 304 : index
        %parallel_loop3A_809 = tpu.vector_load %arg10[%parallel_loop3A_807, %parallel_loop3A_808] {strides = array<i32>} : memref<16x384xi32, #tpu.memory_space<vmem>>, vector<1x16xi32>,
        %parallel_loop3A_810 = vector.shape_cast %parallel_loop3A_809 : vector<1x16xi32> to vector<16xi32>
        %parallel_loop3A_811 = arith.constant 16 : i32
        %parallel_loop3A_812 = vector.broadcast %parallel_loop3A_811 : i32 to vector<16xi32>
        %parallel_loop3A_813 = arith.shli %parallel_loop3A_810, %parallel_loop3A_812 : vector<16xi32>
        %parallel_loop3A_814 = tpu.bitcast %parallel_loop3A_813 : vector<16xi32> -> vector<16xf32>
        %parallel_loop3A_815 = arith.constant -65536 : i32
        %parallel_loop3A_816 = vector.broadcast %parallel_loop3A_815 : i32 to vector<16xi32>
        %parallel_loop3A_817 = arith.andi %parallel_loop3A_810, %parallel_loop3A_816 : vector<16xi32>
        %parallel_loop3A_818 = tpu.bitcast %parallel_loop3A_817 : vector<16xi32> -> vector<16xf32>
        %parallel_loop3A_819 = arith.mulf %parallel_loop3A_703, %parallel_loop3A_814 : vector<16xf32>
        %parallel_loop3A_820 = arith.addf %parallel_loop3A_805, %parallel_loop3A_819 : vector<16xf32>
        %parallel_loop3A_821 = arith.mulf %parallel_loop3A_703, %parallel_loop3A_818 : vector<16xf32>
        %parallel_loop3A_822 = arith.addf %parallel_loop3A_806, %parallel_loop3A_821 : vector<16xf32>
        %parallel_loop3A_823 = arith.index_cast %parallel_loop3A_207 : i32 to index
        %parallel_loop3A_824 = arith.constant 112 : index
        %parallel_loop3A_825 = tpu.vector_load %arg11[%parallel_loop3A_823, %parallel_loop3A_824] {strides = array<i32>} : memref<16x384xi32, #tpu.memory_space<vmem>>, vector<1x16xi32>,
        %parallel_loop3A_826 = vector.shape_cast %parallel_loop3A_825 : vector<1x16xi32> to vector<16xi32>
        %parallel_loop3A_827 = arith.constant 16 : i32
        %parallel_loop3A_828 = vector.broadcast %parallel_loop3A_827 : i32 to vector<16xi32>
        %parallel_loop3A_829 = arith.shli %parallel_loop3A_826, %parallel_loop3A_828 : vector<16xi32>
        %parallel_loop3A_830 = tpu.bitcast %parallel_loop3A_829 : vector<16xi32> -> vector<16xf32>
        %parallel_loop3A_831 = arith.constant -65536 : i32
        %parallel_loop3A_832 = vector.broadcast %parallel_loop3A_831 : i32 to vector<16xi32>
        %parallel_loop3A_833 = arith.andi %parallel_loop3A_826, %parallel_loop3A_832 : vector<16xi32>
        %parallel_loop3A_834 = tpu.bitcast %parallel_loop3A_833 : vector<16xi32> -> vector<16xf32>
        %parallel_loop3A_835 = arith.mulf %parallel_loop3A_709, %parallel_loop3A_830 : vector<16xf32>
        %parallel_loop3A_836 = arith.addf %parallel_loop3A_820, %parallel_loop3A_835 : vector<16xf32>
        %parallel_loop3A_837 = arith.mulf %parallel_loop3A_709, %parallel_loop3A_834 : vector<16xf32>
        %parallel_loop3A_838 = arith.addf %parallel_loop3A_822, %parallel_loop3A_837 : vector<16xf32>
        %parallel_loop3A_839 = arith.index_cast %parallel_loop3A_207 : i32 to index
        %parallel_loop3A_840 = arith.constant 304 : index
        %parallel_loop3A_841 = tpu.vector_load %arg11[%parallel_loop3A_839, %parallel_loop3A_840] {strides = array<i32>} : memref<16x384xi32, #tpu.memory_space<vmem>>, vector<1x16xi32>,
        %parallel_loop3A_842 = vector.shape_cast %parallel_loop3A_841 : vector<1x16xi32> to vector<16xi32>
        %parallel_loop3A_843 = arith.constant 16 : i32
        %parallel_loop3A_844 = vector.broadcast %parallel_loop3A_843 : i32 to vector<16xi32>
        %parallel_loop3A_845 = arith.shli %parallel_loop3A_842, %parallel_loop3A_844 : vector<16xi32>
        %parallel_loop3A_846 = tpu.bitcast %parallel_loop3A_845 : vector<16xi32> -> vector<16xf32>
        %parallel_loop3A_847 = arith.constant -65536 : i32
        %parallel_loop3A_848 = vector.broadcast %parallel_loop3A_847 : i32 to vector<16xi32>
        %parallel_loop3A_849 = arith.andi %parallel_loop3A_842, %parallel_loop3A_848 : vector<16xi32>
        %parallel_loop3A_850 = tpu.bitcast %parallel_loop3A_849 : vector<16xi32> -> vector<16xf32>
        %parallel_loop3A_851 = arith.mulf %parallel_loop3A_715, %parallel_loop3A_846 : vector<16xf32>
        %parallel_loop3A_852 = arith.addf %parallel_loop3A_836, %parallel_loop3A_851 : vector<16xf32>
        %parallel_loop3A_853 = arith.mulf %parallel_loop3A_715, %parallel_loop3A_850 : vector<16xf32>
        %parallel_loop3A_854 = arith.addf %parallel_loop3A_838, %parallel_loop3A_853 : vector<16xf32>
        %parallel_loop3A_855 = arith.index_cast %parallel_loop3A_207 : i32 to index
        %parallel_loop3A_856 = arith.constant 32 : index
        %parallel_loop3A_857 = tpu.vector_load %arg18[%parallel_loop3A_855, %parallel_loop3A_856] {strides = array<i32>} : memref<16x192xf32, #tpu.memory_space<vmem>>, vector<1x16xf32>,
        %parallel_loop3A_858 = vector.shape_cast %parallel_loop3A_857 : vector<1x16xf32> to vector<16xf32>
        %parallel_loop3A_859 = vector.shape_cast %parallel_loop3A_852 : vector<16xf32> to vector<1x16xf32>
        tpu.vector_store %arg18[%parallel_loop3A_855, %parallel_loop3A_856], %parallel_loop3A_859 {strides = array<i32>} : memref<16x192xf32, #tpu.memory_space<vmem>>, vector<1x16xf32>,
        %parallel_loop3A_860 = arith.index_cast %parallel_loop3A_207 : i32 to index
        %parallel_loop3A_861 = arith.constant 48 : index
        %parallel_loop3A_862 = tpu.vector_load %arg18[%parallel_loop3A_860, %parallel_loop3A_861] {strides = array<i32>} : memref<16x192xf32, #tpu.memory_space<vmem>>, vector<1x16xf32>,
        %parallel_loop3A_863 = vector.shape_cast %parallel_loop3A_862 : vector<1x16xf32> to vector<16xf32>
        %parallel_loop3A_864 = vector.shape_cast %parallel_loop3A_854 : vector<16xf32> to vector<1x16xf32>
        tpu.vector_store %arg18[%parallel_loop3A_860, %parallel_loop3A_861], %parallel_loop3A_864 {strides = array<i32>} : memref<16x192xf32, #tpu.memory_space<vmem>>, vector<1x16xf32>,
        %parallel_loop3A_865 = arith.index_cast %parallel_loop3A_207 : i32 to index
        %parallel_loop3A_866 = arith.constant 128 : index
        %parallel_loop3A_867 = tpu.vector_load %arg10[%parallel_loop3A_865, %parallel_loop3A_866] {strides = array<i32>} : memref<16x384xi32, #tpu.memory_space<vmem>>, vector<1x16xi32>,
        %parallel_loop3A_868 = vector.shape_cast %parallel_loop3A_867 : vector<1x16xi32> to vector<16xi32>
        %parallel_loop3A_869 = arith.constant 16 : i32
        %parallel_loop3A_870 = vector.broadcast %parallel_loop3A_869 : i32 to vector<16xi32>
        %parallel_loop3A_871 = arith.shli %parallel_loop3A_868, %parallel_loop3A_870 : vector<16xi32>
        %parallel_loop3A_872 = tpu.bitcast %parallel_loop3A_871 : vector<16xi32> -> vector<16xf32>
        %parallel_loop3A_873 = arith.constant -65536 : i32
        %parallel_loop3A_874 = vector.broadcast %parallel_loop3A_873 : i32 to vector<16xi32>
        %parallel_loop3A_875 = arith.andi %parallel_loop3A_868, %parallel_loop3A_874 : vector<16xi32>
        %parallel_loop3A_876 = tpu.bitcast %parallel_loop3A_875 : vector<16xi32> -> vector<16xf32>
        %parallel_loop3A_877 = arith.mulf %parallel_loop3A_697, %parallel_loop3A_872 : vector<16xf32>
        %parallel_loop3A_878 = arith.mulf %parallel_loop3A_697, %parallel_loop3A_876 : vector<16xf32>
        %parallel_loop3A_879 = arith.index_cast %parallel_loop3A_207 : i32 to index
        %parallel_loop3A_880 = arith.constant 320 : index
        %parallel_loop3A_881 = tpu.vector_load %arg10[%parallel_loop3A_879, %parallel_loop3A_880] {strides = array<i32>} : memref<16x384xi32, #tpu.memory_space<vmem>>, vector<1x16xi32>,
        %parallel_loop3A_882 = vector.shape_cast %parallel_loop3A_881 : vector<1x16xi32> to vector<16xi32>
        %parallel_loop3A_883 = arith.constant 16 : i32
        %parallel_loop3A_884 = vector.broadcast %parallel_loop3A_883 : i32 to vector<16xi32>
        %parallel_loop3A_885 = arith.shli %parallel_loop3A_882, %parallel_loop3A_884 : vector<16xi32>
        %parallel_loop3A_886 = tpu.bitcast %parallel_loop3A_885 : vector<16xi32> -> vector<16xf32>
        %parallel_loop3A_887 = arith.constant -65536 : i32
        %parallel_loop3A_888 = vector.broadcast %parallel_loop3A_887 : i32 to vector<16xi32>
        %parallel_loop3A_889 = arith.andi %parallel_loop3A_882, %parallel_loop3A_888 : vector<16xi32>
        %parallel_loop3A_890 = tpu.bitcast %parallel_loop3A_889 : vector<16xi32> -> vector<16xf32>
        %parallel_loop3A_891 = arith.mulf %parallel_loop3A_703, %parallel_loop3A_886 : vector<16xf32>
        %parallel_loop3A_892 = arith.addf %parallel_loop3A_877, %parallel_loop3A_891 : vector<16xf32>
        %parallel_loop3A_893 = arith.mulf %parallel_loop3A_703, %parallel_loop3A_890 : vector<16xf32>
        %parallel_loop3A_894 = arith.addf %parallel_loop3A_878, %parallel_loop3A_893 : vector<16xf32>
        %parallel_loop3A_895 = arith.index_cast %parallel_loop3A_207 : i32 to index
        %parallel_loop3A_896 = arith.constant 128 : index
        %parallel_loop3A_897 = tpu.vector_load %arg11[%parallel_loop3A_895, %parallel_loop3A_896] {strides = array<i32>} : memref<16x384xi32, #tpu.memory_space<vmem>>, vector<1x16xi32>,
        %parallel_loop3A_898 = vector.shape_cast %parallel_loop3A_897 : vector<1x16xi32> to vector<16xi32>
        %parallel_loop3A_899 = arith.constant 16 : i32
        %parallel_loop3A_900 = vector.broadcast %parallel_loop3A_899 : i32 to vector<16xi32>
        %parallel_loop3A_901 = arith.shli %parallel_loop3A_898, %parallel_loop3A_900 : vector<16xi32>
        %parallel_loop3A_902 = tpu.bitcast %parallel_loop3A_901 : vector<16xi32> -> vector<16xf32>
        %parallel_loop3A_903 = arith.constant -65536 : i32
        %parallel_loop3A_904 = vector.broadcast %parallel_loop3A_903 : i32 to vector<16xi32>
        %parallel_loop3A_905 = arith.andi %parallel_loop3A_898, %parallel_loop3A_904 : vector<16xi32>
        %parallel_loop3A_906 = tpu.bitcast %parallel_loop3A_905 : vector<16xi32> -> vector<16xf32>
        %parallel_loop3A_907 = arith.mulf %parallel_loop3A_709, %parallel_loop3A_902 : vector<16xf32>
        %parallel_loop3A_908 = arith.addf %parallel_loop3A_892, %parallel_loop3A_907 : vector<16xf32>
        %parallel_loop3A_909 = arith.mulf %parallel_loop3A_709, %parallel_loop3A_906 : vector<16xf32>
        %parallel_loop3A_910 = arith.addf %parallel_loop3A_894, %parallel_loop3A_909 : vector<16xf32>
        %parallel_loop3A_911 = arith.index_cast %parallel_loop3A_207 : i32 to index
        %parallel_loop3A_912 = arith.constant 320 : index
        %parallel_loop3A_913 = tpu.vector_load %arg11[%parallel_loop3A_911, %parallel_loop3A_912] {strides = array<i32>} : memref<16x384xi32, #tpu.memory_space<vmem>>, vector<1x16xi32>,
        %parallel_loop3A_914 = vector.shape_cast %parallel_loop3A_913 : vector<1x16xi32> to vector<16xi32>
        %parallel_loop3A_915 = arith.constant 16 : i32
        %parallel_loop3A_916 = vector.broadcast %parallel_loop3A_915 : i32 to vector<16xi32>
        %parallel_loop3A_917 = arith.shli %parallel_loop3A_914, %parallel_loop3A_916 : vector<16xi32>
        %parallel_loop3A_918 = tpu.bitcast %parallel_loop3A_917 : vector<16xi32> -> vector<16xf32>
        %parallel_loop3A_919 = arith.constant -65536 : i32
        %parallel_loop3A_920 = vector.broadcast %parallel_loop3A_919 : i32 to vector<16xi32>
        %parallel_loop3A_921 = arith.andi %parallel_loop3A_914, %parallel_loop3A_920 : vector<16xi32>
        %parallel_loop3A_922 = tpu.bitcast %parallel_loop3A_921 : vector<16xi32> -> vector<16xf32>
        %parallel_loop3A_923 = arith.mulf %parallel_loop3A_715, %parallel_loop3A_918 : vector<16xf32>
        %parallel_loop3A_924 = arith.addf %parallel_loop3A_908, %parallel_loop3A_923 : vector<16xf32>
        %parallel_loop3A_925 = arith.mulf %parallel_loop3A_715, %parallel_loop3A_922 : vector<16xf32>
        %parallel_loop3A_926 = arith.addf %parallel_loop3A_910, %parallel_loop3A_925 : vector<16xf32>
        %parallel_loop3A_927 = arith.index_cast %parallel_loop3A_207 : i32 to index
        %parallel_loop3A_928 = arith.constant 64 : index
        %parallel_loop3A_929 = tpu.vector_load %arg18[%parallel_loop3A_927, %parallel_loop3A_928] {strides = array<i32>} : memref<16x192xf32, #tpu.memory_space<vmem>>, vector<1x16xf32>,
        %parallel_loop3A_930 = vector.shape_cast %parallel_loop3A_929 : vector<1x16xf32> to vector<16xf32>
        %parallel_loop3A_931 = vector.shape_cast %parallel_loop3A_924 : vector<16xf32> to vector<1x16xf32>
        tpu.vector_store %arg18[%parallel_loop3A_927, %parallel_loop3A_928], %parallel_loop3A_931 {strides = array<i32>} : memref<16x192xf32, #tpu.memory_space<vmem>>, vector<1x16xf32>,
        %parallel_loop3A_932 = arith.index_cast %parallel_loop3A_207 : i32 to index
        %parallel_loop3A_933 = arith.constant 80 : index
        %parallel_loop3A_934 = tpu.vector_load %arg18[%parallel_loop3A_932, %parallel_loop3A_933] {strides = array<i32>} : memref<16x192xf32, #tpu.memory_space<vmem>>, vector<1x16xf32>,
        %parallel_loop3A_935 = vector.shape_cast %parallel_loop3A_934 : vector<1x16xf32> to vector<16xf32>
        %parallel_loop3A_936 = vector.shape_cast %parallel_loop3A_926 : vector<16xf32> to vector<1x16xf32>
        tpu.vector_store %arg18[%parallel_loop3A_932, %parallel_loop3A_933], %parallel_loop3A_936 {strides = array<i32>} : memref<16x192xf32, #tpu.memory_space<vmem>>, vector<1x16xf32>,
        %parallel_loop3A_937 = arith.index_cast %parallel_loop3A_207 : i32 to index
        %parallel_loop3A_938 = arith.constant 144 : index
        %parallel_loop3A_939 = tpu.vector_load %arg10[%parallel_loop3A_937, %parallel_loop3A_938] {strides = array<i32>} : memref<16x384xi32, #tpu.memory_space<vmem>>, vector<1x16xi32>,
        %parallel_loop3A_940 = vector.shape_cast %parallel_loop3A_939 : vector<1x16xi32> to vector<16xi32>
        %parallel_loop3A_941 = arith.constant 16 : i32
        %parallel_loop3A_942 = vector.broadcast %parallel_loop3A_941 : i32 to vector<16xi32>
        %parallel_loop3A_943 = arith.shli %parallel_loop3A_940, %parallel_loop3A_942 : vector<16xi32>
        %parallel_loop3A_944 = tpu.bitcast %parallel_loop3A_943 : vector<16xi32> -> vector<16xf32>
        %parallel_loop3A_945 = arith.constant -65536 : i32
        %parallel_loop3A_946 = vector.broadcast %parallel_loop3A_945 : i32 to vector<16xi32>
        %parallel_loop3A_947 = arith.andi %parallel_loop3A_940, %parallel_loop3A_946 : vector<16xi32>
        %parallel_loop3A_948 = tpu.bitcast %parallel_loop3A_947 : vector<16xi32> -> vector<16xf32>
        %parallel_loop3A_949 = arith.mulf %parallel_loop3A_697, %parallel_loop3A_944 : vector<16xf32>
        %parallel_loop3A_950 = arith.mulf %parallel_loop3A_697, %parallel_loop3A_948 : vector<16xf32>
        %parallel_loop3A_951 = arith.index_cast %parallel_loop3A_207 : i32 to index
        %parallel_loop3A_952 = arith.constant 336 : index
        %parallel_loop3A_953 = tpu.vector_load %arg10[%parallel_loop3A_951, %parallel_loop3A_952] {strides = array<i32>} : memref<16x384xi32, #tpu.memory_space<vmem>>, vector<1x16xi32>,
        %parallel_loop3A_954 = vector.shape_cast %parallel_loop3A_953 : vector<1x16xi32> to vector<16xi32>
        %parallel_loop3A_955 = arith.constant 16 : i32
        %parallel_loop3A_956 = vector.broadcast %parallel_loop3A_955 : i32 to vector<16xi32>
        %parallel_loop3A_957 = arith.shli %parallel_loop3A_954, %parallel_loop3A_956 : vector<16xi32>
        %parallel_loop3A_958 = tpu.bitcast %parallel_loop3A_957 : vector<16xi32> -> vector<16xf32>
        %parallel_loop3A_959 = arith.constant -65536 : i32
        %parallel_loop3A_960 = vector.broadcast %parallel_loop3A_959 : i32 to vector<16xi32>
        %parallel_loop3A_961 = arith.andi %parallel_loop3A_954, %parallel_loop3A_960 : vector<16xi32>
        %parallel_loop3A_962 = tpu.bitcast %parallel_loop3A_961 : vector<16xi32> -> vector<16xf32>
        %parallel_loop3A_963 = arith.mulf %parallel_loop3A_703, %parallel_loop3A_958 : vector<16xf32>
        %parallel_loop3A_964 = arith.addf %parallel_loop3A_949, %parallel_loop3A_963 : vector<16xf32>
        %parallel_loop3A_965 = arith.mulf %parallel_loop3A_703, %parallel_loop3A_962 : vector<16xf32>
        %parallel_loop3A_966 = arith.addf %parallel_loop3A_950, %parallel_loop3A_965 : vector<16xf32>
        %parallel_loop3A_967 = arith.index_cast %parallel_loop3A_207 : i32 to index
        %parallel_loop3A_968 = arith.constant 144 : index
        %parallel_loop3A_969 = tpu.vector_load %arg11[%parallel_loop3A_967, %parallel_loop3A_968] {strides = array<i32>} : memref<16x384xi32, #tpu.memory_space<vmem>>, vector<1x16xi32>,
        %parallel_loop3A_970 = vector.shape_cast %parallel_loop3A_969 : vector<1x16xi32> to vector<16xi32>
        %parallel_loop3A_971 = arith.constant 16 : i32
        %parallel_loop3A_972 = vector.broadcast %parallel_loop3A_971 : i32 to vector<16xi32>
        %parallel_loop3A_973 = arith.shli %parallel_loop3A_970, %parallel_loop3A_972 : vector<16xi32>
        %parallel_loop3A_974 = tpu.bitcast %parallel_loop3A_973 : vector<16xi32> -> vector<16xf32>
        %parallel_loop3A_975 = arith.constant -65536 : i32
        %parallel_loop3A_976 = vector.broadcast %parallel_loop3A_975 : i32 to vector<16xi32>
        %parallel_loop3A_977 = arith.andi %parallel_loop3A_970, %parallel_loop3A_976 : vector<16xi32>
        %parallel_loop3A_978 = tpu.bitcast %parallel_loop3A_977 : vector<16xi32> -> vector<16xf32>
        %parallel_loop3A_979 = arith.mulf %parallel_loop3A_709, %parallel_loop3A_974 : vector<16xf32>
        %parallel_loop3A_980 = arith.addf %parallel_loop3A_964, %parallel_loop3A_979 : vector<16xf32>
        %parallel_loop3A_981 = arith.mulf %parallel_loop3A_709, %parallel_loop3A_978 : vector<16xf32>
        %parallel_loop3A_982 = arith.addf %parallel_loop3A_966, %parallel_loop3A_981 : vector<16xf32>
        %parallel_loop3A_983 = arith.index_cast %parallel_loop3A_207 : i32 to index
        %parallel_loop3A_984 = arith.constant 336 : index
        %parallel_loop3A_985 = tpu.vector_load %arg11[%parallel_loop3A_983, %parallel_loop3A_984] {strides = array<i32>} : memref<16x384xi32, #tpu.memory_space<vmem>>, vector<1x16xi32>,
        %parallel_loop3A_986 = vector.shape_cast %parallel_loop3A_985 : vector<1x16xi32> to vector<16xi32>
        %parallel_loop3A_987 = arith.constant 16 : i32
        %parallel_loop3A_988 = vector.broadcast %parallel_loop3A_987 : i32 to vector<16xi32>
        %parallel_loop3A_989 = arith.shli %parallel_loop3A_986, %parallel_loop3A_988 : vector<16xi32>
        %parallel_loop3A_990 = tpu.bitcast %parallel_loop3A_989 : vector<16xi32> -> vector<16xf32>
        %parallel_loop3A_991 = arith.constant -65536 : i32
        %parallel_loop3A_992 = vector.broadcast %parallel_loop3A_991 : i32 to vector<16xi32>
        %parallel_loop3A_993 = arith.andi %parallel_loop3A_986, %parallel_loop3A_992 : vector<16xi32>
        %parallel_loop3A_994 = tpu.bitcast %parallel_loop3A_993 : vector<16xi32> -> vector<16xf32>
        %parallel_loop3A_995 = arith.mulf %parallel_loop3A_715, %parallel_loop3A_990 : vector<16xf32>
        %parallel_loop3A_996 = arith.addf %parallel_loop3A_980, %parallel_loop3A_995 : vector<16xf32>
        %parallel_loop3A_997 = arith.mulf %parallel_loop3A_715, %parallel_loop3A_994 : vector<16xf32>
        %parallel_loop3A_998 = arith.addf %parallel_loop3A_982, %parallel_loop3A_997 : vector<16xf32>
        %parallel_loop3A_999 = arith.index_cast %parallel_loop3A_207 : i32 to index
        %parallel_loop3A_1000 = arith.constant 96 : index
        %parallel_loop3A_1001 = tpu.vector_load %arg18[%parallel_loop3A_999, %parallel_loop3A_1000] {strides = array<i32>} : memref<16x192xf32, #tpu.memory_space<vmem>>, vector<1x16xf32>,
        %parallel_loop3A_1002 = vector.shape_cast %parallel_loop3A_1001 : vector<1x16xf32> to vector<16xf32>
        %parallel_loop3A_1003 = vector.shape_cast %parallel_loop3A_996 : vector<16xf32> to vector<1x16xf32>
        tpu.vector_store %arg18[%parallel_loop3A_999, %parallel_loop3A_1000], %parallel_loop3A_1003 {strides = array<i32>} : memref<16x192xf32, #tpu.memory_space<vmem>>, vector<1x16xf32>,
        %parallel_loop3A_1004 = arith.index_cast %parallel_loop3A_207 : i32 to index
        %parallel_loop3A_1005 = arith.constant 112 : index
        %parallel_loop3A_1006 = tpu.vector_load %arg18[%parallel_loop3A_1004, %parallel_loop3A_1005] {strides = array<i32>} : memref<16x192xf32, #tpu.memory_space<vmem>>, vector<1x16xf32>,
        %parallel_loop3A_1007 = vector.shape_cast %parallel_loop3A_1006 : vector<1x16xf32> to vector<16xf32>
        %parallel_loop3A_1008 = vector.shape_cast %parallel_loop3A_998 : vector<16xf32> to vector<1x16xf32>
        tpu.vector_store %arg18[%parallel_loop3A_1004, %parallel_loop3A_1005], %parallel_loop3A_1008 {strides = array<i32>} : memref<16x192xf32, #tpu.memory_space<vmem>>, vector<1x16xf32>,
        %parallel_loop3A_1009 = arith.index_cast %parallel_loop3A_207 : i32 to index
        %parallel_loop3A_1010 = arith.constant 160 : index
        %parallel_loop3A_1011 = tpu.vector_load %arg10[%parallel_loop3A_1009, %parallel_loop3A_1010] {strides = array<i32>} : memref<16x384xi32, #tpu.memory_space<vmem>>, vector<1x16xi32>,
        %parallel_loop3A_1012 = vector.shape_cast %parallel_loop3A_1011 : vector<1x16xi32> to vector<16xi32>
        %parallel_loop3A_1013 = arith.constant 16 : i32
        %parallel_loop3A_1014 = vector.broadcast %parallel_loop3A_1013 : i32 to vector<16xi32>
        %parallel_loop3A_1015 = arith.shli %parallel_loop3A_1012, %parallel_loop3A_1014 : vector<16xi32>
        %parallel_loop3A_1016 = tpu.bitcast %parallel_loop3A_1015 : vector<16xi32> -> vector<16xf32>
        %parallel_loop3A_1017 = arith.constant -65536 : i32
        %parallel_loop3A_1018 = vector.broadcast %parallel_loop3A_1017 : i32 to vector<16xi32>
        %parallel_loop3A_1019 = arith.andi %parallel_loop3A_1012, %parallel_loop3A_1018 : vector<16xi32>
        %parallel_loop3A_1020 = tpu.bitcast %parallel_loop3A_1019 : vector<16xi32> -> vector<16xf32>
        %parallel_loop3A_1021 = arith.mulf %parallel_loop3A_697, %parallel_loop3A_1016 : vector<16xf32>
        %parallel_loop3A_1022 = arith.mulf %parallel_loop3A_697, %parallel_loop3A_1020 : vector<16xf32>
        %parallel_loop3A_1023 = arith.index_cast %parallel_loop3A_207 : i32 to index
        %parallel_loop3A_1024 = arith.constant 352 : index
        %parallel_loop3A_1025 = tpu.vector_load %arg10[%parallel_loop3A_1023, %parallel_loop3A_1024] {strides = array<i32>} : memref<16x384xi32, #tpu.memory_space<vmem>>, vector<1x16xi32>,
        %parallel_loop3A_1026 = vector.shape_cast %parallel_loop3A_1025 : vector<1x16xi32> to vector<16xi32>
        %parallel_loop3A_1027 = arith.constant 16 : i32
        %parallel_loop3A_1028 = vector.broadcast %parallel_loop3A_1027 : i32 to vector<16xi32>
        %parallel_loop3A_1029 = arith.shli %parallel_loop3A_1026, %parallel_loop3A_1028 : vector<16xi32>
        %parallel_loop3A_1030 = tpu.bitcast %parallel_loop3A_1029 : vector<16xi32> -> vector<16xf32>
        %parallel_loop3A_1031 = arith.constant -65536 : i32
        %parallel_loop3A_1032 = vector.broadcast %parallel_loop3A_1031 : i32 to vector<16xi32>
        %parallel_loop3A_1033 = arith.andi %parallel_loop3A_1026, %parallel_loop3A_1032 : vector<16xi32>
        %parallel_loop3A_1034 = tpu.bitcast %parallel_loop3A_1033 : vector<16xi32> -> vector<16xf32>
        %parallel_loop3A_1035 = arith.mulf %parallel_loop3A_703, %parallel_loop3A_1030 : vector<16xf32>
        %parallel_loop3A_1036 = arith.addf %parallel_loop3A_1021, %parallel_loop3A_1035 : vector<16xf32>
        %parallel_loop3A_1037 = arith.mulf %parallel_loop3A_703, %parallel_loop3A_1034 : vector<16xf32>
        %parallel_loop3A_1038 = arith.addf %parallel_loop3A_1022, %parallel_loop3A_1037 : vector<16xf32>
        %parallel_loop3A_1039 = arith.index_cast %parallel_loop3A_207 : i32 to index
        %parallel_loop3A_1040 = arith.constant 160 : index
        %parallel_loop3A_1041 = tpu.vector_load %arg11[%parallel_loop3A_1039, %parallel_loop3A_1040] {strides = array<i32>} : memref<16x384xi32, #tpu.memory_space<vmem>>, vector<1x16xi32>,
        %parallel_loop3A_1042 = vector.shape_cast %parallel_loop3A_1041 : vector<1x16xi32> to vector<16xi32>
        %parallel_loop3A_1043 = arith.constant 16 : i32
        %parallel_loop3A_1044 = vector.broadcast %parallel_loop3A_1043 : i32 to vector<16xi32>
        %parallel_loop3A_1045 = arith.shli %parallel_loop3A_1042, %parallel_loop3A_1044 : vector<16xi32>
        %parallel_loop3A_1046 = tpu.bitcast %parallel_loop3A_1045 : vector<16xi32> -> vector<16xf32>
        %parallel_loop3A_1047 = arith.constant -65536 : i32
        %parallel_loop3A_1048 = vector.broadcast %parallel_loop3A_1047 : i32 to vector<16xi32>
        %parallel_loop3A_1049 = arith.andi %parallel_loop3A_1042, %parallel_loop3A_1048 : vector<16xi32>
        %parallel_loop3A_1050 = tpu.bitcast %parallel_loop3A_1049 : vector<16xi32> -> vector<16xf32>
        %parallel_loop3A_1051 = arith.mulf %parallel_loop3A_709, %parallel_loop3A_1046 : vector<16xf32>
        %parallel_loop3A_1052 = arith.addf %parallel_loop3A_1036, %parallel_loop3A_1051 : vector<16xf32>
        %parallel_loop3A_1053 = arith.mulf %parallel_loop3A_709, %parallel_loop3A_1050 : vector<16xf32>
        %parallel_loop3A_1054 = arith.addf %parallel_loop3A_1038, %parallel_loop3A_1053 : vector<16xf32>
        %parallel_loop3A_1055 = arith.index_cast %parallel_loop3A_207 : i32 to index
        %parallel_loop3A_1056 = arith.constant 352 : index
        %parallel_loop3A_1057 = tpu.vector_load %arg11[%parallel_loop3A_1055, %parallel_loop3A_1056] {strides = array<i32>} : memref<16x384xi32, #tpu.memory_space<vmem>>, vector<1x16xi32>,
        %parallel_loop3A_1058 = vector.shape_cast %parallel_loop3A_1057 : vector<1x16xi32> to vector<16xi32>
        %parallel_loop3A_1059 = arith.constant 16 : i32
        %parallel_loop3A_1060 = vector.broadcast %parallel_loop3A_1059 : i32 to vector<16xi32>
        %parallel_loop3A_1061 = arith.shli %parallel_loop3A_1058, %parallel_loop3A_1060 : vector<16xi32>
        %parallel_loop3A_1062 = tpu.bitcast %parallel_loop3A_1061 : vector<16xi32> -> vector<16xf32>
        %parallel_loop3A_1063 = arith.constant -65536 : i32
        %parallel_loop3A_1064 = vector.broadcast %parallel_loop3A_1063 : i32 to vector<16xi32>
        %parallel_loop3A_1065 = arith.andi %parallel_loop3A_1058, %parallel_loop3A_1064 : vector<16xi32>
        %parallel_loop3A_1066 = tpu.bitcast %parallel_loop3A_1065 : vector<16xi32> -> vector<16xf32>
        %parallel_loop3A_1067 = arith.mulf %parallel_loop3A_715, %parallel_loop3A_1062 : vector<16xf32>
        %parallel_loop3A_1068 = arith.addf %parallel_loop3A_1052, %parallel_loop3A_1067 : vector<16xf32>
        %parallel_loop3A_1069 = arith.mulf %parallel_loop3A_715, %parallel_loop3A_1066 : vector<16xf32>
        %parallel_loop3A_1070 = arith.addf %parallel_loop3A_1054, %parallel_loop3A_1069 : vector<16xf32>
        %parallel_loop3A_1071 = arith.index_cast %parallel_loop3A_207 : i32 to index
        %parallel_loop3A_1072 = arith.constant 128 : index
        %parallel_loop3A_1073 = tpu.vector_load %arg18[%parallel_loop3A_1071, %parallel_loop3A_1072] {strides = array<i32>} : memref<16x192xf32, #tpu.memory_space<vmem>>, vector<1x16xf32>,
        %parallel_loop3A_1074 = vector.shape_cast %parallel_loop3A_1073 : vector<1x16xf32> to vector<16xf32>
        %parallel_loop3A_1075 = vector.shape_cast %parallel_loop3A_1068 : vector<16xf32> to vector<1x16xf32>
        tpu.vector_store %arg18[%parallel_loop3A_1071, %parallel_loop3A_1072], %parallel_loop3A_1075 {strides = array<i32>} : memref<16x192xf32, #tpu.memory_space<vmem>>, vector<1x16xf32>,
        %parallel_loop3A_1076 = arith.index_cast %parallel_loop3A_207 : i32 to index
        %parallel_loop3A_1077 = arith.constant 144 : index
        %parallel_loop3A_1078 = tpu.vector_load %arg18[%parallel_loop3A_1076, %parallel_loop3A_1077] {strides = array<i32>} : memref<16x192xf32, #tpu.memory_space<vmem>>, vector<1x16xf32>,
        %parallel_loop3A_1079 = vector.shape_cast %parallel_loop3A_1078 : vector<1x16xf32> to vector<16xf32>
        %parallel_loop3A_1080 = vector.shape_cast %parallel_loop3A_1070 : vector<16xf32> to vector<1x16xf32>
        tpu.vector_store %arg18[%parallel_loop3A_1076, %parallel_loop3A_1077], %parallel_loop3A_1080 {strides = array<i32>} : memref<16x192xf32, #tpu.memory_space<vmem>>, vector<1x16xf32>,
        %parallel_loop3A_1081 = arith.index_cast %parallel_loop3A_207 : i32 to index
        %parallel_loop3A_1082 = arith.constant 176 : index
        %parallel_loop3A_1083 = tpu.vector_load %arg10[%parallel_loop3A_1081, %parallel_loop3A_1082] {strides = array<i32>} : memref<16x384xi32, #tpu.memory_space<vmem>>, vector<1x16xi32>,
        %parallel_loop3A_1084 = vector.shape_cast %parallel_loop3A_1083 : vector<1x16xi32> to vector<16xi32>
        %parallel_loop3A_1085 = arith.constant 16 : i32
        %parallel_loop3A_1086 = vector.broadcast %parallel_loop3A_1085 : i32 to vector<16xi32>
        %parallel_loop3A_1087 = arith.shli %parallel_loop3A_1084, %parallel_loop3A_1086 : vector<16xi32>
        %parallel_loop3A_1088 = tpu.bitcast %parallel_loop3A_1087 : vector<16xi32> -> vector<16xf32>
        %parallel_loop3A_1089 = arith.constant -65536 : i32
        %parallel_loop3A_1090 = vector.broadcast %parallel_loop3A_1089 : i32 to vector<16xi32>
        %parallel_loop3A_1091 = arith.andi %parallel_loop3A_1084, %parallel_loop3A_1090 : vector<16xi32>
        %parallel_loop3A_1092 = tpu.bitcast %parallel_loop3A_1091 : vector<16xi32> -> vector<16xf32>
        %parallel_loop3A_1093 = arith.mulf %parallel_loop3A_697, %parallel_loop3A_1088 : vector<16xf32>
        %parallel_loop3A_1094 = arith.mulf %parallel_loop3A_697, %parallel_loop3A_1092 : vector<16xf32>
        %parallel_loop3A_1095 = arith.index_cast %parallel_loop3A_207 : i32 to index
        %parallel_loop3A_1096 = arith.constant 368 : index
        %parallel_loop3A_1097 = tpu.vector_load %arg10[%parallel_loop3A_1095, %parallel_loop3A_1096] {strides = array<i32>} : memref<16x384xi32, #tpu.memory_space<vmem>>, vector<1x16xi32>,
        %parallel_loop3A_1098 = vector.shape_cast %parallel_loop3A_1097 : vector<1x16xi32> to vector<16xi32>
        %parallel_loop3A_1099 = arith.constant 16 : i32
        %parallel_loop3A_1100 = vector.broadcast %parallel_loop3A_1099 : i32 to vector<16xi32>
        %parallel_loop3A_1101 = arith.shli %parallel_loop3A_1098, %parallel_loop3A_1100 : vector<16xi32>
        %parallel_loop3A_1102 = tpu.bitcast %parallel_loop3A_1101 : vector<16xi32> -> vector<16xf32>
        %parallel_loop3A_1103 = arith.constant -65536 : i32
        %parallel_loop3A_1104 = vector.broadcast %parallel_loop3A_1103 : i32 to vector<16xi32>
        %parallel_loop3A_1105 = arith.andi %parallel_loop3A_1098, %parallel_loop3A_1104 : vector<16xi32>
        %parallel_loop3A_1106 = tpu.bitcast %parallel_loop3A_1105 : vector<16xi32> -> vector<16xf32>
        %parallel_loop3A_1107 = arith.mulf %parallel_loop3A_703, %parallel_loop3A_1102 : vector<16xf32>
        %parallel_loop3A_1108 = arith.addf %parallel_loop3A_1093, %parallel_loop3A_1107 : vector<16xf32>
        %parallel_loop3A_1109 = arith.mulf %parallel_loop3A_703, %parallel_loop3A_1106 : vector<16xf32>
        %parallel_loop3A_1110 = arith.addf %parallel_loop3A_1094, %parallel_loop3A_1109 : vector<16xf32>
        %parallel_loop3A_1111 = arith.index_cast %parallel_loop3A_207 : i32 to index
        %parallel_loop3A_1112 = arith.constant 176 : index
        %parallel_loop3A_1113 = tpu.vector_load %arg11[%parallel_loop3A_1111, %parallel_loop3A_1112] {strides = array<i32>} : memref<16x384xi32, #tpu.memory_space<vmem>>, vector<1x16xi32>,
        %parallel_loop3A_1114 = vector.shape_cast %parallel_loop3A_1113 : vector<1x16xi32> to vector<16xi32>
        %parallel_loop3A_1115 = arith.constant 16 : i32
        %parallel_loop3A_1116 = vector.broadcast %parallel_loop3A_1115 : i32 to vector<16xi32>
        %parallel_loop3A_1117 = arith.shli %parallel_loop3A_1114, %parallel_loop3A_1116 : vector<16xi32>
        %parallel_loop3A_1118 = tpu.bitcast %parallel_loop3A_1117 : vector<16xi32> -> vector<16xf32>
        %parallel_loop3A_1119 = arith.constant -65536 : i32
        %parallel_loop3A_1120 = vector.broadcast %parallel_loop3A_1119 : i32 to vector<16xi32>
        %parallel_loop3A_1121 = arith.andi %parallel_loop3A_1114, %parallel_loop3A_1120 : vector<16xi32>
        %parallel_loop3A_1122 = tpu.bitcast %parallel_loop3A_1121 : vector<16xi32> -> vector<16xf32>
        %parallel_loop3A_1123 = arith.mulf %parallel_loop3A_709, %parallel_loop3A_1118 : vector<16xf32>
        %parallel_loop3A_1124 = arith.addf %parallel_loop3A_1108, %parallel_loop3A_1123 : vector<16xf32>
        %parallel_loop3A_1125 = arith.mulf %parallel_loop3A_709, %parallel_loop3A_1122 : vector<16xf32>
        %parallel_loop3A_1126 = arith.addf %parallel_loop3A_1110, %parallel_loop3A_1125 : vector<16xf32>
        %parallel_loop3A_1127 = arith.index_cast %parallel_loop3A_207 : i32 to index
        %parallel_loop3A_1128 = arith.constant 368 : index
        %parallel_loop3A_1129 = tpu.vector_load %arg11[%parallel_loop3A_1127, %parallel_loop3A_1128] {strides = array<i32>} : memref<16x384xi32, #tpu.memory_space<vmem>>, vector<1x16xi32>,
        %parallel_loop3A_1130 = vector.shape_cast %parallel_loop3A_1129 : vector<1x16xi32> to vector<16xi32>
        %parallel_loop3A_1131 = arith.constant 16 : i32
        %parallel_loop3A_1132 = vector.broadcast %parallel_loop3A_1131 : i32 to vector<16xi32>
        %parallel_loop3A_1133 = arith.shli %parallel_loop3A_1130, %parallel_loop3A_1132 : vector<16xi32>
        %parallel_loop3A_1134 = tpu.bitcast %parallel_loop3A_1133 : vector<16xi32> -> vector<16xf32>
        %parallel_loop3A_1135 = arith.constant -65536 : i32
        %parallel_loop3A_1136 = vector.broadcast %parallel_loop3A_1135 : i32 to vector<16xi32>
        %parallel_loop3A_1137 = arith.andi %parallel_loop3A_1130, %parallel_loop3A_1136 : vector<16xi32>
        %parallel_loop3A_1138 = tpu.bitcast %parallel_loop3A_1137 : vector<16xi32> -> vector<16xf32>
        %parallel_loop3A_1139 = arith.mulf %parallel_loop3A_715, %parallel_loop3A_1134 : vector<16xf32>
        %parallel_loop3A_1140 = arith.addf %parallel_loop3A_1124, %parallel_loop3A_1139 : vector<16xf32>
        %parallel_loop3A_1141 = arith.mulf %parallel_loop3A_715, %parallel_loop3A_1138 : vector<16xf32>
        %parallel_loop3A_1142 = arith.addf %parallel_loop3A_1126, %parallel_loop3A_1141 : vector<16xf32>
        %parallel_loop3A_1143 = arith.index_cast %parallel_loop3A_207 : i32 to index
        %parallel_loop3A_1144 = arith.constant 160 : index
        %parallel_loop3A_1145 = tpu.vector_load %arg18[%parallel_loop3A_1143, %parallel_loop3A_1144] {strides = array<i32>} : memref<16x192xf32, #tpu.memory_space<vmem>>, vector<1x16xf32>,
        %parallel_loop3A_1146 = vector.shape_cast %parallel_loop3A_1145 : vector<1x16xf32> to vector<16xf32>
        %parallel_loop3A_1147 = vector.shape_cast %parallel_loop3A_1140 : vector<16xf32> to vector<1x16xf32>
        tpu.vector_store %arg18[%parallel_loop3A_1143, %parallel_loop3A_1144], %parallel_loop3A_1147 {strides = array<i32>} : memref<16x192xf32, #tpu.memory_space<vmem>>, vector<1x16xf32>,
        %parallel_loop3A_1148 = arith.index_cast %parallel_loop3A_207 : i32 to index
        %parallel_loop3A_1149 = arith.constant 176 : index
        %parallel_loop3A_1150 = tpu.vector_load %arg18[%parallel_loop3A_1148, %parallel_loop3A_1149] {strides = array<i32>} : memref<16x192xf32, #tpu.memory_space<vmem>>, vector<1x16xf32>,
        %parallel_loop3A_1151 = vector.shape_cast %parallel_loop3A_1150 : vector<1x16xf32> to vector<16xf32>
        %parallel_loop3A_1152 = vector.shape_cast %parallel_loop3A_1142 : vector<16xf32> to vector<1x16xf32>
        tpu.vector_store %arg18[%parallel_loop3A_1148, %parallel_loop3A_1149], %parallel_loop3A_1152 {strides = array<i32>} : memref<16x192xf32, #tpu.memory_space<vmem>>, vector<1x16xf32>,
      } {sc.loop_unroll_factor = 1 : i64, sc.parallel_access}
      %dma_start3A_133 = arith.constant 0 : i32
      %dma_start3A_134 = tpu.memref_slice %arg6[%add3A_76, %dma_start3A_133] : memref<50176x192xf32, #tpu.memory_space<hbm>> -> memref<16x192xf32, #tpu.memory_space<hbm>>
      %dma_start3A_135 = arith.constant 0 : i32
      %dma_start3A_136 = tpu.memref_slice %arg6[%add3A_76, %dma_start3A_135] : memref<50176x192xf32, #tpu.memory_space<hbm>> -> memref<16x192xf32, #tpu.memory_space<hbm>>
      tpu.enqueue_dma source(%arg18 : memref<16x192xf32, #tpu.memory_space<vmem>>) target(%dma_start3A_136 : memref<16x192xf32, #tpu.memory_space<hbm>>) target_semaphore(%arg24 : memref<!tpu.dma_semaphore, #tpu.memory_space<semaphore_mem>>)
      %dma_start3A_137 = arith.constant 0 : i32
      %dma_start3A_138 = tpu.memref_slice %arg7[%add3A_76, %dma_start3A_137] : memref<50176x64xf32, #tpu.memory_space<hbm>> -> memref<16x64xf32, #tpu.memory_space<hbm>>
      %dma_start3A_139 = arith.constant 0 : i32
      %dma_start3A_140 = tpu.memref_slice %arg7[%add3A_76, %dma_start3A_139] : memref<50176x64xf32, #tpu.memory_space<hbm>> -> memref<16x64xf32, #tpu.memory_space<hbm>>
      tpu.enqueue_dma source(%arg20 : memref<16x64xf32, #tpu.memory_space<vmem>>) target(%dma_start3A_140 : memref<16x64xf32, #tpu.memory_space<hbm>>) target_semaphore(%arg24 : memref<!tpu.dma_semaphore, #tpu.memory_space<semaphore_mem>>)
      %mul3A_141 = arith.constant 2 : i32
      %mul3A_142 = arith.muli %mul3A_141, %scan3A_71 : i32
      %add3A_143 = arith.constant 2 : i32
      %add3A_144 = arith.addi %mul3A_142, %add3A_143 : i32
      %min3A_145 = arith.constant 97 : i32
      %min3A_146 = arith.minsi %add3A_144, %min3A_145 : i32
      %mul3A_147 = arith.constant 16 : i32
      %mul3A_148 = arith.muli %min3A_146, %mul3A_147 : i32
      %add3A_149 = arith.addi %mul3A_2, %mul3A_148 : i32
      %mul3A_150 = arith.constant 16 : i32
      %mul3A_151 = arith.muli %min3A_146, %mul3A_150 : i32
      %get3A_152 = arith.index_cast %mul3A_151 : i32 to index
      %get3A_153 = tpu.vector_load %arg8[%get3A_152] {strides = array<i32>} : memref<1568xi32, #tpu.memory_space<vmem>>, vector<16xi32>,
      %get3A_154 = vector.shape_cast %get3A_153 : vector<16xi32> to vector<16xi32>
      %dma_start3A_155 = arith.constant 0 : i32
      %dma_start3A_156 = arith.constant 0 : i32
      %dma_start3A_157 = tpu.memref_slice %arg2[%dma_start3A_155, %dma_start3A_156] : memref<50624x384xi32, #tpu.memory_space<hbm>> -> memref<50624x384xi32, #tpu.memory_space<hbm>>
      tpu.enqueue_indirect_dma source(%dma_start3A_157 : memref<50624x384xi32, #tpu.memory_space<hbm>>) target(%arg10 : memref<16x384xi32, #tpu.memory_space<vmem>>) offsets(%get3A_154 : vector<16xi32>) semaphore(%arg22 : memref<!tpu.dma_semaphore, #tpu.memory_space<semaphore_mem>>)
      %mul3A_158 = arith.constant 16 : i32
      %mul3A_159 = arith.muli %min3A_146, %mul3A_158 : i32
      %get3A_160 = arith.index_cast %mul3A_159 : i32 to index
      %get3A_161 = tpu.vector_load %arg9[%get3A_160] {strides = array<i32>} : memref<1568xi32, #tpu.memory_space<vmem>>, vector<16xi32>,
      %get3A_162 = vector.shape_cast %get3A_161 : vector<16xi32> to vector<16xi32>
      %dma_start3A_163 = arith.constant 0 : i32
      %dma_start3A_164 = arith.constant 0 : i32
      %dma_start3A_165 = tpu.memref_slice %arg2[%dma_start3A_163, %dma_start3A_164] : memref<50624x384xi32, #tpu.memory_space<hbm>> -> memref<50624x384xi32, #tpu.memory_space<hbm>>
      tpu.enqueue_indirect_dma source(%dma_start3A_165 : memref<50624x384xi32, #tpu.memory_space<hbm>>) target(%arg11 : memref<16x384xi32, #tpu.memory_space<vmem>>) offsets(%get3A_162 : vector<16xi32>) semaphore(%arg22 : memref<!tpu.dma_semaphore, #tpu.memory_space<semaphore_mem>>)
      %dma_start3A_166 = arith.constant 0 : i32
      %dma_start3A_167 = tpu.memref_slice %arg3[%add3A_149, %dma_start3A_166] : memref<50176x192xf32, #tpu.memory_space<hbm>> -> memref<16x192xf32, #tpu.memory_space<hbm>>
      %dma_start3A_168 = arith.constant 0 : i32
      %dma_start3A_169 = tpu.memref_slice %arg3[%add3A_149, %dma_start3A_168] : memref<50176x192xf32, #tpu.memory_space<hbm>> -> memref<16x192xf32, #tpu.memory_space<hbm>>
      tpu.enqueue_dma source(%dma_start3A_169 : memref<16x192xf32, #tpu.memory_space<hbm>>) target(%arg14 : memref<16x192xf32, #tpu.memory_space<vmem>>) target_semaphore(%arg22 : memref<!tpu.dma_semaphore, #tpu.memory_space<semaphore_mem>>)
      %dma_start3A_170 = arith.constant 0 : i32
      %dma_start3A_171 = tpu.memref_slice %arg4[%add3A_149, %dma_start3A_170] : memref<50176x64xf32, #tpu.memory_space<hbm>> -> memref<16x64xf32, #tpu.memory_space<hbm>>
      %dma_start3A_172 = arith.constant 0 : i32
      %dma_start3A_173 = tpu.memref_slice %arg4[%add3A_149, %dma_start3A_172] : memref<50176x64xf32, #tpu.memory_space<hbm>> -> memref<16x64xf32, #tpu.memory_space<hbm>>
      tpu.enqueue_dma source(%dma_start3A_173 : memref<16x64xf32, #tpu.memory_space<hbm>>) target(%arg16 : memref<16x64xf32, #tpu.memory_space<vmem>>) target_semaphore(%arg22 : memref<!tpu.dma_semaphore, #tpu.memory_space<semaphore_mem>>)
      %get3A_174 = arith.constant 0 : index
      %get3A_175 = tpu.vector_load %arg8[%get3A_174] {strides = array<i32>} : memref<1568xi32, #tpu.memory_space<vmem>>, vector<16xi32>,
      %get3A_176 = vector.shape_cast %get3A_175 : vector<16xi32> to vector<16xi32>
      %dma_wait3A_177 = arith.constant 0 : i32
      %dma_wait3A_178 = arith.constant 0 : i32
      %dma_wait3A_179 = tpu.memref_slice %arg2[%dma_wait3A_177, %dma_wait3A_178] : memref<50624x384xi32, #tpu.memory_space<hbm>> -> memref<50624x384xi32, #tpu.memory_space<hbm>>
      tpu.wait_indirect_dma semaphore(%arg23 : memref<!tpu.dma_semaphore, #tpu.memory_space<semaphore_mem>>) src(%dma_wait3A_179 : memref<50624x384xi32, #tpu.memory_space<hbm>>) dst(%arg12 : memref<16x384xi32, #tpu.memory_space<vmem>>)
      %dma_wait3A_180 = arith.constant 0 : i32
      %dma_wait3A_181 = arith.constant 0 : i32
      %dma_wait3A_182 = tpu.memref_slice %arg2[%dma_wait3A_180, %dma_wait3A_181] : memref<50624x384xi32, #tpu.memory_space<hbm>> -> memref<50624x384xi32, #tpu.memory_space<hbm>>
      tpu.wait_indirect_dma semaphore(%arg23 : memref<!tpu.dma_semaphore, #tpu.memory_space<semaphore_mem>>) src(%dma_wait3A_182 : memref<50624x384xi32, #tpu.memory_space<hbm>>) dst(%arg13 : memref<16x384xi32, #tpu.memory_space<vmem>>)
      %dma_wait3A_183 = arith.constant 0 : i32
      %dma_wait3A_184 = tpu.memref_slice %arg3[%mul3A_2, %dma_wait3A_183] : memref<50176x192xf32, #tpu.memory_space<hbm>> -> memref<16x192xf32, #tpu.memory_space<hbm>>
      %dma_wait3A_185 = arith.constant 0 : i32
      %dma_wait3A_186 = tpu.memref_slice %arg3[%mul3A_2, %dma_wait3A_185] : memref<50176x192xf32, #tpu.memory_space<hbm>> -> memref<16x192xf32, #tpu.memory_space<hbm>>
      tpu.wait_dma2 semaphore(%arg23 : memref<!tpu.dma_semaphore, #tpu.memory_space<semaphore_mem>>) src(%dma_wait3A_186 : memref<16x192xf32, #tpu.memory_space<hbm>>) dst(%arg15 : memref<16x192xf32, #tpu.memory_space<vmem>>)
      %dma_wait3A_187 = arith.constant 0 : i32
      %dma_wait3A_188 = tpu.memref_slice %arg4[%mul3A_2, %dma_wait3A_187] : memref<50176x64xf32, #tpu.memory_space<hbm>> -> memref<16x64xf32, #tpu.memory_space<hbm>>
      %dma_wait3A_189 = arith.constant 0 : i32
      %dma_wait3A_190 = tpu.memref_slice %arg4[%mul3A_2, %dma_wait3A_189] : memref<50176x64xf32, #tpu.memory_space<hbm>> -> memref<16x64xf32, #tpu.memory_space<hbm>>
      tpu.wait_dma2 semaphore(%arg23 : memref<!tpu.dma_semaphore, #tpu.memory_space<semaphore_mem>>) src(%dma_wait3A_190 : memref<16x64xf32, #tpu.memory_space<hbm>>) dst(%arg17 : memref<16x64xf32, #tpu.memory_space<vmem>>)
      %gt3A_191 = arith.constant 0 : i32
      %gt3A_192 = arith.cmpi sgt, %scan3A_71, %gt3A_191 : i32
      %convert_element_type3A_193 = arith.extui %gt3A_192 : i1 to i32
      %cond3A_194 = arith.constant 0 : i32
      %cond3A_195 = arith.cmpi ne, %convert_element_type3A_193, %cond3A_194 : i32
      scf.if %cond3A_195 {
        %dma_wait3A_207 = arith.constant 0 : i32
        %dma_wait3A_208 = tpu.memref_slice %arg6[%mul3A_2, %dma_wait3A_207] : memref<50176x192xf32, #tpu.memory_space<hbm>> -> memref<16x192xf32, #tpu.memory_space<hbm>>
        %dma_wait3A_209 = arith.constant 0 : i32
        %dma_wait3A_210 = tpu.memref_slice %arg6[%mul3A_2, %dma_wait3A_209] : memref<50176x192xf32, #tpu.memory_space<hbm>> -> memref<16x192xf32, #tpu.memory_space<hbm>>
        tpu.wait_dma2 semaphore(%arg25 : memref<!tpu.dma_semaphore, #tpu.memory_space<semaphore_mem>>) src(%arg19 : memref<16x192xf32, #tpu.memory_space<vmem>>) dst(%dma_wait3A_210 : memref<16x192xf32, #tpu.memory_space<hbm>>)
        %dma_wait3A_211 = arith.constant 0 : i32
        %dma_wait3A_212 = tpu.memref_slice %arg7[%mul3A_2, %dma_wait3A_211] : memref<50176x64xf32, #tpu.memory_space<hbm>> -> memref<16x64xf32, #tpu.memory_space<hbm>>
        %dma_wait3A_213 = arith.constant 0 : i32
        %dma_wait3A_214 = tpu.memref_slice %arg7[%mul3A_2, %dma_wait3A_213] : memref<50176x64xf32, #tpu.memory_space<hbm>> -> memref<16x64xf32, #tpu.memory_space<hbm>>
        tpu.wait_dma2 semaphore(%arg25 : memref<!tpu.dma_semaphore, #tpu.memory_space<semaphore_mem>>) src(%arg21 : memref<16x64xf32, #tpu.memory_space<vmem>>) dst(%dma_wait3A_214 : memref<16x64xf32, #tpu.memory_space<hbm>>)
      } else {
      }
      %parallel_loop3A_196 = arith.constant 0 : i32
      %parallel_loop3A_197 = arith.constant 16 : i32
      %parallel_loop3A_198 = arith.constant 1 : i32
      scf.for %parallel_loop3A_207 = %parallel_loop3A_196 to %parallel_loop3A_197 step %parallel_loop3A_198  : i32 {
        %parallel_loop3A_208 = arith.index_cast %parallel_loop3A_207 : i32 to index
        %parallel_loop3A_209 = arith.constant 0 : index
        %parallel_loop3A_210 = tpu.vector_load %arg15[%parallel_loop3A_208, %parallel_loop3A_209] {strides = array<i32>} : memref<16x192xf32, #tpu.memory_space<vmem>>, vector<1x16xf32>,
        %parallel_loop3A_211 = vector.shape_cast %parallel_loop3A_210 : vector<1x16xf32> to vector<16xf32>
        %parallel_loop3A_212 = arith.index_cast %parallel_loop3A_207 : i32 to index
        %parallel_loop3A_213 = arith.constant 16 : index
        %parallel_loop3A_214 = tpu.vector_load %arg15[%parallel_loop3A_212, %parallel_loop3A_213] {strides = array<i32>} : memref<16x192xf32, #tpu.memory_space<vmem>>, vector<1x16xf32>,
        %parallel_loop3A_215 = vector.shape_cast %parallel_loop3A_214 : vector<1x16xf32> to vector<16xf32>
        %parallel_loop3A_216 = arith.index_cast %parallel_loop3A_207 : i32 to index
        %parallel_loop3A_217 = arith.constant 32 : index
        %parallel_loop3A_218 = tpu.vector_load %arg15[%parallel_loop3A_216, %parallel_loop3A_217] {strides = array<i32>} : memref<16x192xf32, #tpu.memory_space<vmem>>, vector<1x16xf32>,
        %parallel_loop3A_219 = vector.shape_cast %parallel_loop3A_218 : vector<1x16xf32> to vector<16xf32>
        %parallel_loop3A_220 = arith.index_cast %parallel_loop3A_207 : i32 to index
        %parallel_loop3A_221 = arith.constant 48 : index
        %parallel_loop3A_222 = tpu.vector_load %arg15[%parallel_loop3A_220, %parallel_loop3A_221] {strides = array<i32>} : memref<16x192xf32, #tpu.memory_space<vmem>>, vector<1x16xf32>,
        %parallel_loop3A_223 = vector.shape_cast %parallel_loop3A_222 : vector<1x16xf32> to vector<16xf32>
        %parallel_loop3A_224 = arith.index_cast %parallel_loop3A_207 : i32 to index
        %parallel_loop3A_225 = arith.constant 64 : index
        %parallel_loop3A_226 = tpu.vector_load %arg15[%parallel_loop3A_224, %parallel_loop3A_225] {strides = array<i32>} : memref<16x192xf32, #tpu.memory_space<vmem>>, vector<1x16xf32>,
        %parallel_loop3A_227 = vector.shape_cast %parallel_loop3A_226 : vector<1x16xf32> to vector<16xf32>
        %parallel_loop3A_228 = arith.index_cast %parallel_loop3A_207 : i32 to index
        %parallel_loop3A_229 = arith.constant 80 : index
        %parallel_loop3A_230 = tpu.vector_load %arg15[%parallel_loop3A_228, %parallel_loop3A_229] {strides = array<i32>} : memref<16x192xf32, #tpu.memory_space<vmem>>, vector<1x16xf32>,
        %parallel_loop3A_231 = vector.shape_cast %parallel_loop3A_230 : vector<1x16xf32> to vector<16xf32>
        %parallel_loop3A_232 = arith.index_cast %parallel_loop3A_207 : i32 to index
        %parallel_loop3A_233 = arith.constant 96 : index
        %parallel_loop3A_234 = tpu.vector_load %arg15[%parallel_loop3A_232, %parallel_loop3A_233] {strides = array<i32>} : memref<16x192xf32, #tpu.memory_space<vmem>>, vector<1x16xf32>,
        %parallel_loop3A_235 = vector.shape_cast %parallel_loop3A_234 : vector<1x16xf32> to vector<16xf32>
        %parallel_loop3A_236 = arith.index_cast %parallel_loop3A_207 : i32 to index
        %parallel_loop3A_237 = arith.constant 112 : index
        %parallel_loop3A_238 = tpu.vector_load %arg15[%parallel_loop3A_236, %parallel_loop3A_237] {strides = array<i32>} : memref<16x192xf32, #tpu.memory_space<vmem>>, vector<1x16xf32>,
        %parallel_loop3A_239 = vector.shape_cast %parallel_loop3A_238 : vector<1x16xf32> to vector<16xf32>
        %parallel_loop3A_240 = arith.index_cast %parallel_loop3A_207 : i32 to index
        %parallel_loop3A_241 = arith.constant 128 : index
        %parallel_loop3A_242 = tpu.vector_load %arg15[%parallel_loop3A_240, %parallel_loop3A_241] {strides = array<i32>} : memref<16x192xf32, #tpu.memory_space<vmem>>, vector<1x16xf32>,
        %parallel_loop3A_243 = vector.shape_cast %parallel_loop3A_242 : vector<1x16xf32> to vector<16xf32>
        %parallel_loop3A_244 = arith.index_cast %parallel_loop3A_207 : i32 to index
        %parallel_loop3A_245 = arith.constant 144 : index
        %parallel_loop3A_246 = tpu.vector_load %arg15[%parallel_loop3A_244, %parallel_loop3A_245] {strides = array<i32>} : memref<16x192xf32, #tpu.memory_space<vmem>>, vector<1x16xf32>,
        %parallel_loop3A_247 = vector.shape_cast %parallel_loop3A_246 : vector<1x16xf32> to vector<16xf32>
        %parallel_loop3A_248 = arith.index_cast %parallel_loop3A_207 : i32 to index
        %parallel_loop3A_249 = arith.constant 160 : index
        %parallel_loop3A_250 = tpu.vector_load %arg15[%parallel_loop3A_248, %parallel_loop3A_249] {strides = array<i32>} : memref<16x192xf32, #tpu.memory_space<vmem>>, vector<1x16xf32>,
        %parallel_loop3A_251 = vector.shape_cast %parallel_loop3A_250 : vector<1x16xf32> to vector<16xf32>
        %parallel_loop3A_252 = arith.index_cast %parallel_loop3A_207 : i32 to index
        %parallel_loop3A_253 = arith.constant 176 : index
        %parallel_loop3A_254 = tpu.vector_load %arg15[%parallel_loop3A_252, %parallel_loop3A_253] {strides = array<i32>} : memref<16x192xf32, #tpu.memory_space<vmem>>, vector<1x16xf32>,
        %parallel_loop3A_255 = vector.shape_cast %parallel_loop3A_254 : vector<1x16xf32> to vector<16xf32>
        %parallel_loop3A_256 = arith.index_cast %parallel_loop3A_207 : i32 to index
        %parallel_loop3A_257 = arith.constant 0 : index
        %parallel_loop3A_258 = tpu.vector_load %arg17[%parallel_loop3A_256, %parallel_loop3A_257] {strides = array<i32>} : memref<16x64xf32, #tpu.memory_space<vmem>>, vector<1x16xf32>,
        %parallel_loop3A_259 = vector.shape_cast %parallel_loop3A_258 : vector<1x16xf32> to vector<16xf32>
        %parallel_loop3A_260 = arith.index_cast %parallel_loop3A_207 : i32 to index
        %parallel_loop3A_261 = arith.constant 0 : index
        %parallel_loop3A_262 = tpu.vector_load %arg12[%parallel_loop3A_260, %parallel_loop3A_261] {strides = array<i32>} : memref<16x384xi32, #tpu.memory_space<vmem>>, vector<1x16xi32>,
        %parallel_loop3A_263 = vector.shape_cast %parallel_loop3A_262 : vector<1x16xi32> to vector<16xi32>
        %parallel_loop3A_264 = arith.constant 16 : i32
        %parallel_loop3A_265 = vector.broadcast %parallel_loop3A_264 : i32 to vector<16xi32>
        %parallel_loop3A_266 = arith.shli %parallel_loop3A_263, %parallel_loop3A_265 : vector<16xi32>
        %parallel_loop3A_267 = tpu.bitcast %parallel_loop3A_266 : vector<16xi32> -> vector<16xf32>
        %parallel_loop3A_268 = arith.constant -65536 : i32
        %parallel_loop3A_269 = vector.broadcast %parallel_loop3A_268 : i32 to vector<16xi32>
        %parallel_loop3A_270 = arith.andi %parallel_loop3A_263, %parallel_loop3A_269 : vector<16xi32>
        %parallel_loop3A_271 = tpu.bitcast %parallel_loop3A_270 : vector<16xi32> -> vector<16xf32>
        %parallel_loop3A_272 = arith.mulf %parallel_loop3A_211, %parallel_loop3A_267 : vector<16xf32>
        %parallel_loop3A_273 = arith.addf %parallel_loop3A_259, %parallel_loop3A_272 : vector<16xf32>
        %parallel_loop3A_274 = arith.mulf %parallel_loop3A_215, %parallel_loop3A_271 : vector<16xf32>
        %parallel_loop3A_275 = arith.addf %parallel_loop3A_273, %parallel_loop3A_274 : vector<16xf32>
        %parallel_loop3A_276 = arith.index_cast %parallel_loop3A_207 : i32 to index
        %parallel_loop3A_277 = arith.constant 16 : index
        %parallel_loop3A_278 = tpu.vector_load %arg12[%parallel_loop3A_276, %parallel_loop3A_277] {strides = array<i32>} : memref<16x384xi32, #tpu.memory_space<vmem>>, vector<1x16xi32>,
        %parallel_loop3A_279 = vector.shape_cast %parallel_loop3A_278 : vector<1x16xi32> to vector<16xi32>
        %parallel_loop3A_280 = arith.constant 16 : i32
        %parallel_loop3A_281 = vector.broadcast %parallel_loop3A_280 : i32 to vector<16xi32>
        %parallel_loop3A_282 = arith.shli %parallel_loop3A_279, %parallel_loop3A_281 : vector<16xi32>
        %parallel_loop3A_283 = tpu.bitcast %parallel_loop3A_282 : vector<16xi32> -> vector<16xf32>
        %parallel_loop3A_284 = arith.constant -65536 : i32
        %parallel_loop3A_285 = vector.broadcast %parallel_loop3A_284 : i32 to vector<16xi32>
        %parallel_loop3A_286 = arith.andi %parallel_loop3A_279, %parallel_loop3A_285 : vector<16xi32>
        %parallel_loop3A_287 = tpu.bitcast %parallel_loop3A_286 : vector<16xi32> -> vector<16xf32>
        %parallel_loop3A_288 = arith.mulf %parallel_loop3A_219, %parallel_loop3A_283 : vector<16xf32>
        %parallel_loop3A_289 = arith.addf %parallel_loop3A_275, %parallel_loop3A_288 : vector<16xf32>
        %parallel_loop3A_290 = arith.mulf %parallel_loop3A_223, %parallel_loop3A_287 : vector<16xf32>
        %parallel_loop3A_291 = arith.addf %parallel_loop3A_289, %parallel_loop3A_290 : vector<16xf32>
        %parallel_loop3A_292 = arith.index_cast %parallel_loop3A_207 : i32 to index
        %parallel_loop3A_293 = arith.constant 32 : index
        %parallel_loop3A_294 = tpu.vector_load %arg12[%parallel_loop3A_292, %parallel_loop3A_293] {strides = array<i32>} : memref<16x384xi32, #tpu.memory_space<vmem>>, vector<1x16xi32>,
        %parallel_loop3A_295 = vector.shape_cast %parallel_loop3A_294 : vector<1x16xi32> to vector<16xi32>
        %parallel_loop3A_296 = arith.constant 16 : i32
        %parallel_loop3A_297 = vector.broadcast %parallel_loop3A_296 : i32 to vector<16xi32>
        %parallel_loop3A_298 = arith.shli %parallel_loop3A_295, %parallel_loop3A_297 : vector<16xi32>
        %parallel_loop3A_299 = tpu.bitcast %parallel_loop3A_298 : vector<16xi32> -> vector<16xf32>
        %parallel_loop3A_300 = arith.constant -65536 : i32
        %parallel_loop3A_301 = vector.broadcast %parallel_loop3A_300 : i32 to vector<16xi32>
        %parallel_loop3A_302 = arith.andi %parallel_loop3A_295, %parallel_loop3A_301 : vector<16xi32>
        %parallel_loop3A_303 = tpu.bitcast %parallel_loop3A_302 : vector<16xi32> -> vector<16xf32>
        %parallel_loop3A_304 = arith.mulf %parallel_loop3A_227, %parallel_loop3A_299 : vector<16xf32>
        %parallel_loop3A_305 = arith.addf %parallel_loop3A_291, %parallel_loop3A_304 : vector<16xf32>
        %parallel_loop3A_306 = arith.mulf %parallel_loop3A_231, %parallel_loop3A_303 : vector<16xf32>
        %parallel_loop3A_307 = arith.addf %parallel_loop3A_305, %parallel_loop3A_306 : vector<16xf32>
        %parallel_loop3A_308 = arith.index_cast %parallel_loop3A_207 : i32 to index
        %parallel_loop3A_309 = arith.constant 48 : index
        %parallel_loop3A_310 = tpu.vector_load %arg12[%parallel_loop3A_308, %parallel_loop3A_309] {strides = array<i32>} : memref<16x384xi32, #tpu.memory_space<vmem>>, vector<1x16xi32>,
        %parallel_loop3A_311 = vector.shape_cast %parallel_loop3A_310 : vector<1x16xi32> to vector<16xi32>
        %parallel_loop3A_312 = arith.constant 16 : i32
        %parallel_loop3A_313 = vector.broadcast %parallel_loop3A_312 : i32 to vector<16xi32>
        %parallel_loop3A_314 = arith.shli %parallel_loop3A_311, %parallel_loop3A_313 : vector<16xi32>
        %parallel_loop3A_315 = tpu.bitcast %parallel_loop3A_314 : vector<16xi32> -> vector<16xf32>
        %parallel_loop3A_316 = arith.constant -65536 : i32
        %parallel_loop3A_317 = vector.broadcast %parallel_loop3A_316 : i32 to vector<16xi32>
        %parallel_loop3A_318 = arith.andi %parallel_loop3A_311, %parallel_loop3A_317 : vector<16xi32>
        %parallel_loop3A_319 = tpu.bitcast %parallel_loop3A_318 : vector<16xi32> -> vector<16xf32>
        %parallel_loop3A_320 = arith.mulf %parallel_loop3A_235, %parallel_loop3A_315 : vector<16xf32>
        %parallel_loop3A_321 = arith.addf %parallel_loop3A_307, %parallel_loop3A_320 : vector<16xf32>
        %parallel_loop3A_322 = arith.mulf %parallel_loop3A_239, %parallel_loop3A_319 : vector<16xf32>
        %parallel_loop3A_323 = arith.addf %parallel_loop3A_321, %parallel_loop3A_322 : vector<16xf32>
        %parallel_loop3A_324 = arith.index_cast %parallel_loop3A_207 : i32 to index
        %parallel_loop3A_325 = arith.constant 64 : index
        %parallel_loop3A_326 = tpu.vector_load %arg12[%parallel_loop3A_324, %parallel_loop3A_325] {strides = array<i32>} : memref<16x384xi32, #tpu.memory_space<vmem>>, vector<1x16xi32>,
        %parallel_loop3A_327 = vector.shape_cast %parallel_loop3A_326 : vector<1x16xi32> to vector<16xi32>
        %parallel_loop3A_328 = arith.constant 16 : i32
        %parallel_loop3A_329 = vector.broadcast %parallel_loop3A_328 : i32 to vector<16xi32>
        %parallel_loop3A_330 = arith.shli %parallel_loop3A_327, %parallel_loop3A_329 : vector<16xi32>
        %parallel_loop3A_331 = tpu.bitcast %parallel_loop3A_330 : vector<16xi32> -> vector<16xf32>
        %parallel_loop3A_332 = arith.constant -65536 : i32
        %parallel_loop3A_333 = vector.broadcast %parallel_loop3A_332 : i32 to vector<16xi32>
        %parallel_loop3A_334 = arith.andi %parallel_loop3A_327, %parallel_loop3A_333 : vector<16xi32>
        %parallel_loop3A_335 = tpu.bitcast %parallel_loop3A_334 : vector<16xi32> -> vector<16xf32>
        %parallel_loop3A_336 = arith.mulf %parallel_loop3A_243, %parallel_loop3A_331 : vector<16xf32>
        %parallel_loop3A_337 = arith.addf %parallel_loop3A_323, %parallel_loop3A_336 : vector<16xf32>
        %parallel_loop3A_338 = arith.mulf %parallel_loop3A_247, %parallel_loop3A_335 : vector<16xf32>
        %parallel_loop3A_339 = arith.addf %parallel_loop3A_337, %parallel_loop3A_338 : vector<16xf32>
        %parallel_loop3A_340 = arith.index_cast %parallel_loop3A_207 : i32 to index
        %parallel_loop3A_341 = arith.constant 80 : index
        %parallel_loop3A_342 = tpu.vector_load %arg12[%parallel_loop3A_340, %parallel_loop3A_341] {strides = array<i32>} : memref<16x384xi32, #tpu.memory_space<vmem>>, vector<1x16xi32>,
        %parallel_loop3A_343 = vector.shape_cast %parallel_loop3A_342 : vector<1x16xi32> to vector<16xi32>
        %parallel_loop3A_344 = arith.constant 16 : i32
        %parallel_loop3A_345 = vector.broadcast %parallel_loop3A_344 : i32 to vector<16xi32>
        %parallel_loop3A_346 = arith.shli %parallel_loop3A_343, %parallel_loop3A_345 : vector<16xi32>
        %parallel_loop3A_347 = tpu.bitcast %parallel_loop3A_346 : vector<16xi32> -> vector<16xf32>
        %parallel_loop3A_348 = arith.constant -65536 : i32
        %parallel_loop3A_349 = vector.broadcast %parallel_loop3A_348 : i32 to vector<16xi32>
        %parallel_loop3A_350 = arith.andi %parallel_loop3A_343, %parallel_loop3A_349 : vector<16xi32>
        %parallel_loop3A_351 = tpu.bitcast %parallel_loop3A_350 : vector<16xi32> -> vector<16xf32>
        %parallel_loop3A_352 = arith.mulf %parallel_loop3A_251, %parallel_loop3A_347 : vector<16xf32>
        %parallel_loop3A_353 = arith.addf %parallel_loop3A_339, %parallel_loop3A_352 : vector<16xf32>
        %parallel_loop3A_354 = arith.mulf %parallel_loop3A_255, %parallel_loop3A_351 : vector<16xf32>
        %parallel_loop3A_355 = arith.addf %parallel_loop3A_353, %parallel_loop3A_354 : vector<16xf32>
        %parallel_loop3A_356 = arith.constant 15 : i32
        %parallel_loop3A_357 = vector.broadcast %parallel_loop3A_356 : i32 to vector<16xi32>
        %parallel_loop3A_358 = tpu.iota {dimensions = array<i32: 0>} : vector<16xi32>
        %parallel_loop3A_359 = arith.subi %parallel_loop3A_357, %parallel_loop3A_358 : vector<16xi32>
        %parallel_loop3A_360 = tpu.dynamic_gather %parallel_loop3A_355[%parallel_loop3A_359] in [0] : vector<16xf32>, vector<16xi32> -> vector<16xf32>
        %parallel_loop3A_361 = arith.addf %parallel_loop3A_355, %parallel_loop3A_360 : vector<16xf32>
        %parallel_loop3A_362 = arith.index_cast %parallel_loop3A_207 : i32 to index
        %parallel_loop3A_363 = arith.constant 16 : index
        %parallel_loop3A_364 = tpu.vector_load %arg17[%parallel_loop3A_362, %parallel_loop3A_363] {strides = array<i32>} : memref<16x64xf32, #tpu.memory_space<vmem>>, vector<1x16xf32>,
        %parallel_loop3A_365 = vector.shape_cast %parallel_loop3A_364 : vector<1x16xf32> to vector<16xf32>
        %parallel_loop3A_366 = arith.index_cast %parallel_loop3A_207 : i32 to index
        %parallel_loop3A_367 = arith.constant 192 : index
        %parallel_loop3A_368 = tpu.vector_load %arg12[%parallel_loop3A_366, %parallel_loop3A_367] {strides = array<i32>} : memref<16x384xi32, #tpu.memory_space<vmem>>, vector<1x16xi32>,
        %parallel_loop3A_369 = vector.shape_cast %parallel_loop3A_368 : vector<1x16xi32> to vector<16xi32>
        %parallel_loop3A_370 = arith.constant 16 : i32
        %parallel_loop3A_371 = vector.broadcast %parallel_loop3A_370 : i32 to vector<16xi32>
        %parallel_loop3A_372 = arith.shli %parallel_loop3A_369, %parallel_loop3A_371 : vector<16xi32>
        %parallel_loop3A_373 = tpu.bitcast %parallel_loop3A_372 : vector<16xi32> -> vector<16xf32>
        %parallel_loop3A_374 = arith.constant -65536 : i32
        %parallel_loop3A_375 = vector.broadcast %parallel_loop3A_374 : i32 to vector<16xi32>
        %parallel_loop3A_376 = arith.andi %parallel_loop3A_369, %parallel_loop3A_375 : vector<16xi32>
        %parallel_loop3A_377 = tpu.bitcast %parallel_loop3A_376 : vector<16xi32> -> vector<16xf32>
        %parallel_loop3A_378 = arith.mulf %parallel_loop3A_211, %parallel_loop3A_373 : vector<16xf32>
        %parallel_loop3A_379 = arith.addf %parallel_loop3A_365, %parallel_loop3A_378 : vector<16xf32>
        %parallel_loop3A_380 = arith.mulf %parallel_loop3A_215, %parallel_loop3A_377 : vector<16xf32>
        %parallel_loop3A_381 = arith.addf %parallel_loop3A_379, %parallel_loop3A_380 : vector<16xf32>
        %parallel_loop3A_382 = arith.index_cast %parallel_loop3A_207 : i32 to index
        %parallel_loop3A_383 = arith.constant 208 : index
        %parallel_loop3A_384 = tpu.vector_load %arg12[%parallel_loop3A_382, %parallel_loop3A_383] {strides = array<i32>} : memref<16x384xi32, #tpu.memory_space<vmem>>, vector<1x16xi32>,
        %parallel_loop3A_385 = vector.shape_cast %parallel_loop3A_384 : vector<1x16xi32> to vector<16xi32>
        %parallel_loop3A_386 = arith.constant 16 : i32
        %parallel_loop3A_387 = vector.broadcast %parallel_loop3A_386 : i32 to vector<16xi32>
        %parallel_loop3A_388 = arith.shli %parallel_loop3A_385, %parallel_loop3A_387 : vector<16xi32>
        %parallel_loop3A_389 = tpu.bitcast %parallel_loop3A_388 : vector<16xi32> -> vector<16xf32>
        %parallel_loop3A_390 = arith.constant -65536 : i32
        %parallel_loop3A_391 = vector.broadcast %parallel_loop3A_390 : i32 to vector<16xi32>
        %parallel_loop3A_392 = arith.andi %parallel_loop3A_385, %parallel_loop3A_391 : vector<16xi32>
        %parallel_loop3A_393 = tpu.bitcast %parallel_loop3A_392 : vector<16xi32> -> vector<16xf32>
        %parallel_loop3A_394 = arith.mulf %parallel_loop3A_219, %parallel_loop3A_389 : vector<16xf32>
        %parallel_loop3A_395 = arith.addf %parallel_loop3A_381, %parallel_loop3A_394 : vector<16xf32>
        %parallel_loop3A_396 = arith.mulf %parallel_loop3A_223, %parallel_loop3A_393 : vector<16xf32>
        %parallel_loop3A_397 = arith.addf %parallel_loop3A_395, %parallel_loop3A_396 : vector<16xf32>
        %parallel_loop3A_398 = arith.index_cast %parallel_loop3A_207 : i32 to index
        %parallel_loop3A_399 = arith.constant 224 : index
        %parallel_loop3A_400 = tpu.vector_load %arg12[%parallel_loop3A_398, %parallel_loop3A_399] {strides = array<i32>} : memref<16x384xi32, #tpu.memory_space<vmem>>, vector<1x16xi32>,
        %parallel_loop3A_401 = vector.shape_cast %parallel_loop3A_400 : vector<1x16xi32> to vector<16xi32>
        %parallel_loop3A_402 = arith.constant 16 : i32
        %parallel_loop3A_403 = vector.broadcast %parallel_loop3A_402 : i32 to vector<16xi32>
        %parallel_loop3A_404 = arith.shli %parallel_loop3A_401, %parallel_loop3A_403 : vector<16xi32>
        %parallel_loop3A_405 = tpu.bitcast %parallel_loop3A_404 : vector<16xi32> -> vector<16xf32>
        %parallel_loop3A_406 = arith.constant -65536 : i32
        %parallel_loop3A_407 = vector.broadcast %parallel_loop3A_406 : i32 to vector<16xi32>
        %parallel_loop3A_408 = arith.andi %parallel_loop3A_401, %parallel_loop3A_407 : vector<16xi32>
        %parallel_loop3A_409 = tpu.bitcast %parallel_loop3A_408 : vector<16xi32> -> vector<16xf32>
        %parallel_loop3A_410 = arith.mulf %parallel_loop3A_227, %parallel_loop3A_405 : vector<16xf32>
        %parallel_loop3A_411 = arith.addf %parallel_loop3A_397, %parallel_loop3A_410 : vector<16xf32>
        %parallel_loop3A_412 = arith.mulf %parallel_loop3A_231, %parallel_loop3A_409 : vector<16xf32>
        %parallel_loop3A_413 = arith.addf %parallel_loop3A_411, %parallel_loop3A_412 : vector<16xf32>
        %parallel_loop3A_414 = arith.index_cast %parallel_loop3A_207 : i32 to index
        %parallel_loop3A_415 = arith.constant 240 : index
        %parallel_loop3A_416 = tpu.vector_load %arg12[%parallel_loop3A_414, %parallel_loop3A_415] {strides = array<i32>} : memref<16x384xi32, #tpu.memory_space<vmem>>, vector<1x16xi32>,
        %parallel_loop3A_417 = vector.shape_cast %parallel_loop3A_416 : vector<1x16xi32> to vector<16xi32>
        %parallel_loop3A_418 = arith.constant 16 : i32
        %parallel_loop3A_419 = vector.broadcast %parallel_loop3A_418 : i32 to vector<16xi32>
        %parallel_loop3A_420 = arith.shli %parallel_loop3A_417, %parallel_loop3A_419 : vector<16xi32>
        %parallel_loop3A_421 = tpu.bitcast %parallel_loop3A_420 : vector<16xi32> -> vector<16xf32>
        %parallel_loop3A_422 = arith.constant -65536 : i32
        %parallel_loop3A_423 = vector.broadcast %parallel_loop3A_422 : i32 to vector<16xi32>
        %parallel_loop3A_424 = arith.andi %parallel_loop3A_417, %parallel_loop3A_423 : vector<16xi32>
        %parallel_loop3A_425 = tpu.bitcast %parallel_loop3A_424 : vector<16xi32> -> vector<16xf32>
        %parallel_loop3A_426 = arith.mulf %parallel_loop3A_235, %parallel_loop3A_421 : vector<16xf32>
        %parallel_loop3A_427 = arith.addf %parallel_loop3A_413, %parallel_loop3A_426 : vector<16xf32>
        %parallel_loop3A_428 = arith.mulf %parallel_loop3A_239, %parallel_loop3A_425 : vector<16xf32>
        %parallel_loop3A_429 = arith.addf %parallel_loop3A_427, %parallel_loop3A_428 : vector<16xf32>
        %parallel_loop3A_430 = arith.index_cast %parallel_loop3A_207 : i32 to index
        %parallel_loop3A_431 = arith.constant 256 : index
        %parallel_loop3A_432 = tpu.vector_load %arg12[%parallel_loop3A_430, %parallel_loop3A_431] {strides = array<i32>} : memref<16x384xi32, #tpu.memory_space<vmem>>, vector<1x16xi32>,
        %parallel_loop3A_433 = vector.shape_cast %parallel_loop3A_432 : vector<1x16xi32> to vector<16xi32>
        %parallel_loop3A_434 = arith.constant 16 : i32
        %parallel_loop3A_435 = vector.broadcast %parallel_loop3A_434 : i32 to vector<16xi32>
        %parallel_loop3A_436 = arith.shli %parallel_loop3A_433, %parallel_loop3A_435 : vector<16xi32>
        %parallel_loop3A_437 = tpu.bitcast %parallel_loop3A_436 : vector<16xi32> -> vector<16xf32>
        %parallel_loop3A_438 = arith.constant -65536 : i32
        %parallel_loop3A_439 = vector.broadcast %parallel_loop3A_438 : i32 to vector<16xi32>
        %parallel_loop3A_440 = arith.andi %parallel_loop3A_433, %parallel_loop3A_439 : vector<16xi32>
        %parallel_loop3A_441 = tpu.bitcast %parallel_loop3A_440 : vector<16xi32> -> vector<16xf32>
        %parallel_loop3A_442 = arith.mulf %parallel_loop3A_243, %parallel_loop3A_437 : vector<16xf32>
        %parallel_loop3A_443 = arith.addf %parallel_loop3A_429, %parallel_loop3A_442 : vector<16xf32>
        %parallel_loop3A_444 = arith.mulf %parallel_loop3A_247, %parallel_loop3A_441 : vector<16xf32>
        %parallel_loop3A_445 = arith.addf %parallel_loop3A_443, %parallel_loop3A_444 : vector<16xf32>
        %parallel_loop3A_446 = arith.index_cast %parallel_loop3A_207 : i32 to index
        %parallel_loop3A_447 = arith.constant 272 : index
        %parallel_loop3A_448 = tpu.vector_load %arg12[%parallel_loop3A_446, %parallel_loop3A_447] {strides = array<i32>} : memref<16x384xi32, #tpu.memory_space<vmem>>, vector<1x16xi32>,
        %parallel_loop3A_449 = vector.shape_cast %parallel_loop3A_448 : vector<1x16xi32> to vector<16xi32>
        %parallel_loop3A_450 = arith.constant 16 : i32
        %parallel_loop3A_451 = vector.broadcast %parallel_loop3A_450 : i32 to vector<16xi32>
        %parallel_loop3A_452 = arith.shli %parallel_loop3A_449, %parallel_loop3A_451 : vector<16xi32>
        %parallel_loop3A_453 = tpu.bitcast %parallel_loop3A_452 : vector<16xi32> -> vector<16xf32>
        %parallel_loop3A_454 = arith.constant -65536 : i32
        %parallel_loop3A_455 = vector.broadcast %parallel_loop3A_454 : i32 to vector<16xi32>
        %parallel_loop3A_456 = arith.andi %parallel_loop3A_449, %parallel_loop3A_455 : vector<16xi32>
        %parallel_loop3A_457 = tpu.bitcast %parallel_loop3A_456 : vector<16xi32> -> vector<16xf32>
        %parallel_loop3A_458 = arith.mulf %parallel_loop3A_251, %parallel_loop3A_453 : vector<16xf32>
        %parallel_loop3A_459 = arith.addf %parallel_loop3A_445, %parallel_loop3A_458 : vector<16xf32>
        %parallel_loop3A_460 = arith.mulf %parallel_loop3A_255, %parallel_loop3A_457 : vector<16xf32>
        %parallel_loop3A_461 = arith.addf %parallel_loop3A_459, %parallel_loop3A_460 : vector<16xf32>
        %parallel_loop3A_462 = arith.constant 15 : i32
        %parallel_loop3A_463 = vector.broadcast %parallel_loop3A_462 : i32 to vector<16xi32>
        %parallel_loop3A_464 = tpu.iota {dimensions = array<i32: 0>} : vector<16xi32>
        %parallel_loop3A_465 = arith.subi %parallel_loop3A_463, %parallel_loop3A_464 : vector<16xi32>
        %parallel_loop3A_466 = tpu.dynamic_gather %parallel_loop3A_461[%parallel_loop3A_465] in [0] : vector<16xf32>, vector<16xi32> -> vector<16xf32>
        %parallel_loop3A_467 = arith.addf %parallel_loop3A_461, %parallel_loop3A_466 : vector<16xf32>
        %parallel_loop3A_468 = arith.maximumf %parallel_loop3A_361, %parallel_loop3A_467 : vector<16xf32>
        %parallel_loop3A_469 = arith.index_cast %parallel_loop3A_207 : i32 to index
        %parallel_loop3A_470 = arith.constant 32 : index
        %parallel_loop3A_471 = tpu.vector_load %arg17[%parallel_loop3A_469, %parallel_loop3A_470] {strides = array<i32>} : memref<16x64xf32, #tpu.memory_space<vmem>>, vector<1x16xf32>,
        %parallel_loop3A_472 = vector.shape_cast %parallel_loop3A_471 : vector<1x16xf32> to vector<16xf32>
        %parallel_loop3A_473 = arith.index_cast %parallel_loop3A_207 : i32 to index
        %parallel_loop3A_474 = arith.constant 0 : index
        %parallel_loop3A_475 = tpu.vector_load %arg13[%parallel_loop3A_473, %parallel_loop3A_474] {strides = array<i32>} : memref<16x384xi32, #tpu.memory_space<vmem>>, vector<1x16xi32>,
        %parallel_loop3A_476 = vector.shape_cast %parallel_loop3A_475 : vector<1x16xi32> to vector<16xi32>
        %parallel_loop3A_477 = arith.constant 16 : i32
        %parallel_loop3A_478 = vector.broadcast %parallel_loop3A_477 : i32 to vector<16xi32>
        %parallel_loop3A_479 = arith.shli %parallel_loop3A_476, %parallel_loop3A_478 : vector<16xi32>
        %parallel_loop3A_480 = tpu.bitcast %parallel_loop3A_479 : vector<16xi32> -> vector<16xf32>
        %parallel_loop3A_481 = arith.constant -65536 : i32
        %parallel_loop3A_482 = vector.broadcast %parallel_loop3A_481 : i32 to vector<16xi32>
        %parallel_loop3A_483 = arith.andi %parallel_loop3A_476, %parallel_loop3A_482 : vector<16xi32>
        %parallel_loop3A_484 = tpu.bitcast %parallel_loop3A_483 : vector<16xi32> -> vector<16xf32>
        %parallel_loop3A_485 = arith.mulf %parallel_loop3A_211, %parallel_loop3A_480 : vector<16xf32>
        %parallel_loop3A_486 = arith.addf %parallel_loop3A_472, %parallel_loop3A_485 : vector<16xf32>
        %parallel_loop3A_487 = arith.mulf %parallel_loop3A_215, %parallel_loop3A_484 : vector<16xf32>
        %parallel_loop3A_488 = arith.addf %parallel_loop3A_486, %parallel_loop3A_487 : vector<16xf32>
        %parallel_loop3A_489 = arith.index_cast %parallel_loop3A_207 : i32 to index
        %parallel_loop3A_490 = arith.constant 16 : index
        %parallel_loop3A_491 = tpu.vector_load %arg13[%parallel_loop3A_489, %parallel_loop3A_490] {strides = array<i32>} : memref<16x384xi32, #tpu.memory_space<vmem>>, vector<1x16xi32>,
        %parallel_loop3A_492 = vector.shape_cast %parallel_loop3A_491 : vector<1x16xi32> to vector<16xi32>
        %parallel_loop3A_493 = arith.constant 16 : i32
        %parallel_loop3A_494 = vector.broadcast %parallel_loop3A_493 : i32 to vector<16xi32>
        %parallel_loop3A_495 = arith.shli %parallel_loop3A_492, %parallel_loop3A_494 : vector<16xi32>
        %parallel_loop3A_496 = tpu.bitcast %parallel_loop3A_495 : vector<16xi32> -> vector<16xf32>
        %parallel_loop3A_497 = arith.constant -65536 : i32
        %parallel_loop3A_498 = vector.broadcast %parallel_loop3A_497 : i32 to vector<16xi32>
        %parallel_loop3A_499 = arith.andi %parallel_loop3A_492, %parallel_loop3A_498 : vector<16xi32>
        %parallel_loop3A_500 = tpu.bitcast %parallel_loop3A_499 : vector<16xi32> -> vector<16xf32>
        %parallel_loop3A_501 = arith.mulf %parallel_loop3A_219, %parallel_loop3A_496 : vector<16xf32>
        %parallel_loop3A_502 = arith.addf %parallel_loop3A_488, %parallel_loop3A_501 : vector<16xf32>
        %parallel_loop3A_503 = arith.mulf %parallel_loop3A_223, %parallel_loop3A_500 : vector<16xf32>
        %parallel_loop3A_504 = arith.addf %parallel_loop3A_502, %parallel_loop3A_503 : vector<16xf32>
        %parallel_loop3A_505 = arith.index_cast %parallel_loop3A_207 : i32 to index
        %parallel_loop3A_506 = arith.constant 32 : index
        %parallel_loop3A_507 = tpu.vector_load %arg13[%parallel_loop3A_505, %parallel_loop3A_506] {strides = array<i32>} : memref<16x384xi32, #tpu.memory_space<vmem>>, vector<1x16xi32>,
        %parallel_loop3A_508 = vector.shape_cast %parallel_loop3A_507 : vector<1x16xi32> to vector<16xi32>
        %parallel_loop3A_509 = arith.constant 16 : i32
        %parallel_loop3A_510 = vector.broadcast %parallel_loop3A_509 : i32 to vector<16xi32>
        %parallel_loop3A_511 = arith.shli %parallel_loop3A_508, %parallel_loop3A_510 : vector<16xi32>
        %parallel_loop3A_512 = tpu.bitcast %parallel_loop3A_511 : vector<16xi32> -> vector<16xf32>
        %parallel_loop3A_513 = arith.constant -65536 : i32
        %parallel_loop3A_514 = vector.broadcast %parallel_loop3A_513 : i32 to vector<16xi32>
        %parallel_loop3A_515 = arith.andi %parallel_loop3A_508, %parallel_loop3A_514 : vector<16xi32>
        %parallel_loop3A_516 = tpu.bitcast %parallel_loop3A_515 : vector<16xi32> -> vector<16xf32>
        %parallel_loop3A_517 = arith.mulf %parallel_loop3A_227, %parallel_loop3A_512 : vector<16xf32>
        %parallel_loop3A_518 = arith.addf %parallel_loop3A_504, %parallel_loop3A_517 : vector<16xf32>
        %parallel_loop3A_519 = arith.mulf %parallel_loop3A_231, %parallel_loop3A_516 : vector<16xf32>
        %parallel_loop3A_520 = arith.addf %parallel_loop3A_518, %parallel_loop3A_519 : vector<16xf32>
        %parallel_loop3A_521 = arith.index_cast %parallel_loop3A_207 : i32 to index
        %parallel_loop3A_522 = arith.constant 48 : index
        %parallel_loop3A_523 = tpu.vector_load %arg13[%parallel_loop3A_521, %parallel_loop3A_522] {strides = array<i32>} : memref<16x384xi32, #tpu.memory_space<vmem>>, vector<1x16xi32>,
        %parallel_loop3A_524 = vector.shape_cast %parallel_loop3A_523 : vector<1x16xi32> to vector<16xi32>
        %parallel_loop3A_525 = arith.constant 16 : i32
        %parallel_loop3A_526 = vector.broadcast %parallel_loop3A_525 : i32 to vector<16xi32>
        %parallel_loop3A_527 = arith.shli %parallel_loop3A_524, %parallel_loop3A_526 : vector<16xi32>
        %parallel_loop3A_528 = tpu.bitcast %parallel_loop3A_527 : vector<16xi32> -> vector<16xf32>
        %parallel_loop3A_529 = arith.constant -65536 : i32
        %parallel_loop3A_530 = vector.broadcast %parallel_loop3A_529 : i32 to vector<16xi32>
        %parallel_loop3A_531 = arith.andi %parallel_loop3A_524, %parallel_loop3A_530 : vector<16xi32>
        %parallel_loop3A_532 = tpu.bitcast %parallel_loop3A_531 : vector<16xi32> -> vector<16xf32>
        %parallel_loop3A_533 = arith.mulf %parallel_loop3A_235, %parallel_loop3A_528 : vector<16xf32>
        %parallel_loop3A_534 = arith.addf %parallel_loop3A_520, %parallel_loop3A_533 : vector<16xf32>
        %parallel_loop3A_535 = arith.mulf %parallel_loop3A_239, %parallel_loop3A_532 : vector<16xf32>
        %parallel_loop3A_536 = arith.addf %parallel_loop3A_534, %parallel_loop3A_535 : vector<16xf32>
        %parallel_loop3A_537 = arith.index_cast %parallel_loop3A_207 : i32 to index
        %parallel_loop3A_538 = arith.constant 64 : index
        %parallel_loop3A_539 = tpu.vector_load %arg13[%parallel_loop3A_537, %parallel_loop3A_538] {strides = array<i32>} : memref<16x384xi32, #tpu.memory_space<vmem>>, vector<1x16xi32>,
        %parallel_loop3A_540 = vector.shape_cast %parallel_loop3A_539 : vector<1x16xi32> to vector<16xi32>
        %parallel_loop3A_541 = arith.constant 16 : i32
        %parallel_loop3A_542 = vector.broadcast %parallel_loop3A_541 : i32 to vector<16xi32>
        %parallel_loop3A_543 = arith.shli %parallel_loop3A_540, %parallel_loop3A_542 : vector<16xi32>
        %parallel_loop3A_544 = tpu.bitcast %parallel_loop3A_543 : vector<16xi32> -> vector<16xf32>
        %parallel_loop3A_545 = arith.constant -65536 : i32
        %parallel_loop3A_546 = vector.broadcast %parallel_loop3A_545 : i32 to vector<16xi32>
        %parallel_loop3A_547 = arith.andi %parallel_loop3A_540, %parallel_loop3A_546 : vector<16xi32>
        %parallel_loop3A_548 = tpu.bitcast %parallel_loop3A_547 : vector<16xi32> -> vector<16xf32>
        %parallel_loop3A_549 = arith.mulf %parallel_loop3A_243, %parallel_loop3A_544 : vector<16xf32>
        %parallel_loop3A_550 = arith.addf %parallel_loop3A_536, %parallel_loop3A_549 : vector<16xf32>
        %parallel_loop3A_551 = arith.mulf %parallel_loop3A_247, %parallel_loop3A_548 : vector<16xf32>
        %parallel_loop3A_552 = arith.addf %parallel_loop3A_550, %parallel_loop3A_551 : vector<16xf32>
        %parallel_loop3A_553 = arith.index_cast %parallel_loop3A_207 : i32 to index
        %parallel_loop3A_554 = arith.constant 80 : index
        %parallel_loop3A_555 = tpu.vector_load %arg13[%parallel_loop3A_553, %parallel_loop3A_554] {strides = array<i32>} : memref<16x384xi32, #tpu.memory_space<vmem>>, vector<1x16xi32>,
        %parallel_loop3A_556 = vector.shape_cast %parallel_loop3A_555 : vector<1x16xi32> to vector<16xi32>
        %parallel_loop3A_557 = arith.constant 16 : i32
        %parallel_loop3A_558 = vector.broadcast %parallel_loop3A_557 : i32 to vector<16xi32>
        %parallel_loop3A_559 = arith.shli %parallel_loop3A_556, %parallel_loop3A_558 : vector<16xi32>
        %parallel_loop3A_560 = tpu.bitcast %parallel_loop3A_559 : vector<16xi32> -> vector<16xf32>
        %parallel_loop3A_561 = arith.constant -65536 : i32
        %parallel_loop3A_562 = vector.broadcast %parallel_loop3A_561 : i32 to vector<16xi32>
        %parallel_loop3A_563 = arith.andi %parallel_loop3A_556, %parallel_loop3A_562 : vector<16xi32>
        %parallel_loop3A_564 = tpu.bitcast %parallel_loop3A_563 : vector<16xi32> -> vector<16xf32>
        %parallel_loop3A_565 = arith.mulf %parallel_loop3A_251, %parallel_loop3A_560 : vector<16xf32>
        %parallel_loop3A_566 = arith.addf %parallel_loop3A_552, %parallel_loop3A_565 : vector<16xf32>
        %parallel_loop3A_567 = arith.mulf %parallel_loop3A_255, %parallel_loop3A_564 : vector<16xf32>
        %parallel_loop3A_568 = arith.addf %parallel_loop3A_566, %parallel_loop3A_567 : vector<16xf32>
        %parallel_loop3A_569 = arith.constant 15 : i32
        %parallel_loop3A_570 = vector.broadcast %parallel_loop3A_569 : i32 to vector<16xi32>
        %parallel_loop3A_571 = tpu.iota {dimensions = array<i32: 0>} : vector<16xi32>
        %parallel_loop3A_572 = arith.subi %parallel_loop3A_570, %parallel_loop3A_571 : vector<16xi32>
        %parallel_loop3A_573 = tpu.dynamic_gather %parallel_loop3A_568[%parallel_loop3A_572] in [0] : vector<16xf32>, vector<16xi32> -> vector<16xf32>
        %parallel_loop3A_574 = arith.addf %parallel_loop3A_568, %parallel_loop3A_573 : vector<16xf32>
        %parallel_loop3A_575 = arith.maximumf %parallel_loop3A_468, %parallel_loop3A_574 : vector<16xf32>
        %parallel_loop3A_576 = arith.index_cast %parallel_loop3A_207 : i32 to index
        %parallel_loop3A_577 = arith.constant 48 : index
        %parallel_loop3A_578 = tpu.vector_load %arg17[%parallel_loop3A_576, %parallel_loop3A_577] {strides = array<i32>} : memref<16x64xf32, #tpu.memory_space<vmem>>, vector<1x16xf32>,
        %parallel_loop3A_579 = vector.shape_cast %parallel_loop3A_578 : vector<1x16xf32> to vector<16xf32>
        %parallel_loop3A_580 = arith.index_cast %parallel_loop3A_207 : i32 to index
        %parallel_loop3A_581 = arith.constant 192 : index
        %parallel_loop3A_582 = tpu.vector_load %arg13[%parallel_loop3A_580, %parallel_loop3A_581] {strides = array<i32>} : memref<16x384xi32, #tpu.memory_space<vmem>>, vector<1x16xi32>,
        %parallel_loop3A_583 = vector.shape_cast %parallel_loop3A_582 : vector<1x16xi32> to vector<16xi32>
        %parallel_loop3A_584 = arith.constant 16 : i32
        %parallel_loop3A_585 = vector.broadcast %parallel_loop3A_584 : i32 to vector<16xi32>
        %parallel_loop3A_586 = arith.shli %parallel_loop3A_583, %parallel_loop3A_585 : vector<16xi32>
        %parallel_loop3A_587 = tpu.bitcast %parallel_loop3A_586 : vector<16xi32> -> vector<16xf32>
        %parallel_loop3A_588 = arith.constant -65536 : i32
        %parallel_loop3A_589 = vector.broadcast %parallel_loop3A_588 : i32 to vector<16xi32>
        %parallel_loop3A_590 = arith.andi %parallel_loop3A_583, %parallel_loop3A_589 : vector<16xi32>
        %parallel_loop3A_591 = tpu.bitcast %parallel_loop3A_590 : vector<16xi32> -> vector<16xf32>
        %parallel_loop3A_592 = arith.mulf %parallel_loop3A_211, %parallel_loop3A_587 : vector<16xf32>
        %parallel_loop3A_593 = arith.addf %parallel_loop3A_579, %parallel_loop3A_592 : vector<16xf32>
        %parallel_loop3A_594 = arith.mulf %parallel_loop3A_215, %parallel_loop3A_591 : vector<16xf32>
        %parallel_loop3A_595 = arith.addf %parallel_loop3A_593, %parallel_loop3A_594 : vector<16xf32>
        %parallel_loop3A_596 = arith.index_cast %parallel_loop3A_207 : i32 to index
        %parallel_loop3A_597 = arith.constant 208 : index
        %parallel_loop3A_598 = tpu.vector_load %arg13[%parallel_loop3A_596, %parallel_loop3A_597] {strides = array<i32>} : memref<16x384xi32, #tpu.memory_space<vmem>>, vector<1x16xi32>,
        %parallel_loop3A_599 = vector.shape_cast %parallel_loop3A_598 : vector<1x16xi32> to vector<16xi32>
        %parallel_loop3A_600 = arith.constant 16 : i32
        %parallel_loop3A_601 = vector.broadcast %parallel_loop3A_600 : i32 to vector<16xi32>
        %parallel_loop3A_602 = arith.shli %parallel_loop3A_599, %parallel_loop3A_601 : vector<16xi32>
        %parallel_loop3A_603 = tpu.bitcast %parallel_loop3A_602 : vector<16xi32> -> vector<16xf32>
        %parallel_loop3A_604 = arith.constant -65536 : i32
        %parallel_loop3A_605 = vector.broadcast %parallel_loop3A_604 : i32 to vector<16xi32>
        %parallel_loop3A_606 = arith.andi %parallel_loop3A_599, %parallel_loop3A_605 : vector<16xi32>
        %parallel_loop3A_607 = tpu.bitcast %parallel_loop3A_606 : vector<16xi32> -> vector<16xf32>
        %parallel_loop3A_608 = arith.mulf %parallel_loop3A_219, %parallel_loop3A_603 : vector<16xf32>
        %parallel_loop3A_609 = arith.addf %parallel_loop3A_595, %parallel_loop3A_608 : vector<16xf32>
        %parallel_loop3A_610 = arith.mulf %parallel_loop3A_223, %parallel_loop3A_607 : vector<16xf32>
        %parallel_loop3A_611 = arith.addf %parallel_loop3A_609, %parallel_loop3A_610 : vector<16xf32>
        %parallel_loop3A_612 = arith.index_cast %parallel_loop3A_207 : i32 to index
        %parallel_loop3A_613 = arith.constant 224 : index
        %parallel_loop3A_614 = tpu.vector_load %arg13[%parallel_loop3A_612, %parallel_loop3A_613] {strides = array<i32>} : memref<16x384xi32, #tpu.memory_space<vmem>>, vector<1x16xi32>,
        %parallel_loop3A_615 = vector.shape_cast %parallel_loop3A_614 : vector<1x16xi32> to vector<16xi32>
        %parallel_loop3A_616 = arith.constant 16 : i32
        %parallel_loop3A_617 = vector.broadcast %parallel_loop3A_616 : i32 to vector<16xi32>
        %parallel_loop3A_618 = arith.shli %parallel_loop3A_615, %parallel_loop3A_617 : vector<16xi32>
        %parallel_loop3A_619 = tpu.bitcast %parallel_loop3A_618 : vector<16xi32> -> vector<16xf32>
        %parallel_loop3A_620 = arith.constant -65536 : i32
        %parallel_loop3A_621 = vector.broadcast %parallel_loop3A_620 : i32 to vector<16xi32>
        %parallel_loop3A_622 = arith.andi %parallel_loop3A_615, %parallel_loop3A_621 : vector<16xi32>
        %parallel_loop3A_623 = tpu.bitcast %parallel_loop3A_622 : vector<16xi32> -> vector<16xf32>
        %parallel_loop3A_624 = arith.mulf %parallel_loop3A_227, %parallel_loop3A_619 : vector<16xf32>
        %parallel_loop3A_625 = arith.addf %parallel_loop3A_611, %parallel_loop3A_624 : vector<16xf32>
        %parallel_loop3A_626 = arith.mulf %parallel_loop3A_231, %parallel_loop3A_623 : vector<16xf32>
        %parallel_loop3A_627 = arith.addf %parallel_loop3A_625, %parallel_loop3A_626 : vector<16xf32>
        %parallel_loop3A_628 = arith.index_cast %parallel_loop3A_207 : i32 to index
        %parallel_loop3A_629 = arith.constant 240 : index
        %parallel_loop3A_630 = tpu.vector_load %arg13[%parallel_loop3A_628, %parallel_loop3A_629] {strides = array<i32>} : memref<16x384xi32, #tpu.memory_space<vmem>>, vector<1x16xi32>,
        %parallel_loop3A_631 = vector.shape_cast %parallel_loop3A_630 : vector<1x16xi32> to vector<16xi32>
        %parallel_loop3A_632 = arith.constant 16 : i32
        %parallel_loop3A_633 = vector.broadcast %parallel_loop3A_632 : i32 to vector<16xi32>
        %parallel_loop3A_634 = arith.shli %parallel_loop3A_631, %parallel_loop3A_633 : vector<16xi32>
        %parallel_loop3A_635 = tpu.bitcast %parallel_loop3A_634 : vector<16xi32> -> vector<16xf32>
        %parallel_loop3A_636 = arith.constant -65536 : i32
        %parallel_loop3A_637 = vector.broadcast %parallel_loop3A_636 : i32 to vector<16xi32>
        %parallel_loop3A_638 = arith.andi %parallel_loop3A_631, %parallel_loop3A_637 : vector<16xi32>
        %parallel_loop3A_639 = tpu.bitcast %parallel_loop3A_638 : vector<16xi32> -> vector<16xf32>
        %parallel_loop3A_640 = arith.mulf %parallel_loop3A_235, %parallel_loop3A_635 : vector<16xf32>
        %parallel_loop3A_641 = arith.addf %parallel_loop3A_627, %parallel_loop3A_640 : vector<16xf32>
        %parallel_loop3A_642 = arith.mulf %parallel_loop3A_239, %parallel_loop3A_639 : vector<16xf32>
        %parallel_loop3A_643 = arith.addf %parallel_loop3A_641, %parallel_loop3A_642 : vector<16xf32>
        %parallel_loop3A_644 = arith.index_cast %parallel_loop3A_207 : i32 to index
        %parallel_loop3A_645 = arith.constant 256 : index
        %parallel_loop3A_646 = tpu.vector_load %arg13[%parallel_loop3A_644, %parallel_loop3A_645] {strides = array<i32>} : memref<16x384xi32, #tpu.memory_space<vmem>>, vector<1x16xi32>,
        %parallel_loop3A_647 = vector.shape_cast %parallel_loop3A_646 : vector<1x16xi32> to vector<16xi32>
        %parallel_loop3A_648 = arith.constant 16 : i32
        %parallel_loop3A_649 = vector.broadcast %parallel_loop3A_648 : i32 to vector<16xi32>
        %parallel_loop3A_650 = arith.shli %parallel_loop3A_647, %parallel_loop3A_649 : vector<16xi32>
        %parallel_loop3A_651 = tpu.bitcast %parallel_loop3A_650 : vector<16xi32> -> vector<16xf32>
        %parallel_loop3A_652 = arith.constant -65536 : i32
        %parallel_loop3A_653 = vector.broadcast %parallel_loop3A_652 : i32 to vector<16xi32>
        %parallel_loop3A_654 = arith.andi %parallel_loop3A_647, %parallel_loop3A_653 : vector<16xi32>
        %parallel_loop3A_655 = tpu.bitcast %parallel_loop3A_654 : vector<16xi32> -> vector<16xf32>
        %parallel_loop3A_656 = arith.mulf %parallel_loop3A_243, %parallel_loop3A_651 : vector<16xf32>
        %parallel_loop3A_657 = arith.addf %parallel_loop3A_643, %parallel_loop3A_656 : vector<16xf32>
        %parallel_loop3A_658 = arith.mulf %parallel_loop3A_247, %parallel_loop3A_655 : vector<16xf32>
        %parallel_loop3A_659 = arith.addf %parallel_loop3A_657, %parallel_loop3A_658 : vector<16xf32>
        %parallel_loop3A_660 = arith.index_cast %parallel_loop3A_207 : i32 to index
        %parallel_loop3A_661 = arith.constant 272 : index
        %parallel_loop3A_662 = tpu.vector_load %arg13[%parallel_loop3A_660, %parallel_loop3A_661] {strides = array<i32>} : memref<16x384xi32, #tpu.memory_space<vmem>>, vector<1x16xi32>,
        %parallel_loop3A_663 = vector.shape_cast %parallel_loop3A_662 : vector<1x16xi32> to vector<16xi32>
        %parallel_loop3A_664 = arith.constant 16 : i32
        %parallel_loop3A_665 = vector.broadcast %parallel_loop3A_664 : i32 to vector<16xi32>
        %parallel_loop3A_666 = arith.shli %parallel_loop3A_663, %parallel_loop3A_665 : vector<16xi32>
        %parallel_loop3A_667 = tpu.bitcast %parallel_loop3A_666 : vector<16xi32> -> vector<16xf32>
        %parallel_loop3A_668 = arith.constant -65536 : i32
        %parallel_loop3A_669 = vector.broadcast %parallel_loop3A_668 : i32 to vector<16xi32>
        %parallel_loop3A_670 = arith.andi %parallel_loop3A_663, %parallel_loop3A_669 : vector<16xi32>
        %parallel_loop3A_671 = tpu.bitcast %parallel_loop3A_670 : vector<16xi32> -> vector<16xf32>
        %parallel_loop3A_672 = arith.mulf %parallel_loop3A_251, %parallel_loop3A_667 : vector<16xf32>
        %parallel_loop3A_673 = arith.addf %parallel_loop3A_659, %parallel_loop3A_672 : vector<16xf32>
        %parallel_loop3A_674 = arith.mulf %parallel_loop3A_255, %parallel_loop3A_671 : vector<16xf32>
        %parallel_loop3A_675 = arith.addf %parallel_loop3A_673, %parallel_loop3A_674 : vector<16xf32>
        %parallel_loop3A_676 = arith.constant 15 : i32
        %parallel_loop3A_677 = vector.broadcast %parallel_loop3A_676 : i32 to vector<16xi32>
        %parallel_loop3A_678 = tpu.iota {dimensions = array<i32: 0>} : vector<16xi32>
        %parallel_loop3A_679 = arith.subi %parallel_loop3A_677, %parallel_loop3A_678 : vector<16xi32>
        %parallel_loop3A_680 = tpu.dynamic_gather %parallel_loop3A_675[%parallel_loop3A_679] in [0] : vector<16xf32>, vector<16xi32> -> vector<16xf32>
        %parallel_loop3A_681 = arith.addf %parallel_loop3A_675, %parallel_loop3A_680 : vector<16xf32>
        %parallel_loop3A_682 = arith.maximumf %parallel_loop3A_575, %parallel_loop3A_681 : vector<16xf32>
        %parallel_loop3A_683 = arith.subf %parallel_loop3A_361, %parallel_loop3A_682 : vector<16xf32>
        %parallel_loop3A_684 = math.exp %parallel_loop3A_683 : vector<16xf32>
        %parallel_loop3A_685 = arith.subf %parallel_loop3A_467, %parallel_loop3A_682 : vector<16xf32>
        %parallel_loop3A_686 = math.exp %parallel_loop3A_685 : vector<16xf32>
        %parallel_loop3A_687 = arith.addf %parallel_loop3A_684, %parallel_loop3A_686 : vector<16xf32>
        %parallel_loop3A_688 = arith.subf %parallel_loop3A_574, %parallel_loop3A_682 : vector<16xf32>
        %parallel_loop3A_689 = math.exp %parallel_loop3A_688 : vector<16xf32>
        %parallel_loop3A_690 = arith.addf %parallel_loop3A_687, %parallel_loop3A_689 : vector<16xf32>
        %parallel_loop3A_691 = arith.subf %parallel_loop3A_681, %parallel_loop3A_682 : vector<16xf32>
        %parallel_loop3A_692 = math.exp %parallel_loop3A_691 : vector<16xf32>
        %parallel_loop3A_693 = arith.addf %parallel_loop3A_690, %parallel_loop3A_692 : vector<16xf32>
        %parallel_loop3A_694 = arith.constant 1.000000e+00 : f32
        %parallel_loop3A_695 = vector.broadcast %parallel_loop3A_694 : f32 to vector<16xf32>
        %parallel_loop3A_696 = arith.divf %parallel_loop3A_695, %parallel_loop3A_693 : vector<16xf32>
        %parallel_loop3A_697 = arith.mulf %parallel_loop3A_684, %parallel_loop3A_696 : vector<16xf32>
        %parallel_loop3A_698 = arith.index_cast %parallel_loop3A_207 : i32 to index
        %parallel_loop3A_699 = arith.constant 0 : index
        %parallel_loop3A_700 = tpu.vector_load %arg21[%parallel_loop3A_698, %parallel_loop3A_699] {strides = array<i32>} : memref<16x64xf32, #tpu.memory_space<vmem>>, vector<1x16xf32>,
        %parallel_loop3A_701 = vector.shape_cast %parallel_loop3A_700 : vector<1x16xf32> to vector<16xf32>
        %parallel_loop3A_702 = vector.shape_cast %parallel_loop3A_697 : vector<16xf32> to vector<1x16xf32>
        tpu.vector_store %arg21[%parallel_loop3A_698, %parallel_loop3A_699], %parallel_loop3A_702 {strides = array<i32>} : memref<16x64xf32, #tpu.memory_space<vmem>>, vector<1x16xf32>,
        %parallel_loop3A_703 = arith.mulf %parallel_loop3A_686, %parallel_loop3A_696 : vector<16xf32>
        %parallel_loop3A_704 = arith.index_cast %parallel_loop3A_207 : i32 to index
        %parallel_loop3A_705 = arith.constant 16 : index
        %parallel_loop3A_706 = tpu.vector_load %arg21[%parallel_loop3A_704, %parallel_loop3A_705] {strides = array<i32>} : memref<16x64xf32, #tpu.memory_space<vmem>>, vector<1x16xf32>,
        %parallel_loop3A_707 = vector.shape_cast %parallel_loop3A_706 : vector<1x16xf32> to vector<16xf32>
        %parallel_loop3A_708 = vector.shape_cast %parallel_loop3A_703 : vector<16xf32> to vector<1x16xf32>
        tpu.vector_store %arg21[%parallel_loop3A_704, %parallel_loop3A_705], %parallel_loop3A_708 {strides = array<i32>} : memref<16x64xf32, #tpu.memory_space<vmem>>, vector<1x16xf32>,
        %parallel_loop3A_709 = arith.mulf %parallel_loop3A_689, %parallel_loop3A_696 : vector<16xf32>
        %parallel_loop3A_710 = arith.index_cast %parallel_loop3A_207 : i32 to index
        %parallel_loop3A_711 = arith.constant 32 : index
        %parallel_loop3A_712 = tpu.vector_load %arg21[%parallel_loop3A_710, %parallel_loop3A_711] {strides = array<i32>} : memref<16x64xf32, #tpu.memory_space<vmem>>, vector<1x16xf32>,
        %parallel_loop3A_713 = vector.shape_cast %parallel_loop3A_712 : vector<1x16xf32> to vector<16xf32>
        %parallel_loop3A_714 = vector.shape_cast %parallel_loop3A_709 : vector<16xf32> to vector<1x16xf32>
        tpu.vector_store %arg21[%parallel_loop3A_710, %parallel_loop3A_711], %parallel_loop3A_714 {strides = array<i32>} : memref<16x64xf32, #tpu.memory_space<vmem>>, vector<1x16xf32>,
        %parallel_loop3A_715 = arith.mulf %parallel_loop3A_692, %parallel_loop3A_696 : vector<16xf32>
        %parallel_loop3A_716 = arith.index_cast %parallel_loop3A_207 : i32 to index
        %parallel_loop3A_717 = arith.constant 48 : index
        %parallel_loop3A_718 = tpu.vector_load %arg21[%parallel_loop3A_716, %parallel_loop3A_717] {strides = array<i32>} : memref<16x64xf32, #tpu.memory_space<vmem>>, vector<1x16xf32>,
        %parallel_loop3A_719 = vector.shape_cast %parallel_loop3A_718 : vector<1x16xf32> to vector<16xf32>
        %parallel_loop3A_720 = vector.shape_cast %parallel_loop3A_715 : vector<16xf32> to vector<1x16xf32>
        tpu.vector_store %arg21[%parallel_loop3A_716, %parallel_loop3A_717], %parallel_loop3A_720 {strides = array<i32>} : memref<16x64xf32, #tpu.memory_space<vmem>>, vector<1x16xf32>,
        %parallel_loop3A_721 = arith.index_cast %parallel_loop3A_207 : i32 to index
        %parallel_loop3A_722 = arith.constant 96 : index
        %parallel_loop3A_723 = tpu.vector_load %arg12[%parallel_loop3A_721, %parallel_loop3A_722] {strides = array<i32>} : memref<16x384xi32, #tpu.memory_space<vmem>>, vector<1x16xi32>,
        %parallel_loop3A_724 = vector.shape_cast %parallel_loop3A_723 : vector<1x16xi32> to vector<16xi32>
        %parallel_loop3A_725 = arith.constant 16 : i32
        %parallel_loop3A_726 = vector.broadcast %parallel_loop3A_725 : i32 to vector<16xi32>
        %parallel_loop3A_727 = arith.shli %parallel_loop3A_724, %parallel_loop3A_726 : vector<16xi32>
        %parallel_loop3A_728 = tpu.bitcast %parallel_loop3A_727 : vector<16xi32> -> vector<16xf32>
        %parallel_loop3A_729 = arith.constant -65536 : i32
        %parallel_loop3A_730 = vector.broadcast %parallel_loop3A_729 : i32 to vector<16xi32>
        %parallel_loop3A_731 = arith.andi %parallel_loop3A_724, %parallel_loop3A_730 : vector<16xi32>
        %parallel_loop3A_732 = tpu.bitcast %parallel_loop3A_731 : vector<16xi32> -> vector<16xf32>
        %parallel_loop3A_733 = arith.mulf %parallel_loop3A_697, %parallel_loop3A_728 : vector<16xf32>
        %parallel_loop3A_734 = arith.mulf %parallel_loop3A_697, %parallel_loop3A_732 : vector<16xf32>
        %parallel_loop3A_735 = arith.index_cast %parallel_loop3A_207 : i32 to index
        %parallel_loop3A_736 = arith.constant 288 : index
        %parallel_loop3A_737 = tpu.vector_load %arg12[%parallel_loop3A_735, %parallel_loop3A_736] {strides = array<i32>} : memref<16x384xi32, #tpu.memory_space<vmem>>, vector<1x16xi32>,
        %parallel_loop3A_738 = vector.shape_cast %parallel_loop3A_737 : vector<1x16xi32> to vector<16xi32>
        %parallel_loop3A_739 = arith.constant 16 : i32
        %parallel_loop3A_740 = vector.broadcast %parallel_loop3A_739 : i32 to vector<16xi32>
        %parallel_loop3A_741 = arith.shli %parallel_loop3A_738, %parallel_loop3A_740 : vector<16xi32>
        %parallel_loop3A_742 = tpu.bitcast %parallel_loop3A_741 : vector<16xi32> -> vector<16xf32>
        %parallel_loop3A_743 = arith.constant -65536 : i32
        %parallel_loop3A_744 = vector.broadcast %parallel_loop3A_743 : i32 to vector<16xi32>
        %parallel_loop3A_745 = arith.andi %parallel_loop3A_738, %parallel_loop3A_744 : vector<16xi32>
        %parallel_loop3A_746 = tpu.bitcast %parallel_loop3A_745 : vector<16xi32> -> vector<16xf32>
        %parallel_loop3A_747 = arith.mulf %parallel_loop3A_703, %parallel_loop3A_742 : vector<16xf32>
        %parallel_loop3A_748 = arith.addf %parallel_loop3A_733, %parallel_loop3A_747 : vector<16xf32>
        %parallel_loop3A_749 = arith.mulf %parallel_loop3A_703, %parallel_loop3A_746 : vector<16xf32>
        %parallel_loop3A_750 = arith.addf %parallel_loop3A_734, %parallel_loop3A_749 : vector<16xf32>
        %parallel_loop3A_751 = arith.index_cast %parallel_loop3A_207 : i32 to index
        %parallel_loop3A_752 = arith.constant 96 : index
        %parallel_loop3A_753 = tpu.vector_load %arg13[%parallel_loop3A_751, %parallel_loop3A_752] {strides = array<i32>} : memref<16x384xi32, #tpu.memory_space<vmem>>, vector<1x16xi32>,
        %parallel_loop3A_754 = vector.shape_cast %parallel_loop3A_753 : vector<1x16xi32> to vector<16xi32>
        %parallel_loop3A_755 = arith.constant 16 : i32
        %parallel_loop3A_756 = vector.broadcast %parallel_loop3A_755 : i32 to vector<16xi32>
        %parallel_loop3A_757 = arith.shli %parallel_loop3A_754, %parallel_loop3A_756 : vector<16xi32>
        %parallel_loop3A_758 = tpu.bitcast %parallel_loop3A_757 : vector<16xi32> -> vector<16xf32>
        %parallel_loop3A_759 = arith.constant -65536 : i32
        %parallel_loop3A_760 = vector.broadcast %parallel_loop3A_759 : i32 to vector<16xi32>
        %parallel_loop3A_761 = arith.andi %parallel_loop3A_754, %parallel_loop3A_760 : vector<16xi32>
        %parallel_loop3A_762 = tpu.bitcast %parallel_loop3A_761 : vector<16xi32> -> vector<16xf32>
        %parallel_loop3A_763 = arith.mulf %parallel_loop3A_709, %parallel_loop3A_758 : vector<16xf32>
        %parallel_loop3A_764 = arith.addf %parallel_loop3A_748, %parallel_loop3A_763 : vector<16xf32>
        %parallel_loop3A_765 = arith.mulf %parallel_loop3A_709, %parallel_loop3A_762 : vector<16xf32>
        %parallel_loop3A_766 = arith.addf %parallel_loop3A_750, %parallel_loop3A_765 : vector<16xf32>
        %parallel_loop3A_767 = arith.index_cast %parallel_loop3A_207 : i32 to index
        %parallel_loop3A_768 = arith.constant 288 : index
        %parallel_loop3A_769 = tpu.vector_load %arg13[%parallel_loop3A_767, %parallel_loop3A_768] {strides = array<i32>} : memref<16x384xi32, #tpu.memory_space<vmem>>, vector<1x16xi32>,
        %parallel_loop3A_770 = vector.shape_cast %parallel_loop3A_769 : vector<1x16xi32> to vector<16xi32>
        %parallel_loop3A_771 = arith.constant 16 : i32
        %parallel_loop3A_772 = vector.broadcast %parallel_loop3A_771 : i32 to vector<16xi32>
        %parallel_loop3A_773 = arith.shli %parallel_loop3A_770, %parallel_loop3A_772 : vector<16xi32>
        %parallel_loop3A_774 = tpu.bitcast %parallel_loop3A_773 : vector<16xi32> -> vector<16xf32>
        %parallel_loop3A_775 = arith.constant -65536 : i32
        %parallel_loop3A_776 = vector.broadcast %parallel_loop3A_775 : i32 to vector<16xi32>
        %parallel_loop3A_777 = arith.andi %parallel_loop3A_770, %parallel_loop3A_776 : vector<16xi32>
        %parallel_loop3A_778 = tpu.bitcast %parallel_loop3A_777 : vector<16xi32> -> vector<16xf32>
        %parallel_loop3A_779 = arith.mulf %parallel_loop3A_715, %parallel_loop3A_774 : vector<16xf32>
        %parallel_loop3A_780 = arith.addf %parallel_loop3A_764, %parallel_loop3A_779 : vector<16xf32>
        %parallel_loop3A_781 = arith.mulf %parallel_loop3A_715, %parallel_loop3A_778 : vector<16xf32>
        %parallel_loop3A_782 = arith.addf %parallel_loop3A_766, %parallel_loop3A_781 : vector<16xf32>
        %parallel_loop3A_783 = arith.index_cast %parallel_loop3A_207 : i32 to index
        %parallel_loop3A_784 = arith.constant 0 : index
        %parallel_loop3A_785 = tpu.vector_load %arg19[%parallel_loop3A_783, %parallel_loop3A_784] {strides = array<i32>} : memref<16x192xf32, #tpu.memory_space<vmem>>, vector<1x16xf32>,
        %parallel_loop3A_786 = vector.shape_cast %parallel_loop3A_785 : vector<1x16xf32> to vector<16xf32>
        %parallel_loop3A_787 = vector.shape_cast %parallel_loop3A_780 : vector<16xf32> to vector<1x16xf32>
        tpu.vector_store %arg19[%parallel_loop3A_783, %parallel_loop3A_784], %parallel_loop3A_787 {strides = array<i32>} : memref<16x192xf32, #tpu.memory_space<vmem>>, vector<1x16xf32>,
        %parallel_loop3A_788 = arith.index_cast %parallel_loop3A_207 : i32 to index
        %parallel_loop3A_789 = arith.constant 16 : index
        %parallel_loop3A_790 = tpu.vector_load %arg19[%parallel_loop3A_788, %parallel_loop3A_789] {strides = array<i32>} : memref<16x192xf32, #tpu.memory_space<vmem>>, vector<1x16xf32>,
        %parallel_loop3A_791 = vector.shape_cast %parallel_loop3A_790 : vector<1x16xf32> to vector<16xf32>
        %parallel_loop3A_792 = vector.shape_cast %parallel_loop3A_782 : vector<16xf32> to vector<1x16xf32>
        tpu.vector_store %arg19[%parallel_loop3A_788, %parallel_loop3A_789], %parallel_loop3A_792 {strides = array<i32>} : memref<16x192xf32, #tpu.memory_space<vmem>>, vector<1x16xf32>,
        %parallel_loop3A_793 = arith.index_cast %parallel_loop3A_207 : i32 to index
        %parallel_loop3A_794 = arith.constant 112 : index
        %parallel_loop3A_795 = tpu.vector_load %arg12[%parallel_loop3A_793, %parallel_loop3A_794] {strides = array<i32>} : memref<16x384xi32, #tpu.memory_space<vmem>>, vector<1x16xi32>,
        %parallel_loop3A_796 = vector.shape_cast %parallel_loop3A_795 : vector<1x16xi32> to vector<16xi32>
        %parallel_loop3A_797 = arith.constant 16 : i32
        %parallel_loop3A_798 = vector.broadcast %parallel_loop3A_797 : i32 to vector<16xi32>
        %parallel_loop3A_799 = arith.shli %parallel_loop3A_796, %parallel_loop3A_798 : vector<16xi32>
        %parallel_loop3A_800 = tpu.bitcast %parallel_loop3A_799 : vector<16xi32> -> vector<16xf32>
        %parallel_loop3A_801 = arith.constant -65536 : i32
        %parallel_loop3A_802 = vector.broadcast %parallel_loop3A_801 : i32 to vector<16xi32>
        %parallel_loop3A_803 = arith.andi %parallel_loop3A_796, %parallel_loop3A_802 : vector<16xi32>
        %parallel_loop3A_804 = tpu.bitcast %parallel_loop3A_803 : vector<16xi32> -> vector<16xf32>
        %parallel_loop3A_805 = arith.mulf %parallel_loop3A_697, %parallel_loop3A_800 : vector<16xf32>
        %parallel_loop3A_806 = arith.mulf %parallel_loop3A_697, %parallel_loop3A_804 : vector<16xf32>
        %parallel_loop3A_807 = arith.index_cast %parallel_loop3A_207 : i32 to index
        %parallel_loop3A_808 = arith.constant 304 : index
        %parallel_loop3A_809 = tpu.vector_load %arg12[%parallel_loop3A_807, %parallel_loop3A_808] {strides = array<i32>} : memref<16x384xi32, #tpu.memory_space<vmem>>, vector<1x16xi32>,
        %parallel_loop3A_810 = vector.shape_cast %parallel_loop3A_809 : vector<1x16xi32> to vector<16xi32>
        %parallel_loop3A_811 = arith.constant 16 : i32
        %parallel_loop3A_812 = vector.broadcast %parallel_loop3A_811 : i32 to vector<16xi32>
        %parallel_loop3A_813 = arith.shli %parallel_loop3A_810, %parallel_loop3A_812 : vector<16xi32>
        %parallel_loop3A_814 = tpu.bitcast %parallel_loop3A_813 : vector<16xi32> -> vector<16xf32>
        %parallel_loop3A_815 = arith.constant -65536 : i32
        %parallel_loop3A_816 = vector.broadcast %parallel_loop3A_815 : i32 to vector<16xi32>
        %parallel_loop3A_817 = arith.andi %parallel_loop3A_810, %parallel_loop3A_816 : vector<16xi32>
        %parallel_loop3A_818 = tpu.bitcast %parallel_loop3A_817 : vector<16xi32> -> vector<16xf32>
        %parallel_loop3A_819 = arith.mulf %parallel_loop3A_703, %parallel_loop3A_814 : vector<16xf32>
        %parallel_loop3A_820 = arith.addf %parallel_loop3A_805, %parallel_loop3A_819 : vector<16xf32>
        %parallel_loop3A_821 = arith.mulf %parallel_loop3A_703, %parallel_loop3A_818 : vector<16xf32>
        %parallel_loop3A_822 = arith.addf %parallel_loop3A_806, %parallel_loop3A_821 : vector<16xf32>
        %parallel_loop3A_823 = arith.index_cast %parallel_loop3A_207 : i32 to index
        %parallel_loop3A_824 = arith.constant 112 : index
        %parallel_loop3A_825 = tpu.vector_load %arg13[%parallel_loop3A_823, %parallel_loop3A_824] {strides = array<i32>} : memref<16x384xi32, #tpu.memory_space<vmem>>, vector<1x16xi32>,
        %parallel_loop3A_826 = vector.shape_cast %parallel_loop3A_825 : vector<1x16xi32> to vector<16xi32>
        %parallel_loop3A_827 = arith.constant 16 : i32
        %parallel_loop3A_828 = vector.broadcast %parallel_loop3A_827 : i32 to vector<16xi32>
        %parallel_loop3A_829 = arith.shli %parallel_loop3A_826, %parallel_loop3A_828 : vector<16xi32>
        %parallel_loop3A_830 = tpu.bitcast %parallel_loop3A_829 : vector<16xi32> -> vector<16xf32>
        %parallel_loop3A_831 = arith.constant -65536 : i32
        %parallel_loop3A_832 = vector.broadcast %parallel_loop3A_831 : i32 to vector<16xi32>
        %parallel_loop3A_833 = arith.andi %parallel_loop3A_826, %parallel_loop3A_832 : vector<16xi32>
        %parallel_loop3A_834 = tpu.bitcast %parallel_loop3A_833 : vector<16xi32> -> vector<16xf32>
        %parallel_loop3A_835 = arith.mulf %parallel_loop3A_709, %parallel_loop3A_830 : vector<16xf32>
        %parallel_loop3A_836 = arith.addf %parallel_loop3A_820, %parallel_loop3A_835 : vector<16xf32>
        %parallel_loop3A_837 = arith.mulf %parallel_loop3A_709, %parallel_loop3A_834 : vector<16xf32>
        %parallel_loop3A_838 = arith.addf %parallel_loop3A_822, %parallel_loop3A_837 : vector<16xf32>
        %parallel_loop3A_839 = arith.index_cast %parallel_loop3A_207 : i32 to index
        %parallel_loop3A_840 = arith.constant 304 : index
        %parallel_loop3A_841 = tpu.vector_load %arg13[%parallel_loop3A_839, %parallel_loop3A_840] {strides = array<i32>} : memref<16x384xi32, #tpu.memory_space<vmem>>, vector<1x16xi32>,
        %parallel_loop3A_842 = vector.shape_cast %parallel_loop3A_841 : vector<1x16xi32> to vector<16xi32>
        %parallel_loop3A_843 = arith.constant 16 : i32
        %parallel_loop3A_844 = vector.broadcast %parallel_loop3A_843 : i32 to vector<16xi32>
        %parallel_loop3A_845 = arith.shli %parallel_loop3A_842, %parallel_loop3A_844 : vector<16xi32>
        %parallel_loop3A_846 = tpu.bitcast %parallel_loop3A_845 : vector<16xi32> -> vector<16xf32>
        %parallel_loop3A_847 = arith.constant -65536 : i32
        %parallel_loop3A_848 = vector.broadcast %parallel_loop3A_847 : i32 to vector<16xi32>
        %parallel_loop3A_849 = arith.andi %parallel_loop3A_842, %parallel_loop3A_848 : vector<16xi32>
        %parallel_loop3A_850 = tpu.bitcast %parallel_loop3A_849 : vector<16xi32> -> vector<16xf32>
        %parallel_loop3A_851 = arith.mulf %parallel_loop3A_715, %parallel_loop3A_846 : vector<16xf32>
        %parallel_loop3A_852 = arith.addf %parallel_loop3A_836, %parallel_loop3A_851 : vector<16xf32>
        %parallel_loop3A_853 = arith.mulf %parallel_loop3A_715, %parallel_loop3A_850 : vector<16xf32>
        %parallel_loop3A_854 = arith.addf %parallel_loop3A_838, %parallel_loop3A_853 : vector<16xf32>
        %parallel_loop3A_855 = arith.index_cast %parallel_loop3A_207 : i32 to index
        %parallel_loop3A_856 = arith.constant 32 : index
        %parallel_loop3A_857 = tpu.vector_load %arg19[%parallel_loop3A_855, %parallel_loop3A_856] {strides = array<i32>} : memref<16x192xf32, #tpu.memory_space<vmem>>, vector<1x16xf32>,
        %parallel_loop3A_858 = vector.shape_cast %parallel_loop3A_857 : vector<1x16xf32> to vector<16xf32>
        %parallel_loop3A_859 = vector.shape_cast %parallel_loop3A_852 : vector<16xf32> to vector<1x16xf32>
        tpu.vector_store %arg19[%parallel_loop3A_855, %parallel_loop3A_856], %parallel_loop3A_859 {strides = array<i32>} : memref<16x192xf32, #tpu.memory_space<vmem>>, vector<1x16xf32>,
        %parallel_loop3A_860 = arith.index_cast %parallel_loop3A_207 : i32 to index
        %parallel_loop3A_861 = arith.constant 48 : index
        %parallel_loop3A_862 = tpu.vector_load %arg19[%parallel_loop3A_860, %parallel_loop3A_861] {strides = array<i32>} : memref<16x192xf32, #tpu.memory_space<vmem>>, vector<1x16xf32>,
        %parallel_loop3A_863 = vector.shape_cast %parallel_loop3A_862 : vector<1x16xf32> to vector<16xf32>
        %parallel_loop3A_864 = vector.shape_cast %parallel_loop3A_854 : vector<16xf32> to vector<1x16xf32>
        tpu.vector_store %arg19[%parallel_loop3A_860, %parallel_loop3A_861], %parallel_loop3A_864 {strides = array<i32>} : memref<16x192xf32, #tpu.memory_space<vmem>>, vector<1x16xf32>,
        %parallel_loop3A_865 = arith.index_cast %parallel_loop3A_207 : i32 to index
        %parallel_loop3A_866 = arith.constant 128 : index
        %parallel_loop3A_867 = tpu.vector_load %arg12[%parallel_loop3A_865, %parallel_loop3A_866] {strides = array<i32>} : memref<16x384xi32, #tpu.memory_space<vmem>>, vector<1x16xi32>,
        %parallel_loop3A_868 = vector.shape_cast %parallel_loop3A_867 : vector<1x16xi32> to vector<16xi32>
        %parallel_loop3A_869 = arith.constant 16 : i32
        %parallel_loop3A_870 = vector.broadcast %parallel_loop3A_869 : i32 to vector<16xi32>
        %parallel_loop3A_871 = arith.shli %parallel_loop3A_868, %parallel_loop3A_870 : vector<16xi32>
        %parallel_loop3A_872 = tpu.bitcast %parallel_loop3A_871 : vector<16xi32> -> vector<16xf32>
        %parallel_loop3A_873 = arith.constant -65536 : i32
        %parallel_loop3A_874 = vector.broadcast %parallel_loop3A_873 : i32 to vector<16xi32>
        %parallel_loop3A_875 = arith.andi %parallel_loop3A_868, %parallel_loop3A_874 : vector<16xi32>
        %parallel_loop3A_876 = tpu.bitcast %parallel_loop3A_875 : vector<16xi32> -> vector<16xf32>
        %parallel_loop3A_877 = arith.mulf %parallel_loop3A_697, %parallel_loop3A_872 : vector<16xf32>
        %parallel_loop3A_878 = arith.mulf %parallel_loop3A_697, %parallel_loop3A_876 : vector<16xf32>
        %parallel_loop3A_879 = arith.index_cast %parallel_loop3A_207 : i32 to index
        %parallel_loop3A_880 = arith.constant 320 : index
        %parallel_loop3A_881 = tpu.vector_load %arg12[%parallel_loop3A_879, %parallel_loop3A_880] {strides = array<i32>} : memref<16x384xi32, #tpu.memory_space<vmem>>, vector<1x16xi32>,
        %parallel_loop3A_882 = vector.shape_cast %parallel_loop3A_881 : vector<1x16xi32> to vector<16xi32>
        %parallel_loop3A_883 = arith.constant 16 : i32
        %parallel_loop3A_884 = vector.broadcast %parallel_loop3A_883 : i32 to vector<16xi32>
        %parallel_loop3A_885 = arith.shli %parallel_loop3A_882, %parallel_loop3A_884 : vector<16xi32>
        %parallel_loop3A_886 = tpu.bitcast %parallel_loop3A_885 : vector<16xi32> -> vector<16xf32>
        %parallel_loop3A_887 = arith.constant -65536 : i32
        %parallel_loop3A_888 = vector.broadcast %parallel_loop3A_887 : i32 to vector<16xi32>
        %parallel_loop3A_889 = arith.andi %parallel_loop3A_882, %parallel_loop3A_888 : vector<16xi32>
        %parallel_loop3A_890 = tpu.bitcast %parallel_loop3A_889 : vector<16xi32> -> vector<16xf32>
        %parallel_loop3A_891 = arith.mulf %parallel_loop3A_703, %parallel_loop3A_886 : vector<16xf32>
        %parallel_loop3A_892 = arith.addf %parallel_loop3A_877, %parallel_loop3A_891 : vector<16xf32>
        %parallel_loop3A_893 = arith.mulf %parallel_loop3A_703, %parallel_loop3A_890 : vector<16xf32>
        %parallel_loop3A_894 = arith.addf %parallel_loop3A_878, %parallel_loop3A_893 : vector<16xf32>
        %parallel_loop3A_895 = arith.index_cast %parallel_loop3A_207 : i32 to index
        %parallel_loop3A_896 = arith.constant 128 : index
        %parallel_loop3A_897 = tpu.vector_load %arg13[%parallel_loop3A_895, %parallel_loop3A_896] {strides = array<i32>} : memref<16x384xi32, #tpu.memory_space<vmem>>, vector<1x16xi32>,
        %parallel_loop3A_898 = vector.shape_cast %parallel_loop3A_897 : vector<1x16xi32> to vector<16xi32>
        %parallel_loop3A_899 = arith.constant 16 : i32
        %parallel_loop3A_900 = vector.broadcast %parallel_loop3A_899 : i32 to vector<16xi32>
        %parallel_loop3A_901 = arith.shli %parallel_loop3A_898, %parallel_loop3A_900 : vector<16xi32>
        %parallel_loop3A_902 = tpu.bitcast %parallel_loop3A_901 : vector<16xi32> -> vector<16xf32>
        %parallel_loop3A_903 = arith.constant -65536 : i32
        %parallel_loop3A_904 = vector.broadcast %parallel_loop3A_903 : i32 to vector<16xi32>
        %parallel_loop3A_905 = arith.andi %parallel_loop3A_898, %parallel_loop3A_904 : vector<16xi32>
        %parallel_loop3A_906 = tpu.bitcast %parallel_loop3A_905 : vector<16xi32> -> vector<16xf32>
        %parallel_loop3A_907 = arith.mulf %parallel_loop3A_709, %parallel_loop3A_902 : vector<16xf32>
        %parallel_loop3A_908 = arith.addf %parallel_loop3A_892, %parallel_loop3A_907 : vector<16xf32>
        %parallel_loop3A_909 = arith.mulf %parallel_loop3A_709, %parallel_loop3A_906 : vector<16xf32>
        %parallel_loop3A_910 = arith.addf %parallel_loop3A_894, %parallel_loop3A_909 : vector<16xf32>
        %parallel_loop3A_911 = arith.index_cast %parallel_loop3A_207 : i32 to index
        %parallel_loop3A_912 = arith.constant 320 : index
        %parallel_loop3A_913 = tpu.vector_load %arg13[%parallel_loop3A_911, %parallel_loop3A_912] {strides = array<i32>} : memref<16x384xi32, #tpu.memory_space<vmem>>, vector<1x16xi32>,
        %parallel_loop3A_914 = vector.shape_cast %parallel_loop3A_913 : vector<1x16xi32> to vector<16xi32>
        %parallel_loop3A_915 = arith.constant 16 : i32
        %parallel_loop3A_916 = vector.broadcast %parallel_loop3A_915 : i32 to vector<16xi32>
        %parallel_loop3A_917 = arith.shli %parallel_loop3A_914, %parallel_loop3A_916 : vector<16xi32>
        %parallel_loop3A_918 = tpu.bitcast %parallel_loop3A_917 : vector<16xi32> -> vector<16xf32>
        %parallel_loop3A_919 = arith.constant -65536 : i32
        %parallel_loop3A_920 = vector.broadcast %parallel_loop3A_919 : i32 to vector<16xi32>
        %parallel_loop3A_921 = arith.andi %parallel_loop3A_914, %parallel_loop3A_920 : vector<16xi32>
        %parallel_loop3A_922 = tpu.bitcast %parallel_loop3A_921 : vector<16xi32> -> vector<16xf32>
        %parallel_loop3A_923 = arith.mulf %parallel_loop3A_715, %parallel_loop3A_918 : vector<16xf32>
        %parallel_loop3A_924 = arith.addf %parallel_loop3A_908, %parallel_loop3A_923 : vector<16xf32>
        %parallel_loop3A_925 = arith.mulf %parallel_loop3A_715, %parallel_loop3A_922 : vector<16xf32>
        %parallel_loop3A_926 = arith.addf %parallel_loop3A_910, %parallel_loop3A_925 : vector<16xf32>
        %parallel_loop3A_927 = arith.index_cast %parallel_loop3A_207 : i32 to index
        %parallel_loop3A_928 = arith.constant 64 : index
        %parallel_loop3A_929 = tpu.vector_load %arg19[%parallel_loop3A_927, %parallel_loop3A_928] {strides = array<i32>} : memref<16x192xf32, #tpu.memory_space<vmem>>, vector<1x16xf32>,
        %parallel_loop3A_930 = vector.shape_cast %parallel_loop3A_929 : vector<1x16xf32> to vector<16xf32>
        %parallel_loop3A_931 = vector.shape_cast %parallel_loop3A_924 : vector<16xf32> to vector<1x16xf32>
        tpu.vector_store %arg19[%parallel_loop3A_927, %parallel_loop3A_928], %parallel_loop3A_931 {strides = array<i32>} : memref<16x192xf32, #tpu.memory_space<vmem>>, vector<1x16xf32>,
        %parallel_loop3A_932 = arith.index_cast %parallel_loop3A_207 : i32 to index
        %parallel_loop3A_933 = arith.constant 80 : index
        %parallel_loop3A_934 = tpu.vector_load %arg19[%parallel_loop3A_932, %parallel_loop3A_933] {strides = array<i32>} : memref<16x192xf32, #tpu.memory_space<vmem>>, vector<1x16xf32>,
        %parallel_loop3A_935 = vector.shape_cast %parallel_loop3A_934 : vector<1x16xf32> to vector<16xf32>
        %parallel_loop3A_936 = vector.shape_cast %parallel_loop3A_926 : vector<16xf32> to vector<1x16xf32>
        tpu.vector_store %arg19[%parallel_loop3A_932, %parallel_loop3A_933], %parallel_loop3A_936 {strides = array<i32>} : memref<16x192xf32, #tpu.memory_space<vmem>>, vector<1x16xf32>,
        %parallel_loop3A_937 = arith.index_cast %parallel_loop3A_207 : i32 to index
        %parallel_loop3A_938 = arith.constant 144 : index
        %parallel_loop3A_939 = tpu.vector_load %arg12[%parallel_loop3A_937, %parallel_loop3A_938] {strides = array<i32>} : memref<16x384xi32, #tpu.memory_space<vmem>>, vector<1x16xi32>,
        %parallel_loop3A_940 = vector.shape_cast %parallel_loop3A_939 : vector<1x16xi32> to vector<16xi32>
        %parallel_loop3A_941 = arith.constant 16 : i32
        %parallel_loop3A_942 = vector.broadcast %parallel_loop3A_941 : i32 to vector<16xi32>
        %parallel_loop3A_943 = arith.shli %parallel_loop3A_940, %parallel_loop3A_942 : vector<16xi32>
        %parallel_loop3A_944 = tpu.bitcast %parallel_loop3A_943 : vector<16xi32> -> vector<16xf32>
        %parallel_loop3A_945 = arith.constant -65536 : i32
        %parallel_loop3A_946 = vector.broadcast %parallel_loop3A_945 : i32 to vector<16xi32>
        %parallel_loop3A_947 = arith.andi %parallel_loop3A_940, %parallel_loop3A_946 : vector<16xi32>
        %parallel_loop3A_948 = tpu.bitcast %parallel_loop3A_947 : vector<16xi32> -> vector<16xf32>
        %parallel_loop3A_949 = arith.mulf %parallel_loop3A_697, %parallel_loop3A_944 : vector<16xf32>
        %parallel_loop3A_950 = arith.mulf %parallel_loop3A_697, %parallel_loop3A_948 : vector<16xf32>
        %parallel_loop3A_951 = arith.index_cast %parallel_loop3A_207 : i32 to index
        %parallel_loop3A_952 = arith.constant 336 : index
        %parallel_loop3A_953 = tpu.vector_load %arg12[%parallel_loop3A_951, %parallel_loop3A_952] {strides = array<i32>} : memref<16x384xi32, #tpu.memory_space<vmem>>, vector<1x16xi32>,
        %parallel_loop3A_954 = vector.shape_cast %parallel_loop3A_953 : vector<1x16xi32> to vector<16xi32>
        %parallel_loop3A_955 = arith.constant 16 : i32
        %parallel_loop3A_956 = vector.broadcast %parallel_loop3A_955 : i32 to vector<16xi32>
        %parallel_loop3A_957 = arith.shli %parallel_loop3A_954, %parallel_loop3A_956 : vector<16xi32>
        %parallel_loop3A_958 = tpu.bitcast %parallel_loop3A_957 : vector<16xi32> -> vector<16xf32>
        %parallel_loop3A_959 = arith.constant -65536 : i32
        %parallel_loop3A_960 = vector.broadcast %parallel_loop3A_959 : i32 to vector<16xi32>
        %parallel_loop3A_961 = arith.andi %parallel_loop3A_954, %parallel_loop3A_960 : vector<16xi32>
        %parallel_loop3A_962 = tpu.bitcast %parallel_loop3A_961 : vector<16xi32> -> vector<16xf32>
        %parallel_loop3A_963 = arith.mulf %parallel_loop3A_703, %parallel_loop3A_958 : vector<16xf32>
        %parallel_loop3A_964 = arith.addf %parallel_loop3A_949, %parallel_loop3A_963 : vector<16xf32>
        %parallel_loop3A_965 = arith.mulf %parallel_loop3A_703, %parallel_loop3A_962 : vector<16xf32>
        %parallel_loop3A_966 = arith.addf %parallel_loop3A_950, %parallel_loop3A_965 : vector<16xf32>
        %parallel_loop3A_967 = arith.index_cast %parallel_loop3A_207 : i32 to index
        %parallel_loop3A_968 = arith.constant 144 : index
        %parallel_loop3A_969 = tpu.vector_load %arg13[%parallel_loop3A_967, %parallel_loop3A_968] {strides = array<i32>} : memref<16x384xi32, #tpu.memory_space<vmem>>, vector<1x16xi32>,
        %parallel_loop3A_970 = vector.shape_cast %parallel_loop3A_969 : vector<1x16xi32> to vector<16xi32>
        %parallel_loop3A_971 = arith.constant 16 : i32
        %parallel_loop3A_972 = vector.broadcast %parallel_loop3A_971 : i32 to vector<16xi32>
        %parallel_loop3A_973 = arith.shli %parallel_loop3A_970, %parallel_loop3A_972 : vector<16xi32>
        %parallel_loop3A_974 = tpu.bitcast %parallel_loop3A_973 : vector<16xi32> -> vector<16xf32>
        %parallel_loop3A_975 = arith.constant -65536 : i32
        %parallel_loop3A_976 = vector.broadcast %parallel_loop3A_975 : i32 to vector<16xi32>
        %parallel_loop3A_977 = arith.andi %parallel_loop3A_970, %parallel_loop3A_976 : vector<16xi32>
        %parallel_loop3A_978 = tpu.bitcast %parallel_loop3A_977 : vector<16xi32> -> vector<16xf32>
        %parallel_loop3A_979 = arith.mulf %parallel_loop3A_709, %parallel_loop3A_974 : vector<16xf32>
        %parallel_loop3A_980 = arith.addf %parallel_loop3A_964, %parallel_loop3A_979 : vector<16xf32>
        %parallel_loop3A_981 = arith.mulf %parallel_loop3A_709, %parallel_loop3A_978 : vector<16xf32>
        %parallel_loop3A_982 = arith.addf %parallel_loop3A_966, %parallel_loop3A_981 : vector<16xf32>
        %parallel_loop3A_983 = arith.index_cast %parallel_loop3A_207 : i32 to index
        %parallel_loop3A_984 = arith.constant 336 : index
        %parallel_loop3A_985 = tpu.vector_load %arg13[%parallel_loop3A_983, %parallel_loop3A_984] {strides = array<i32>} : memref<16x384xi32, #tpu.memory_space<vmem>>, vector<1x16xi32>,
        %parallel_loop3A_986 = vector.shape_cast %parallel_loop3A_985 : vector<1x16xi32> to vector<16xi32>
        %parallel_loop3A_987 = arith.constant 16 : i32
        %parallel_loop3A_988 = vector.broadcast %parallel_loop3A_987 : i32 to vector<16xi32>
        %parallel_loop3A_989 = arith.shli %parallel_loop3A_986, %parallel_loop3A_988 : vector<16xi32>
        %parallel_loop3A_990 = tpu.bitcast %parallel_loop3A_989 : vector<16xi32> -> vector<16xf32>
        %parallel_loop3A_991 = arith.constant -65536 : i32
        %parallel_loop3A_992 = vector.broadcast %parallel_loop3A_991 : i32 to vector<16xi32>
        %parallel_loop3A_993 = arith.andi %parallel_loop3A_986, %parallel_loop3A_992 : vector<16xi32>
        %parallel_loop3A_994 = tpu.bitcast %parallel_loop3A_993 : vector<16xi32> -> vector<16xf32>
        %parallel_loop3A_995 = arith.mulf %parallel_loop3A_715, %parallel_loop3A_990 : vector<16xf32>
        %parallel_loop3A_996 = arith.addf %parallel_loop3A_980, %parallel_loop3A_995 : vector<16xf32>
        %parallel_loop3A_997 = arith.mulf %parallel_loop3A_715, %parallel_loop3A_994 : vector<16xf32>
        %parallel_loop3A_998 = arith.addf %parallel_loop3A_982, %parallel_loop3A_997 : vector<16xf32>
        %parallel_loop3A_999 = arith.index_cast %parallel_loop3A_207 : i32 to index
        %parallel_loop3A_1000 = arith.constant 96 : index
        %parallel_loop3A_1001 = tpu.vector_load %arg19[%parallel_loop3A_999, %parallel_loop3A_1000] {strides = array<i32>} : memref<16x192xf32, #tpu.memory_space<vmem>>, vector<1x16xf32>,
        %parallel_loop3A_1002 = vector.shape_cast %parallel_loop3A_1001 : vector<1x16xf32> to vector<16xf32>
        %parallel_loop3A_1003 = vector.shape_cast %parallel_loop3A_996 : vector<16xf32> to vector<1x16xf32>
        tpu.vector_store %arg19[%parallel_loop3A_999, %parallel_loop3A_1000], %parallel_loop3A_1003 {strides = array<i32>} : memref<16x192xf32, #tpu.memory_space<vmem>>, vector<1x16xf32>,
        %parallel_loop3A_1004 = arith.index_cast %parallel_loop3A_207 : i32 to index
        %parallel_loop3A_1005 = arith.constant 112 : index
        %parallel_loop3A_1006 = tpu.vector_load %arg19[%parallel_loop3A_1004, %parallel_loop3A_1005] {strides = array<i32>} : memref<16x192xf32, #tpu.memory_space<vmem>>, vector<1x16xf32>,
        %parallel_loop3A_1007 = vector.shape_cast %parallel_loop3A_1006 : vector<1x16xf32> to vector<16xf32>
        %parallel_loop3A_1008 = vector.shape_cast %parallel_loop3A_998 : vector<16xf32> to vector<1x16xf32>
        tpu.vector_store %arg19[%parallel_loop3A_1004, %parallel_loop3A_1005], %parallel_loop3A_1008 {strides = array<i32>} : memref<16x192xf32, #tpu.memory_space<vmem>>, vector<1x16xf32>,
        %parallel_loop3A_1009 = arith.index_cast %parallel_loop3A_207 : i32 to index
        %parallel_loop3A_1010 = arith.constant 160 : index
        %parallel_loop3A_1011 = tpu.vector_load %arg12[%parallel_loop3A_1009, %parallel_loop3A_1010] {strides = array<i32>} : memref<16x384xi32, #tpu.memory_space<vmem>>, vector<1x16xi32>,
        %parallel_loop3A_1012 = vector.shape_cast %parallel_loop3A_1011 : vector<1x16xi32> to vector<16xi32>
        %parallel_loop3A_1013 = arith.constant 16 : i32
        %parallel_loop3A_1014 = vector.broadcast %parallel_loop3A_1013 : i32 to vector<16xi32>
        %parallel_loop3A_1015 = arith.shli %parallel_loop3A_1012, %parallel_loop3A_1014 : vector<16xi32>
        %parallel_loop3A_1016 = tpu.bitcast %parallel_loop3A_1015 : vector<16xi32> -> vector<16xf32>
        %parallel_loop3A_1017 = arith.constant -65536 : i32
        %parallel_loop3A_1018 = vector.broadcast %parallel_loop3A_1017 : i32 to vector<16xi32>
        %parallel_loop3A_1019 = arith.andi %parallel_loop3A_1012, %parallel_loop3A_1018 : vector<16xi32>
        %parallel_loop3A_1020 = tpu.bitcast %parallel_loop3A_1019 : vector<16xi32> -> vector<16xf32>
        %parallel_loop3A_1021 = arith.mulf %parallel_loop3A_697, %parallel_loop3A_1016 : vector<16xf32>
        %parallel_loop3A_1022 = arith.mulf %parallel_loop3A_697, %parallel_loop3A_1020 : vector<16xf32>
        %parallel_loop3A_1023 = arith.index_cast %parallel_loop3A_207 : i32 to index
        %parallel_loop3A_1024 = arith.constant 352 : index
        %parallel_loop3A_1025 = tpu.vector_load %arg12[%parallel_loop3A_1023, %parallel_loop3A_1024] {strides = array<i32>} : memref<16x384xi32, #tpu.memory_space<vmem>>, vector<1x16xi32>,
        %parallel_loop3A_1026 = vector.shape_cast %parallel_loop3A_1025 : vector<1x16xi32> to vector<16xi32>
        %parallel_loop3A_1027 = arith.constant 16 : i32
        %parallel_loop3A_1028 = vector.broadcast %parallel_loop3A_1027 : i32 to vector<16xi32>
        %parallel_loop3A_1029 = arith.shli %parallel_loop3A_1026, %parallel_loop3A_1028 : vector<16xi32>
        %parallel_loop3A_1030 = tpu.bitcast %parallel_loop3A_1029 : vector<16xi32> -> vector<16xf32>
        %parallel_loop3A_1031 = arith.constant -65536 : i32
        %parallel_loop3A_1032 = vector.broadcast %parallel_loop3A_1031 : i32 to vector<16xi32>
        %parallel_loop3A_1033 = arith.andi %parallel_loop3A_1026, %parallel_loop3A_1032 : vector<16xi32>
        %parallel_loop3A_1034 = tpu.bitcast %parallel_loop3A_1033 : vector<16xi32> -> vector<16xf32>
        %parallel_loop3A_1035 = arith.mulf %parallel_loop3A_703, %parallel_loop3A_1030 : vector<16xf32>
        %parallel_loop3A_1036 = arith.addf %parallel_loop3A_1021, %parallel_loop3A_1035 : vector<16xf32>
        %parallel_loop3A_1037 = arith.mulf %parallel_loop3A_703, %parallel_loop3A_1034 : vector<16xf32>
        %parallel_loop3A_1038 = arith.addf %parallel_loop3A_1022, %parallel_loop3A_1037 : vector<16xf32>
        %parallel_loop3A_1039 = arith.index_cast %parallel_loop3A_207 : i32 to index
        %parallel_loop3A_1040 = arith.constant 160 : index
        %parallel_loop3A_1041 = tpu.vector_load %arg13[%parallel_loop3A_1039, %parallel_loop3A_1040] {strides = array<i32>} : memref<16x384xi32, #tpu.memory_space<vmem>>, vector<1x16xi32>,
        %parallel_loop3A_1042 = vector.shape_cast %parallel_loop3A_1041 : vector<1x16xi32> to vector<16xi32>
        %parallel_loop3A_1043 = arith.constant 16 : i32
        %parallel_loop3A_1044 = vector.broadcast %parallel_loop3A_1043 : i32 to vector<16xi32>
        %parallel_loop3A_1045 = arith.shli %parallel_loop3A_1042, %parallel_loop3A_1044 : vector<16xi32>
        %parallel_loop3A_1046 = tpu.bitcast %parallel_loop3A_1045 : vector<16xi32> -> vector<16xf32>
        %parallel_loop3A_1047 = arith.constant -65536 : i32
        %parallel_loop3A_1048 = vector.broadcast %parallel_loop3A_1047 : i32 to vector<16xi32>
        %parallel_loop3A_1049 = arith.andi %parallel_loop3A_1042, %parallel_loop3A_1048 : vector<16xi32>
        %parallel_loop3A_1050 = tpu.bitcast %parallel_loop3A_1049 : vector<16xi32> -> vector<16xf32>
        %parallel_loop3A_1051 = arith.mulf %parallel_loop3A_709, %parallel_loop3A_1046 : vector<16xf32>
        %parallel_loop3A_1052 = arith.addf %parallel_loop3A_1036, %parallel_loop3A_1051 : vector<16xf32>
        %parallel_loop3A_1053 = arith.mulf %parallel_loop3A_709, %parallel_loop3A_1050 : vector<16xf32>
        %parallel_loop3A_1054 = arith.addf %parallel_loop3A_1038, %parallel_loop3A_1053 : vector<16xf32>
        %parallel_loop3A_1055 = arith.index_cast %parallel_loop3A_207 : i32 to index
        %parallel_loop3A_1056 = arith.constant 352 : index
        %parallel_loop3A_1057 = tpu.vector_load %arg13[%parallel_loop3A_1055, %parallel_loop3A_1056] {strides = array<i32>} : memref<16x384xi32, #tpu.memory_space<vmem>>, vector<1x16xi32>,
        %parallel_loop3A_1058 = vector.shape_cast %parallel_loop3A_1057 : vector<1x16xi32> to vector<16xi32>
        %parallel_loop3A_1059 = arith.constant 16 : i32
        %parallel_loop3A_1060 = vector.broadcast %parallel_loop3A_1059 : i32 to vector<16xi32>
        %parallel_loop3A_1061 = arith.shli %parallel_loop3A_1058, %parallel_loop3A_1060 : vector<16xi32>
        %parallel_loop3A_1062 = tpu.bitcast %parallel_loop3A_1061 : vector<16xi32> -> vector<16xf32>
        %parallel_loop3A_1063 = arith.constant -65536 : i32
        %parallel_loop3A_1064 = vector.broadcast %parallel_loop3A_1063 : i32 to vector<16xi32>
        %parallel_loop3A_1065 = arith.andi %parallel_loop3A_1058, %parallel_loop3A_1064 : vector<16xi32>
        %parallel_loop3A_1066 = tpu.bitcast %parallel_loop3A_1065 : vector<16xi32> -> vector<16xf32>
        %parallel_loop3A_1067 = arith.mulf %parallel_loop3A_715, %parallel_loop3A_1062 : vector<16xf32>
        %parallel_loop3A_1068 = arith.addf %parallel_loop3A_1052, %parallel_loop3A_1067 : vector<16xf32>
        %parallel_loop3A_1069 = arith.mulf %parallel_loop3A_715, %parallel_loop3A_1066 : vector<16xf32>
        %parallel_loop3A_1070 = arith.addf %parallel_loop3A_1054, %parallel_loop3A_1069 : vector<16xf32>
        %parallel_loop3A_1071 = arith.index_cast %parallel_loop3A_207 : i32 to index
        %parallel_loop3A_1072 = arith.constant 128 : index
        %parallel_loop3A_1073 = tpu.vector_load %arg19[%parallel_loop3A_1071, %parallel_loop3A_1072] {strides = array<i32>} : memref<16x192xf32, #tpu.memory_space<vmem>>, vector<1x16xf32>,
        %parallel_loop3A_1074 = vector.shape_cast %parallel_loop3A_1073 : vector<1x16xf32> to vector<16xf32>
        %parallel_loop3A_1075 = vector.shape_cast %parallel_loop3A_1068 : vector<16xf32> to vector<1x16xf32>
        tpu.vector_store %arg19[%parallel_loop3A_1071, %parallel_loop3A_1072], %parallel_loop3A_1075 {strides = array<i32>} : memref<16x192xf32, #tpu.memory_space<vmem>>, vector<1x16xf32>,
        %parallel_loop3A_1076 = arith.index_cast %parallel_loop3A_207 : i32 to index
        %parallel_loop3A_1077 = arith.constant 144 : index
        %parallel_loop3A_1078 = tpu.vector_load %arg19[%parallel_loop3A_1076, %parallel_loop3A_1077] {strides = array<i32>} : memref<16x192xf32, #tpu.memory_space<vmem>>, vector<1x16xf32>,
        %parallel_loop3A_1079 = vector.shape_cast %parallel_loop3A_1078 : vector<1x16xf32> to vector<16xf32>
        %parallel_loop3A_1080 = vector.shape_cast %parallel_loop3A_1070 : vector<16xf32> to vector<1x16xf32>
        tpu.vector_store %arg19[%parallel_loop3A_1076, %parallel_loop3A_1077], %parallel_loop3A_1080 {strides = array<i32>} : memref<16x192xf32, #tpu.memory_space<vmem>>, vector<1x16xf32>,
        %parallel_loop3A_1081 = arith.index_cast %parallel_loop3A_207 : i32 to index
        %parallel_loop3A_1082 = arith.constant 176 : index
        %parallel_loop3A_1083 = tpu.vector_load %arg12[%parallel_loop3A_1081, %parallel_loop3A_1082] {strides = array<i32>} : memref<16x384xi32, #tpu.memory_space<vmem>>, vector<1x16xi32>,
        %parallel_loop3A_1084 = vector.shape_cast %parallel_loop3A_1083 : vector<1x16xi32> to vector<16xi32>
        %parallel_loop3A_1085 = arith.constant 16 : i32
        %parallel_loop3A_1086 = vector.broadcast %parallel_loop3A_1085 : i32 to vector<16xi32>
        %parallel_loop3A_1087 = arith.shli %parallel_loop3A_1084, %parallel_loop3A_1086 : vector<16xi32>
        %parallel_loop3A_1088 = tpu.bitcast %parallel_loop3A_1087 : vector<16xi32> -> vector<16xf32>
        %parallel_loop3A_1089 = arith.constant -65536 : i32
        %parallel_loop3A_1090 = vector.broadcast %parallel_loop3A_1089 : i32 to vector<16xi32>
        %parallel_loop3A_1091 = arith.andi %parallel_loop3A_1084, %parallel_loop3A_1090 : vector<16xi32>
        %parallel_loop3A_1092 = tpu.bitcast %parallel_loop3A_1091 : vector<16xi32> -> vector<16xf32>
        %parallel_loop3A_1093 = arith.mulf %parallel_loop3A_697, %parallel_loop3A_1088 : vector<16xf32>
        %parallel_loop3A_1094 = arith.mulf %parallel_loop3A_697, %parallel_loop3A_1092 : vector<16xf32>
        %parallel_loop3A_1095 = arith.index_cast %parallel_loop3A_207 : i32 to index
        %parallel_loop3A_1096 = arith.constant 368 : index
        %parallel_loop3A_1097 = tpu.vector_load %arg12[%parallel_loop3A_1095, %parallel_loop3A_1096] {strides = array<i32>} : memref<16x384xi32, #tpu.memory_space<vmem>>, vector<1x16xi32>,
        %parallel_loop3A_1098 = vector.shape_cast %parallel_loop3A_1097 : vector<1x16xi32> to vector<16xi32>
        %parallel_loop3A_1099 = arith.constant 16 : i32
        %parallel_loop3A_1100 = vector.broadcast %parallel_loop3A_1099 : i32 to vector<16xi32>
        %parallel_loop3A_1101 = arith.shli %parallel_loop3A_1098, %parallel_loop3A_1100 : vector<16xi32>
        %parallel_loop3A_1102 = tpu.bitcast %parallel_loop3A_1101 : vector<16xi32> -> vector<16xf32>
        %parallel_loop3A_1103 = arith.constant -65536 : i32
        %parallel_loop3A_1104 = vector.broadcast %parallel_loop3A_1103 : i32 to vector<16xi32>
        %parallel_loop3A_1105 = arith.andi %parallel_loop3A_1098, %parallel_loop3A_1104 : vector<16xi32>
        %parallel_loop3A_1106 = tpu.bitcast %parallel_loop3A_1105 : vector<16xi32> -> vector<16xf32>
        %parallel_loop3A_1107 = arith.mulf %parallel_loop3A_703, %parallel_loop3A_1102 : vector<16xf32>
        %parallel_loop3A_1108 = arith.addf %parallel_loop3A_1093, %parallel_loop3A_1107 : vector<16xf32>
        %parallel_loop3A_1109 = arith.mulf %parallel_loop3A_703, %parallel_loop3A_1106 : vector<16xf32>
        %parallel_loop3A_1110 = arith.addf %parallel_loop3A_1094, %parallel_loop3A_1109 : vector<16xf32>
        %parallel_loop3A_1111 = arith.index_cast %parallel_loop3A_207 : i32 to index
        %parallel_loop3A_1112 = arith.constant 176 : index
        %parallel_loop3A_1113 = tpu.vector_load %arg13[%parallel_loop3A_1111, %parallel_loop3A_1112] {strides = array<i32>} : memref<16x384xi32, #tpu.memory_space<vmem>>, vector<1x16xi32>,
        %parallel_loop3A_1114 = vector.shape_cast %parallel_loop3A_1113 : vector<1x16xi32> to vector<16xi32>
        %parallel_loop3A_1115 = arith.constant 16 : i32
        %parallel_loop3A_1116 = vector.broadcast %parallel_loop3A_1115 : i32 to vector<16xi32>
        %parallel_loop3A_1117 = arith.shli %parallel_loop3A_1114, %parallel_loop3A_1116 : vector<16xi32>
        %parallel_loop3A_1118 = tpu.bitcast %parallel_loop3A_1117 : vector<16xi32> -> vector<16xf32>
        %parallel_loop3A_1119 = arith.constant -65536 : i32
        %parallel_loop3A_1120 = vector.broadcast %parallel_loop3A_1119 : i32 to vector<16xi32>
        %parallel_loop3A_1121 = arith.andi %parallel_loop3A_1114, %parallel_loop3A_1120 : vector<16xi32>
        %parallel_loop3A_1122 = tpu.bitcast %parallel_loop3A_1121 : vector<16xi32> -> vector<16xf32>
        %parallel_loop3A_1123 = arith.mulf %parallel_loop3A_709, %parallel_loop3A_1118 : vector<16xf32>
        %parallel_loop3A_1124 = arith.addf %parallel_loop3A_1108, %parallel_loop3A_1123 : vector<16xf32>
        %parallel_loop3A_1125 = arith.mulf %parallel_loop3A_709, %parallel_loop3A_1122 : vector<16xf32>
        %parallel_loop3A_1126 = arith.addf %parallel_loop3A_1110, %parallel_loop3A_1125 : vector<16xf32>
        %parallel_loop3A_1127 = arith.index_cast %parallel_loop3A_207 : i32 to index
        %parallel_loop3A_1128 = arith.constant 368 : index
        %parallel_loop3A_1129 = tpu.vector_load %arg13[%parallel_loop3A_1127, %parallel_loop3A_1128] {strides = array<i32>} : memref<16x384xi32, #tpu.memory_space<vmem>>, vector<1x16xi32>,
        %parallel_loop3A_1130 = vector.shape_cast %parallel_loop3A_1129 : vector<1x16xi32> to vector<16xi32>
        %parallel_loop3A_1131 = arith.constant 16 : i32
        %parallel_loop3A_1132 = vector.broadcast %parallel_loop3A_1131 : i32 to vector<16xi32>
        %parallel_loop3A_1133 = arith.shli %parallel_loop3A_1130, %parallel_loop3A_1132 : vector<16xi32>
        %parallel_loop3A_1134 = tpu.bitcast %parallel_loop3A_1133 : vector<16xi32> -> vector<16xf32>
        %parallel_loop3A_1135 = arith.constant -65536 : i32
        %parallel_loop3A_1136 = vector.broadcast %parallel_loop3A_1135 : i32 to vector<16xi32>
        %parallel_loop3A_1137 = arith.andi %parallel_loop3A_1130, %parallel_loop3A_1136 : vector<16xi32>
        %parallel_loop3A_1138 = tpu.bitcast %parallel_loop3A_1137 : vector<16xi32> -> vector<16xf32>
        %parallel_loop3A_1139 = arith.mulf %parallel_loop3A_715, %parallel_loop3A_1134 : vector<16xf32>
        %parallel_loop3A_1140 = arith.addf %parallel_loop3A_1124, %parallel_loop3A_1139 : vector<16xf32>
        %parallel_loop3A_1141 = arith.mulf %parallel_loop3A_715, %parallel_loop3A_1138 : vector<16xf32>
        %parallel_loop3A_1142 = arith.addf %parallel_loop3A_1126, %parallel_loop3A_1141 : vector<16xf32>
        %parallel_loop3A_1143 = arith.index_cast %parallel_loop3A_207 : i32 to index
        %parallel_loop3A_1144 = arith.constant 160 : index
        %parallel_loop3A_1145 = tpu.vector_load %arg19[%parallel_loop3A_1143, %parallel_loop3A_1144] {strides = array<i32>} : memref<16x192xf32, #tpu.memory_space<vmem>>, vector<1x16xf32>,
        %parallel_loop3A_1146 = vector.shape_cast %parallel_loop3A_1145 : vector<1x16xf32> to vector<16xf32>
        %parallel_loop3A_1147 = vector.shape_cast %parallel_loop3A_1140 : vector<16xf32> to vector<1x16xf32>
        tpu.vector_store %arg19[%parallel_loop3A_1143, %parallel_loop3A_1144], %parallel_loop3A_1147 {strides = array<i32>} : memref<16x192xf32, #tpu.memory_space<vmem>>, vector<1x16xf32>,
        %parallel_loop3A_1148 = arith.index_cast %parallel_loop3A_207 : i32 to index
        %parallel_loop3A_1149 = arith.constant 176 : index
        %parallel_loop3A_1150 = tpu.vector_load %arg19[%parallel_loop3A_1148, %parallel_loop3A_1149] {strides = array<i32>} : memref<16x192xf32, #tpu.memory_space<vmem>>, vector<1x16xf32>,
        %parallel_loop3A_1151 = vector.shape_cast %parallel_loop3A_1150 : vector<1x16xf32> to vector<16xf32>
        %parallel_loop3A_1152 = vector.shape_cast %parallel_loop3A_1142 : vector<16xf32> to vector<1x16xf32>
        tpu.vector_store %arg19[%parallel_loop3A_1148, %parallel_loop3A_1149], %parallel_loop3A_1152 {strides = array<i32>} : memref<16x192xf32, #tpu.memory_space<vmem>>, vector<1x16xf32>,
      } {sc.loop_unroll_factor = 1 : i64, sc.parallel_access}
      %dma_start3A_199 = arith.constant 0 : i32
      %dma_start3A_200 = tpu.memref_slice %arg6[%add3A_78, %dma_start3A_199] : memref<50176x192xf32, #tpu.memory_space<hbm>> -> memref<16x192xf32, #tpu.memory_space<hbm>>
      %dma_start3A_201 = arith.constant 0 : i32
      %dma_start3A_202 = tpu.memref_slice %arg6[%add3A_78, %dma_start3A_201] : memref<50176x192xf32, #tpu.memory_space<hbm>> -> memref<16x192xf32, #tpu.memory_space<hbm>>
      tpu.enqueue_dma source(%arg19 : memref<16x192xf32, #tpu.memory_space<vmem>>) target(%dma_start3A_202 : memref<16x192xf32, #tpu.memory_space<hbm>>) target_semaphore(%arg25 : memref<!tpu.dma_semaphore, #tpu.memory_space<semaphore_mem>>)
      %dma_start3A_203 = arith.constant 0 : i32
      %dma_start3A_204 = tpu.memref_slice %arg7[%add3A_78, %dma_start3A_203] : memref<50176x64xf32, #tpu.memory_space<hbm>> -> memref<16x64xf32, #tpu.memory_space<hbm>>
      %dma_start3A_205 = arith.constant 0 : i32
      %dma_start3A_206 = tpu.memref_slice %arg7[%add3A_78, %dma_start3A_205] : memref<50176x64xf32, #tpu.memory_space<hbm>> -> memref<16x64xf32, #tpu.memory_space<hbm>>
      tpu.enqueue_dma source(%arg21 : memref<16x64xf32, #tpu.memory_space<vmem>>) target(%dma_start3A_206 : memref<16x64xf32, #tpu.memory_space<hbm>>) target_semaphore(%arg25 : memref<!tpu.dma_semaphore, #tpu.memory_space<semaphore_mem>>)
    }
    %scan3A_38 = arith.constant 49 : i32
    %get3A_39 = arith.constant 0 : index
    %get3A_40 = tpu.vector_load %arg8[%get3A_39] {strides = array<i32>} : memref<1568xi32, #tpu.memory_space<vmem>>, vector<16xi32>,
    %get3A_41 = vector.shape_cast %get3A_40 : vector<16xi32> to vector<16xi32>
    %dma_wait3A = arith.constant 0 : i32
    %dma_wait3A_42 = arith.constant 0 : i32
    %dma_wait3A_43 = tpu.memref_slice %arg2[%dma_wait3A, %dma_wait3A_42] : memref<50624x384xi32, #tpu.memory_space<hbm>> -> memref<50624x384xi32, #tpu.memory_space<hbm>>
    tpu.wait_indirect_dma semaphore(%arg22 : memref<!tpu.dma_semaphore, #tpu.memory_space<semaphore_mem>>) src(%dma_wait3A_43 : memref<50624x384xi32, #tpu.memory_space<hbm>>) dst(%arg10 : memref<16x384xi32, #tpu.memory_space<vmem>>)
    %dma_wait3A_44 = arith.constant 0 : i32
    %dma_wait3A_45 = arith.constant 0 : i32
    %dma_wait3A_46 = tpu.memref_slice %arg2[%dma_wait3A_44, %dma_wait3A_45] : memref<50624x384xi32, #tpu.memory_space<hbm>> -> memref<50624x384xi32, #tpu.memory_space<hbm>>
    tpu.wait_indirect_dma semaphore(%arg22 : memref<!tpu.dma_semaphore, #tpu.memory_space<semaphore_mem>>) src(%dma_wait3A_46 : memref<50624x384xi32, #tpu.memory_space<hbm>>) dst(%arg11 : memref<16x384xi32, #tpu.memory_space<vmem>>)
    %dma_wait3A_47 = arith.constant 0 : i32
    %dma_wait3A_48 = tpu.memref_slice %arg3[%mul3A_2, %dma_wait3A_47] : memref<50176x192xf32, #tpu.memory_space<hbm>> -> memref<16x192xf32, #tpu.memory_space<hbm>>
    %dma_wait3A_49 = arith.constant 0 : i32
    %dma_wait3A_50 = tpu.memref_slice %arg3[%mul3A_2, %dma_wait3A_49] : memref<50176x192xf32, #tpu.memory_space<hbm>> -> memref<16x192xf32, #tpu.memory_space<hbm>>
    tpu.wait_dma2 semaphore(%arg22 : memref<!tpu.dma_semaphore, #tpu.memory_space<semaphore_mem>>) src(%dma_wait3A_50 : memref<16x192xf32, #tpu.memory_space<hbm>>) dst(%arg14 : memref<16x192xf32, #tpu.memory_space<vmem>>)
    %dma_wait3A_51 = arith.constant 0 : i32
    %dma_wait3A_52 = tpu.memref_slice %arg4[%mul3A_2, %dma_wait3A_51] : memref<50176x64xf32, #tpu.memory_space<hbm>> -> memref<16x64xf32, #tpu.memory_space<hbm>>
    %dma_wait3A_53 = arith.constant 0 : i32
    %dma_wait3A_54 = tpu.memref_slice %arg4[%mul3A_2, %dma_wait3A_53] : memref<50176x64xf32, #tpu.memory_space<hbm>> -> memref<16x64xf32, #tpu.memory_space<hbm>>
    tpu.wait_dma2 semaphore(%arg22 : memref<!tpu.dma_semaphore, #tpu.memory_space<semaphore_mem>>) src(%dma_wait3A_54 : memref<16x64xf32, #tpu.memory_space<hbm>>) dst(%arg16 : memref<16x64xf32, #tpu.memory_space<vmem>>)
    %dma_wait3A_55 = arith.constant 0 : i32
    %dma_wait3A_56 = tpu.memref_slice %arg6[%mul3A_2, %dma_wait3A_55] : memref<50176x192xf32, #tpu.memory_space<hbm>> -> memref<16x192xf32, #tpu.memory_space<hbm>>
    %dma_wait3A_57 = arith.constant 0 : i32
    %dma_wait3A_58 = tpu.memref_slice %arg6[%mul3A_2, %dma_wait3A_57] : memref<50176x192xf32, #tpu.memory_space<hbm>> -> memref<16x192xf32, #tpu.memory_space<hbm>>
    tpu.wait_dma2 semaphore(%arg24 : memref<!tpu.dma_semaphore, #tpu.memory_space<semaphore_mem>>) src(%arg18 : memref<16x192xf32, #tpu.memory_space<vmem>>) dst(%dma_wait3A_58 : memref<16x192xf32, #tpu.memory_space<hbm>>)
    %dma_wait3A_59 = arith.constant 0 : i32
    %dma_wait3A_60 = tpu.memref_slice %arg7[%mul3A_2, %dma_wait3A_59] : memref<50176x64xf32, #tpu.memory_space<hbm>> -> memref<16x64xf32, #tpu.memory_space<hbm>>
    %dma_wait3A_61 = arith.constant 0 : i32
    %dma_wait3A_62 = tpu.memref_slice %arg7[%mul3A_2, %dma_wait3A_61] : memref<50176x64xf32, #tpu.memory_space<hbm>> -> memref<16x64xf32, #tpu.memory_space<hbm>>
    tpu.wait_dma2 semaphore(%arg24 : memref<!tpu.dma_semaphore, #tpu.memory_space<semaphore_mem>>) src(%arg20 : memref<16x64xf32, #tpu.memory_space<vmem>>) dst(%dma_wait3A_62 : memref<16x64xf32, #tpu.memory_space<hbm>>)
    %dma_wait3A_63 = arith.constant 0 : i32
    %dma_wait3A_64 = tpu.memref_slice %arg6[%mul3A_2, %dma_wait3A_63] : memref<50176x192xf32, #tpu.memory_space<hbm>> -> memref<16x192xf32, #tpu.memory_space<hbm>>
    %dma_wait3A_65 = arith.constant 0 : i32
    %dma_wait3A_66 = tpu.memref_slice %arg6[%mul3A_2, %dma_wait3A_65] : memref<50176x192xf32, #tpu.memory_space<hbm>> -> memref<16x192xf32, #tpu.memory_space<hbm>>
    tpu.wait_dma2 semaphore(%arg25 : memref<!tpu.dma_semaphore, #tpu.memory_space<semaphore_mem>>) src(%arg19 : memref<16x192xf32, #tpu.memory_space<vmem>>) dst(%dma_wait3A_66 : memref<16x192xf32, #tpu.memory_space<hbm>>)
    %dma_wait3A_67 = arith.constant 0 : i32
    %dma_wait3A_68 = tpu.memref_slice %arg7[%mul3A_2, %dma_wait3A_67] : memref<50176x64xf32, #tpu.memory_space<hbm>> -> memref<16x64xf32, #tpu.memory_space<hbm>>
    %dma_wait3A_69 = arith.constant 0 : i32
    %dma_wait3A_70 = tpu.memref_slice %arg7[%mul3A_2, %dma_wait3A_69] : memref<50176x64xf32, #tpu.memory_space<hbm>> -> memref<16x64xf32, #tpu.memory_space<hbm>>
    tpu.wait_dma2 semaphore(%arg25 : memref<!tpu.dma_semaphore, #tpu.memory_space<semaphore_mem>>) src(%arg21 : memref<16x64xf32, #tpu.memory_space<vmem>>) dst(%dma_wait3A_70 : memref<16x64xf32, #tpu.memory_space<hbm>>)
    return
  }
}

module attributes {stable_mosaic.version = 14 : i64} {
  func.func @_phase_a_body(%arg0: i32, %arg1: memref<1x96x8x224xf32, #tpu.memory_space<vmem>>, %arg2: memref<1x96x8x224xf32, #tpu.memory_space<vmem>>, %arg3: memref<2x1792xf32, #tpu.memory_space<vmem>>, %arg4: memref<192x96xf32, #tpu.memory_space<vmem>>, %arg5: memref<192x96xf32, #tpu.memory_space<vmem>>, %arg6: memref<192x96xf32, #tpu.memory_space<vmem>>, %arg7: memref<192x96xf32, #tpu.memory_space<vmem>>, %arg8: memref<1x192xf32, #tpu.memory_space<vmem>>, %arg9: memref<192x64xf32, #tpu.memory_space<vmem>>, %arg10: memref<1808x384xi32, #tpu.memory_space<vmem>>, %arg11: memref<1792x192xf32, #tpu.memory_space<vmem>>, %arg12: memref<1792x64xf32, #tpu.memory_space<vmem>>, %arg13: memref<2x1792xi32, #tpu.memory_space<vmem>>) attributes {dimension_semantics = [#tpu.dimension_semantics<arbitrary>], iteration_bounds = array<i64: 28>, scalar_prefetch = 0 : i64, scratch_operands = 0 : i64, tpu.core_type = #tpu.core_type<tc>, window_params = [{transform_indices = @transform_0, window_bounds = array<i64: 1, 96, 8, 224>}, {transform_indices = @transform_1, window_bounds = array<i64: 1, 96, 8, 224>}, {transform_indices = @transform_2, window_bounds = array<i64: 2, 1792>}, {pipeline_mode = #tpu.pipeline_mode<synchronous>, transform_indices = @transform_3, window_bounds = array<i64: 192, 96>}, {pipeline_mode = #tpu.pipeline_mode<synchronous>, transform_indices = @transform_4, window_bounds = array<i64: 192, 96>}, {pipeline_mode = #tpu.pipeline_mode<synchronous>, transform_indices = @transform_5, window_bounds = array<i64: 192, 96>}, {pipeline_mode = #tpu.pipeline_mode<synchronous>, transform_indices = @transform_6, window_bounds = array<i64: 192, 96>}, {pipeline_mode = #tpu.pipeline_mode<synchronous>, transform_indices = @transform_7, window_bounds = array<i64: 1, 192>}, {pipeline_mode = #tpu.pipeline_mode<synchronous>, transform_indices = @transform_8, window_bounds = array<i64: 192, 64>}, {transform_indices = @transform_9, window_bounds = array<i64: 1808, 384>}, {transform_indices = @transform_10, window_bounds = array<i64: 1792, 192>}, {transform_indices = @transform_11, window_bounds = array<i64: 1792, 64>}, {transform_indices = @transform_12, window_bounds = array<i64: 2, 1792>}]} {
    %get3A = arith.constant 0 : index
    %get3A_0 = arith.constant 0 : index
    %get3A_1 = arith.constant 0 : index
    %get3A_2 = arith.constant 0 : index
    %get3A_3 = vector.load %arg1[%get3A, %get3A_0, %get3A_1, %get3A_2] : memref<1x96x8x224xf32, #tpu.memory_space<vmem>>, vector<1x96x1x224xf32>
    %get3A_4 = vector.shape_cast %get3A_3 : vector<1x96x1x224xf32> to vector<96x224xf32>
    %get3A_5 = arith.constant 0 : index
    %get3A_6 = arith.constant 0 : index
    %get3A_7 = vector.load %arg4[%get3A_5, %get3A_6] : memref<192x96xf32, #tpu.memory_space<vmem>>, vector<192x96xf32>
    %dot_general3A = arith.constant dense<0.000000e+00> : vector<224x192xf32>
    %dot_general3A_8 = tpu.matmul %get3A_4, %get3A_7, %dot_general3A {dimension_numbers = #tpu.dot_dimension_numbers<[0], [1], [1], [0], [0, 1, 1, 0], [], []>, transpose_lhs_hint = false} : vector<96x224xf32>, vector<192x96xf32>, vector<224x192xf32> -> vector<224x192xf32>
    %get3A_9 = arith.constant 0 : index
    %get3A_10 = arith.constant 0 : index
    %get3A_11 = arith.constant 0 : index
    %get3A_12 = arith.constant 0 : index
    %get3A_13 = vector.load %arg1[%get3A_9, %get3A_10, %get3A_11, %get3A_12] : memref<1x96x8x224xf32, #tpu.memory_space<vmem>>, vector<1x96x1x224xf32>
    %get3A_14 = vector.shape_cast %get3A_13 : vector<1x96x1x224xf32> to vector<96x224xf32>
    %get3A_15 = arith.constant 0 : index
    %get3A_16 = arith.constant 0 : index
    %get3A_17 = vector.load %arg5[%get3A_15, %get3A_16] : memref<192x96xf32, #tpu.memory_space<vmem>>, vector<192x96xf32>
    %dot_general3A_18 = arith.constant dense<0.000000e+00> : vector<224x192xf32>
    %dot_general3A_19 = tpu.matmul %get3A_14, %get3A_17, %dot_general3A_18 {dimension_numbers = #tpu.dot_dimension_numbers<[0], [1], [1], [0], [0, 1, 1, 0], [], []>, transpose_lhs_hint = false} : vector<96x224xf32>, vector<192x96xf32>, vector<224x192xf32> -> vector<224x192xf32>
    %bitcast_convert_type3A = tpu.bitcast %dot_general3A_8 : vector<224x192xf32> -> vector<224x192xi32>
    %add3A = arith.constant 32767 : i32
    %add3A_20 = vector.broadcast %add3A : i32 to vector<224x192xi32>
    %add3A_21 = arith.addi %bitcast_convert_type3A, %add3A_20 : vector<224x192xi32>
    %shift_right_logical3A = arith.constant 16 : i32
    %shift_right_logical3A_22 = vector.broadcast %shift_right_logical3A : i32 to vector<224x192xi32>
    %shift_right_logical3A_23 = arith.shrui %bitcast_convert_type3A, %shift_right_logical3A_22 : vector<224x192xi32>
    %and3A = arith.constant 1 : i32
    %and3A_24 = vector.broadcast %and3A : i32 to vector<224x192xi32>
    %and3A_25 = arith.andi %shift_right_logical3A_23, %and3A_24 : vector<224x192xi32>
    %add3A_26 = arith.addi %add3A_21, %and3A_25 : vector<224x192xi32>
    %shift_right_logical3A_27 = arith.constant 16 : i32
    %shift_right_logical3A_28 = vector.broadcast %shift_right_logical3A_27 : i32 to vector<224x192xi32>
    %shift_right_logical3A_29 = arith.shrui %add3A_26, %shift_right_logical3A_28 : vector<224x192xi32>
    %bitcast_convert_type3A_30 = tpu.bitcast %dot_general3A_19 : vector<224x192xf32> -> vector<224x192xi32>
    %add3A_31 = arith.constant 32767 : i32
    %add3A_32 = vector.broadcast %add3A_31 : i32 to vector<224x192xi32>
    %add3A_33 = arith.addi %bitcast_convert_type3A_30, %add3A_32 : vector<224x192xi32>
    %shift_right_logical3A_34 = arith.constant 16 : i32
    %shift_right_logical3A_35 = vector.broadcast %shift_right_logical3A_34 : i32 to vector<224x192xi32>
    %shift_right_logical3A_36 = arith.shrui %bitcast_convert_type3A_30, %shift_right_logical3A_35 : vector<224x192xi32>
    %and3A_37 = arith.constant 1 : i32
    %and3A_38 = vector.broadcast %and3A_37 : i32 to vector<224x192xi32>
    %and3A_39 = arith.andi %shift_right_logical3A_36, %and3A_38 : vector<224x192xi32>
    %add3A_40 = arith.addi %add3A_33, %and3A_39 : vector<224x192xi32>
    %and3A_41 = arith.constant -65536 : i32
    %and3A_42 = vector.broadcast %and3A_41 : i32 to vector<224x192xi32>
    %and3A_43 = arith.andi %add3A_40, %and3A_42 : vector<224x192xi32>
    %or3A = arith.ori %shift_right_logical3A_29, %and3A_43 : vector<224x192xi32>
    %slice3A = vector.extract_strided_slice %or3A {offsets = [1, 0], sizes = [223, 192], strides = [1, 1]} : vector<224x192xi32> to vector<223x192xi32>
    %slice3A_44 = vector.extract_strided_slice %or3A {offsets = [223, 0], sizes = [1, 192], strides = [1, 1]} : vector<224x192xi32> to vector<1x192xi32>
    %concatenate3A = tpu.concatenate %slice3A, %slice3A_44 in 0 : vector<223x192xi32>, vector<1x192xi32> -> vector<224x192xi32>
    %concatenate3A_45 = tpu.concatenate %or3A, %concatenate3A in 1 : vector<224x192xi32>, vector<224x192xi32> -> vector<224x384xi32>
    %swap3A = arith.constant 0 : index
    %swap3A_46 = arith.constant 0 : index
    %swap3A_47 = vector.load %arg10[%swap3A, %swap3A_46] : memref<1808x384xi32, #tpu.memory_space<vmem>>, vector<224x384xi32>
    tpu.vector_store %arg10[%swap3A, %swap3A_46], %concatenate3A_45 {strides = array<i32>} : memref<1808x384xi32, #tpu.memory_space<vmem>>, vector<224x384xi32>,
    %slice3A_48 = vector.extract_strided_slice %or3A {offsets = [0, 0], sizes = [1, 192], strides = [1, 1]} : vector<224x192xi32> to vector<1x192xi32>
    %slice3A_49 = vector.extract_strided_slice %or3A {offsets = [223, 0], sizes = [1, 192], strides = [1, 1]} : vector<224x192xi32> to vector<1x192xi32>
    %concatenate3A_50 = tpu.concatenate %slice3A_48, %slice3A_48 in 1 : vector<1x192xi32>, vector<1x192xi32> -> vector<1x384xi32>
    %concatenate3A_51 = tpu.concatenate %slice3A_49, %slice3A_49 in 1 : vector<1x192xi32>, vector<1x192xi32> -> vector<1x384xi32>
    %get3A_52 = arith.constant 0 : index
    %get3A_53 = arith.constant 0 : index
    %get3A_54 = arith.constant 1 : index
    %get3A_55 = arith.constant 0 : index
    %get3A_56 = vector.load %arg1[%get3A_52, %get3A_53, %get3A_54, %get3A_55] : memref<1x96x8x224xf32, #tpu.memory_space<vmem>>, vector<1x96x1x224xf32>
    %get3A_57 = vector.shape_cast %get3A_56 : vector<1x96x1x224xf32> to vector<96x224xf32>
    %get3A_58 = arith.constant 0 : index
    %get3A_59 = arith.constant 0 : index
    %get3A_60 = vector.load %arg4[%get3A_58, %get3A_59] : memref<192x96xf32, #tpu.memory_space<vmem>>, vector<192x96xf32>
    %dot_general3A_61 = arith.constant dense<0.000000e+00> : vector<224x192xf32>
    %dot_general3A_62 = tpu.matmul %get3A_57, %get3A_60, %dot_general3A_61 {dimension_numbers = #tpu.dot_dimension_numbers<[0], [1], [1], [0], [0, 1, 1, 0], [], []>, transpose_lhs_hint = false} : vector<96x224xf32>, vector<192x96xf32>, vector<224x192xf32> -> vector<224x192xf32>
    %get3A_63 = arith.constant 0 : index
    %get3A_64 = arith.constant 0 : index
    %get3A_65 = arith.constant 1 : index
    %get3A_66 = arith.constant 0 : index
    %get3A_67 = vector.load %arg1[%get3A_63, %get3A_64, %get3A_65, %get3A_66] : memref<1x96x8x224xf32, #tpu.memory_space<vmem>>, vector<1x96x1x224xf32>
    %get3A_68 = vector.shape_cast %get3A_67 : vector<1x96x1x224xf32> to vector<96x224xf32>
    %get3A_69 = arith.constant 0 : index
    %get3A_70 = arith.constant 0 : index
    %get3A_71 = vector.load %arg5[%get3A_69, %get3A_70] : memref<192x96xf32, #tpu.memory_space<vmem>>, vector<192x96xf32>
    %dot_general3A_72 = arith.constant dense<0.000000e+00> : vector<224x192xf32>
    %dot_general3A_73 = tpu.matmul %get3A_68, %get3A_71, %dot_general3A_72 {dimension_numbers = #tpu.dot_dimension_numbers<[0], [1], [1], [0], [0, 1, 1, 0], [], []>, transpose_lhs_hint = false} : vector<96x224xf32>, vector<192x96xf32>, vector<224x192xf32> -> vector<224x192xf32>
    %bitcast_convert_type3A_74 = tpu.bitcast %dot_general3A_62 : vector<224x192xf32> -> vector<224x192xi32>
    %add3A_75 = arith.constant 32767 : i32
    %add3A_76 = vector.broadcast %add3A_75 : i32 to vector<224x192xi32>
    %add3A_77 = arith.addi %bitcast_convert_type3A_74, %add3A_76 : vector<224x192xi32>
    %shift_right_logical3A_78 = arith.constant 16 : i32
    %shift_right_logical3A_79 = vector.broadcast %shift_right_logical3A_78 : i32 to vector<224x192xi32>
    %shift_right_logical3A_80 = arith.shrui %bitcast_convert_type3A_74, %shift_right_logical3A_79 : vector<224x192xi32>
    %and3A_81 = arith.constant 1 : i32
    %and3A_82 = vector.broadcast %and3A_81 : i32 to vector<224x192xi32>
    %and3A_83 = arith.andi %shift_right_logical3A_80, %and3A_82 : vector<224x192xi32>
    %add3A_84 = arith.addi %add3A_77, %and3A_83 : vector<224x192xi32>
    %shift_right_logical3A_85 = arith.constant 16 : i32
    %shift_right_logical3A_86 = vector.broadcast %shift_right_logical3A_85 : i32 to vector<224x192xi32>
    %shift_right_logical3A_87 = arith.shrui %add3A_84, %shift_right_logical3A_86 : vector<224x192xi32>
    %bitcast_convert_type3A_88 = tpu.bitcast %dot_general3A_73 : vector<224x192xf32> -> vector<224x192xi32>
    %add3A_89 = arith.constant 32767 : i32
    %add3A_90 = vector.broadcast %add3A_89 : i32 to vector<224x192xi32>
    %add3A_91 = arith.addi %bitcast_convert_type3A_88, %add3A_90 : vector<224x192xi32>
    %shift_right_logical3A_92 = arith.constant 16 : i32
    %shift_right_logical3A_93 = vector.broadcast %shift_right_logical3A_92 : i32 to vector<224x192xi32>
    %shift_right_logical3A_94 = arith.shrui %bitcast_convert_type3A_88, %shift_right_logical3A_93 : vector<224x192xi32>
    %and3A_95 = arith.constant 1 : i32
    %and3A_96 = vector.broadcast %and3A_95 : i32 to vector<224x192xi32>
    %and3A_97 = arith.andi %shift_right_logical3A_94, %and3A_96 : vector<224x192xi32>
    %add3A_98 = arith.addi %add3A_91, %and3A_97 : vector<224x192xi32>
    %and3A_99 = arith.constant -65536 : i32
    %and3A_100 = vector.broadcast %and3A_99 : i32 to vector<224x192xi32>
    %and3A_101 = arith.andi %add3A_98, %and3A_100 : vector<224x192xi32>
    %or3A_102 = arith.ori %shift_right_logical3A_87, %and3A_101 : vector<224x192xi32>
    %slice3A_103 = vector.extract_strided_slice %or3A_102 {offsets = [1, 0], sizes = [223, 192], strides = [1, 1]} : vector<224x192xi32> to vector<223x192xi32>
    %slice3A_104 = vector.extract_strided_slice %or3A_102 {offsets = [223, 0], sizes = [1, 192], strides = [1, 1]} : vector<224x192xi32> to vector<1x192xi32>
    %concatenate3A_105 = tpu.concatenate %slice3A_103, %slice3A_104 in 0 : vector<223x192xi32>, vector<1x192xi32> -> vector<224x192xi32>
    %concatenate3A_106 = tpu.concatenate %or3A_102, %concatenate3A_105 in 1 : vector<224x192xi32>, vector<224x192xi32> -> vector<224x384xi32>
    %swap3A_107 = arith.constant 224 : index
    %swap3A_108 = arith.constant 0 : index
    %swap3A_109 = vector.load %arg10[%swap3A_107, %swap3A_108] : memref<1808x384xi32, #tpu.memory_space<vmem>>, vector<224x384xi32>
    tpu.vector_store %arg10[%swap3A_107, %swap3A_108], %concatenate3A_106 {strides = array<i32>} : memref<1808x384xi32, #tpu.memory_space<vmem>>, vector<224x384xi32>,
    %slice3A_110 = vector.extract_strided_slice %or3A_102 {offsets = [0, 0], sizes = [1, 192], strides = [1, 1]} : vector<224x192xi32> to vector<1x192xi32>
    %slice3A_111 = vector.extract_strided_slice %or3A_102 {offsets = [223, 0], sizes = [1, 192], strides = [1, 1]} : vector<224x192xi32> to vector<1x192xi32>
    %concatenate3A_112 = tpu.concatenate %slice3A_110, %slice3A_110 in 1 : vector<1x192xi32>, vector<1x192xi32> -> vector<1x384xi32>
    %concatenate3A_113 = tpu.concatenate %slice3A_111, %slice3A_111 in 1 : vector<1x192xi32>, vector<1x192xi32> -> vector<1x384xi32>
    %get3A_114 = arith.constant 0 : index
    %get3A_115 = arith.constant 0 : index
    %get3A_116 = arith.constant 2 : index
    %get3A_117 = arith.constant 0 : index
    %get3A_118 = vector.load %arg1[%get3A_114, %get3A_115, %get3A_116, %get3A_117] : memref<1x96x8x224xf32, #tpu.memory_space<vmem>>, vector<1x96x1x224xf32>
    %get3A_119 = vector.shape_cast %get3A_118 : vector<1x96x1x224xf32> to vector<96x224xf32>
    %get3A_120 = arith.constant 0 : index
    %get3A_121 = arith.constant 0 : index
    %get3A_122 = vector.load %arg4[%get3A_120, %get3A_121] : memref<192x96xf32, #tpu.memory_space<vmem>>, vector<192x96xf32>
    %dot_general3A_123 = arith.constant dense<0.000000e+00> : vector<224x192xf32>
    %dot_general3A_124 = tpu.matmul %get3A_119, %get3A_122, %dot_general3A_123 {dimension_numbers = #tpu.dot_dimension_numbers<[0], [1], [1], [0], [0, 1, 1, 0], [], []>, transpose_lhs_hint = false} : vector<96x224xf32>, vector<192x96xf32>, vector<224x192xf32> -> vector<224x192xf32>
    %get3A_125 = arith.constant 0 : index
    %get3A_126 = arith.constant 0 : index
    %get3A_127 = arith.constant 2 : index
    %get3A_128 = arith.constant 0 : index
    %get3A_129 = vector.load %arg1[%get3A_125, %get3A_126, %get3A_127, %get3A_128] : memref<1x96x8x224xf32, #tpu.memory_space<vmem>>, vector<1x96x1x224xf32>
    %get3A_130 = vector.shape_cast %get3A_129 : vector<1x96x1x224xf32> to vector<96x224xf32>
    %get3A_131 = arith.constant 0 : index
    %get3A_132 = arith.constant 0 : index
    %get3A_133 = vector.load %arg5[%get3A_131, %get3A_132] : memref<192x96xf32, #tpu.memory_space<vmem>>, vector<192x96xf32>
    %dot_general3A_134 = arith.constant dense<0.000000e+00> : vector<224x192xf32>
    %dot_general3A_135 = tpu.matmul %get3A_130, %get3A_133, %dot_general3A_134 {dimension_numbers = #tpu.dot_dimension_numbers<[0], [1], [1], [0], [0, 1, 1, 0], [], []>, transpose_lhs_hint = false} : vector<96x224xf32>, vector<192x96xf32>, vector<224x192xf32> -> vector<224x192xf32>
    %bitcast_convert_type3A_136 = tpu.bitcast %dot_general3A_124 : vector<224x192xf32> -> vector<224x192xi32>
    %add3A_137 = arith.constant 32767 : i32
    %add3A_138 = vector.broadcast %add3A_137 : i32 to vector<224x192xi32>
    %add3A_139 = arith.addi %bitcast_convert_type3A_136, %add3A_138 : vector<224x192xi32>
    %shift_right_logical3A_140 = arith.constant 16 : i32
    %shift_right_logical3A_141 = vector.broadcast %shift_right_logical3A_140 : i32 to vector<224x192xi32>
    %shift_right_logical3A_142 = arith.shrui %bitcast_convert_type3A_136, %shift_right_logical3A_141 : vector<224x192xi32>
    %and3A_143 = arith.constant 1 : i32
    %and3A_144 = vector.broadcast %and3A_143 : i32 to vector<224x192xi32>
    %and3A_145 = arith.andi %shift_right_logical3A_142, %and3A_144 : vector<224x192xi32>
    %add3A_146 = arith.addi %add3A_139, %and3A_145 : vector<224x192xi32>
    %shift_right_logical3A_147 = arith.constant 16 : i32
    %shift_right_logical3A_148 = vector.broadcast %shift_right_logical3A_147 : i32 to vector<224x192xi32>
    %shift_right_logical3A_149 = arith.shrui %add3A_146, %shift_right_logical3A_148 : vector<224x192xi32>
    %bitcast_convert_type3A_150 = tpu.bitcast %dot_general3A_135 : vector<224x192xf32> -> vector<224x192xi32>
    %add3A_151 = arith.constant 32767 : i32
    %add3A_152 = vector.broadcast %add3A_151 : i32 to vector<224x192xi32>
    %add3A_153 = arith.addi %bitcast_convert_type3A_150, %add3A_152 : vector<224x192xi32>
    %shift_right_logical3A_154 = arith.constant 16 : i32
    %shift_right_logical3A_155 = vector.broadcast %shift_right_logical3A_154 : i32 to vector<224x192xi32>
    %shift_right_logical3A_156 = arith.shrui %bitcast_convert_type3A_150, %shift_right_logical3A_155 : vector<224x192xi32>
    %and3A_157 = arith.constant 1 : i32
    %and3A_158 = vector.broadcast %and3A_157 : i32 to vector<224x192xi32>
    %and3A_159 = arith.andi %shift_right_logical3A_156, %and3A_158 : vector<224x192xi32>
    %add3A_160 = arith.addi %add3A_153, %and3A_159 : vector<224x192xi32>
    %and3A_161 = arith.constant -65536 : i32
    %and3A_162 = vector.broadcast %and3A_161 : i32 to vector<224x192xi32>
    %and3A_163 = arith.andi %add3A_160, %and3A_162 : vector<224x192xi32>
    %or3A_164 = arith.ori %shift_right_logical3A_149, %and3A_163 : vector<224x192xi32>
    %slice3A_165 = vector.extract_strided_slice %or3A_164 {offsets = [1, 0], sizes = [223, 192], strides = [1, 1]} : vector<224x192xi32> to vector<223x192xi32>
    %slice3A_166 = vector.extract_strided_slice %or3A_164 {offsets = [223, 0], sizes = [1, 192], strides = [1, 1]} : vector<224x192xi32> to vector<1x192xi32>
    %concatenate3A_167 = tpu.concatenate %slice3A_165, %slice3A_166 in 0 : vector<223x192xi32>, vector<1x192xi32> -> vector<224x192xi32>
    %concatenate3A_168 = tpu.concatenate %or3A_164, %concatenate3A_167 in 1 : vector<224x192xi32>, vector<224x192xi32> -> vector<224x384xi32>
    %swap3A_169 = arith.constant 448 : index
    %swap3A_170 = arith.constant 0 : index
    %swap3A_171 = vector.load %arg10[%swap3A_169, %swap3A_170] : memref<1808x384xi32, #tpu.memory_space<vmem>>, vector<224x384xi32>
    tpu.vector_store %arg10[%swap3A_169, %swap3A_170], %concatenate3A_168 {strides = array<i32>} : memref<1808x384xi32, #tpu.memory_space<vmem>>, vector<224x384xi32>,
    %slice3A_172 = vector.extract_strided_slice %or3A_164 {offsets = [0, 0], sizes = [1, 192], strides = [1, 1]} : vector<224x192xi32> to vector<1x192xi32>
    %slice3A_173 = vector.extract_strided_slice %or3A_164 {offsets = [223, 0], sizes = [1, 192], strides = [1, 1]} : vector<224x192xi32> to vector<1x192xi32>
    %concatenate3A_174 = tpu.concatenate %slice3A_172, %slice3A_172 in 1 : vector<1x192xi32>, vector<1x192xi32> -> vector<1x384xi32>
    %concatenate3A_175 = tpu.concatenate %slice3A_173, %slice3A_173 in 1 : vector<1x192xi32>, vector<1x192xi32> -> vector<1x384xi32>
    %get3A_176 = arith.constant 0 : index
    %get3A_177 = arith.constant 0 : index
    %get3A_178 = arith.constant 3 : index
    %get3A_179 = arith.constant 0 : index
    %get3A_180 = vector.load %arg1[%get3A_176, %get3A_177, %get3A_178, %get3A_179] : memref<1x96x8x224xf32, #tpu.memory_space<vmem>>, vector<1x96x1x224xf32>
    %get3A_181 = vector.shape_cast %get3A_180 : vector<1x96x1x224xf32> to vector<96x224xf32>
    %get3A_182 = arith.constant 0 : index
    %get3A_183 = arith.constant 0 : index
    %get3A_184 = vector.load %arg4[%get3A_182, %get3A_183] : memref<192x96xf32, #tpu.memory_space<vmem>>, vector<192x96xf32>
    %dot_general3A_185 = arith.constant dense<0.000000e+00> : vector<224x192xf32>
    %dot_general3A_186 = tpu.matmul %get3A_181, %get3A_184, %dot_general3A_185 {dimension_numbers = #tpu.dot_dimension_numbers<[0], [1], [1], [0], [0, 1, 1, 0], [], []>, transpose_lhs_hint = false} : vector<96x224xf32>, vector<192x96xf32>, vector<224x192xf32> -> vector<224x192xf32>
    %get3A_187 = arith.constant 0 : index
    %get3A_188 = arith.constant 0 : index
    %get3A_189 = arith.constant 3 : index
    %get3A_190 = arith.constant 0 : index
    %get3A_191 = vector.load %arg1[%get3A_187, %get3A_188, %get3A_189, %get3A_190] : memref<1x96x8x224xf32, #tpu.memory_space<vmem>>, vector<1x96x1x224xf32>
    %get3A_192 = vector.shape_cast %get3A_191 : vector<1x96x1x224xf32> to vector<96x224xf32>
    %get3A_193 = arith.constant 0 : index
    %get3A_194 = arith.constant 0 : index
    %get3A_195 = vector.load %arg5[%get3A_193, %get3A_194] : memref<192x96xf32, #tpu.memory_space<vmem>>, vector<192x96xf32>
    %dot_general3A_196 = arith.constant dense<0.000000e+00> : vector<224x192xf32>
    %dot_general3A_197 = tpu.matmul %get3A_192, %get3A_195, %dot_general3A_196 {dimension_numbers = #tpu.dot_dimension_numbers<[0], [1], [1], [0], [0, 1, 1, 0], [], []>, transpose_lhs_hint = false} : vector<96x224xf32>, vector<192x96xf32>, vector<224x192xf32> -> vector<224x192xf32>
    %bitcast_convert_type3A_198 = tpu.bitcast %dot_general3A_186 : vector<224x192xf32> -> vector<224x192xi32>
    %add3A_199 = arith.constant 32767 : i32
    %add3A_200 = vector.broadcast %add3A_199 : i32 to vector<224x192xi32>
    %add3A_201 = arith.addi %bitcast_convert_type3A_198, %add3A_200 : vector<224x192xi32>
    %shift_right_logical3A_202 = arith.constant 16 : i32
    %shift_right_logical3A_203 = vector.broadcast %shift_right_logical3A_202 : i32 to vector<224x192xi32>
    %shift_right_logical3A_204 = arith.shrui %bitcast_convert_type3A_198, %shift_right_logical3A_203 : vector<224x192xi32>
    %and3A_205 = arith.constant 1 : i32
    %and3A_206 = vector.broadcast %and3A_205 : i32 to vector<224x192xi32>
    %and3A_207 = arith.andi %shift_right_logical3A_204, %and3A_206 : vector<224x192xi32>
    %add3A_208 = arith.addi %add3A_201, %and3A_207 : vector<224x192xi32>
    %shift_right_logical3A_209 = arith.constant 16 : i32
    %shift_right_logical3A_210 = vector.broadcast %shift_right_logical3A_209 : i32 to vector<224x192xi32>
    %shift_right_logical3A_211 = arith.shrui %add3A_208, %shift_right_logical3A_210 : vector<224x192xi32>
    %bitcast_convert_type3A_212 = tpu.bitcast %dot_general3A_197 : vector<224x192xf32> -> vector<224x192xi32>
    %add3A_213 = arith.constant 32767 : i32
    %add3A_214 = vector.broadcast %add3A_213 : i32 to vector<224x192xi32>
    %add3A_215 = arith.addi %bitcast_convert_type3A_212, %add3A_214 : vector<224x192xi32>
    %shift_right_logical3A_216 = arith.constant 16 : i32
    %shift_right_logical3A_217 = vector.broadcast %shift_right_logical3A_216 : i32 to vector<224x192xi32>
    %shift_right_logical3A_218 = arith.shrui %bitcast_convert_type3A_212, %shift_right_logical3A_217 : vector<224x192xi32>
    %and3A_219 = arith.constant 1 : i32
    %and3A_220 = vector.broadcast %and3A_219 : i32 to vector<224x192xi32>
    %and3A_221 = arith.andi %shift_right_logical3A_218, %and3A_220 : vector<224x192xi32>
    %add3A_222 = arith.addi %add3A_215, %and3A_221 : vector<224x192xi32>
    %and3A_223 = arith.constant -65536 : i32
    %and3A_224 = vector.broadcast %and3A_223 : i32 to vector<224x192xi32>
    %and3A_225 = arith.andi %add3A_222, %and3A_224 : vector<224x192xi32>
    %or3A_226 = arith.ori %shift_right_logical3A_211, %and3A_225 : vector<224x192xi32>
    %slice3A_227 = vector.extract_strided_slice %or3A_226 {offsets = [1, 0], sizes = [223, 192], strides = [1, 1]} : vector<224x192xi32> to vector<223x192xi32>
    %slice3A_228 = vector.extract_strided_slice %or3A_226 {offsets = [223, 0], sizes = [1, 192], strides = [1, 1]} : vector<224x192xi32> to vector<1x192xi32>
    %concatenate3A_229 = tpu.concatenate %slice3A_227, %slice3A_228 in 0 : vector<223x192xi32>, vector<1x192xi32> -> vector<224x192xi32>
    %concatenate3A_230 = tpu.concatenate %or3A_226, %concatenate3A_229 in 1 : vector<224x192xi32>, vector<224x192xi32> -> vector<224x384xi32>
    %swap3A_231 = arith.constant 672 : index
    %swap3A_232 = arith.constant 0 : index
    %swap3A_233 = vector.load %arg10[%swap3A_231, %swap3A_232] : memref<1808x384xi32, #tpu.memory_space<vmem>>, vector<224x384xi32>
    tpu.vector_store %arg10[%swap3A_231, %swap3A_232], %concatenate3A_230 {strides = array<i32>} : memref<1808x384xi32, #tpu.memory_space<vmem>>, vector<224x384xi32>,
    %slice3A_234 = vector.extract_strided_slice %or3A_226 {offsets = [0, 0], sizes = [1, 192], strides = [1, 1]} : vector<224x192xi32> to vector<1x192xi32>
    %slice3A_235 = vector.extract_strided_slice %or3A_226 {offsets = [223, 0], sizes = [1, 192], strides = [1, 1]} : vector<224x192xi32> to vector<1x192xi32>
    %concatenate3A_236 = tpu.concatenate %slice3A_234, %slice3A_234 in 1 : vector<1x192xi32>, vector<1x192xi32> -> vector<1x384xi32>
    %concatenate3A_237 = tpu.concatenate %slice3A_235, %slice3A_235 in 1 : vector<1x192xi32>, vector<1x192xi32> -> vector<1x384xi32>
    %get3A_238 = arith.constant 0 : index
    %get3A_239 = arith.constant 0 : index
    %get3A_240 = arith.constant 4 : index
    %get3A_241 = arith.constant 0 : index
    %get3A_242 = vector.load %arg1[%get3A_238, %get3A_239, %get3A_240, %get3A_241] : memref<1x96x8x224xf32, #tpu.memory_space<vmem>>, vector<1x96x1x224xf32>
    %get3A_243 = vector.shape_cast %get3A_242 : vector<1x96x1x224xf32> to vector<96x224xf32>
    %get3A_244 = arith.constant 0 : index
    %get3A_245 = arith.constant 0 : index
    %get3A_246 = vector.load %arg4[%get3A_244, %get3A_245] : memref<192x96xf32, #tpu.memory_space<vmem>>, vector<192x96xf32>
    %dot_general3A_247 = arith.constant dense<0.000000e+00> : vector<224x192xf32>
    %dot_general3A_248 = tpu.matmul %get3A_243, %get3A_246, %dot_general3A_247 {dimension_numbers = #tpu.dot_dimension_numbers<[0], [1], [1], [0], [0, 1, 1, 0], [], []>, transpose_lhs_hint = false} : vector<96x224xf32>, vector<192x96xf32>, vector<224x192xf32> -> vector<224x192xf32>
    %get3A_249 = arith.constant 0 : index
    %get3A_250 = arith.constant 0 : index
    %get3A_251 = arith.constant 4 : index
    %get3A_252 = arith.constant 0 : index
    %get3A_253 = vector.load %arg1[%get3A_249, %get3A_250, %get3A_251, %get3A_252] : memref<1x96x8x224xf32, #tpu.memory_space<vmem>>, vector<1x96x1x224xf32>
    %get3A_254 = vector.shape_cast %get3A_253 : vector<1x96x1x224xf32> to vector<96x224xf32>
    %get3A_255 = arith.constant 0 : index
    %get3A_256 = arith.constant 0 : index
    %get3A_257 = vector.load %arg5[%get3A_255, %get3A_256] : memref<192x96xf32, #tpu.memory_space<vmem>>, vector<192x96xf32>
    %dot_general3A_258 = arith.constant dense<0.000000e+00> : vector<224x192xf32>
    %dot_general3A_259 = tpu.matmul %get3A_254, %get3A_257, %dot_general3A_258 {dimension_numbers = #tpu.dot_dimension_numbers<[0], [1], [1], [0], [0, 1, 1, 0], [], []>, transpose_lhs_hint = false} : vector<96x224xf32>, vector<192x96xf32>, vector<224x192xf32> -> vector<224x192xf32>
    %bitcast_convert_type3A_260 = tpu.bitcast %dot_general3A_248 : vector<224x192xf32> -> vector<224x192xi32>
    %add3A_261 = arith.constant 32767 : i32
    %add3A_262 = vector.broadcast %add3A_261 : i32 to vector<224x192xi32>
    %add3A_263 = arith.addi %bitcast_convert_type3A_260, %add3A_262 : vector<224x192xi32>
    %shift_right_logical3A_264 = arith.constant 16 : i32
    %shift_right_logical3A_265 = vector.broadcast %shift_right_logical3A_264 : i32 to vector<224x192xi32>
    %shift_right_logical3A_266 = arith.shrui %bitcast_convert_type3A_260, %shift_right_logical3A_265 : vector<224x192xi32>
    %and3A_267 = arith.constant 1 : i32
    %and3A_268 = vector.broadcast %and3A_267 : i32 to vector<224x192xi32>
    %and3A_269 = arith.andi %shift_right_logical3A_266, %and3A_268 : vector<224x192xi32>
    %add3A_270 = arith.addi %add3A_263, %and3A_269 : vector<224x192xi32>
    %shift_right_logical3A_271 = arith.constant 16 : i32
    %shift_right_logical3A_272 = vector.broadcast %shift_right_logical3A_271 : i32 to vector<224x192xi32>
    %shift_right_logical3A_273 = arith.shrui %add3A_270, %shift_right_logical3A_272 : vector<224x192xi32>
    %bitcast_convert_type3A_274 = tpu.bitcast %dot_general3A_259 : vector<224x192xf32> -> vector<224x192xi32>
    %add3A_275 = arith.constant 32767 : i32
    %add3A_276 = vector.broadcast %add3A_275 : i32 to vector<224x192xi32>
    %add3A_277 = arith.addi %bitcast_convert_type3A_274, %add3A_276 : vector<224x192xi32>
    %shift_right_logical3A_278 = arith.constant 16 : i32
    %shift_right_logical3A_279 = vector.broadcast %shift_right_logical3A_278 : i32 to vector<224x192xi32>
    %shift_right_logical3A_280 = arith.shrui %bitcast_convert_type3A_274, %shift_right_logical3A_279 : vector<224x192xi32>
    %and3A_281 = arith.constant 1 : i32
    %and3A_282 = vector.broadcast %and3A_281 : i32 to vector<224x192xi32>
    %and3A_283 = arith.andi %shift_right_logical3A_280, %and3A_282 : vector<224x192xi32>
    %add3A_284 = arith.addi %add3A_277, %and3A_283 : vector<224x192xi32>
    %and3A_285 = arith.constant -65536 : i32
    %and3A_286 = vector.broadcast %and3A_285 : i32 to vector<224x192xi32>
    %and3A_287 = arith.andi %add3A_284, %and3A_286 : vector<224x192xi32>
    %or3A_288 = arith.ori %shift_right_logical3A_273, %and3A_287 : vector<224x192xi32>
    %slice3A_289 = vector.extract_strided_slice %or3A_288 {offsets = [1, 0], sizes = [223, 192], strides = [1, 1]} : vector<224x192xi32> to vector<223x192xi32>
    %slice3A_290 = vector.extract_strided_slice %or3A_288 {offsets = [223, 0], sizes = [1, 192], strides = [1, 1]} : vector<224x192xi32> to vector<1x192xi32>
    %concatenate3A_291 = tpu.concatenate %slice3A_289, %slice3A_290 in 0 : vector<223x192xi32>, vector<1x192xi32> -> vector<224x192xi32>
    %concatenate3A_292 = tpu.concatenate %or3A_288, %concatenate3A_291 in 1 : vector<224x192xi32>, vector<224x192xi32> -> vector<224x384xi32>
    %swap3A_293 = arith.constant 896 : index
    %swap3A_294 = arith.constant 0 : index
    %swap3A_295 = vector.load %arg10[%swap3A_293, %swap3A_294] : memref<1808x384xi32, #tpu.memory_space<vmem>>, vector<224x384xi32>
    tpu.vector_store %arg10[%swap3A_293, %swap3A_294], %concatenate3A_292 {strides = array<i32>} : memref<1808x384xi32, #tpu.memory_space<vmem>>, vector<224x384xi32>,
    %slice3A_296 = vector.extract_strided_slice %or3A_288 {offsets = [0, 0], sizes = [1, 192], strides = [1, 1]} : vector<224x192xi32> to vector<1x192xi32>
    %slice3A_297 = vector.extract_strided_slice %or3A_288 {offsets = [223, 0], sizes = [1, 192], strides = [1, 1]} : vector<224x192xi32> to vector<1x192xi32>
    %concatenate3A_298 = tpu.concatenate %slice3A_296, %slice3A_296 in 1 : vector<1x192xi32>, vector<1x192xi32> -> vector<1x384xi32>
    %concatenate3A_299 = tpu.concatenate %slice3A_297, %slice3A_297 in 1 : vector<1x192xi32>, vector<1x192xi32> -> vector<1x384xi32>
    %get3A_300 = arith.constant 0 : index
    %get3A_301 = arith.constant 0 : index
    %get3A_302 = arith.constant 5 : index
    %get3A_303 = arith.constant 0 : index
    %get3A_304 = vector.load %arg1[%get3A_300, %get3A_301, %get3A_302, %get3A_303] : memref<1x96x8x224xf32, #tpu.memory_space<vmem>>, vector<1x96x1x224xf32>
    %get3A_305 = vector.shape_cast %get3A_304 : vector<1x96x1x224xf32> to vector<96x224xf32>
    %get3A_306 = arith.constant 0 : index
    %get3A_307 = arith.constant 0 : index
    %get3A_308 = vector.load %arg4[%get3A_306, %get3A_307] : memref<192x96xf32, #tpu.memory_space<vmem>>, vector<192x96xf32>
    %dot_general3A_309 = arith.constant dense<0.000000e+00> : vector<224x192xf32>
    %dot_general3A_310 = tpu.matmul %get3A_305, %get3A_308, %dot_general3A_309 {dimension_numbers = #tpu.dot_dimension_numbers<[0], [1], [1], [0], [0, 1, 1, 0], [], []>, transpose_lhs_hint = false} : vector<96x224xf32>, vector<192x96xf32>, vector<224x192xf32> -> vector<224x192xf32>
    %get3A_311 = arith.constant 0 : index
    %get3A_312 = arith.constant 0 : index
    %get3A_313 = arith.constant 5 : index
    %get3A_314 = arith.constant 0 : index
    %get3A_315 = vector.load %arg1[%get3A_311, %get3A_312, %get3A_313, %get3A_314] : memref<1x96x8x224xf32, #tpu.memory_space<vmem>>, vector<1x96x1x224xf32>
    %get3A_316 = vector.shape_cast %get3A_315 : vector<1x96x1x224xf32> to vector<96x224xf32>
    %get3A_317 = arith.constant 0 : index
    %get3A_318 = arith.constant 0 : index
    %get3A_319 = vector.load %arg5[%get3A_317, %get3A_318] : memref<192x96xf32, #tpu.memory_space<vmem>>, vector<192x96xf32>
    %dot_general3A_320 = arith.constant dense<0.000000e+00> : vector<224x192xf32>
    %dot_general3A_321 = tpu.matmul %get3A_316, %get3A_319, %dot_general3A_320 {dimension_numbers = #tpu.dot_dimension_numbers<[0], [1], [1], [0], [0, 1, 1, 0], [], []>, transpose_lhs_hint = false} : vector<96x224xf32>, vector<192x96xf32>, vector<224x192xf32> -> vector<224x192xf32>
    %bitcast_convert_type3A_322 = tpu.bitcast %dot_general3A_310 : vector<224x192xf32> -> vector<224x192xi32>
    %add3A_323 = arith.constant 32767 : i32
    %add3A_324 = vector.broadcast %add3A_323 : i32 to vector<224x192xi32>
    %add3A_325 = arith.addi %bitcast_convert_type3A_322, %add3A_324 : vector<224x192xi32>
    %shift_right_logical3A_326 = arith.constant 16 : i32
    %shift_right_logical3A_327 = vector.broadcast %shift_right_logical3A_326 : i32 to vector<224x192xi32>
    %shift_right_logical3A_328 = arith.shrui %bitcast_convert_type3A_322, %shift_right_logical3A_327 : vector<224x192xi32>
    %and3A_329 = arith.constant 1 : i32
    %and3A_330 = vector.broadcast %and3A_329 : i32 to vector<224x192xi32>
    %and3A_331 = arith.andi %shift_right_logical3A_328, %and3A_330 : vector<224x192xi32>
    %add3A_332 = arith.addi %add3A_325, %and3A_331 : vector<224x192xi32>
    %shift_right_logical3A_333 = arith.constant 16 : i32
    %shift_right_logical3A_334 = vector.broadcast %shift_right_logical3A_333 : i32 to vector<224x192xi32>
    %shift_right_logical3A_335 = arith.shrui %add3A_332, %shift_right_logical3A_334 : vector<224x192xi32>
    %bitcast_convert_type3A_336 = tpu.bitcast %dot_general3A_321 : vector<224x192xf32> -> vector<224x192xi32>
    %add3A_337 = arith.constant 32767 : i32
    %add3A_338 = vector.broadcast %add3A_337 : i32 to vector<224x192xi32>
    %add3A_339 = arith.addi %bitcast_convert_type3A_336, %add3A_338 : vector<224x192xi32>
    %shift_right_logical3A_340 = arith.constant 16 : i32
    %shift_right_logical3A_341 = vector.broadcast %shift_right_logical3A_340 : i32 to vector<224x192xi32>
    %shift_right_logical3A_342 = arith.shrui %bitcast_convert_type3A_336, %shift_right_logical3A_341 : vector<224x192xi32>
    %and3A_343 = arith.constant 1 : i32
    %and3A_344 = vector.broadcast %and3A_343 : i32 to vector<224x192xi32>
    %and3A_345 = arith.andi %shift_right_logical3A_342, %and3A_344 : vector<224x192xi32>
    %add3A_346 = arith.addi %add3A_339, %and3A_345 : vector<224x192xi32>
    %and3A_347 = arith.constant -65536 : i32
    %and3A_348 = vector.broadcast %and3A_347 : i32 to vector<224x192xi32>
    %and3A_349 = arith.andi %add3A_346, %and3A_348 : vector<224x192xi32>
    %or3A_350 = arith.ori %shift_right_logical3A_335, %and3A_349 : vector<224x192xi32>
    %slice3A_351 = vector.extract_strided_slice %or3A_350 {offsets = [1, 0], sizes = [223, 192], strides = [1, 1]} : vector<224x192xi32> to vector<223x192xi32>
    %slice3A_352 = vector.extract_strided_slice %or3A_350 {offsets = [223, 0], sizes = [1, 192], strides = [1, 1]} : vector<224x192xi32> to vector<1x192xi32>
    %concatenate3A_353 = tpu.concatenate %slice3A_351, %slice3A_352 in 0 : vector<223x192xi32>, vector<1x192xi32> -> vector<224x192xi32>
    %concatenate3A_354 = tpu.concatenate %or3A_350, %concatenate3A_353 in 1 : vector<224x192xi32>, vector<224x192xi32> -> vector<224x384xi32>
    %swap3A_355 = arith.constant 1120 : index
    %swap3A_356 = arith.constant 0 : index
    %swap3A_357 = vector.load %arg10[%swap3A_355, %swap3A_356] : memref<1808x384xi32, #tpu.memory_space<vmem>>, vector<224x384xi32>
    tpu.vector_store %arg10[%swap3A_355, %swap3A_356], %concatenate3A_354 {strides = array<i32>} : memref<1808x384xi32, #tpu.memory_space<vmem>>, vector<224x384xi32>,
    %slice3A_358 = vector.extract_strided_slice %or3A_350 {offsets = [0, 0], sizes = [1, 192], strides = [1, 1]} : vector<224x192xi32> to vector<1x192xi32>
    %slice3A_359 = vector.extract_strided_slice %or3A_350 {offsets = [223, 0], sizes = [1, 192], strides = [1, 1]} : vector<224x192xi32> to vector<1x192xi32>
    %concatenate3A_360 = tpu.concatenate %slice3A_358, %slice3A_358 in 1 : vector<1x192xi32>, vector<1x192xi32> -> vector<1x384xi32>
    %concatenate3A_361 = tpu.concatenate %slice3A_359, %slice3A_359 in 1 : vector<1x192xi32>, vector<1x192xi32> -> vector<1x384xi32>
    %get3A_362 = arith.constant 0 : index
    %get3A_363 = arith.constant 0 : index
    %get3A_364 = arith.constant 6 : index
    %get3A_365 = arith.constant 0 : index
    %get3A_366 = vector.load %arg1[%get3A_362, %get3A_363, %get3A_364, %get3A_365] : memref<1x96x8x224xf32, #tpu.memory_space<vmem>>, vector<1x96x1x224xf32>
    %get3A_367 = vector.shape_cast %get3A_366 : vector<1x96x1x224xf32> to vector<96x224xf32>
    %get3A_368 = arith.constant 0 : index
    %get3A_369 = arith.constant 0 : index
    %get3A_370 = vector.load %arg4[%get3A_368, %get3A_369] : memref<192x96xf32, #tpu.memory_space<vmem>>, vector<192x96xf32>
    %dot_general3A_371 = arith.constant dense<0.000000e+00> : vector<224x192xf32>
    %dot_general3A_372 = tpu.matmul %get3A_367, %get3A_370, %dot_general3A_371 {dimension_numbers = #tpu.dot_dimension_numbers<[0], [1], [1], [0], [0, 1, 1, 0], [], []>, transpose_lhs_hint = false} : vector<96x224xf32>, vector<192x96xf32>, vector<224x192xf32> -> vector<224x192xf32>
    %get3A_373 = arith.constant 0 : index
    %get3A_374 = arith.constant 0 : index
    %get3A_375 = arith.constant 6 : index
    %get3A_376 = arith.constant 0 : index
    %get3A_377 = vector.load %arg1[%get3A_373, %get3A_374, %get3A_375, %get3A_376] : memref<1x96x8x224xf32, #tpu.memory_space<vmem>>, vector<1x96x1x224xf32>
    %get3A_378 = vector.shape_cast %get3A_377 : vector<1x96x1x224xf32> to vector<96x224xf32>
    %get3A_379 = arith.constant 0 : index
    %get3A_380 = arith.constant 0 : index
    %get3A_381 = vector.load %arg5[%get3A_379, %get3A_380] : memref<192x96xf32, #tpu.memory_space<vmem>>, vector<192x96xf32>
    %dot_general3A_382 = arith.constant dense<0.000000e+00> : vector<224x192xf32>
    %dot_general3A_383 = tpu.matmul %get3A_378, %get3A_381, %dot_general3A_382 {dimension_numbers = #tpu.dot_dimension_numbers<[0], [1], [1], [0], [0, 1, 1, 0], [], []>, transpose_lhs_hint = false} : vector<96x224xf32>, vector<192x96xf32>, vector<224x192xf32> -> vector<224x192xf32>
    %bitcast_convert_type3A_384 = tpu.bitcast %dot_general3A_372 : vector<224x192xf32> -> vector<224x192xi32>
    %add3A_385 = arith.constant 32767 : i32
    %add3A_386 = vector.broadcast %add3A_385 : i32 to vector<224x192xi32>
    %add3A_387 = arith.addi %bitcast_convert_type3A_384, %add3A_386 : vector<224x192xi32>
    %shift_right_logical3A_388 = arith.constant 16 : i32
    %shift_right_logical3A_389 = vector.broadcast %shift_right_logical3A_388 : i32 to vector<224x192xi32>
    %shift_right_logical3A_390 = arith.shrui %bitcast_convert_type3A_384, %shift_right_logical3A_389 : vector<224x192xi32>
    %and3A_391 = arith.constant 1 : i32
    %and3A_392 = vector.broadcast %and3A_391 : i32 to vector<224x192xi32>
    %and3A_393 = arith.andi %shift_right_logical3A_390, %and3A_392 : vector<224x192xi32>
    %add3A_394 = arith.addi %add3A_387, %and3A_393 : vector<224x192xi32>
    %shift_right_logical3A_395 = arith.constant 16 : i32
    %shift_right_logical3A_396 = vector.broadcast %shift_right_logical3A_395 : i32 to vector<224x192xi32>
    %shift_right_logical3A_397 = arith.shrui %add3A_394, %shift_right_logical3A_396 : vector<224x192xi32>
    %bitcast_convert_type3A_398 = tpu.bitcast %dot_general3A_383 : vector<224x192xf32> -> vector<224x192xi32>
    %add3A_399 = arith.constant 32767 : i32
    %add3A_400 = vector.broadcast %add3A_399 : i32 to vector<224x192xi32>
    %add3A_401 = arith.addi %bitcast_convert_type3A_398, %add3A_400 : vector<224x192xi32>
    %shift_right_logical3A_402 = arith.constant 16 : i32
    %shift_right_logical3A_403 = vector.broadcast %shift_right_logical3A_402 : i32 to vector<224x192xi32>
    %shift_right_logical3A_404 = arith.shrui %bitcast_convert_type3A_398, %shift_right_logical3A_403 : vector<224x192xi32>
    %and3A_405 = arith.constant 1 : i32
    %and3A_406 = vector.broadcast %and3A_405 : i32 to vector<224x192xi32>
    %and3A_407 = arith.andi %shift_right_logical3A_404, %and3A_406 : vector<224x192xi32>
    %add3A_408 = arith.addi %add3A_401, %and3A_407 : vector<224x192xi32>
    %and3A_409 = arith.constant -65536 : i32
    %and3A_410 = vector.broadcast %and3A_409 : i32 to vector<224x192xi32>
    %and3A_411 = arith.andi %add3A_408, %and3A_410 : vector<224x192xi32>
    %or3A_412 = arith.ori %shift_right_logical3A_397, %and3A_411 : vector<224x192xi32>
    %slice3A_413 = vector.extract_strided_slice %or3A_412 {offsets = [1, 0], sizes = [223, 192], strides = [1, 1]} : vector<224x192xi32> to vector<223x192xi32>
    %slice3A_414 = vector.extract_strided_slice %or3A_412 {offsets = [223, 0], sizes = [1, 192], strides = [1, 1]} : vector<224x192xi32> to vector<1x192xi32>
    %concatenate3A_415 = tpu.concatenate %slice3A_413, %slice3A_414 in 0 : vector<223x192xi32>, vector<1x192xi32> -> vector<224x192xi32>
    %concatenate3A_416 = tpu.concatenate %or3A_412, %concatenate3A_415 in 1 : vector<224x192xi32>, vector<224x192xi32> -> vector<224x384xi32>
    %swap3A_417 = arith.constant 1344 : index
    %swap3A_418 = arith.constant 0 : index
    %swap3A_419 = vector.load %arg10[%swap3A_417, %swap3A_418] : memref<1808x384xi32, #tpu.memory_space<vmem>>, vector<224x384xi32>
    tpu.vector_store %arg10[%swap3A_417, %swap3A_418], %concatenate3A_416 {strides = array<i32>} : memref<1808x384xi32, #tpu.memory_space<vmem>>, vector<224x384xi32>,
    %slice3A_420 = vector.extract_strided_slice %or3A_412 {offsets = [0, 0], sizes = [1, 192], strides = [1, 1]} : vector<224x192xi32> to vector<1x192xi32>
    %slice3A_421 = vector.extract_strided_slice %or3A_412 {offsets = [223, 0], sizes = [1, 192], strides = [1, 1]} : vector<224x192xi32> to vector<1x192xi32>
    %concatenate3A_422 = tpu.concatenate %slice3A_420, %slice3A_420 in 1 : vector<1x192xi32>, vector<1x192xi32> -> vector<1x384xi32>
    %concatenate3A_423 = tpu.concatenate %slice3A_421, %slice3A_421 in 1 : vector<1x192xi32>, vector<1x192xi32> -> vector<1x384xi32>
    %get3A_424 = arith.constant 0 : index
    %get3A_425 = arith.constant 0 : index
    %get3A_426 = arith.constant 7 : index
    %get3A_427 = arith.constant 0 : index
    %get3A_428 = vector.load %arg1[%get3A_424, %get3A_425, %get3A_426, %get3A_427] : memref<1x96x8x224xf32, #tpu.memory_space<vmem>>, vector<1x96x1x224xf32>
    %get3A_429 = vector.shape_cast %get3A_428 : vector<1x96x1x224xf32> to vector<96x224xf32>
    %get3A_430 = arith.constant 0 : index
    %get3A_431 = arith.constant 0 : index
    %get3A_432 = vector.load %arg4[%get3A_430, %get3A_431] : memref<192x96xf32, #tpu.memory_space<vmem>>, vector<192x96xf32>
    %dot_general3A_433 = arith.constant dense<0.000000e+00> : vector<224x192xf32>
    %dot_general3A_434 = tpu.matmul %get3A_429, %get3A_432, %dot_general3A_433 {dimension_numbers = #tpu.dot_dimension_numbers<[0], [1], [1], [0], [0, 1, 1, 0], [], []>, transpose_lhs_hint = false} : vector<96x224xf32>, vector<192x96xf32>, vector<224x192xf32> -> vector<224x192xf32>
    %get3A_435 = arith.constant 0 : index
    %get3A_436 = arith.constant 0 : index
    %get3A_437 = arith.constant 7 : index
    %get3A_438 = arith.constant 0 : index
    %get3A_439 = vector.load %arg1[%get3A_435, %get3A_436, %get3A_437, %get3A_438] : memref<1x96x8x224xf32, #tpu.memory_space<vmem>>, vector<1x96x1x224xf32>
    %get3A_440 = vector.shape_cast %get3A_439 : vector<1x96x1x224xf32> to vector<96x224xf32>
    %get3A_441 = arith.constant 0 : index
    %get3A_442 = arith.constant 0 : index
    %get3A_443 = vector.load %arg5[%get3A_441, %get3A_442] : memref<192x96xf32, #tpu.memory_space<vmem>>, vector<192x96xf32>
    %dot_general3A_444 = arith.constant dense<0.000000e+00> : vector<224x192xf32>
    %dot_general3A_445 = tpu.matmul %get3A_440, %get3A_443, %dot_general3A_444 {dimension_numbers = #tpu.dot_dimension_numbers<[0], [1], [1], [0], [0, 1, 1, 0], [], []>, transpose_lhs_hint = false} : vector<96x224xf32>, vector<192x96xf32>, vector<224x192xf32> -> vector<224x192xf32>
    %bitcast_convert_type3A_446 = tpu.bitcast %dot_general3A_434 : vector<224x192xf32> -> vector<224x192xi32>
    %add3A_447 = arith.constant 32767 : i32
    %add3A_448 = vector.broadcast %add3A_447 : i32 to vector<224x192xi32>
    %add3A_449 = arith.addi %bitcast_convert_type3A_446, %add3A_448 : vector<224x192xi32>
    %shift_right_logical3A_450 = arith.constant 16 : i32
    %shift_right_logical3A_451 = vector.broadcast %shift_right_logical3A_450 : i32 to vector<224x192xi32>
    %shift_right_logical3A_452 = arith.shrui %bitcast_convert_type3A_446, %shift_right_logical3A_451 : vector<224x192xi32>
    %and3A_453 = arith.constant 1 : i32
    %and3A_454 = vector.broadcast %and3A_453 : i32 to vector<224x192xi32>
    %and3A_455 = arith.andi %shift_right_logical3A_452, %and3A_454 : vector<224x192xi32>
    %add3A_456 = arith.addi %add3A_449, %and3A_455 : vector<224x192xi32>
    %shift_right_logical3A_457 = arith.constant 16 : i32
    %shift_right_logical3A_458 = vector.broadcast %shift_right_logical3A_457 : i32 to vector<224x192xi32>
    %shift_right_logical3A_459 = arith.shrui %add3A_456, %shift_right_logical3A_458 : vector<224x192xi32>
    %bitcast_convert_type3A_460 = tpu.bitcast %dot_general3A_445 : vector<224x192xf32> -> vector<224x192xi32>
    %add3A_461 = arith.constant 32767 : i32
    %add3A_462 = vector.broadcast %add3A_461 : i32 to vector<224x192xi32>
    %add3A_463 = arith.addi %bitcast_convert_type3A_460, %add3A_462 : vector<224x192xi32>
    %shift_right_logical3A_464 = arith.constant 16 : i32
    %shift_right_logical3A_465 = vector.broadcast %shift_right_logical3A_464 : i32 to vector<224x192xi32>
    %shift_right_logical3A_466 = arith.shrui %bitcast_convert_type3A_460, %shift_right_logical3A_465 : vector<224x192xi32>
    %and3A_467 = arith.constant 1 : i32
    %and3A_468 = vector.broadcast %and3A_467 : i32 to vector<224x192xi32>
    %and3A_469 = arith.andi %shift_right_logical3A_466, %and3A_468 : vector<224x192xi32>
    %add3A_470 = arith.addi %add3A_463, %and3A_469 : vector<224x192xi32>
    %and3A_471 = arith.constant -65536 : i32
    %and3A_472 = vector.broadcast %and3A_471 : i32 to vector<224x192xi32>
    %and3A_473 = arith.andi %add3A_470, %and3A_472 : vector<224x192xi32>
    %or3A_474 = arith.ori %shift_right_logical3A_459, %and3A_473 : vector<224x192xi32>
    %slice3A_475 = vector.extract_strided_slice %or3A_474 {offsets = [1, 0], sizes = [223, 192], strides = [1, 1]} : vector<224x192xi32> to vector<223x192xi32>
    %slice3A_476 = vector.extract_strided_slice %or3A_474 {offsets = [223, 0], sizes = [1, 192], strides = [1, 1]} : vector<224x192xi32> to vector<1x192xi32>
    %concatenate3A_477 = tpu.concatenate %slice3A_475, %slice3A_476 in 0 : vector<223x192xi32>, vector<1x192xi32> -> vector<224x192xi32>
    %concatenate3A_478 = tpu.concatenate %or3A_474, %concatenate3A_477 in 1 : vector<224x192xi32>, vector<224x192xi32> -> vector<224x384xi32>
    %swap3A_479 = arith.constant 1568 : index
    %swap3A_480 = arith.constant 0 : index
    %swap3A_481 = vector.load %arg10[%swap3A_479, %swap3A_480] : memref<1808x384xi32, #tpu.memory_space<vmem>>, vector<224x384xi32>
    tpu.vector_store %arg10[%swap3A_479, %swap3A_480], %concatenate3A_478 {strides = array<i32>} : memref<1808x384xi32, #tpu.memory_space<vmem>>, vector<224x384xi32>,
    %slice3A_482 = vector.extract_strided_slice %or3A_474 {offsets = [0, 0], sizes = [1, 192], strides = [1, 1]} : vector<224x192xi32> to vector<1x192xi32>
    %slice3A_483 = vector.extract_strided_slice %or3A_474 {offsets = [223, 0], sizes = [1, 192], strides = [1, 1]} : vector<224x192xi32> to vector<1x192xi32>
    %concatenate3A_484 = tpu.concatenate %slice3A_482, %slice3A_482 in 1 : vector<1x192xi32>, vector<1x192xi32> -> vector<1x384xi32>
    %concatenate3A_485 = tpu.concatenate %slice3A_483, %slice3A_483 in 1 : vector<1x192xi32>, vector<1x192xi32> -> vector<1x384xi32>
    %concatenate3A_486 = tpu.concatenate %concatenate3A_50, %concatenate3A_51, %concatenate3A_112, %concatenate3A_113, %concatenate3A_174, %concatenate3A_175, %concatenate3A_236, %concatenate3A_237, %concatenate3A_298, %concatenate3A_299, %concatenate3A_360, %concatenate3A_361, %concatenate3A_422, %concatenate3A_423, %concatenate3A_484, %concatenate3A_485 in 0 : vector<1x384xi32>, vector<1x384xi32>, vector<1x384xi32>, vector<1x384xi32>, vector<1x384xi32>, vector<1x384xi32>, vector<1x384xi32>, vector<1x384xi32>, vector<1x384xi32>, vector<1x384xi32>, vector<1x384xi32>, vector<1x384xi32>, vector<1x384xi32>, vector<1x384xi32>, vector<1x384xi32>, vector<1x384xi32> -> vector<16x384xi32>
    %swap3A_487 = arith.constant 1792 : index
    %swap3A_488 = arith.constant 0 : index
    %swap3A_489 = vector.load %arg10[%swap3A_487, %swap3A_488] : memref<1808x384xi32, #tpu.memory_space<vmem>>, vector<16x384xi32>
    tpu.vector_store %arg10[%swap3A_487, %swap3A_488], %concatenate3A_486 {strides = array<i32>} : memref<1808x384xi32, #tpu.memory_space<vmem>>, vector<16x384xi32>,
    %mul3A = arith.constant 1792 : i32
    %mul3A_490 = arith.muli %arg0, %mul3A : i32
    %iota3A = tpu.iota {dimensions = array<i32: 1>} : vector<1x1792xi32>
    %add3A_491 = vector.broadcast %mul3A_490 : i32 to vector<1x1792xi32>
    %add3A_492 = arith.addi %iota3A, %add3A_491 : vector<1x1792xi32>
    %jit3A = arith.constant 224 : i32
    %div3A = vector.broadcast %jit3A : i32 to vector<1x1792xi32>
    %div3A_493 = arith.divsi %add3A_492, %div3A : vector<1x1792xi32>
    %sign3A = arith.constant 0 : i32
    %sign3A_494 = vector.broadcast %sign3A : i32 to vector<1x1792xi32>
    %sign3A_495 = arith.cmpi sgt, %add3A_492, %sign3A_494 : vector<1x1792xi32>
    %sign3A_496 = arith.extui %sign3A_495 : vector<1x1792xi1> to vector<1x1792xi32>
    %sign3A_497 = arith.constant 0 : i32
    %sign3A_498 = vector.broadcast %sign3A_497 : i32 to vector<1x1792xi32>
    %sign3A_499 = arith.cmpi slt, %add3A_492, %sign3A_498 : vector<1x1792xi32>
    %sign3A_500 = arith.extui %sign3A_499 : vector<1x1792xi1> to vector<1x1792xi32>
    %sign3A_501 = arith.subi %sign3A_496, %sign3A_500 : vector<1x1792xi32>
    %sign3A_502 = arith.constant 0 : i32
    %sign3A_503 = arith.cmpi sgt, %jit3A, %sign3A_502 : i32
    %sign3A_504 = arith.extui %sign3A_503 : i1 to i32
    %sign3A_505 = arith.constant 0 : i32
    %sign3A_506 = arith.cmpi slt, %jit3A, %sign3A_505 : i32
    %sign3A_507 = arith.extui %sign3A_506 : i1 to i32
    %sign3A_508 = arith.subi %sign3A_504, %sign3A_507 : i32
    %ne3A = vector.broadcast %sign3A_508 : i32 to vector<1x1792xi32>
    %ne3A_509 = arith.cmpi ne, %sign3A_501, %ne3A : vector<1x1792xi32>
    %rem3A = vector.broadcast %jit3A : i32 to vector<1x1792xi32>
    %rem3A_510 = arith.remsi %add3A_492, %rem3A : vector<1x1792xi32>
    %ne3A_511 = arith.constant 0 : i32
    %ne3A_512 = vector.broadcast %ne3A_511 : i32 to vector<1x1792xi32>
    %ne3A_513 = arith.cmpi ne, %rem3A_510, %ne3A_512 : vector<1x1792xi32>
    %and3A_514 = arith.andi %ne3A_509, %ne3A_513 : vector<1x1792xi1>
    %sub3A = arith.constant 1 : i32
    %sub3A_515 = vector.broadcast %sub3A : i32 to vector<1x1792xi32>
    %sub3A_516 = arith.subi %div3A_493, %sub3A_515 : vector<1x1792xi32>
    %select_n3A = arith.select %and3A_514, %sub3A_516, %div3A_493 : vector<1x1792xi1>, vector<1x1792xi32>
    %mul3A_517 = arith.constant 224 : i32
    %mul3A_518 = vector.broadcast %mul3A_517 : i32 to vector<1x1792xi32>
    %mul3A_519 = arith.muli %select_n3A, %mul3A_518 : vector<1x1792xi32>
    %sub3A_520 = arith.subi %add3A_492, %mul3A_519 : vector<1x1792xi32>
    %convert_element_type3A = arith.sitofp %sub3A_520 : vector<1x1792xi32> to vector<1x1792xf32>
    %get3A_521 = arith.constant 0 : index
    %get3A_522 = arith.constant 0 : index
    %get3A_523 = vector.load %arg3[%get3A_521, %get3A_522] : memref<2x1792xf32, #tpu.memory_space<vmem>>, vector<1x1792xf32>
    %add3A_524 = arith.addf %convert_element_type3A, %get3A_523 : vector<1x1792xf32>
    %convert_element_type3A_525 = arith.sitofp %select_n3A : vector<1x1792xi32> to vector<1x1792xf32>
    %get3A_526 = arith.constant 1 : index
    %get3A_527 = arith.constant 0 : index
    %get3A_528 = vector.load %arg3[%get3A_526, %get3A_527] : memref<2x1792xf32, #tpu.memory_space<vmem>>, vector<1x1792xf32>
    %add3A_529 = arith.addf %convert_element_type3A_525, %get3A_528 : vector<1x1792xf32>
    %floor3A = math.floor %add3A_524 : vector<1x1792xf32>
    %floor3A_530 = math.floor %add3A_529 : vector<1x1792xf32>
    %sub3A_531 = arith.subf %add3A_524, %floor3A : vector<1x1792xf32>
    %sub3A_532 = arith.subf %add3A_529, %floor3A_530 : vector<1x1792xf32>
    %jit3A_533 = arith.constant -1.000000e+00 : f32
    %jit3A_534 = arith.constant 224 : i32
    %max3A = vector.broadcast %jit3A_533 : f32 to vector<1x1792xf32>
    %max3A_535 = arith.maximumf %max3A, %floor3A : vector<1x1792xf32>
    %convert_element_type3A_536 = arith.sitofp %jit3A_534 : i32 to f32
    %min3A = vector.broadcast %convert_element_type3A_536 : f32 to vector<1x1792xf32>
    %min3A_537 = arith.minimumf %min3A, %max3A_535 : vector<1x1792xf32>
    %convert_element_type3A_538 = arith.fptosi %min3A_537 : vector<1x1792xf32> to vector<1x1792xi32>
    %jit3A_539 = arith.constant -1.000000e+00 : f32
    %jit3A_540 = arith.constant 224 : i32
    %max3A_541 = vector.broadcast %jit3A_539 : f32 to vector<1x1792xf32>
    %max3A_542 = arith.maximumf %max3A_541, %floor3A_530 : vector<1x1792xf32>
    %convert_element_type3A_543 = arith.sitofp %jit3A_540 : i32 to f32
    %min3A_544 = vector.broadcast %convert_element_type3A_543 : f32 to vector<1x1792xf32>
    %min3A_545 = arith.minimumf %min3A_544, %max3A_542 : vector<1x1792xf32>
    %convert_element_type3A_546 = arith.fptosi %min3A_545 : vector<1x1792xf32> to vector<1x1792xi32>
    %jit3A_547 = arith.constant 0 : i32
    %jit3A_548 = arith.constant 222 : i32
    %max3A_549 = vector.broadcast %jit3A_547 : i32 to vector<1x1792xi32>
    %max3A_550 = arith.maxsi %max3A_549, %convert_element_type3A_538 : vector<1x1792xi32>
    %min3A_551 = vector.broadcast %jit3A_548 : i32 to vector<1x1792xi32>
    %min3A_552 = arith.minsi %min3A_551, %max3A_550 : vector<1x1792xi32>
    %lt3A = arith.constant 0 : i32
    %lt3A_553 = vector.broadcast %lt3A : i32 to vector<1x1792xi32>
    %lt3A_554 = arith.cmpi slt, %convert_element_type3A_538, %lt3A_553 : vector<1x1792xi32>
    %ge3A = arith.constant 223 : i32
    %ge3A_555 = vector.broadcast %ge3A : i32 to vector<1x1792xi32>
    %ge3A_556 = arith.cmpi sge, %convert_element_type3A_538, %ge3A_555 : vector<1x1792xi32>
    %or3A_557 = arith.ori %lt3A_554, %ge3A_556 : vector<1x1792xi1>
    %ge3A_558 = arith.constant 223 : i32
    %ge3A_559 = vector.broadcast %ge3A_558 : i32 to vector<1x1792xi32>
    %ge3A_560 = arith.cmpi sge, %convert_element_type3A_538, %ge3A_559 : vector<1x1792xi32>
    %convert_element_type3A_561 = arith.extui %ge3A_560 : vector<1x1792xi1> to vector<1x1792xi32>
    %add3A_562 = arith.constant 0 : i32
    %add3A_563 = vector.broadcast %add3A_562 : i32 to vector<1x1792xi32>
    %add3A_564 = arith.addi %convert_element_type3A_546, %add3A_563 : vector<1x1792xi32>
    %jit3A_565 = arith.constant 0 : i32
    %jit3A_566 = arith.constant 223 : i32
    %max3A_567 = vector.broadcast %jit3A_565 : i32 to vector<1x1792xi32>
    %max3A_568 = arith.maxsi %max3A_567, %add3A_564 : vector<1x1792xi32>
    %min3A_569 = vector.broadcast %jit3A_566 : i32 to vector<1x1792xi32>
    %min3A_570 = arith.minsi %min3A_569, %max3A_568 : vector<1x1792xi32>
    %jit3A_571 = arith.constant 8 : i32
    %div3A_572 = vector.broadcast %jit3A_571 : i32 to vector<1x1792xi32>
    %div3A_573 = arith.divsi %min3A_570, %div3A_572 : vector<1x1792xi32>
    %sign3A_574 = arith.constant 0 : i32
    %sign3A_575 = vector.broadcast %sign3A_574 : i32 to vector<1x1792xi32>
    %sign3A_576 = arith.cmpi sgt, %min3A_570, %sign3A_575 : vector<1x1792xi32>
    %sign3A_577 = arith.extui %sign3A_576 : vector<1x1792xi1> to vector<1x1792xi32>
    %sign3A_578 = arith.constant 0 : i32
    %sign3A_579 = vector.broadcast %sign3A_578 : i32 to vector<1x1792xi32>
    %sign3A_580 = arith.cmpi slt, %min3A_570, %sign3A_579 : vector<1x1792xi32>
    %sign3A_581 = arith.extui %sign3A_580 : vector<1x1792xi1> to vector<1x1792xi32>
    %sign3A_582 = arith.subi %sign3A_577, %sign3A_581 : vector<1x1792xi32>
    %sign3A_583 = arith.constant 0 : i32
    %sign3A_584 = arith.cmpi sgt, %jit3A_571, %sign3A_583 : i32
    %sign3A_585 = arith.extui %sign3A_584 : i1 to i32
    %sign3A_586 = arith.constant 0 : i32
    %sign3A_587 = arith.cmpi slt, %jit3A_571, %sign3A_586 : i32
    %sign3A_588 = arith.extui %sign3A_587 : i1 to i32
    %sign3A_589 = arith.subi %sign3A_585, %sign3A_588 : i32
    %ne3A_590 = vector.broadcast %sign3A_589 : i32 to vector<1x1792xi32>
    %ne3A_591 = arith.cmpi ne, %sign3A_582, %ne3A_590 : vector<1x1792xi32>
    %rem3A_592 = vector.broadcast %jit3A_571 : i32 to vector<1x1792xi32>
    %rem3A_593 = arith.remsi %min3A_570, %rem3A_592 : vector<1x1792xi32>
    %ne3A_594 = arith.constant 0 : i32
    %ne3A_595 = vector.broadcast %ne3A_594 : i32 to vector<1x1792xi32>
    %ne3A_596 = arith.cmpi ne, %rem3A_593, %ne3A_595 : vector<1x1792xi32>
    %and3A_597 = arith.andi %ne3A_591, %ne3A_596 : vector<1x1792xi1>
    %sub3A_598 = arith.constant 1 : i32
    %sub3A_599 = vector.broadcast %sub3A_598 : i32 to vector<1x1792xi32>
    %sub3A_600 = arith.subi %div3A_573, %sub3A_599 : vector<1x1792xi32>
    %select_n3A_601 = arith.select %and3A_597, %sub3A_600, %div3A_573 : vector<1x1792xi1>, vector<1x1792xi32>
    %mul3A_602 = arith.constant 8 : i32
    %mul3A_603 = vector.broadcast %mul3A_602 : i32 to vector<1x1792xi32>
    %mul3A_604 = arith.muli %select_n3A_601, %mul3A_603 : vector<1x1792xi32>
    %sub3A_605 = arith.subi %min3A_570, %mul3A_604 : vector<1x1792xi32>
    %mul3A_606 = arith.constant 1808 : i32
    %mul3A_607 = vector.broadcast %mul3A_606 : i32 to vector<1x1792xi32>
    %mul3A_608 = arith.muli %select_n3A_601, %mul3A_607 : vector<1x1792xi32>
    %mul3A_609 = arith.constant 224 : i32
    %mul3A_610 = vector.broadcast %mul3A_609 : i32 to vector<1x1792xi32>
    %mul3A_611 = arith.muli %sub3A_605, %mul3A_610 : vector<1x1792xi32>
    %add3A_612 = arith.addi %mul3A_608, %mul3A_611 : vector<1x1792xi32>
    %add3A_613 = arith.addi %add3A_612, %min3A_552 : vector<1x1792xi32>
    %mul3A_614 = arith.constant 1808 : i32
    %mul3A_615 = vector.broadcast %mul3A_614 : i32 to vector<1x1792xi32>
    %mul3A_616 = arith.muli %select_n3A_601, %mul3A_615 : vector<1x1792xi32>
    %add3A_617 = arith.constant 1792 : i32
    %add3A_618 = vector.broadcast %add3A_617 : i32 to vector<1x1792xi32>
    %add3A_619 = arith.addi %mul3A_616, %add3A_618 : vector<1x1792xi32>
    %mul3A_620 = arith.constant 2 : i32
    %mul3A_621 = vector.broadcast %mul3A_620 : i32 to vector<1x1792xi32>
    %mul3A_622 = arith.muli %mul3A_621, %sub3A_605 : vector<1x1792xi32>
    %add3A_623 = arith.addi %add3A_619, %mul3A_622 : vector<1x1792xi32>
    %add3A_624 = arith.addi %add3A_623, %convert_element_type3A_561 : vector<1x1792xi32>
    %select_n3A_625 = arith.select %or3A_557, %add3A_624, %add3A_613 : vector<1x1792xi1>, vector<1x1792xi32>
    %add3A_626 = arith.constant 1 : i32
    %add3A_627 = vector.broadcast %add3A_626 : i32 to vector<1x1792xi32>
    %add3A_628 = arith.addi %convert_element_type3A_546, %add3A_627 : vector<1x1792xi32>
    %jit3A_629 = arith.constant 0 : i32
    %jit3A_630 = arith.constant 223 : i32
    %max3A_631 = vector.broadcast %jit3A_629 : i32 to vector<1x1792xi32>
    %max3A_632 = arith.maxsi %max3A_631, %add3A_628 : vector<1x1792xi32>
    %min3A_633 = vector.broadcast %jit3A_630 : i32 to vector<1x1792xi32>
    %min3A_634 = arith.minsi %min3A_633, %max3A_632 : vector<1x1792xi32>
    %jit3A_635 = arith.constant 8 : i32
    %div3A_636 = vector.broadcast %jit3A_635 : i32 to vector<1x1792xi32>
    %div3A_637 = arith.divsi %min3A_634, %div3A_636 : vector<1x1792xi32>
    %sign3A_638 = arith.constant 0 : i32
    %sign3A_639 = vector.broadcast %sign3A_638 : i32 to vector<1x1792xi32>
    %sign3A_640 = arith.cmpi sgt, %min3A_634, %sign3A_639 : vector<1x1792xi32>
    %sign3A_641 = arith.extui %sign3A_640 : vector<1x1792xi1> to vector<1x1792xi32>
    %sign3A_642 = arith.constant 0 : i32
    %sign3A_643 = vector.broadcast %sign3A_642 : i32 to vector<1x1792xi32>
    %sign3A_644 = arith.cmpi slt, %min3A_634, %sign3A_643 : vector<1x1792xi32>
    %sign3A_645 = arith.extui %sign3A_644 : vector<1x1792xi1> to vector<1x1792xi32>
    %sign3A_646 = arith.subi %sign3A_641, %sign3A_645 : vector<1x1792xi32>
    %sign3A_647 = arith.constant 0 : i32
    %sign3A_648 = arith.cmpi sgt, %jit3A_635, %sign3A_647 : i32
    %sign3A_649 = arith.extui %sign3A_648 : i1 to i32
    %sign3A_650 = arith.constant 0 : i32
    %sign3A_651 = arith.cmpi slt, %jit3A_635, %sign3A_650 : i32
    %sign3A_652 = arith.extui %sign3A_651 : i1 to i32
    %sign3A_653 = arith.subi %sign3A_649, %sign3A_652 : i32
    %ne3A_654 = vector.broadcast %sign3A_653 : i32 to vector<1x1792xi32>
    %ne3A_655 = arith.cmpi ne, %sign3A_646, %ne3A_654 : vector<1x1792xi32>
    %rem3A_656 = vector.broadcast %jit3A_635 : i32 to vector<1x1792xi32>
    %rem3A_657 = arith.remsi %min3A_634, %rem3A_656 : vector<1x1792xi32>
    %ne3A_658 = arith.constant 0 : i32
    %ne3A_659 = vector.broadcast %ne3A_658 : i32 to vector<1x1792xi32>
    %ne3A_660 = arith.cmpi ne, %rem3A_657, %ne3A_659 : vector<1x1792xi32>
    %and3A_661 = arith.andi %ne3A_655, %ne3A_660 : vector<1x1792xi1>
    %sub3A_662 = arith.constant 1 : i32
    %sub3A_663 = vector.broadcast %sub3A_662 : i32 to vector<1x1792xi32>
    %sub3A_664 = arith.subi %div3A_637, %sub3A_663 : vector<1x1792xi32>
    %select_n3A_665 = arith.select %and3A_661, %sub3A_664, %div3A_637 : vector<1x1792xi1>, vector<1x1792xi32>
    %mul3A_666 = arith.constant 8 : i32
    %mul3A_667 = vector.broadcast %mul3A_666 : i32 to vector<1x1792xi32>
    %mul3A_668 = arith.muli %select_n3A_665, %mul3A_667 : vector<1x1792xi32>
    %sub3A_669 = arith.subi %min3A_634, %mul3A_668 : vector<1x1792xi32>
    %mul3A_670 = arith.constant 1808 : i32
    %mul3A_671 = vector.broadcast %mul3A_670 : i32 to vector<1x1792xi32>
    %mul3A_672 = arith.muli %select_n3A_665, %mul3A_671 : vector<1x1792xi32>
    %mul3A_673 = arith.constant 224 : i32
    %mul3A_674 = vector.broadcast %mul3A_673 : i32 to vector<1x1792xi32>
    %mul3A_675 = arith.muli %sub3A_669, %mul3A_674 : vector<1x1792xi32>
    %add3A_676 = arith.addi %mul3A_672, %mul3A_675 : vector<1x1792xi32>
    %add3A_677 = arith.addi %add3A_676, %min3A_552 : vector<1x1792xi32>
    %mul3A_678 = arith.constant 1808 : i32
    %mul3A_679 = vector.broadcast %mul3A_678 : i32 to vector<1x1792xi32>
    %mul3A_680 = arith.muli %select_n3A_665, %mul3A_679 : vector<1x1792xi32>
    %add3A_681 = arith.constant 1792 : i32
    %add3A_682 = vector.broadcast %add3A_681 : i32 to vector<1x1792xi32>
    %add3A_683 = arith.addi %mul3A_680, %add3A_682 : vector<1x1792xi32>
    %mul3A_684 = arith.constant 2 : i32
    %mul3A_685 = vector.broadcast %mul3A_684 : i32 to vector<1x1792xi32>
    %mul3A_686 = arith.muli %mul3A_685, %sub3A_669 : vector<1x1792xi32>
    %add3A_687 = arith.addi %add3A_683, %mul3A_686 : vector<1x1792xi32>
    %add3A_688 = arith.addi %add3A_687, %convert_element_type3A_561 : vector<1x1792xi32>
    %select_n3A_689 = arith.select %or3A_557, %add3A_688, %add3A_677 : vector<1x1792xi1>, vector<1x1792xi32>
    %concatenate3A_690 = tpu.concatenate %select_n3A_625, %select_n3A_689 in 0 : vector<1x1792xi32>, vector<1x1792xi32> -> vector<2x1792xi32>
    %swap3A_691 = arith.constant 0 : index
    %swap3A_692 = arith.constant 0 : index
    %swap3A_693 = vector.load %arg13[%swap3A_691, %swap3A_692] : memref<2x1792xi32, #tpu.memory_space<vmem>>, vector<2x1792xi32>
    tpu.vector_store %arg13[%swap3A_691, %swap3A_692], %concatenate3A_690 {strides = array<i32>} : memref<2x1792xi32, #tpu.memory_space<vmem>>, vector<2x1792xi32>,
    %mul3A_694 = arith.constant 3.14159107 : f32
    %mul3A_695 = vector.broadcast %mul3A_694 : f32 to vector<1x1792xf32>
    %mul3A_696 = arith.mulf %sub3A_532, %mul3A_695 : vector<1x1792xf32>
    %mul3A_697 = arith.constant 3.14159107 : f32
    %mul3A_698 = vector.broadcast %mul3A_697 : f32 to vector<1x1792xf32>
    %mul3A_699 = arith.mulf %sub3A_531, %mul3A_698 : vector<1x1792xf32>
    %iota3A_700 = tpu.iota {dimensions = array<i32: 0>} : vector<24x1xi32>
    %convert_element_type3A_701 = arith.sitofp %iota3A_700 : vector<24x1xi32> to vector<24x1xf32>
    %mul3A_702 = arith.constant -0.383764178 : f32
    %mul3A_703 = vector.broadcast %mul3A_702 : f32 to vector<24x1xf32>
    %mul3A_704 = arith.mulf %convert_element_type3A_701, %mul3A_703 : vector<24x1xf32>
    %exp3A = math.exp %mul3A_704 : vector<24x1xf32>
    %mul3A_705 = vector.broadcast %exp3A : vector<24x1xf32> to vector<24x1792xf32>
    %mul3A_706 = vector.broadcast %mul3A_696 : vector<1x1792xf32> to vector<24x1792xf32>
    %mul3A_707 = arith.mulf %mul3A_705, %mul3A_706 : vector<24x1792xf32>
    %mul3A_708 = vector.broadcast %exp3A : vector<24x1xf32> to vector<24x1792xf32>
    %mul3A_709 = vector.broadcast %mul3A_699 : vector<1x1792xf32> to vector<24x1792xf32>
    %mul3A_710 = arith.mulf %mul3A_708, %mul3A_709 : vector<24x1792xf32>
    %sin3A = math.sin %mul3A_707 : vector<24x1792xf32>
    %cos3A = math.cos %mul3A_707 : vector<24x1792xf32>
    %sin3A_711 = math.sin %mul3A_710 : vector<24x1792xf32>
    %cos3A_712 = math.cos %mul3A_710 : vector<24x1792xf32>
    %concatenate3A_713 = tpu.concatenate %sin3A, %cos3A, %sin3A_711, %cos3A_712 in 0 : vector<24x1792xf32>, vector<24x1792xf32>, vector<24x1792xf32>, vector<24x1792xf32> -> vector<96x1792xf32>
    %get3A_714 = arith.constant 0 : index
    %get3A_715 = arith.constant 0 : index
    %get3A_716 = vector.load %arg7[%get3A_714, %get3A_715] : memref<192x96xf32, #tpu.memory_space<vmem>>, vector<192x96xf32>
    %dot_general3A_717 = arith.constant dense<0.000000e+00> : vector<1792x192xf32>
    %dot_general3A_718 = tpu.matmul %concatenate3A_713, %get3A_716, %dot_general3A_717 {dimension_numbers = #tpu.dot_dimension_numbers<[0], [1], [1], [0], [0, 1, 1, 0], [], []>, transpose_lhs_hint = false} : vector<96x1792xf32>, vector<192x96xf32>, vector<1792x192xf32> -> vector<1792x192xf32>
    %get3A_719 = arith.constant 0 : index
    %get3A_720 = arith.constant 0 : index
    %get3A_721 = arith.constant 0 : index
    %get3A_722 = arith.constant 0 : index
    %get3A_723 = vector.load %arg2[%get3A_719, %get3A_720, %get3A_721, %get3A_722] : memref<1x96x8x224xf32, #tpu.memory_space<vmem>>, vector<1x96x1x224xf32>
    %get3A_724 = vector.shape_cast %get3A_723 : vector<1x96x1x224xf32> to vector<96x224xf32>
    %get3A_725 = arith.constant 0 : index
    %get3A_726 = arith.constant 0 : index
    %get3A_727 = vector.load %arg6[%get3A_725, %get3A_726] : memref<192x96xf32, #tpu.memory_space<vmem>>, vector<192x96xf32>
    %dot_general3A_728 = arith.constant dense<0.000000e+00> : vector<224x192xf32>
    %dot_general3A_729 = tpu.matmul %get3A_724, %get3A_727, %dot_general3A_728 {dimension_numbers = #tpu.dot_dimension_numbers<[0], [1], [1], [0], [0, 1, 1, 0], [], []>, transpose_lhs_hint = false} : vector<96x224xf32>, vector<192x96xf32>, vector<224x192xf32> -> vector<224x192xf32>
    %slice3A_730 = vector.extract_strided_slice %dot_general3A_718 {offsets = [0, 0], sizes = [224, 192], strides = [1, 1]} : vector<1792x192xf32> to vector<224x192xf32>
    %add3A_731 = arith.addf %dot_general3A_729, %slice3A_730 : vector<224x192xf32>
    %get3A_732 = arith.constant 0 : index
    %get3A_733 = arith.constant 0 : index
    %get3A_734 = vector.load %arg8[%get3A_732, %get3A_733] : memref<1x192xf32, #tpu.memory_space<vmem>>, vector<1x192xf32>
    %add3A_735 = vector.broadcast %get3A_734 : vector<1x192xf32> to vector<224x192xf32>
    %add3A_736 = arith.addf %add3A_731, %add3A_735 : vector<224x192xf32>
    %swap3A_737 = arith.constant 0 : index
    %swap3A_738 = arith.constant 0 : index
    %swap3A_739 = vector.load %arg11[%swap3A_737, %swap3A_738] : memref<1792x192xf32, #tpu.memory_space<vmem>>, vector<224x192xf32>
    tpu.vector_store %arg11[%swap3A_737, %swap3A_738], %add3A_736 {strides = array<i32>} : memref<1792x192xf32, #tpu.memory_space<vmem>>, vector<224x192xf32>,
    %get3A_740 = arith.constant 0 : index
    %get3A_741 = arith.constant 0 : index
    %get3A_742 = arith.constant 1 : index
    %get3A_743 = arith.constant 0 : index
    %get3A_744 = vector.load %arg2[%get3A_740, %get3A_741, %get3A_742, %get3A_743] : memref<1x96x8x224xf32, #tpu.memory_space<vmem>>, vector<1x96x1x224xf32>
    %get3A_745 = vector.shape_cast %get3A_744 : vector<1x96x1x224xf32> to vector<96x224xf32>
    %get3A_746 = arith.constant 0 : index
    %get3A_747 = arith.constant 0 : index
    %get3A_748 = vector.load %arg6[%get3A_746, %get3A_747] : memref<192x96xf32, #tpu.memory_space<vmem>>, vector<192x96xf32>
    %dot_general3A_749 = arith.constant dense<0.000000e+00> : vector<224x192xf32>
    %dot_general3A_750 = tpu.matmul %get3A_745, %get3A_748, %dot_general3A_749 {dimension_numbers = #tpu.dot_dimension_numbers<[0], [1], [1], [0], [0, 1, 1, 0], [], []>, transpose_lhs_hint = false} : vector<96x224xf32>, vector<192x96xf32>, vector<224x192xf32> -> vector<224x192xf32>
    %slice3A_751 = vector.extract_strided_slice %dot_general3A_718 {offsets = [224, 0], sizes = [224, 192], strides = [1, 1]} : vector<1792x192xf32> to vector<224x192xf32>
    %add3A_752 = arith.addf %dot_general3A_750, %slice3A_751 : vector<224x192xf32>
    %get3A_753 = arith.constant 0 : index
    %get3A_754 = arith.constant 0 : index
    %get3A_755 = vector.load %arg8[%get3A_753, %get3A_754] : memref<1x192xf32, #tpu.memory_space<vmem>>, vector<1x192xf32>
    %add3A_756 = vector.broadcast %get3A_755 : vector<1x192xf32> to vector<224x192xf32>
    %add3A_757 = arith.addf %add3A_752, %add3A_756 : vector<224x192xf32>
    %swap3A_758 = arith.constant 224 : index
    %swap3A_759 = arith.constant 0 : index
    %swap3A_760 = vector.load %arg11[%swap3A_758, %swap3A_759] : memref<1792x192xf32, #tpu.memory_space<vmem>>, vector<224x192xf32>
    tpu.vector_store %arg11[%swap3A_758, %swap3A_759], %add3A_757 {strides = array<i32>} : memref<1792x192xf32, #tpu.memory_space<vmem>>, vector<224x192xf32>,
    %get3A_761 = arith.constant 0 : index
    %get3A_762 = arith.constant 0 : index
    %get3A_763 = arith.constant 2 : index
    %get3A_764 = arith.constant 0 : index
    %get3A_765 = vector.load %arg2[%get3A_761, %get3A_762, %get3A_763, %get3A_764] : memref<1x96x8x224xf32, #tpu.memory_space<vmem>>, vector<1x96x1x224xf32>
    %get3A_766 = vector.shape_cast %get3A_765 : vector<1x96x1x224xf32> to vector<96x224xf32>
    %get3A_767 = arith.constant 0 : index
    %get3A_768 = arith.constant 0 : index
    %get3A_769 = vector.load %arg6[%get3A_767, %get3A_768] : memref<192x96xf32, #tpu.memory_space<vmem>>, vector<192x96xf32>
    %dot_general3A_770 = arith.constant dense<0.000000e+00> : vector<224x192xf32>
    %dot_general3A_771 = tpu.matmul %get3A_766, %get3A_769, %dot_general3A_770 {dimension_numbers = #tpu.dot_dimension_numbers<[0], [1], [1], [0], [0, 1, 1, 0], [], []>, transpose_lhs_hint = false} : vector<96x224xf32>, vector<192x96xf32>, vector<224x192xf32> -> vector<224x192xf32>
    %slice3A_772 = vector.extract_strided_slice %dot_general3A_718 {offsets = [448, 0], sizes = [224, 192], strides = [1, 1]} : vector<1792x192xf32> to vector<224x192xf32>
    %add3A_773 = arith.addf %dot_general3A_771, %slice3A_772 : vector<224x192xf32>
    %get3A_774 = arith.constant 0 : index
    %get3A_775 = arith.constant 0 : index
    %get3A_776 = vector.load %arg8[%get3A_774, %get3A_775] : memref<1x192xf32, #tpu.memory_space<vmem>>, vector<1x192xf32>
    %add3A_777 = vector.broadcast %get3A_776 : vector<1x192xf32> to vector<224x192xf32>
    %add3A_778 = arith.addf %add3A_773, %add3A_777 : vector<224x192xf32>
    %swap3A_779 = arith.constant 448 : index
    %swap3A_780 = arith.constant 0 : index
    %swap3A_781 = vector.load %arg11[%swap3A_779, %swap3A_780] : memref<1792x192xf32, #tpu.memory_space<vmem>>, vector<224x192xf32>
    tpu.vector_store %arg11[%swap3A_779, %swap3A_780], %add3A_778 {strides = array<i32>} : memref<1792x192xf32, #tpu.memory_space<vmem>>, vector<224x192xf32>,
    %get3A_782 = arith.constant 0 : index
    %get3A_783 = arith.constant 0 : index
    %get3A_784 = arith.constant 3 : index
    %get3A_785 = arith.constant 0 : index
    %get3A_786 = vector.load %arg2[%get3A_782, %get3A_783, %get3A_784, %get3A_785] : memref<1x96x8x224xf32, #tpu.memory_space<vmem>>, vector<1x96x1x224xf32>
    %get3A_787 = vector.shape_cast %get3A_786 : vector<1x96x1x224xf32> to vector<96x224xf32>
    %get3A_788 = arith.constant 0 : index
    %get3A_789 = arith.constant 0 : index
    %get3A_790 = vector.load %arg6[%get3A_788, %get3A_789] : memref<192x96xf32, #tpu.memory_space<vmem>>, vector<192x96xf32>
    %dot_general3A_791 = arith.constant dense<0.000000e+00> : vector<224x192xf32>
    %dot_general3A_792 = tpu.matmul %get3A_787, %get3A_790, %dot_general3A_791 {dimension_numbers = #tpu.dot_dimension_numbers<[0], [1], [1], [0], [0, 1, 1, 0], [], []>, transpose_lhs_hint = false} : vector<96x224xf32>, vector<192x96xf32>, vector<224x192xf32> -> vector<224x192xf32>
    %slice3A_793 = vector.extract_strided_slice %dot_general3A_718 {offsets = [672, 0], sizes = [224, 192], strides = [1, 1]} : vector<1792x192xf32> to vector<224x192xf32>
    %add3A_794 = arith.addf %dot_general3A_792, %slice3A_793 : vector<224x192xf32>
    %get3A_795 = arith.constant 0 : index
    %get3A_796 = arith.constant 0 : index
    %get3A_797 = vector.load %arg8[%get3A_795, %get3A_796] : memref<1x192xf32, #tpu.memory_space<vmem>>, vector<1x192xf32>
    %add3A_798 = vector.broadcast %get3A_797 : vector<1x192xf32> to vector<224x192xf32>
    %add3A_799 = arith.addf %add3A_794, %add3A_798 : vector<224x192xf32>
    %swap3A_800 = arith.constant 672 : index
    %swap3A_801 = arith.constant 0 : index
    %swap3A_802 = vector.load %arg11[%swap3A_800, %swap3A_801] : memref<1792x192xf32, #tpu.memory_space<vmem>>, vector<224x192xf32>
    tpu.vector_store %arg11[%swap3A_800, %swap3A_801], %add3A_799 {strides = array<i32>} : memref<1792x192xf32, #tpu.memory_space<vmem>>, vector<224x192xf32>,
    %get3A_803 = arith.constant 0 : index
    %get3A_804 = arith.constant 0 : index
    %get3A_805 = arith.constant 4 : index
    %get3A_806 = arith.constant 0 : index
    %get3A_807 = vector.load %arg2[%get3A_803, %get3A_804, %get3A_805, %get3A_806] : memref<1x96x8x224xf32, #tpu.memory_space<vmem>>, vector<1x96x1x224xf32>
    %get3A_808 = vector.shape_cast %get3A_807 : vector<1x96x1x224xf32> to vector<96x224xf32>
    %get3A_809 = arith.constant 0 : index
    %get3A_810 = arith.constant 0 : index
    %get3A_811 = vector.load %arg6[%get3A_809, %get3A_810] : memref<192x96xf32, #tpu.memory_space<vmem>>, vector<192x96xf32>
    %dot_general3A_812 = arith.constant dense<0.000000e+00> : vector<224x192xf32>
    %dot_general3A_813 = tpu.matmul %get3A_808, %get3A_811, %dot_general3A_812 {dimension_numbers = #tpu.dot_dimension_numbers<[0], [1], [1], [0], [0, 1, 1, 0], [], []>, transpose_lhs_hint = false} : vector<96x224xf32>, vector<192x96xf32>, vector<224x192xf32> -> vector<224x192xf32>
    %slice3A_814 = vector.extract_strided_slice %dot_general3A_718 {offsets = [896, 0], sizes = [224, 192], strides = [1, 1]} : vector<1792x192xf32> to vector<224x192xf32>
    %add3A_815 = arith.addf %dot_general3A_813, %slice3A_814 : vector<224x192xf32>
    %get3A_816 = arith.constant 0 : index
    %get3A_817 = arith.constant 0 : index
    %get3A_818 = vector.load %arg8[%get3A_816, %get3A_817] : memref<1x192xf32, #tpu.memory_space<vmem>>, vector<1x192xf32>
    %add3A_819 = vector.broadcast %get3A_818 : vector<1x192xf32> to vector<224x192xf32>
    %add3A_820 = arith.addf %add3A_815, %add3A_819 : vector<224x192xf32>
    %swap3A_821 = arith.constant 896 : index
    %swap3A_822 = arith.constant 0 : index
    %swap3A_823 = vector.load %arg11[%swap3A_821, %swap3A_822] : memref<1792x192xf32, #tpu.memory_space<vmem>>, vector<224x192xf32>
    tpu.vector_store %arg11[%swap3A_821, %swap3A_822], %add3A_820 {strides = array<i32>} : memref<1792x192xf32, #tpu.memory_space<vmem>>, vector<224x192xf32>,
    %get3A_824 = arith.constant 0 : index
    %get3A_825 = arith.constant 0 : index
    %get3A_826 = arith.constant 5 : index
    %get3A_827 = arith.constant 0 : index
    %get3A_828 = vector.load %arg2[%get3A_824, %get3A_825, %get3A_826, %get3A_827] : memref<1x96x8x224xf32, #tpu.memory_space<vmem>>, vector<1x96x1x224xf32>
    %get3A_829 = vector.shape_cast %get3A_828 : vector<1x96x1x224xf32> to vector<96x224xf32>
    %get3A_830 = arith.constant 0 : index
    %get3A_831 = arith.constant 0 : index
    %get3A_832 = vector.load %arg6[%get3A_830, %get3A_831] : memref<192x96xf32, #tpu.memory_space<vmem>>, vector<192x96xf32>
    %dot_general3A_833 = arith.constant dense<0.000000e+00> : vector<224x192xf32>
    %dot_general3A_834 = tpu.matmul %get3A_829, %get3A_832, %dot_general3A_833 {dimension_numbers = #tpu.dot_dimension_numbers<[0], [1], [1], [0], [0, 1, 1, 0], [], []>, transpose_lhs_hint = false} : vector<96x224xf32>, vector<192x96xf32>, vector<224x192xf32> -> vector<224x192xf32>
    %slice3A_835 = vector.extract_strided_slice %dot_general3A_718 {offsets = [1120, 0], sizes = [224, 192], strides = [1, 1]} : vector<1792x192xf32> to vector<224x192xf32>
    %add3A_836 = arith.addf %dot_general3A_834, %slice3A_835 : vector<224x192xf32>
    %get3A_837 = arith.constant 0 : index
    %get3A_838 = arith.constant 0 : index
    %get3A_839 = vector.load %arg8[%get3A_837, %get3A_838] : memref<1x192xf32, #tpu.memory_space<vmem>>, vector<1x192xf32>
    %add3A_840 = vector.broadcast %get3A_839 : vector<1x192xf32> to vector<224x192xf32>
    %add3A_841 = arith.addf %add3A_836, %add3A_840 : vector<224x192xf32>
    %swap3A_842 = arith.constant 1120 : index
    %swap3A_843 = arith.constant 0 : index
    %swap3A_844 = vector.load %arg11[%swap3A_842, %swap3A_843] : memref<1792x192xf32, #tpu.memory_space<vmem>>, vector<224x192xf32>
    tpu.vector_store %arg11[%swap3A_842, %swap3A_843], %add3A_841 {strides = array<i32>} : memref<1792x192xf32, #tpu.memory_space<vmem>>, vector<224x192xf32>,
    %get3A_845 = arith.constant 0 : index
    %get3A_846 = arith.constant 0 : index
    %get3A_847 = arith.constant 6 : index
    %get3A_848 = arith.constant 0 : index
    %get3A_849 = vector.load %arg2[%get3A_845, %get3A_846, %get3A_847, %get3A_848] : memref<1x96x8x224xf32, #tpu.memory_space<vmem>>, vector<1x96x1x224xf32>
    %get3A_850 = vector.shape_cast %get3A_849 : vector<1x96x1x224xf32> to vector<96x224xf32>
    %get3A_851 = arith.constant 0 : index
    %get3A_852 = arith.constant 0 : index
    %get3A_853 = vector.load %arg6[%get3A_851, %get3A_852] : memref<192x96xf32, #tpu.memory_space<vmem>>, vector<192x96xf32>
    %dot_general3A_854 = arith.constant dense<0.000000e+00> : vector<224x192xf32>
    %dot_general3A_855 = tpu.matmul %get3A_850, %get3A_853, %dot_general3A_854 {dimension_numbers = #tpu.dot_dimension_numbers<[0], [1], [1], [0], [0, 1, 1, 0], [], []>, transpose_lhs_hint = false} : vector<96x224xf32>, vector<192x96xf32>, vector<224x192xf32> -> vector<224x192xf32>
    %slice3A_856 = vector.extract_strided_slice %dot_general3A_718 {offsets = [1344, 0], sizes = [224, 192], strides = [1, 1]} : vector<1792x192xf32> to vector<224x192xf32>
    %add3A_857 = arith.addf %dot_general3A_855, %slice3A_856 : vector<224x192xf32>
    %get3A_858 = arith.constant 0 : index
    %get3A_859 = arith.constant 0 : index
    %get3A_860 = vector.load %arg8[%get3A_858, %get3A_859] : memref<1x192xf32, #tpu.memory_space<vmem>>, vector<1x192xf32>
    %add3A_861 = vector.broadcast %get3A_860 : vector<1x192xf32> to vector<224x192xf32>
    %add3A_862 = arith.addf %add3A_857, %add3A_861 : vector<224x192xf32>
    %swap3A_863 = arith.constant 1344 : index
    %swap3A_864 = arith.constant 0 : index
    %swap3A_865 = vector.load %arg11[%swap3A_863, %swap3A_864] : memref<1792x192xf32, #tpu.memory_space<vmem>>, vector<224x192xf32>
    tpu.vector_store %arg11[%swap3A_863, %swap3A_864], %add3A_862 {strides = array<i32>} : memref<1792x192xf32, #tpu.memory_space<vmem>>, vector<224x192xf32>,
    %get3A_866 = arith.constant 0 : index
    %get3A_867 = arith.constant 0 : index
    %get3A_868 = arith.constant 7 : index
    %get3A_869 = arith.constant 0 : index
    %get3A_870 = vector.load %arg2[%get3A_866, %get3A_867, %get3A_868, %get3A_869] : memref<1x96x8x224xf32, #tpu.memory_space<vmem>>, vector<1x96x1x224xf32>
    %get3A_871 = vector.shape_cast %get3A_870 : vector<1x96x1x224xf32> to vector<96x224xf32>
    %get3A_872 = arith.constant 0 : index
    %get3A_873 = arith.constant 0 : index
    %get3A_874 = vector.load %arg6[%get3A_872, %get3A_873] : memref<192x96xf32, #tpu.memory_space<vmem>>, vector<192x96xf32>
    %dot_general3A_875 = arith.constant dense<0.000000e+00> : vector<224x192xf32>
    %dot_general3A_876 = tpu.matmul %get3A_871, %get3A_874, %dot_general3A_875 {dimension_numbers = #tpu.dot_dimension_numbers<[0], [1], [1], [0], [0, 1, 1, 0], [], []>, transpose_lhs_hint = false} : vector<96x224xf32>, vector<192x96xf32>, vector<224x192xf32> -> vector<224x192xf32>
    %slice3A_877 = vector.extract_strided_slice %dot_general3A_718 {offsets = [1568, 0], sizes = [224, 192], strides = [1, 1]} : vector<1792x192xf32> to vector<224x192xf32>
    %add3A_878 = arith.addf %dot_general3A_876, %slice3A_877 : vector<224x192xf32>
    %get3A_879 = arith.constant 0 : index
    %get3A_880 = arith.constant 0 : index
    %get3A_881 = vector.load %arg8[%get3A_879, %get3A_880] : memref<1x192xf32, #tpu.memory_space<vmem>>, vector<1x192xf32>
    %add3A_882 = vector.broadcast %get3A_881 : vector<1x192xf32> to vector<224x192xf32>
    %add3A_883 = arith.addf %add3A_878, %add3A_882 : vector<224x192xf32>
    %swap3A_884 = arith.constant 1568 : index
    %swap3A_885 = arith.constant 0 : index
    %swap3A_886 = vector.load %arg11[%swap3A_884, %swap3A_885] : memref<1792x192xf32, #tpu.memory_space<vmem>>, vector<224x192xf32>
    tpu.vector_store %arg11[%swap3A_884, %swap3A_885], %add3A_883 {strides = array<i32>} : memref<1792x192xf32, #tpu.memory_space<vmem>>, vector<224x192xf32>,
    %get3A_887 = arith.constant 0 : index
    %get3A_888 = arith.constant 0 : index
    %get3A_889 = vector.load %arg11[%get3A_887, %get3A_888] : memref<1792x192xf32, #tpu.memory_space<vmem>>, vector<1792x192xf32>
    %get3A_890 = arith.constant 0 : index
    %get3A_891 = arith.constant 0 : index
    %get3A_892 = vector.load %arg9[%get3A_890, %get3A_891] : memref<192x64xf32, #tpu.memory_space<vmem>>, vector<192x64xf32>
    %dot_general3A_893 = arith.constant dense<0.000000e+00> : vector<1792x64xf32>
    %dot_general3A_894 = tpu.matmul %get3A_889, %get3A_892, %dot_general3A_893 {dimension_numbers = #tpu.dot_dimension_numbers<[1], [0], [0], [1], [0, 0, 1, 1], [], []>, transpose_lhs_hint = false} : vector<1792x192xf32>, vector<192x64xf32>, vector<1792x64xf32> -> vector<1792x64xf32>
    %swap3A_895 = arith.constant 0 : index
    %swap3A_896 = arith.constant 0 : index
    %swap3A_897 = vector.load %arg12[%swap3A_895, %swap3A_896] : memref<1792x64xf32, #tpu.memory_space<vmem>>, vector<1792x64xf32>
    tpu.vector_store %arg12[%swap3A_895, %swap3A_896], %dot_general3A_894 {strides = array<i32>} : memref<1792x64xf32, #tpu.memory_space<vmem>>, vector<1792x64xf32>,
    return
  }
  func.func @transform_0(%arg0: i32) -> (i32, i32, i32, i32) {
    %c0_i32 = arith.constant 0 : i32
    %c0_i32_0 = arith.constant 0 : i32
    %c0_i32_1 = arith.constant 0 : i32
    %c0_i32_2 = arith.constant 0 : i32
    return %c0_i32, %c0_i32_0, %arg0, %c0_i32_1 : i32, i32, i32, i32
  }
  func.func @transform_1(%arg0: i32) -> (i32, i32, i32, i32) {
    %c0_i32 = arith.constant 0 : i32
    %c0_i32_0 = arith.constant 0 : i32
    %c0_i32_1 = arith.constant 0 : i32
    %c0_i32_2 = arith.constant 0 : i32
    return %c0_i32, %c0_i32_0, %arg0, %c0_i32_1 : i32, i32, i32, i32
  }
  func.func @transform_2(%arg0: i32) -> (i32, i32) {
    %c0_i32 = arith.constant 0 : i32
    %c0_i32_0 = arith.constant 0 : i32
    return %c0_i32, %arg0 : i32, i32
  }
  func.func @transform_3(%arg0: i32) -> (i32, i32) {
    %c0_i32 = arith.constant 0 : i32
    %c0_i32_0 = arith.constant 0 : i32
    %c0_i32_1 = arith.constant 0 : i32
    return %c0_i32, %c0_i32_0 : i32, i32
  }
  func.func @transform_4(%arg0: i32) -> (i32, i32) {
    %c0_i32 = arith.constant 0 : i32
    %c0_i32_0 = arith.constant 0 : i32
    %c0_i32_1 = arith.constant 0 : i32
    return %c0_i32, %c0_i32_0 : i32, i32
  }
  func.func @transform_5(%arg0: i32) -> (i32, i32) {
    %c0_i32 = arith.constant 0 : i32
    %c0_i32_0 = arith.constant 0 : i32
    %c0_i32_1 = arith.constant 0 : i32
    return %c0_i32, %c0_i32_0 : i32, i32
  }
  func.func @transform_6(%arg0: i32) -> (i32, i32) {
    %c0_i32 = arith.constant 0 : i32
    %c0_i32_0 = arith.constant 0 : i32
    %c0_i32_1 = arith.constant 0 : i32
    return %c0_i32, %c0_i32_0 : i32, i32
  }
  func.func @transform_7(%arg0: i32) -> (i32, i32) {
    %c0_i32 = arith.constant 0 : i32
    %c0_i32_0 = arith.constant 0 : i32
    %c0_i32_1 = arith.constant 0 : i32
    return %c0_i32, %c0_i32_0 : i32, i32
  }
  func.func @transform_8(%arg0: i32) -> (i32, i32) {
    %c0_i32 = arith.constant 0 : i32
    %c0_i32_0 = arith.constant 0 : i32
    %c0_i32_1 = arith.constant 0 : i32
    return %c0_i32, %c0_i32_0 : i32, i32
  }
  func.func @transform_9(%arg0: i32) -> (i32, i32) {
    %c0_i32 = arith.constant 0 : i32
    %c0_i32_0 = arith.constant 0 : i32
    return %arg0, %c0_i32 : i32, i32
  }
  func.func @transform_10(%arg0: i32) -> (i32, i32) {
    %c0_i32 = arith.constant 0 : i32
    %c0_i32_0 = arith.constant 0 : i32
    return %arg0, %c0_i32 : i32, i32
  }
  func.func @transform_11(%arg0: i32) -> (i32, i32) {
    %c0_i32 = arith.constant 0 : i32
    %c0_i32_0 = arith.constant 0 : i32
    return %arg0, %c0_i32 : i32, i32
  }
  func.func @transform_12(%arg0: i32) -> (i32, i32) {
    %c0_i32 = arith.constant 0 : i32
    %c0_i32_0 = arith.constant 0 : i32
    return %c0_i32, %arg0 : i32, i32
  }
}

module attributes {stable_mosaic.version = 14 : i64} {
  func.func @_phase_c_body(%arg0: i32, %arg1: memref<1792x192xf32, #tpu.memory_space<vmem>>, %arg2: memref<1792x64xf32, #tpu.memory_space<vmem>>, %arg3: memref<64x192xf32, #tpu.memory_space<vmem>>, %arg4: memref<192x192xf32, #tpu.memory_space<vmem>>, %arg5: memref<1x192x8x224xf32, #tpu.memory_space<vmem>>) attributes {dimension_semantics = [#tpu.dimension_semantics<arbitrary>], iteration_bounds = array<i64: 28>, scalar_prefetch = 0 : i64, scratch_operands = 0 : i64, tpu.core_type = #tpu.core_type<tc>, window_params = [{transform_indices = @transform_0, window_bounds = array<i64: 1792, 192>}, {transform_indices = @transform_1, window_bounds = array<i64: 1792, 64>}, {pipeline_mode = #tpu.pipeline_mode<synchronous>, transform_indices = @transform_2, window_bounds = array<i64: 64, 192>}, {pipeline_mode = #tpu.pipeline_mode<synchronous>, transform_indices = @transform_3, window_bounds = array<i64: 192, 192>}, {transform_indices = @transform_4, window_bounds = array<i64: 1, 192, 8, 224>}]} {
    %get3A = arith.constant 0 : index
    %get3A_0 = arith.constant 0 : index
    %get3A_1 = vector.load %arg1[%get3A, %get3A_0] : memref<1792x192xf32, #tpu.memory_space<vmem>>, vector<1792x192xf32>
    %get3A_2 = arith.constant 0 : index
    %get3A_3 = arith.constant 0 : index
    %get3A_4 = vector.load %arg2[%get3A_2, %get3A_3] : memref<1792x64xf32, #tpu.memory_space<vmem>>, vector<1792x64xf32>
    %get3A_5 = arith.constant 0 : index
    %get3A_6 = arith.constant 0 : index
    %get3A_7 = vector.load %arg3[%get3A_5, %get3A_6] : memref<64x192xf32, #tpu.memory_space<vmem>>, vector<64x192xf32>
    %dot_general3A = arith.constant dense<0.000000e+00> : vector<1792x192xf32>
    %dot_general3A_8 = tpu.matmul %get3A_4, %get3A_7, %dot_general3A {dimension_numbers = #tpu.dot_dimension_numbers<[1], [0], [0], [1], [0, 0, 1, 1], [], []>, transpose_lhs_hint = false} : vector<1792x64xf32>, vector<64x192xf32>, vector<1792x192xf32> -> vector<1792x192xf32>
    %add3A = arith.addf %get3A_1, %dot_general3A_8 : vector<1792x192xf32>
    %get3A_9 = arith.constant 0 : index
    %get3A_10 = arith.constant 0 : index
    %get3A_11 = vector.load %arg4[%get3A_9, %get3A_10] : memref<192x192xf32, #tpu.memory_space<vmem>>, vector<192x192xf32>
    %slice3A = vector.extract_strided_slice %add3A {offsets = [0, 0], sizes = [224, 192], strides = [1, 1]} : vector<1792x192xf32> to vector<224x192xf32>
    %dot_general3A_12 = arith.constant dense<0.000000e+00> : vector<192x224xf32>
    %dot_general3A_13 = tpu.matmul %get3A_11, %slice3A, %dot_general3A_12 {dimension_numbers = #tpu.dot_dimension_numbers<[1], [1], [0], [0], [0, 0, 1, 0], [], []>, transpose_lhs_hint = false} : vector<192x192xf32>, vector<224x192xf32>, vector<192x224xf32> -> vector<192x224xf32>
    %swap3A = arith.constant 0 : index
    %swap3A_14 = arith.constant 0 : index
    %swap3A_15 = arith.constant 0 : index
    %swap3A_16 = arith.constant 0 : index
    %swap3A_17 = vector.load %arg5[%swap3A, %swap3A_14, %swap3A_15, %swap3A_16] : memref<1x192x8x224xf32, #tpu.memory_space<vmem>>, vector<1x192x1x224xf32>
    %swap3A_18 = vector.shape_cast %swap3A_17 : vector<1x192x1x224xf32> to vector<192x224xf32>
    %swap3A_19 = vector.shape_cast %dot_general3A_13 : vector<192x224xf32> to vector<1x192x1x224xf32>
    tpu.vector_store %arg5[%swap3A, %swap3A_14, %swap3A_15, %swap3A_16], %swap3A_19 {strides = array<i32>} : memref<1x192x8x224xf32, #tpu.memory_space<vmem>>, vector<1x192x1x224xf32>,
    %get3A_20 = arith.constant 0 : index
    %get3A_21 = arith.constant 0 : index
    %get3A_22 = vector.load %arg4[%get3A_20, %get3A_21] : memref<192x192xf32, #tpu.memory_space<vmem>>, vector<192x192xf32>
    %slice3A_23 = vector.extract_strided_slice %add3A {offsets = [224, 0], sizes = [224, 192], strides = [1, 1]} : vector<1792x192xf32> to vector<224x192xf32>
    %dot_general3A_24 = arith.constant dense<0.000000e+00> : vector<192x224xf32>
    %dot_general3A_25 = tpu.matmul %get3A_22, %slice3A_23, %dot_general3A_24 {dimension_numbers = #tpu.dot_dimension_numbers<[1], [1], [0], [0], [0, 0, 1, 0], [], []>, transpose_lhs_hint = false} : vector<192x192xf32>, vector<224x192xf32>, vector<192x224xf32> -> vector<192x224xf32>
    %swap3A_26 = arith.constant 0 : index
    %swap3A_27 = arith.constant 0 : index
    %swap3A_28 = arith.constant 1 : index
    %swap3A_29 = arith.constant 0 : index
    %swap3A_30 = vector.load %arg5[%swap3A_26, %swap3A_27, %swap3A_28, %swap3A_29] : memref<1x192x8x224xf32, #tpu.memory_space<vmem>>, vector<1x192x1x224xf32>
    %swap3A_31 = vector.shape_cast %swap3A_30 : vector<1x192x1x224xf32> to vector<192x224xf32>
    %swap3A_32 = vector.shape_cast %dot_general3A_25 : vector<192x224xf32> to vector<1x192x1x224xf32>
    tpu.vector_store %arg5[%swap3A_26, %swap3A_27, %swap3A_28, %swap3A_29], %swap3A_32 {strides = array<i32>} : memref<1x192x8x224xf32, #tpu.memory_space<vmem>>, vector<1x192x1x224xf32>,
    %get3A_33 = arith.constant 0 : index
    %get3A_34 = arith.constant 0 : index
    %get3A_35 = vector.load %arg4[%get3A_33, %get3A_34] : memref<192x192xf32, #tpu.memory_space<vmem>>, vector<192x192xf32>
    %slice3A_36 = vector.extract_strided_slice %add3A {offsets = [448, 0], sizes = [224, 192], strides = [1, 1]} : vector<1792x192xf32> to vector<224x192xf32>
    %dot_general3A_37 = arith.constant dense<0.000000e+00> : vector<192x224xf32>
    %dot_general3A_38 = tpu.matmul %get3A_35, %slice3A_36, %dot_general3A_37 {dimension_numbers = #tpu.dot_dimension_numbers<[1], [1], [0], [0], [0, 0, 1, 0], [], []>, transpose_lhs_hint = false} : vector<192x192xf32>, vector<224x192xf32>, vector<192x224xf32> -> vector<192x224xf32>
    %swap3A_39 = arith.constant 0 : index
    %swap3A_40 = arith.constant 0 : index
    %swap3A_41 = arith.constant 2 : index
    %swap3A_42 = arith.constant 0 : index
    %swap3A_43 = vector.load %arg5[%swap3A_39, %swap3A_40, %swap3A_41, %swap3A_42] : memref<1x192x8x224xf32, #tpu.memory_space<vmem>>, vector<1x192x1x224xf32>
    %swap3A_44 = vector.shape_cast %swap3A_43 : vector<1x192x1x224xf32> to vector<192x224xf32>
    %swap3A_45 = vector.shape_cast %dot_general3A_38 : vector<192x224xf32> to vector<1x192x1x224xf32>
    tpu.vector_store %arg5[%swap3A_39, %swap3A_40, %swap3A_41, %swap3A_42], %swap3A_45 {strides = array<i32>} : memref<1x192x8x224xf32, #tpu.memory_space<vmem>>, vector<1x192x1x224xf32>,
    %get3A_46 = arith.constant 0 : index
    %get3A_47 = arith.constant 0 : index
    %get3A_48 = vector.load %arg4[%get3A_46, %get3A_47] : memref<192x192xf32, #tpu.memory_space<vmem>>, vector<192x192xf32>
    %slice3A_49 = vector.extract_strided_slice %add3A {offsets = [672, 0], sizes = [224, 192], strides = [1, 1]} : vector<1792x192xf32> to vector<224x192xf32>
    %dot_general3A_50 = arith.constant dense<0.000000e+00> : vector<192x224xf32>
    %dot_general3A_51 = tpu.matmul %get3A_48, %slice3A_49, %dot_general3A_50 {dimension_numbers = #tpu.dot_dimension_numbers<[1], [1], [0], [0], [0, 0, 1, 0], [], []>, transpose_lhs_hint = false} : vector<192x192xf32>, vector<224x192xf32>, vector<192x224xf32> -> vector<192x224xf32>
    %swap3A_52 = arith.constant 0 : index
    %swap3A_53 = arith.constant 0 : index
    %swap3A_54 = arith.constant 3 : index
    %swap3A_55 = arith.constant 0 : index
    %swap3A_56 = vector.load %arg5[%swap3A_52, %swap3A_53, %swap3A_54, %swap3A_55] : memref<1x192x8x224xf32, #tpu.memory_space<vmem>>, vector<1x192x1x224xf32>
    %swap3A_57 = vector.shape_cast %swap3A_56 : vector<1x192x1x224xf32> to vector<192x224xf32>
    %swap3A_58 = vector.shape_cast %dot_general3A_51 : vector<192x224xf32> to vector<1x192x1x224xf32>
    tpu.vector_store %arg5[%swap3A_52, %swap3A_53, %swap3A_54, %swap3A_55], %swap3A_58 {strides = array<i32>} : memref<1x192x8x224xf32, #tpu.memory_space<vmem>>, vector<1x192x1x224xf32>,
    %get3A_59 = arith.constant 0 : index
    %get3A_60 = arith.constant 0 : index
    %get3A_61 = vector.load %arg4[%get3A_59, %get3A_60] : memref<192x192xf32, #tpu.memory_space<vmem>>, vector<192x192xf32>
    %slice3A_62 = vector.extract_strided_slice %add3A {offsets = [896, 0], sizes = [224, 192], strides = [1, 1]} : vector<1792x192xf32> to vector<224x192xf32>
    %dot_general3A_63 = arith.constant dense<0.000000e+00> : vector<192x224xf32>
    %dot_general3A_64 = tpu.matmul %get3A_61, %slice3A_62, %dot_general3A_63 {dimension_numbers = #tpu.dot_dimension_numbers<[1], [1], [0], [0], [0, 0, 1, 0], [], []>, transpose_lhs_hint = false} : vector<192x192xf32>, vector<224x192xf32>, vector<192x224xf32> -> vector<192x224xf32>
    %swap3A_65 = arith.constant 0 : index
    %swap3A_66 = arith.constant 0 : index
    %swap3A_67 = arith.constant 4 : index
    %swap3A_68 = arith.constant 0 : index
    %swap3A_69 = vector.load %arg5[%swap3A_65, %swap3A_66, %swap3A_67, %swap3A_68] : memref<1x192x8x224xf32, #tpu.memory_space<vmem>>, vector<1x192x1x224xf32>
    %swap3A_70 = vector.shape_cast %swap3A_69 : vector<1x192x1x224xf32> to vector<192x224xf32>
    %swap3A_71 = vector.shape_cast %dot_general3A_64 : vector<192x224xf32> to vector<1x192x1x224xf32>
    tpu.vector_store %arg5[%swap3A_65, %swap3A_66, %swap3A_67, %swap3A_68], %swap3A_71 {strides = array<i32>} : memref<1x192x8x224xf32, #tpu.memory_space<vmem>>, vector<1x192x1x224xf32>,
    %get3A_72 = arith.constant 0 : index
    %get3A_73 = arith.constant 0 : index
    %get3A_74 = vector.load %arg4[%get3A_72, %get3A_73] : memref<192x192xf32, #tpu.memory_space<vmem>>, vector<192x192xf32>
    %slice3A_75 = vector.extract_strided_slice %add3A {offsets = [1120, 0], sizes = [224, 192], strides = [1, 1]} : vector<1792x192xf32> to vector<224x192xf32>
    %dot_general3A_76 = arith.constant dense<0.000000e+00> : vector<192x224xf32>
    %dot_general3A_77 = tpu.matmul %get3A_74, %slice3A_75, %dot_general3A_76 {dimension_numbers = #tpu.dot_dimension_numbers<[1], [1], [0], [0], [0, 0, 1, 0], [], []>, transpose_lhs_hint = false} : vector<192x192xf32>, vector<224x192xf32>, vector<192x224xf32> -> vector<192x224xf32>
    %swap3A_78 = arith.constant 0 : index
    %swap3A_79 = arith.constant 0 : index
    %swap3A_80 = arith.constant 5 : index
    %swap3A_81 = arith.constant 0 : index
    %swap3A_82 = vector.load %arg5[%swap3A_78, %swap3A_79, %swap3A_80, %swap3A_81] : memref<1x192x8x224xf32, #tpu.memory_space<vmem>>, vector<1x192x1x224xf32>
    %swap3A_83 = vector.shape_cast %swap3A_82 : vector<1x192x1x224xf32> to vector<192x224xf32>
    %swap3A_84 = vector.shape_cast %dot_general3A_77 : vector<192x224xf32> to vector<1x192x1x224xf32>
    tpu.vector_store %arg5[%swap3A_78, %swap3A_79, %swap3A_80, %swap3A_81], %swap3A_84 {strides = array<i32>} : memref<1x192x8x224xf32, #tpu.memory_space<vmem>>, vector<1x192x1x224xf32>,
    %get3A_85 = arith.constant 0 : index
    %get3A_86 = arith.constant 0 : index
    %get3A_87 = vector.load %arg4[%get3A_85, %get3A_86] : memref<192x192xf32, #tpu.memory_space<vmem>>, vector<192x192xf32>
    %slice3A_88 = vector.extract_strided_slice %add3A {offsets = [1344, 0], sizes = [224, 192], strides = [1, 1]} : vector<1792x192xf32> to vector<224x192xf32>
    %dot_general3A_89 = arith.constant dense<0.000000e+00> : vector<192x224xf32>
    %dot_general3A_90 = tpu.matmul %get3A_87, %slice3A_88, %dot_general3A_89 {dimension_numbers = #tpu.dot_dimension_numbers<[1], [1], [0], [0], [0, 0, 1, 0], [], []>, transpose_lhs_hint = false} : vector<192x192xf32>, vector<224x192xf32>, vector<192x224xf32> -> vector<192x224xf32>
    %swap3A_91 = arith.constant 0 : index
    %swap3A_92 = arith.constant 0 : index
    %swap3A_93 = arith.constant 6 : index
    %swap3A_94 = arith.constant 0 : index
    %swap3A_95 = vector.load %arg5[%swap3A_91, %swap3A_92, %swap3A_93, %swap3A_94] : memref<1x192x8x224xf32, #tpu.memory_space<vmem>>, vector<1x192x1x224xf32>
    %swap3A_96 = vector.shape_cast %swap3A_95 : vector<1x192x1x224xf32> to vector<192x224xf32>
    %swap3A_97 = vector.shape_cast %dot_general3A_90 : vector<192x224xf32> to vector<1x192x1x224xf32>
    tpu.vector_store %arg5[%swap3A_91, %swap3A_92, %swap3A_93, %swap3A_94], %swap3A_97 {strides = array<i32>} : memref<1x192x8x224xf32, #tpu.memory_space<vmem>>, vector<1x192x1x224xf32>,
    %get3A_98 = arith.constant 0 : index
    %get3A_99 = arith.constant 0 : index
    %get3A_100 = vector.load %arg4[%get3A_98, %get3A_99] : memref<192x192xf32, #tpu.memory_space<vmem>>, vector<192x192xf32>
    %slice3A_101 = vector.extract_strided_slice %add3A {offsets = [1568, 0], sizes = [224, 192], strides = [1, 1]} : vector<1792x192xf32> to vector<224x192xf32>
    %dot_general3A_102 = arith.constant dense<0.000000e+00> : vector<192x224xf32>
    %dot_general3A_103 = tpu.matmul %get3A_100, %slice3A_101, %dot_general3A_102 {dimension_numbers = #tpu.dot_dimension_numbers<[1], [1], [0], [0], [0, 0, 1, 0], [], []>, transpose_lhs_hint = false} : vector<192x192xf32>, vector<224x192xf32>, vector<192x224xf32> -> vector<192x224xf32>
    %swap3A_104 = arith.constant 0 : index
    %swap3A_105 = arith.constant 0 : index
    %swap3A_106 = arith.constant 7 : index
    %swap3A_107 = arith.constant 0 : index
    %swap3A_108 = vector.load %arg5[%swap3A_104, %swap3A_105, %swap3A_106, %swap3A_107] : memref<1x192x8x224xf32, #tpu.memory_space<vmem>>, vector<1x192x1x224xf32>
    %swap3A_109 = vector.shape_cast %swap3A_108 : vector<1x192x1x224xf32> to vector<192x224xf32>
    %swap3A_110 = vector.shape_cast %dot_general3A_103 : vector<192x224xf32> to vector<1x192x1x224xf32>
    tpu.vector_store %arg5[%swap3A_104, %swap3A_105, %swap3A_106, %swap3A_107], %swap3A_110 {strides = array<i32>} : memref<1x192x8x224xf32, #tpu.memory_space<vmem>>, vector<1x192x1x224xf32>,
    return
  }
  func.func @transform_0(%arg0: i32) -> (i32, i32) {
    %c0_i32 = arith.constant 0 : i32
    %c0_i32_0 = arith.constant 0 : i32
    return %arg0, %c0_i32 : i32, i32
  }
  func.func @transform_1(%arg0: i32) -> (i32, i32) {
    %c0_i32 = arith.constant 0 : i32
    %c0_i32_0 = arith.constant 0 : i32
    return %arg0, %c0_i32 : i32, i32
  }
  func.func @transform_2(%arg0: i32) -> (i32, i32) {
    %c0_i32 = arith.constant 0 : i32
    %c0_i32_0 = arith.constant 0 : i32
    %c0_i32_1 = arith.constant 0 : i32
    return %c0_i32, %c0_i32_0 : i32, i32
  }
  func.func @transform_3(%arg0: i32) -> (i32, i32) {
    %c0_i32 = arith.constant 0 : i32
    %c0_i32_0 = arith.constant 0 : i32
    %c0_i32_1 = arith.constant 0 : i32
    return %c0_i32, %c0_i32_0 : i32, i32
  }
  func.func @transform_4(%arg0: i32) -> (i32, i32, i32, i32) {
    %c0_i32 = arith.constant 0 : i32
    %c0_i32_0 = arith.constant 0 : i32
    %c0_i32_1 = arith.constant 0 : i32
    %c0_i32_2 = arith.constant 0 : i32
    return %c0_i32, %c0_i32_0, %arg0, %c0_i32_1 : i32, i32, i32, i32
  }
}

</mosaic_0001>

<sc_bundles>
// kernel: kernel.5.cloned.1.call-start
scs
__scs_entry_jumppad:
0x0: {  	(pc) =	sbr.rel $0x88, $3  }
0x1: {  	(tag) =	ssettag $0x0;
	lr =	simm.s32 $0x1  }
0x2: {  	[smem:$0x3F98] =	sst lr;
	_ =	strace $0xD0000000  }
0x3: {  	_ = 	snop  }
0x4: {  	_ = 	snop  }
0x5: {  	_ = 	snop  }
0x6: {  	_ = 	snop  }
0x7: {  	_ = 	snop  }
__scs_overlays_trampoline_lowered:
0x8: {  	[smem:$0x3FA7] =	sst s0  }
0x9: {  	[smem:$0x3FA8] =	sst s1  }
0xa: {  	[smem:$0x3FA9] =	sst s2  }
0xb: {  	[smem:$0x3FAA] =	sst s3  }
0xc: {  	[smem:$0x3FAB] =	sst s4  }
0xd: {  	[smem:$0x3FAC] =	sst s5  }
0xe: {  	[smem:$0x3FAD] =	sst s6  }
0xf: {  	[smem:$0x3FAE] =	sst s7  }
0x10: {  	[smem:$0x3FAF] =	sst s8  }
0x11: {  	[smem:$0x3FB0] =	sst s9;
	s0 =	simm.s32 @!p0 $0x0  }
0x12: {  	s1 =	sld [smem:$0x3F96];
	s0 =	simm.s32 @p0 $0x1  }
0x13: {  	[smem:$0x3FB1] =	sst s0;
	s0 =	simm.s32 @!p1 $0x0  }
0x14: {  	s2 =	sld [smem:$0x3F95];
	s0 =	simm.s32 @p1 $0x1  }
0x15: {  	[smem:$0x3FB2] =	sst s0;
	s0 =	simm.s32 @!p2 $0x0  }
0x16: {  	s3 =	sld [smem:$0x3FDB];
	s0 =	simm.s32 @p2 $0x1  }
0x17: {  	s4 =	simm.s32 $0x1BF5;
	[smem:$0x3FB4] =	sst s0  }
0x18: {  	s0 =	sld [smem:$0x3F97];
	_ =	swait.ge [sflag:s4], $0x0  }
0x19: {  	s7 =	sld [smem:$0x3F98]  }
0x1a: {  	s8 =	sadd.s32 $0xFFFFE003, lr  }
0x1b: {  	s9 =	sadd.s32 $0xFFFFFEF7, lr;
	s5 =	simm.s32 $0xFFFFFFFF;
	p2 =	slt.u32 s8, $0xFFFFF086  }
0x1c: {  	p1 =	slt.u32 s9, $0xF7A;
	s5 =	simm.s32 @!p2 $0x0  }
0x1d: {  	s5 =	simm.s32 @p1 $0x1;
	p0 =	seq.s32 s7, s2  }
0x1e: {  	s7 =	smul.u32 @!p0 $0xF7A, s2;
	p2 =	seq.s32 @!p0 s5, $0x0  }
0x1f: {  	s9 =	smul.u32 $0xF7A, s1;
	s8 =	simm.s32 @!p0 $0x1BF5;
	p2 =	por !p2, p0  }
0x20: {  	[sflag:s8] =	ssyncset.s32 @!p0 $0xFFFFF086;
	s6 =	sadd.s32 @!p0 s3, s7;
	s7 =	simm.s32 @!p0 $0x108  }
0x21: {  	s3 =	sadd.s32 s3, s9;
	s6 =	sadd.s32 @!p0 $0x88, s6;
	s7 =	simm.s32 @p2 $0x1082  }
0x22: {  	[simem:s7], [sflag:s8] =	dma.local @!p0 [hbm:s6], $0xF7A  }
0x23: {  	s9 =	sor.u32 $0xD0000000, s2;
	s6 =	simm.s32 $0x108;
	_ =	swait.ge @!p0 [sflag:s8], $0x0  }
0x24: {  	s3 =	sadd.s32 $0x88, s3;
	s6 =	simm.s32 @!p1 $0x1082;
	[sflag:s4] =	ssyncset.s32 $0xFFFFF086  }
0x25: {  	[simem:s6], [sflag:s4] =	dma.local [hbm:s3], $0xF7A  }
0x26: {  	[smem:$0x3F98] =	sst s1;
	(tag) =	ssettag s2;
	_ =	strace s9  }
0x27: {  	s1 =	sld [smem:$0x3FA8]  }
0x28: {  	s2 =	sld [smem:$0x3FA9]  }
0x29: {  	s4 =	sld [smem:$0x3FAB]  }
0x2a: {  	p0 =	seq.s32 s5, $0x0;
	s5 =	sld [smem:$0x3FAC]  }
0x2b: {  	s6 =	sld [smem:$0x3FAD]  }
0x2c: {  	s7 =	sld [smem:$0x3FAE]  }
0x2d: {  	s3 =	simm.s32 $0x108;
	s8 =	sld [smem:$0x3FAF]  }
0x2e: {  	s3 =	simm.s32 @!p0 $0x1082;
	s9 =	sld [smem:$0x3FB0]  }
0x2f: {  	lr =	sadd.s32 s0, s3;
	s0 =	sld [smem:$0x3FA7]  }
0x30: {  	s3 =	sld [smem:$0x3FAA]  }
0x31: {  	[smem:$0x3FB3] =	sst s10  }
0x32: {  	s10 =	sld [smem:$0x3FB1];
	_ =	sdelay $0x3  }
0x33: {  	p0 =	seq.s32 s10, $0x1;
	s10 =	sld [smem:$0x3FB3];
	_ =	sdelay $0x3  }
0x34: {  	[smem:$0x3FB3] =	sst s10  }
0x35: {  	s10 =	sld [smem:$0x3FB2];
	_ =	sdelay $0x3  }
0x36: {  	p1 =	seq.s32 s10, $0x1;
	s10 =	sld [smem:$0x3FB3];
	_ =	sdelay $0x3  }
0x37: {  	[smem:$0x3FB3] =	sst s10  }
0x38: {  	s10 =	sld [smem:$0x3FB4]  }
0x39: {  	_ = 	snop;
	(pc) =	sbr.ind lr, $3  }
0x3a: {  	_ = 	snop  }
0x3b: {  	_ = 	snop  }
0x3c: {  	p2 =	seq.s32 s10, $0x1;
	s10 =	sld [smem:$0x3FB3]  }
0x3d: {  	_ =	shalt  }
0x3e: {  	_ =	shalt  }
0x3f: {  	_ =	shalt  }
0x40: {  	_ =	shalt  }
0x41: {  	_ =	shalt  }
0x42: {  	_ =	shalt  }
0x43: {  	_ =	shalt  }
0x44: {  	_ =	shalt  }
0x45: {  	_ =	shalt  }
0x46: {  	_ =	shalt  }
0x47: {  	_ =	shalt  }
0x48: {  	_ =	shalt  }
0x49: {  	_ =	shalt  }
0x4a: {  	_ =	shalt  }
0x4b: {  	_ =	shalt  }
0x4c: {  	_ =	shalt  }
0x4d: {  	_ =	shalt  }
0x4e: {  	_ =	shalt  }
0x4f: {  	_ =	shalt  }
0x50: {  	_ =	shalt  }
0x51: {  	_ =	shalt  }
0x52: {  	_ =	shalt  }
0x53: {  	_ =	shalt  }
0x54: {  	_ =	shalt  }
0x55: {  	_ =	shalt  }
0x56: {  	_ =	shalt  }
0x57: {  	_ =	shalt  }
0x58: {  	_ =	shalt  }
0x59: {  	_ =	shalt  }
0x5a: {  	_ =	shalt  }
0x5b: {  	_ =	shalt  }
0x5c: {  	_ =	shalt  }
0x5d: {  	_ =	shalt  }
0x5e: {  	_ =	shalt  }
0x5f: {  	_ =	shalt  }
0x60: {  	_ =	shalt  }
0x61: {  	_ =	shalt  }
0x62: {  	_ =	shalt  }
0x63: {  	_ =	shalt  }
0x64: {  	_ =	shalt  }
0x65: {  	_ =	shalt  }
0x66: {  	_ =	shalt  }
0x67: {  	_ =	shalt  }
0x68: {  	_ =	shalt  }
0x69: {  	_ =	shalt  }
0x6a: {  	_ =	shalt  }
0x6b: {  	_ =	shalt  }
0x6c: {  	_ =	shalt  }
0x6d: {  	_ =	shalt  }
0x6e: {  	_ =	shalt  }
0x6f: {  	_ =	shalt  }
0x70: {  	_ =	shalt  }
0x71: {  	_ =	shalt  }
0x72: {  	_ =	shalt  }
0x73: {  	_ =	shalt  }
0x74: {  	_ =	shalt  }
0x75: {  	_ =	shalt  }
0x76: {  	_ =	shalt  }
0x77: {  	_ =	shalt  }
0x78: {  	_ =	shalt  }
0x79: {  	_ =	shalt  }
0x7a: {  	_ =	shalt  }
0x7b: {  	_ =	shalt  }
0x7c: {  	_ =	shalt  }
0x7d: {  	_ =	shalt  }
0x7e: {  	_ =	shalt  }
0x7f: {  	_ =	shalt  }
0x80: {  	_ =	shalt  }
0x81: {  	_ =	shalt  }
0x82: {  	_ =	shalt  }
0x83: {  	_ =	shalt  }
0x84: {  	_ =	shalt  }
0x85: {  	_ =	shalt  }
0x86: {  	_ =	shalt  }
0x87: {  	_ =	shalt  }
.Lfunc_end0:
.L_simem_size_0:
called_computation_lowered:
.L_overlay_start_0:
0x88: {  	s2 =	sld [smem:$0x3FD9]  }
0x89: {  	s3 =	sld [smem:$0x3FFE];
	_ =	sdelay $0x1  }
0x8a: {  	s1 =	srdreg.scid  }
0x8b: {  	s0 =	sand.u32 $0x1, s1  }
0x8c: {  	s17 =	sshll.u32 s0, $0xA;
	s2 =	sadd.s32 s3, s2  }
0x8d: {  	s2 =	sadd.s32 s2, s17  }
0x8e: {  	[smem:$0x3FBF] =	sst s2  }
0x8f: {  	_ = 	snop  }
0x90: {  	s2 =	sld [smem:$0x3FD0];
	(tm) =	ssettm $0x1  }
0x91: {  	s18 =	sld [smem:$0x3FFB];
	_ =	sdelay $0x3  }
0x92: {  	_ =	strace s18  }
0x93: {  	s3 =	sld [smem:$0x3FFC];
	_ =	sdelay $0x3  }
0x94: {  	_ =	strace s3  }
0x95: {  	s3 =	sld [smem:$0x3FFD];
	_ =	sdelay $0x3  }
0x96: {  	_ =	strace s3  }
0x97: {  	_ =	strace $0x8FFFFFFF  }
0x98: {  	s19 =	sld [smem:$0x3FDB];
	_ =	sdelay $0x1  }
0x99: {  	s4 =	simm.s32 $_scs_section_size  }
0x9a: {  	s5 =	simm.s32 $_size__tile_overlayer_lowered;
	s6 =	simm.s32 $_tile_overlayer_lowered  }
0x9b: {  	s22 =	simm.s32 $0x1BFF;
	s21 =	sshll.u32 s6, $0x1;
	s3 =	sadd.s32 s4, s19  }
0x9c: {  	s7 =	simm.s32 $0x0;
	s20 =	sshll.u32 s5, $0x1;
	s5 =	sadd.s32 s21, s3  }
0x9d: {  	[timem:s7], [sflag:s22] =	dma.local [hbm:s5], s20  }
0x9e: {  	_ =	swait.ge [sflag:s22], s20  }
0x9f: {  	s4 =	ssub.s32 $0x0, s20;
	[sflag:s22] =	ssyncset.done $0x0  }
0xa0: {  	[sflag:s22] =	ssyncadd.s32 s4;
	_ =	sdelay $0x1  }
0xa1: {  	s23 =	simm.s32 $0x1B8B  }
0xa2: {  	_ =	swait.ge [sflag:s23], $0x1  }
0xa3: {  	[sflag:s23] =	ssyncset.done $0x0  }
0xa4: {  	s25 =	simm.s32 $0x1B8E;
	s24 =	sld [smem:$0x3FFE];
	[sflag:s23] =	ssyncadd.s32 $0xFFFFFFFF  }
0xa5: {  	s26 =	simm.s32 $execute0_lowered;
	[smem:$0x3FD2] =	sst s25  }
0xa6: {  	s5 =	sshll.u32 s26, $0x1;
	_ =	strace $0x80000046;
	[dreg:$0x1] =	wrdreg $0xFFFFFFFF  }
0xa7: {  	s28 =	simm.s32 $_size_execute0_lowered;
	s3 =	sadd.s32 s3, s5;
	[dreg:$0x0] =	wrdreg $0x0  }
0xa8: {  	s5 =	sshll.u32 s28, $0x1;
	[dreg:$0x2] =	wrdreg s3  }
0xa9: {  	[dreg:$0x3] =	wrdreg s5  }
0xaa: {  	[dreg:$0x4] =	wrdreg $0xC0  }
0xab: {  	_ =	task [dreg:s7], $0x5FFFF  }
0xac: {  	[dreg:$0x1] =	wrdreg $0xFFFFFFFF  }
0xad: {  	[dreg:$0x0] =	wrdreg $0x60  }
0xae: {  	[dreg:$0x2] =	wrdreg s24  }
0xaf: {  	[dreg:$0x3] =	wrdreg s2  }
0xb0: {  	[dreg:$0x4] =	wrdreg $0x9  }
0xb1: {  	_ =	task.clear_ibuf [dreg:s7], $0x5FFFF;
	_ =	strace $0x90000046  }
0xb2: {  	s29 =	simm.s32 $0x9;
	_ =	strace $0x80000048  }
0xb3: {  	_ =	swait.ge [sflag:s29], $0x1  }
0xb4: {  	[sflag:s29] =	ssyncadd.s32 $0xFFFFFFFF  }
0xb5: {  	_ =	strace $0x90000048  }
0xb6: {  	_ =	sfence  }
0xb7: {  	s30 =	sld [smem:$0x0];
	_ =	sdelay $0x2  }
0xb8: {  	s31 =	sshll.u32 s1, $0xD;
	s1 =	sshrl.u32 s1, $0x2  }
0xb9: {  	s3 =	sand.u32 $0x4000, s31;
	s1 =	sadd.s32 s1, s30  }
0xba: {  	s0 =	sor.u32 s3, s0;
	s1 =	sshll.u32 s1, $0x11  }
0xbb: {  	s0 =	sor.u32 s1, s0  }
0xbc: {  	s0 =	sadd.s32 $0x8F2B, s0  }
0xbd: {  	[sflag:s0] =	ssyncadd.remote.s32 $0x1  }
0xbe: {  	_ =	sfence.sel $0xFFFF  }
0xbf: {  	[dreg:$0x0] =	wrdreg $0xFFFFFFFF;
	(pc) =	sbr.abs _section_cstart, $3  }
0xc0: {  	[dreg:$0x1] =	wrdreg $0xFFFFFFFF  }
0xc1: {  	_ =	task.clear_ibuf [dreg:s7], $0x2FFFF;
	_ =	strace $0x9FFFFFFF  }
0xc2: {  	(tm) =	ssettm $0x7FFFFFFF  }
0xc3: {  	_ =	shalt  }
tec
execute0_lowered:
.L_overlay_start_1:
0x0: {  	(tag) =	ssettag $0x1  }
0x1: {  	s0 =	rddreg [dreg:$0x0];
	s1 =	srdreg.scid  }
0x2: {  	s3 =	stileid.u32;
	s2 =	rddreg [dreg:$0x1];
	s22 =	simm.s32 $0x2D00  }
0x3: {  	s23 =	simm.s32 $0x3100;
	s24 =	simm.s32 $0x3900;
	s25 =	simm.s32 $0x6D00  }
0x4: {  	s13 =	simm.s32 $0x1;
	s1 =	sand.u32 $0x1, s1;
	s4 =	sshll.u32 s3, $0x1  }
0x5: {  	s28 =	simm.s32 $0x2;
	s3 =	simm.s32 $0x0;
	s9 =	sor.u32 s1, s4  }
0x6: {  	s5 =	sadd.s32 $0x1A00, s0;
	s6 =	sadd.s32 $0x252E00, s0;
	s4 =	smul.u32 $0x620, s9  }
0x7: {  	s8 =	sadd.s32 $0x566000, s0;
	s1 =	ssub.s32 $0x2, s1;
	s12 =	smul.u32 $0xC400, s9  }
0x8: {  	[smem:$0x7FF] =	sst s3;
	s11 =	sshrl.u32 s1, $0x1;
	s9 =	smul.u32 $0x6200, s9  }
0x9: {  	v2 =	vlaneseq.u32;
	_ =	strace $0x80000047;
	s1 =	ssub.s32 s1, s11;
	s29 =	sadd.s32 s6, s12  }
0xa: {  	v1 =	vshrl.u32 v2, $0x3;
	v0 =	vand.u32 $0x7, v2;
	s7 =	sshrl.u32 s4, $0x3;
	s30 =	sadd.s32 s2, s9;
	[dreg:$0x5] =	wrdreg s29  }
0xb: {  	v3 =	vmul.u32 $0xFFFFFFFF, v2;
	v63 =	vor.u32 $0x8, v2;
	v62 =	vmul.u32 $0x8, v1;
	[tilespmem:$0x1FFC0] =	vst v0;
	s31 =	smax.u32 s1, $0x1;
	s10 =	sadd.s32 s7, s0;
	[dreg:$0x6] =	wrdreg s30  }
0xc: {  	[tilespmem:$0x1FFE0] =	vst v63;
	s11 =	sadd.s32 $0x1B00, s0;
	[dreg:$0x7] =	wrdreg s31;
	s26 =	sadd.s32 $0x3DAE00, s10  }
0xd: {  	v52 =	vadd.s32 $0xF, v3;
	[tilespmem:$0x1FFD0] =	vst v62;
	s9 =	simm.s32 $0x0;
	s10 =	sadd.s32 $0x3DC680, s10;
	[dreg:$0x3] =	wrdreg s26  }
0xe: {  	vm0 =	vmmov $0xffff;
	vm1 =	vmmov $0xff;
	[tilespmem:$0x1FFF0] =	vst v52;
	s7 =	sadd.s32 $0x3DE000, s0;
	[dreg:$0x4] =	wrdreg s10;
	s26 =	simm.s32 $0x8D00  }
.LBB2_1:
0xf: {  	[dreg:$0x8] =	wrdreg s9  }
0x10: {  	s0 =	rddreg [dreg:$0x3];
	s1 =	simm.s32 $0x5  }
0x11: {  	[tilespmem:s3], [sflag:$0x5] =	stream.linear.gather [hbm4b:s0+s3], $0x620, $0x38;
	[tilespmem:$0xCD00] =	vst v63  }
0x12: {  	_ =	swait.ge [sflag:s1], $0x620  }
0x13: {  	[sflag:s1] =	ssyncset.done $0x0  }
0x14: {  	s16 =	simm.s32 $0x680;
	s15 =	rddreg [dreg:$0x4];
	[sflag:s1] =	ssyncadd.s32 $0xFFFFF9E0  }
0x15: {  	[tilespmem:s16], [sflag:$0x5] =	stream.linear.gather [hbm4b:s15+s3], $0x620, $0x38;
	[tilespmem:$0xCD00] =	vst v63  }
0x16: {  	_ =	swait.ge [sflag:s1], $0x620  }
0x17: {  	[sflag:s1] =	ssyncset.done $0x0  }
0x18: {  	[sflag:s1] =	ssyncadd.s32 $0xFFFFF9E0  }
0x19: {  	v4 =	vld [tilespmem:$0x0];
	_ =	sdelay $0x3  }
0x1a: {  	v0 =	vld [tilespmem:$0x1FFC0]  }
0x1b: {  	v5 =	vshrl.u32 v4, $0x3  }
0x1c: {  	v1 =	vld [tilespmem:$0x1FFD0];
	v5 =	vmul.u32 $0x18, v5  }
0x1d: {  	v4 =	vand.u32 $0x7, v4  }
0x1e: {  	v2 =	vld [tilespmem:$0x1FFE0];
	v4 =	vor.u32 v4, v5  }
0x1f: {  	v5 =	vperm.xlane v4, v0;
	_ =	sdelay $0x1  }
0x20: {  	v5 =	vadd.s32 v1, v5;
	_ =	sdelay $0x1  }
0x21: {  	v4 =	vperm.xlane v4, v2;
	_ =	sdelay $0x1  }
0x22: {  	s17 =	simm.s32 $0xD00;
	v4 =	vadd.s32 v1, v4  }
0x23: {  	[tilespmem:s17], [sflag:$0x1] =	stream.indirect_vreg.gather [hbm4b:s5+s3], $0x80, v5, vm0, $0xb8;
	[tilespmem:$0xCD00] =	vst v63  }
0x24: {  	s18 =	simm.s32 $0x1500  }
0x25: {  	[tilespmem:s18], [sflag:$0x1] =	stream.indirect_vreg.gather [hbm4b:s11+s3], $0x80, v5, vm1, $0xb8;
	[tilespmem:$0xCD00] =	vst v63  }
0x26: {  	s19 =	simm.s32 $0x1900  }
0x27: {  	[tilespmem:s19], [sflag:$0x1] =	stream.indirect_vreg.gather [hbm4b:s5+s3], $0x80, v4, vm0, $0xb8;
	[tilespmem:$0xCD00] =	vst v63  }
0x28: {  	s20 =	simm.s32 $0x2100  }
0x29: {  	[tilespmem:s20], [sflag:$0x1] =	stream.indirect_vreg.gather [hbm4b:s11+s3], $0x80, v4, vm1, $0xb8;
	[tilespmem:$0xCD00] =	vst v63  }
0x2a: {  	v4 =	vld [tilespmem:$0x680];
	_ =	sdelay $0x4  }
0x2b: {  	v63 =	vshrl.u32 v4, $0x3  }
0x2c: {  	v5 =	vmul.u32 $0x18, v63  }
0x2d: {  	v4 =	vand.u32 $0x7, v4  }
0x2e: {  	v4 =	vor.u32 v4, v5  }
0x2f: {  	v5 =	vperm.xlane v4, v0;
	_ =	sdelay $0x1  }
0x30: {  	v5 =	vadd.s32 v1, v5;
	_ =	sdelay $0x1  }
0x31: {  	v4 =	vperm.xlane v4, v2;
	_ =	sdelay $0x1  }
0x32: {  	s21 =	simm.s32 $0x2500;
	v4 =	vadd.s32 v1, v4  }
0x33: {  	[tilespmem:s21], [sflag:$0x1] =	stream.indirect_vreg.gather [hbm4b:s5+s3], $0x80, v5, vm0, $0xb8;
	[tilespmem:$0xCD00] =	vst v63  }
0x34: {  	_ = 	snop  }
0x35: {  	[tilespmem:s22], [sflag:$0x1] =	stream.indirect_vreg.gather [hbm4b:s11+s3], $0x80, v5, vm1, $0xb8;
	[tilespmem:$0xCD00] =	vst v63  }
0x36: {  	_ = 	snop  }
0x37: {  	[tilespmem:s23], [sflag:$0x1] =	stream.indirect_vreg.gather [hbm4b:s5+s3], $0x80, v4, vm0, $0xb8;
	[tilespmem:$0xCD00] =	vst v63  }
0x38: {  	_ = 	snop  }
0x39: {  	[tilespmem:s24], [sflag:$0x1] =	stream.indirect_vreg.gather [hbm4b:s11+s3], $0x80, v4, vm1, $0xb8;
	[tilespmem:$0xCD00] =	vst v63  }
0x3a: {  	s29 =	rddreg [dreg:$0x5]  }
0x3b: {  	[tilespmem:s25], [sflag:$0x1] =	stream.linear.gather [hbm4b:s29+s3], $0x1000, $0x38;
	[tilespmem:$0xCD00] =	vst v63  }
0x3c: {  	s31 =	simm.s32 $0x0;
	s30 =	rddreg [dreg:$0x6]  }
0x3d: {  	[tilespmem:s26], [sflag:$0x1] =	stream.linear.gather [hbm4b:s30+s3], $0x800, $0x38;
	[tilespmem:$0xCD00] =	vst v63  }
.LBB2_2:
0x3e: {  	s1 =	sshll.u32 s31, $0x5  }
0x3f: {  	v4 =	vld [tilespmem:s1+$0x10];
	_ =	sdelay $0x3  }
0x40: {  	v0 =	vld [tilespmem:$0x1FFC0]  }
0x41: {  	v5 =	vshrl.u32 v4, $0x3  }
0x42: {  	v1 =	vld [tilespmem:$0x1FFD0];
	v5 =	vmul.u32 $0x18, v5  }
0x43: {  	v4 =	vand.u32 $0x7, v4  }
0x44: {  	v2 =	vld [tilespmem:$0x1FFE0];
	v4 =	vor.u32 v4, v5  }
0x45: {  	v5 =	vperm.xlane v4, v0;
	_ =	sdelay $0x1  }
0x46: {  	v5 =	vadd.s32 v1, v5;
	_ =	sdelay $0x1  }
0x47: {  	v4 =	vperm.xlane v4, v2;
	_ =	sdelay $0x1  }
0x48: {  	s0 =	simm.s32 $0x3D00;
	v4 =	vadd.s32 v1, v4  }
0x49: {  	[tilespmem:s0], [sflag:$0x2] =	stream.indirect_vreg.gather [hbm4b:s5+s3], $0x80, v5, vm0, $0xb8;
	[tilespmem:$0xCD00] =	vst v63  }
0x4a: {  	s16 =	simm.s32 $0x4500  }
0x4b: {  	[tilespmem:s16], [sflag:$0x2] =	stream.indirect_vreg.gather [hbm4b:s11+s3], $0x80, v5, vm1, $0xb8;
	[tilespmem:$0xCD00] =	vst v63  }
0x4c: {  	s17 =	simm.s32 $0x4900  }
0x4d: {  	[tilespmem:s17], [sflag:$0x2] =	stream.indirect_vreg.gather [hbm4b:s5+s3], $0x80, v4, vm0, $0xb8;
	[tilespmem:$0xCD00] =	vst v63  }
0x4e: {  	s18 =	simm.s32 $0x5100  }
0x4f: {  	[tilespmem:s18], [sflag:$0x2] =	stream.indirect_vreg.gather [hbm4b:s11+s3], $0x80, v4, vm1, $0xb8;
	[tilespmem:$0xCD00] =	vst v63  }
0x50: {  	v4 =	vld [tilespmem:s1+$0x690];
	_ =	sdelay $0x4  }
0x51: {  	v5 =	vshrl.u32 v4, $0x3  }
0x52: {  	v5 =	vmul.u32 $0x18, v5  }
0x53: {  	v4 =	vand.u32 $0x7, v4  }
0x54: {  	v4 =	vor.u32 v4, v5  }
0x55: {  	v5 =	vperm.xlane v4, v0;
	_ =	sdelay $0x1  }
0x56: {  	v5 =	vadd.s32 v1, v5;
	_ =	sdelay $0x1  }
0x57: {  	v4 =	vperm.xlane v4, v2;
	_ =	sdelay $0x1  }
0x58: {  	s19 =	simm.s32 $0x5500;
	v4 =	vadd.s32 v1, v4  }
0x59: {  	[tilespmem:s19], [sflag:$0x2] =	stream.indirect_vreg.gather [hbm4b:s5+s3], $0x80, v5, vm0, $0xb8;
	[tilespmem:$0xCD00] =	vst v63  }
0x5a: {  	s20 =	simm.s32 $0x5D00;
	s21 =	sor.u32 $0x10, s1  }
0x5b: {  	[tilespmem:s20], [sflag:$0x2] =	stream.indirect_vreg.gather [hbm4b:s11+s3], $0x80, v5, vm1, $0xb8;
	[tilespmem:$0xCD00] =	vst v63  }
0x5c: {  	s9 =	simm.s32 $0x6100;
	s0 =	sadd.s32 s4, s21  }
0x5d: {  	[tilespmem:s9], [sflag:$0x2] =	stream.indirect_vreg.gather [hbm4b:s5+s3], $0x80, v4, vm0, $0xb8;
	[tilespmem:$0xCD00] =	vst v63  }
0x5e: {  	s10 =	simm.s32 $0x6900;
	s12 =	sshll.u32 s0, $0x5  }
0x5f: {  	[tilespmem:s10], [sflag:$0x2] =	stream.indirect_vreg.gather [hbm4b:s11+s3], $0x80, v4, vm1, $0xb8;
	[tilespmem:$0xCD00] =	vst v63  }
0x60: {  	s0 =	sshll.u32 s0, $0x4;
	s9 =	sadd.s32 s6, s12;
	s10 =	simm.s32 $0x7D00  }
0x61: {  	[tilespmem:s10], [sflag:$0x2] =	stream.linear.gather [hbm4b:s9+s3], $0x1000, $0x38;
	[tilespmem:$0xCD00] =	vst v63  }
0x62: {  	s14 =	simm.s32 $0x9500;
	s0 =	sadd.s32 s2, s0  }
0x63: {  	[tilespmem:s14], [sflag:$0x2] =	stream.linear.gather [hbm4b:s0+s3], $0x800, $0x38;
	[tilespmem:$0xCD00] =	vst v63  }
0x64: {  	_ =	swait.ge [sflag:s13], $0x1800  }
0x65: {  	[sflag:s13] =	ssyncset.done $0x0  }
0x66: {  	[sflag:s13] =	ssyncadd.s32 $0xFFFFE800  }
0x67: {  	_ =	swait.ge [sflag:s13], $0x1800  }
0x68: {  	[sflag:s13] =	ssyncset.done $0x0  }
0x69: {  	[sflag:s13] =	ssyncadd.s32 $0xFFFFE800  }
0x6a: {  	_ =	swait.ge [sflag:s13], $0x1000  }
0x6b: {  	[sflag:s13] =	ssyncset.done $0x0  }
0x6c: {  	[sflag:s13] =	ssyncadd.s32 $0xFFFFF000  }
0x6d: {  	_ =	swait.ge [sflag:s13], $0x800  }
0x6e: {  	p0 =	seq.s32 s31, $0x0;
	[sflag:s13] =	ssyncset.done $0x0  }
0x6f: {  	s0 =	simm.s32 @!p0 $0x3;
	[sflag:s13] =	ssyncadd.s32 $0xFFFFF800  }
0x70: {  	_ =	swait.ge @!p0 [sflag:s0], $0x1000  }
0x71: {  	[sflag:s0] =	ssyncset.done @!p0 $0x0  }
0x72: {  	s15 =	simm.s32 $0x0;
	[sflag:s0] =	ssyncadd.s32 @!p0 $0xFFFFF000  }
0x73: {  	s16 =	simm.s32 $0x0;
	s9 =	smul.u32 $0xC00, s15;
	_ =	swait.ge @!p0 [sflag:s0], $0x800  }
0x74: {  	s10 =	sand.u32 $0x380, s16;
	[sflag:s0] =	ssyncset.done @!p0 $0x0  }
0x75: {  	s12 =	sor.u32 s10, s9;
	[sflag:s0] =	ssyncadd.s32 @!p0 $0xFFFFF800  }
0x76: {  	v7 =	vld [tilespmem:s12+$0x2D10]  }
0x77: {  	v8 =	vld [tilespmem:s12+$0x2550]  }
0x78: {  	v9 =	vld [tilespmem:s12+$0xD50]  }
0x79: {  	v10 =	vld [tilespmem:s12+$0x1510]  }
0x7a: {  	v12 =	vld [tilespmem:s12+$0x2D00]  }
0x7b: {  	v13 =	vld [tilespmem:s12+$0x2540]  }
0x7c: {  	v14 =	vld [tilespmem:s12+$0xD40]  }
0x7d: {  	v15 =	vld [tilespmem:s12+$0x1500]  }
0x7e: {  	v16 =	vld [tilespmem:s12+$0x2970]  }
0x7f: {  	v17 =	vld [tilespmem:s12+$0x2530]  }
0x80: {  	v18 =	vld [tilespmem:s12+$0xD30]  }
0x81: {  	v19 =	vld [tilespmem:s12+$0x1170]  }
0x82: {  	v20 =	vld [tilespmem:s12+$0x2960]  }
0x83: {  	v21 =	vld [tilespmem:s12+$0x2950]  }
0x84: {  	v22 =	vld [tilespmem:s12+$0x2510]  }
0x85: {  	v23 =	vld [tilespmem:s12+$0xD10]  }
0x86: {  	v25 =	vld [tilespmem:s12+$0x2940];
	v4 =	vand.u32 $0xFFFF0000, v7  }
0x87: {  	v28 =	vld [tilespmem:s12+$0x2500];
	v5 =	vand.u32 $0xFFFF0000, v8;
	v24 =	vand.u32 $0xFFFF0000, v9;
	v6 =	vand.u32 $0xFFFF0000, v10  }
0x88: {  	s17 =	simm.s32 $0x0;
	v30 =	vld [tilespmem:s12+$0xD00];
	v26 =	vshll.u32 v7, $0x10;
	v27 =	vshll.u32 v9, $0x10;
	v7 =	vshll.u32 v8, $0x10  }
0x89: {  	s0 =	sor.u32 s10, s17;
	v31 =	vld [tilespmem:s12+$0x1140];
	v8 =	vshll.u32 v10, $0x10;
	v29 =	vand.u32 $0xFFFF0000, v12;
	v9 =	vand.u32 $0xFFFF0000, v14  }
0x8a: {  	v32 =	vld [tilespmem:s0+$0x6D00];
	v10 =	vand.u32 $0xFFFF0000, v13;
	v11 =	vand.u32 $0xFFFF0000, v15;
	v14 =	vshll.u32 v14, $0x10  }
0x8b: {  	s18 =	simm.s32 $0x8D20;
	v36 =	vld [tilespmem:s0+$0x6D10];
	v13 =	vshll.u32 v13, $0x10;
	v12 =	vshll.u32 v12, $0x10;
	v15 =	vshll.u32 v15, $0x10  }
0x8c: {  	v38 =	vld [tilespmem:s18+$0x10];
	v33 =	vand.u32 $0xFFFF0000, v16;
	v34 =	vand.u32 $0xFFFF0000, v18;
	v35 =	vand.u32 $0xFFFF0000, v19  }
0x8d: {  	v40 =	vld [tilespmem:s18+$0x0];
	v37 =	vand.u32 $0xFFFF0000, v17;
	v17 =	vshll.u32 v17, $0x10;
	v16 =	vshll.u32 v16, $0x10  }
0x8e: {  	v48 =	vld [tilespmem:s12+$0x1150];
	v18 =	vshll.u32 v18, $0x10;
	v41 =	vshll.u32 v22, $0x10;
	v42 =	vshll.u32 v21, $0x10  }
0x8f: {  	v44 =	vld [tilespmem:s18+$0xFFFFFFE0];
	v43 =	vshll.u32 v25, $0x10;
	v45 =	vshll.u32 v23, $0x10;
	v46 =	vshll.u32 v28, $0x10  }
0x90: {  	v55 =	vld [tilespmem:s0+$0x6D20];
	v49 =	vshll.u32 v30, $0x10;
	v50 =	vshll.u32 v31, $0x10;
	v25 =	vand.u32 $0xFFFF0000, v25  }
0x91: {  	v56 =	vld [tilespmem:s0+$0x6D30];
	v28 =	vand.u32 $0xFFFF0000, v28;
	v30 =	vand.u32 $0xFFFF0000, v30;
	v43 =	vmul.f32 v43, v32  }
0x92: {  	v58 =	vld [tilespmem:s0+$0x7110];
	v31 =	vand.u32 $0xFFFF0000, v31;
	v46 =	vmul.f32 v46, v32;
	v49 =	vmul.f32 v49, v32  }
0x93: {  	v59 =	vld [tilespmem:s0+$0x7100];
	v57 =	vshll.u32 v48, $0x10;
	v32 =	vmul.f32 v50, v32;
	v28 =	vmul.f32 v28, v36  }
0x94: {  	v61 =	vld [tilespmem:s12+$0x2520];
	v22 =	vand.u32 $0xFFFF0000, v22;
	v25 =	vmul.f32 v25, v36;
	v30 =	vmul.f32 v30, v36  }
0x95: {  	v63 =	vld [tilespmem:s0+$0x6D70];
	v21 =	vand.u32 $0xFFFF0000, v21;
	v31 =	vmul.f32 v31, v36;
	v41 =	vmul.f32 v41, v55  }
0x96: {  	v53 =	vld [tilespmem:s0+$0x6D60];
	v23 =	vand.u32 $0xFFFF0000, v23;
	v42 =	vmul.f32 v42, v55;
	v45 =	vmul.f32 v45, v55  }
0x97: {  	v54 =	vld [tilespmem:s0+$0x6D50];
	v48 =	vand.u32 $0xFFFF0000, v48;
	v22 =	vmul.f32 v22, v56;
	v21 =	vmul.f32 v21, v56  }
0x98: {  	v47 =	vld [tilespmem:s18+$0xFFFFFFF0];
	v19 =	vshll.u32 v19, $0x10;
	v23 =	vmul.f32 v23, v56;
	v36 =	vmul.f32 v48, v56  }
0x99: {  	v39 =	vand.u32 $0xFFFF0000, v20;
	v29 =	vmul.f32 v29, v58;
	v12 =	vmul.f32 v12, v59  }
0x9a: {  	v20 =	vshll.u32 v20, $0x10;
	v33 =	vmul.f32 v33, v63;
	v37 =	vmul.f32 v37, v63  }
0x9b: {  	v50 =	vshll.u32 v61, $0x10;
	v16 =	vmul.f32 v16, v53;
	v17 =	vmul.f32 v17, v53  }
0x9c: {  	v39 =	vmul.f32 v39, v54;
	v38 =	vadd.f32 v43, v38;
	v40 =	vadd.f32 v46, v40;
	v46 =	vld [tilespmem:s12+$0xD20]  }
0x9d: {  	v18 =	vmul.f32 v18, v53;
	v44 =	vadd.f32 v49, v44;
	v49 =	vld [tilespmem:s12+$0x1160];
	v32 =	vadd.f32 v32, v47  }
0x9e: {  	v19 =	vmul.f32 v19, v53;
	v28 =	vadd.f32 v40, v28;
	v25 =	vadd.f32 v38, v25  }
0x9f: {  	v30 =	vadd.f32 v44, v30;
	v31 =	vadd.f32 v32, v31;
	v40 =	vmul.f32 v57, v55;
	v55 =	vld [tilespmem:s0+$0x6D40]  }
0xa0: {  	v14 =	vmul.f32 v14, v59;
	v28 =	vadd.f32 v28, v41;
	v25 =	vadd.f32 v25, v42  }
0xa1: {  	v15 =	vmul.f32 v15, v59;
	v30 =	vadd.f32 v30, v45;
	v31 =	vadd.f32 v31, v40  }
0xa2: {  	v60 =	vand.u32 $0xFFFF0000, v46;
	v62 =	vand.u32 $0xFFFF0000, v49;
	v46 =	vshll.u32 v46, $0x10  }
0xa3: {  	v49 =	vshll.u32 v49, $0x10;
	v22 =	vadd.f32 v28, v22;
	v28 =	vand.u32 $0xFFFF0000, v61  }
0xa4: {  	v23 =	vadd.f32 v30, v23;
	v21 =	vadd.f32 v25, v21;
	v46 =	vmul.f32 v46, v55  }
0xa5: {  	v25 =	vadd.f32 v31, v36;
	v20 =	vmul.f32 v20, v55;
	v30 =	vmul.f32 v49, v55  }
0xa6: {  	v31 =	vmul.f32 v60, v54;
	v50 =	vmul.f32 v50, v55;
	v23 =	vadd.f32 v23, v46  }
0xa7: {  	v20 =	vadd.f32 v21, v20;
	v21 =	vadd.f32 v25, v30;
	v25 =	vmul.f32 v62, v54  }
0xa8: {  	v28 =	vmul.f32 v28, v54;
	v22 =	vadd.f32 v22, v50;
	v23 =	vadd.f32 v23, v31  }
0xa9: {  	v13 =	vmul.f32 v13, v59;
	v43 =	vld [tilespmem:s0+$0x7130];
	v20 =	vadd.f32 v20, v39;
	v21 =	vadd.f32 v21, v25  }
0xaa: {  	v47 =	vld [tilespmem:s0+$0x7120];
	v22 =	vadd.f32 v22, v28;
	v18 =	vadd.f32 v23, v18;
	v23 =	vmul.f32 v34, v63  }
0xab: {  	v16 =	vadd.f32 v20, v16;
	v19 =	vadd.f32 v21, v19;
	v20 =	vmul.f32 v35, v63  }
0xac: {  	v9 =	vmul.f32 v9, v58;
	v11 =	vmul.f32 v11, v58;
	v17 =	vadd.f32 v22, v17  }
0xad: {  	v10 =	vmul.f32 v10, v58;
	v18 =	vadd.f32 v18, v23;
	v19 =	vadd.f32 v19, v20  }
0xae: {  	v24 =	vmul.f32 v24, v43;
	v16 =	vadd.f32 v16, v33;
	v17 =	vadd.f32 v17, v37  }
0xaf: {  	v27 =	vmul.f32 v27, v47;
	v14 =	vadd.f32 v18, v14;
	v15 =	vadd.f32 v19, v15  }
0xb0: {  	v26 =	vmul.f32 v26, v47;
	v12 =	vadd.f32 v16, v12;
	v13 =	vadd.f32 v17, v13  }
0xb1: {  	v8 =	vmul.f32 v8, v47;
	v9 =	vadd.f32 v14, v9;
	v11 =	vadd.f32 v15, v11  }
0xb2: {  	v7 =	vmul.f32 v7, v47;
	v12 =	vadd.f32 v12, v29;
	v10 =	vadd.f32 v13, v10  }
0xb3: {  	v6 =	vmul.f32 v6, v43;
	v9 =	vadd.f32 v9, v27;
	v8 =	vadd.f32 v11, v8  }
0xb4: {  	v5 =	vmul.f32 v5, v43;
	v7 =	vadd.f32 v10, v7;
	v10 =	vadd.f32 v12, v26  }
0xb5: {  	v4 =	vmul.f32 v4, v43;
	v9 =	vadd.f32 v9, v24;
	v6 =	vadd.f32 v8, v6  }
0xb6: {  	v5 =	vadd.f32 v7, v5  }
0xb7: {  	v4 =	vadd.f32 v10, v4;
	v7 =	vperm.xlane v9, v52;
	v8 =	vperm.xlane v6, v52  }
0xb8: {  	v10 =	vperm.xlane v5, v52  }
0xb9: {  	v11 =	vperm.xlane v4, v52;
	v7 =	vadd.f32 v9, v7;
	v6 =	vadd.f32 v6, v8  }
0xba: {  	v5 =	vadd.f32 v5, v10  }
0xbb: {  	v4 =	vadd.f32 v4, v11;
	v8 =	vmax.f32 v7, v6  }
0xbc: {  	v8 =	vmax.f32 v8, v5  }
0xbd: {  	v8 =	vmax.f32 v8, v4  }
0xbe: {  	v7 =	vsub.f32 v7, v8  }
0xbf: {  	v6 =	vsub.f32 v6, v8  }
0xc0: {  	v7 =	vmul.f32 $1.442695020e+00, v7  }
0xc1: {  	v5 =	vsub.f32 v5, v8;
	v6 =	vmul.f32 $1.442695020e+00, v6  }
0xc2: {  	(erf) = vpow2.f32 v7  }
0xc3: {  	v4 =	vsub.f32 v4, v8;
	v5 =	vmul.f32 $1.442695020e+00, v5;
	(erf) = vpow2.f32 v6;
	_ =	sdelay $0x1  }
0xc4: {  	v4 =	vmul.f32 $1.442695020e+00, v4;
	(erf) = vpow2.f32 v5;
	_ =	sdelay $0x1  }
0xc5: {  	(erf) = vpow2.f32 v4;
	_ =	sdelay $0x2  }
0xc6: {  	s19 =	simm.s32 $0x0;
	s20 =	simm.s32 $0x80  }
0xc7: {  	s15 =	simm.s32 $0x0;
	s9 =	smul.u32 $0xC00, s19;
	s10 =	sand.u32 $0x380, s20;
	v4 =	vpop (erf)  }
0xc8: {  	s16 =	sor.u32 s10, s15;
	v5 =	vpop (erf)  }
0xc9: {  	s14 =	sor.u32 s10, s9;
	v56 =	vld [tilespmem:s16+$0x6D00];
	v6 =	vadd.f32 v5, v4  }
0xca: {  	v32 =	vld [tilespmem:s14+$0xD00];
	v7 =	vpop (erf)  }
0xcb: {  	v42 =	vld [tilespmem:s14+$0x2950];
	v6 =	vadd.f32 v6, v7  }
0xcc: {  	s17 =	simm.s32 $0x8DA0;
	v43 =	vld [tilespmem:s14+$0x2520];
	v8 =	vpop (erf)  }
0xcd: {  	v55 =	vld [tilespmem:s17+$0x0];
	v6 =	vadd.f32 v6, v8  }
0xce: {  	v30 =	vld [tilespmem:s14+$0x2940]  }
0xcf: {  	v31 =	vld [tilespmem:s14+$0x2500];
	(erf) = vrcp.f32 v6  }
0xd0: {  	v28 =	vld [tilespmem:s14+$0x1500]  }
0xd1: {  	v63 =	vld [tilespmem:s17+$0x10]  }
0xd2: {  	v20 =	vld [tilespmem:s14+$0x2540]  }
0xd3: {  	v37 =	vld [tilespmem:s14+$0x1140]  }
0xd4: {  	v23 =	vld [tilespmem:s14+$0xD40];
	v59 =	vshll.u32 v31, $0x10  }
0xd5: {  	v38 =	vmul.f32 v59, v56;
	v11 =	vld [tilespmem:s14+$0x2D10]  }
0xd6: {  	v60 =	vshll.u32 v32, $0x10;
	v32 =	vand.u32 $0xFFFF0000, v32;
	v12 =	vld [tilespmem:s14+$0x2550]  }
0xd7: {  	v39 =	vmul.f32 v60, v56;
	v31 =	vand.u32 $0xFFFF0000, v31;
	v17 =	vld [tilespmem:s14+$0x1510];
	v38 =	vadd.f32 v38, v55  }
0xd8: {  	v19 =	vld [tilespmem:s14+$0x2D00];
	v54 =	vshll.u32 v37, $0x10;
	v37 =	vand.u32 $0xFFFF0000, v37;
	v26 =	vand.u32 $0xFFFF0000, v20;
	v6 =	vpop (erf)  }
0xd9: {  	v16 =	vld [tilespmem:s14+$0x2970];
	v27 =	vshll.u32 v20, $0x10;
	v33 =	vmul.f32 v54, v56;
	v10 =	vmul.f32 v6, v4  }
0xda: {  	s21 =	simm.s32 $0xBD20;
	v59 =	vld [tilespmem:s17+$0xFFFFFFF0];
	v22 =	vshll.u32 v11, $0x10;
	v18 =	vmul.f32 v6, v5;
	v9 =	vmul.f32 v6, v7  }
0xdb: {  	v13 =	vld [tilespmem:s14+$0xD50];
	v4 =	vand.u32 $0xFFFF0000, v11;
	v8 =	vmul.f32 v6, v8;
	v5 =	vand.u32 $0xFFFF0000, v12;
	[tilespmem:s21+$0xFFFFFFE0] =	vst v10  }
0xdc: {  	v14 =	vld [tilespmem:s14+$0xD30];
	v6 =	vand.u32 $0xFFFF0000, v17;
	v7 =	vshll.u32 v12, $0x10;
	v11 =	vshll.u32 v17, $0x10;
	[tilespmem:s21+$0xFFFFFFF0] =	vst v18  }
0xdd: {  	v15 =	vld [tilespmem:s14+$0x1170];
	v12 =	vand.u32 $0xFFFF0000, v23;
	v17 =	vshll.u32 v23, $0x10;
	v23 =	vshll.u32 v30, $0x10;
	[tilespmem:s21+$0x0] =	vst v9  }
0xde: {  	v25 =	vand.u32 $0xFFFF0000, v19;
	v29 =	vshll.u32 v19, $0x10;
	v61 =	vmul.f32 v23, v56;
	v56 =	vld [tilespmem:s17+$0xFFFFFFE0];
	[tilespmem:s21+$0x10] =	vst v8  }
0xdf: {  	v19 =	vshll.u32 v28, $0x10;
	v33 =	vadd.f32 v33, v59;
	v59 =	vand.u32 $0xFFFF0000, v42;
	v57 =	vld [tilespmem:s12+$0xD60]  }
0xe0: {  	v21 =	vand.u32 $0xFFFF0000, v13;
	v24 =	vshll.u32 v13, $0x10;
	v13 =	vand.u32 $0xFFFF0000, v28;
	v58 =	vld [tilespmem:s12+$0x1520]  }
0xe1: {  	v28 =	vand.u32 $0xFFFF0000, v16;
	v20 =	vand.u32 $0xFFFF0000, v14;
	v16 =	vshll.u32 v16, $0x10;
	v62 =	vld [tilespmem:s12+$0x2560]  }
0xe2: {  	v14 =	vshll.u32 v14, $0x10;
	v30 =	vand.u32 $0xFFFF0000, v30;
	v23 =	vand.u32 $0xFFFF0000, v15;
	v53 =	vld [tilespmem:s12+$0x2D20]  }
0xe3: {  	v15 =	vshll.u32 v15, $0x10;
	v40 =	vadd.f32 v61, v63;
	v39 =	vadd.f32 v39, v56  }
0xe4: {  	v36 =	vld [tilespmem:s14+$0x2960];
	v56 =	vshll.u32 v43, $0x10;
	v43 =	vand.u32 $0xFFFF0000, v43;
	v50 =	vshll.u32 v57, $0x10  }
0xe5: {  	v34 =	vand.u32 $0xFFFF0000, v57;
	v51 =	vshll.u32 v58, $0x10;
	v35 =	vand.u32 $0xFFFF0000, v58  }
0xe6: {  	v57 =	vshll.u32 v62, $0x10;
	v58 =	vld [tilespmem:s16+$0x6D10];
	v41 =	vand.u32 $0xFFFF0000, v62;
	v44 =	vmul.f32 v50, v10  }
0xe7: {  	v60 =	vshll.u32 v53, $0x10;
	v45 =	vmul.f32 v51, v18;
	v34 =	vmul.f32 v34, v10  }
0xe8: {  	v46 =	vand.u32 $0xFFFF0000, v53;
	v62 =	vld [tilespmem:s14+$0xD20];
	v35 =	vmul.f32 v35, v18;
	v49 =	vmul.f32 v57, v9  }
0xe9: {  	v54 =	vld [tilespmem:s16+$0x6D30];
	v50 =	vand.u32 $0xFFFF0000, v36;
	v41 =	vmul.f32 v41, v9;
	v44 =	vadd.f32 v45, v44  }
0xea: {  	v61 =	vld [tilespmem:s16+$0x6D20];
	v48 =	vmul.f32 v60, v8;
	v46 =	vmul.f32 v46, v8;
	v34 =	vadd.f32 v35, v34  }
0xeb: {  	v51 =	vshll.u32 v42, $0x10;
	v57 =	vld [tilespmem:s16+$0x6D40];
	v44 =	vadd.f32 v44, v49;
	v30 =	vmul.f32 v30, v58  }
0xec: {  	v35 =	vld [tilespmem:s14+$0x2510];
	v34 =	vadd.f32 v34, v41;
	v31 =	vmul.f32 v31, v58;
	v32 =	vmul.f32 v32, v58  }
0xed: {  	v49 =	vld [tilespmem:s14+$0xD10];
	v37 =	vmul.f32 v37, v58;
	v47 =	vand.u32 $0xFFFF0000, v62;
	v44 =	vadd.f32 v44, v48  }
0xee: {  	v41 =	vld [tilespmem:s14+$0x1150];
	v58 =	vshll.u32 v36, $0x10;
	v34 =	vadd.f32 v34, v46;
	v31 =	vadd.f32 v38, v31  }
0xef: {  	v36 =	vmul.f32 v59, v54;
	v59 =	vld [tilespmem:s16+$0x6D70];
	v30 =	vadd.f32 v40, v30;
	v32 =	vadd.f32 v39, v32  }
0xf0: {  	v46 =	vmul.f32 v51, v61;
	v33 =	vadd.f32 v33, v37;
	v48 =	vshll.u32 v62, $0x10  }
0xf1: {  	v63 =	vshll.u32 v35, $0x10;
	v35 =	vand.u32 $0xFFFF0000, v35;
	v62 =	vmul.f32 v48, v57  }
0xf2: {  	v45 =	vmul.f32 v63, v61;
	[tilespmem:s0+$0x9D00] =	vst v44;
	v30 =	vadd.f32 v30, v46;
	v35 =	vmul.f32 v35, v54  }
0xf3: {  	v37 =	vld [tilespmem:s14+$0x1160];
	[tilespmem:s0+$0x9D10] =	vst v34;
	v44 =	vmul.f32 v56, v57;
	v34 =	vmul.f32 v58, v57;
	v53 =	vshll.u32 v49, $0x10  }
0xf4: {  	v55 =	vshll.u32 v41, $0x10;
	v60 =	vand.u32 $0xFFFF0000, v49;
	v28 =	vmul.f32 v28, v59  }
0xf5: {  	v58 =	vld [tilespmem:s16+$0x7100];
	v41 =	vand.u32 $0xFFFF0000, v41;
	v20 =	vmul.f32 v20, v59;
	v23 =	vmul.f32 v23, v59  }
0xf6: {  	v63 =	vld [tilespmem:s14+$0x2530];
	v38 =	vmul.f32 v53, v61;
	v39 =	vmul.f32 v55, v61;
	v31 =	vadd.f32 v31, v45  }
0xf7: {  	v42 =	vmul.f32 v60, v54;
	v40 =	vmul.f32 v41, v54;
	v30 =	vadd.f32 v30, v36;
	v36 =	vld [tilespmem:s16+$0x6D50]  }
0xf8: {  	v54 =	vld [tilespmem:s16+$0x7120];
	v61 =	vshll.u32 v37, $0x10;
	v37 =	vand.u32 $0xFFFF0000, v37;
	v32 =	vadd.f32 v32, v38  }
0xf9: {  	v38 =	vld [tilespmem:s12+$0xD70];
	v33 =	vadd.f32 v33, v39;
	v31 =	vadd.f32 v31, v35;
	v53 =	vmul.f32 v61, v57  }
0xfa: {  	v39 =	vld [tilespmem:s12+$0x1530];
	v30 =	vadd.f32 v30, v34;
	v29 =	vmul.f32 v29, v58;
	v27 =	vmul.f32 v27, v58  }
0xfb: {  	v35 =	vld [tilespmem:s16+$0x7130];
	v61 =	vand.u32 $0xFFFF0000, v63;
	v17 =	vmul.f32 v17, v58;
	v19 =	vmul.f32 v19, v58  }
0xfc: {  	v57 =	vld [tilespmem:s16+$0x7110];
	v32 =	vadd.f32 v32, v42;
	v33 =	vadd.f32 v33, v40;
	v60 =	vmul.f32 v50, v36  }
0xfd: {  	v31 =	vadd.f32 v31, v44;
	v43 =	vmul.f32 v43, v36;
	v47 =	vmul.f32 v47, v36  }
0xfe: {  	v42 =	vshll.u32 v63, $0x10;
	v36 =	vmul.f32 v37, v36;
	v24 =	vmul.f32 v24, v54  }
0xff: {  	v22 =	vmul.f32 v22, v54;
	v11 =	vmul.f32 v11, v54;
	v32 =	vadd.f32 v32, v62;
	v62 =	vld [tilespmem:s16+$0x6D60]  }
0x100: {  	v7 =	vmul.f32 v7, v54;
	v33 =	vadd.f32 v33, v53;
	v55 =	vshll.u32 v38, $0x10  }
0x101: {  	v56 =	vshll.u32 v39, $0x10;
	v21 =	vmul.f32 v21, v35;
	v25 =	vmul.f32 v25, v57  }
0x102: {  	v26 =	vmul.f32 v26, v57;
	v30 =	vadd.f32 v30, v60;
	v31 =	vadd.f32 v31, v43  }
0x103: {  	v34 =	vmul.f32 v55, v10;
	v44 =	vmul.f32 v56, v18;
	v32 =	vadd.f32 v32, v47  }
0x104: {  	v33 =	vadd.f32 v33, v36;
	v16 =	vmul.f32 v16, v62;
	v14 =	vmul.f32 v14, v62  }
0x105: {  	v34 =	vadd.f32 v44, v34;
	v42 =	vmul.f32 v42, v62;
	v15 =	vmul.f32 v15, v62  }
0x106: {  	v38 =	vand.u32 $0xFFFF0000, v38;
	v14 =	vadd.f32 v32, v14;
	v16 =	vadd.f32 v30, v16  }
0x107: {  	v44 =	vmul.f32 v61, v59;
	v15 =	vadd.f32 v33, v15;
	v30 =	vadd.f32 v31, v42  }
0x108: {  	v39 =	vand.u32 $0xFFFF0000, v39;
	v12 =	vmul.f32 v12, v57;
	v14 =	vadd.f32 v14, v20  }
0x109: {  	v13 =	vmul.f32 v13, v57;
	v15 =	vadd.f32 v15, v23;
	v23 =	vadd.f32 v30, v44  }
0x10a: {  	v63 =	vld [tilespmem:s12+$0x2570];
	v6 =	vmul.f32 v6, v35;
	v16 =	vadd.f32 v16, v28;
	v14 =	vadd.f32 v14, v17  }
0x10b: {  	v5 =	vmul.f32 v5, v35;
	v15 =	vadd.f32 v15, v19;
	v19 =	vadd.f32 v23, v27  }
0x10c: {  	v4 =	vmul.f32 v4, v35;
	v16 =	vadd.f32 v16, v29;
	v12 =	vadd.f32 v14, v12  }
0x10d: {  	v38 =	vmul.f32 v38, v10;
	v13 =	vadd.f32 v15, v13;
	v15 =	vadd.f32 v19, v26  }
0x10e: {  	v39 =	vmul.f32 v39, v18;
	v14 =	vadd.f32 v16, v25;
	v12 =	vadd.f32 v12, v24  }
0x10f: {  	v20 =	vshll.u32 v63, $0x10;
	v16 =	vld [tilespmem:s12+$0x2D30];
	v11 =	vadd.f32 v13, v11;
	v7 =	vadd.f32 v15, v7  }
0x110: {  	v17 =	vand.u32 $0xFFFF0000, v63;
	v13 =	vadd.f32 v14, v22;
	v14 =	vadd.f32 v39, v38  }
0x111: {  	v15 =	vmul.f32 v17, v9;
	v12 =	vadd.f32 v12, v21;
	v6 =	vadd.f32 v11, v6  }
0x112: {  	v11 =	vmul.f32 v20, v9;
	v5 =	vadd.f32 v7, v5;
	v4 =	vadd.f32 v13, v4  }
0x113: {  	v14 =	vadd.f32 v14, v15;
	v7 =	vperm.xlane v12, v52;
	v13 =	vperm.xlane v6, v52  }
0x114: {  	v17 =	vshll.u32 v16, $0x10;
	v19 =	vperm.xlane v5, v52;
	v11 =	vadd.f32 v34, v11  }
0x115: {  	v20 =	vperm.xlane v4, v52;
	v7 =	vadd.f32 v12, v7;
	v6 =	vadd.f32 v6, v13  }
0x116: {  	v12 =	vand.u32 $0xFFFF0000, v16;
	v5 =	vadd.f32 v5, v19;
	v13 =	vmul.f32 v17, v8  }
0x117: {  	v4 =	vadd.f32 v4, v20;
	v12 =	vmul.f32 v12, v8;
	v16 =	vmax.f32 v7, v6  }
0x118: {  	v11 =	vadd.f32 v11, v13;
	v15 =	vmax.f32 v16, v5  }
0x119: {  	v12 =	vadd.f32 v14, v12;
	v13 =	vmax.f32 v15, v4  }
0x11a: {  	[tilespmem:s0+$0x9D20] =	vst v11;
	v7 =	vsub.f32 v7, v13  }
0x11b: {  	v6 =	vsub.f32 v6, v13;
	[tilespmem:s0+$0x9D30] =	vst v12  }
0x11c: {  	v11 =	vld [tilespmem:s12+$0x1100];
	v7 =	vmul.f32 $1.442695020e+00, v7  }
0x11d: {  	v5 =	vsub.f32 v5, v13;
	v12 =	vld [tilespmem:s12+$0x1540];
	v6 =	vmul.f32 $1.442695020e+00, v6  }
0x11e: {  	v4 =	vsub.f32 v4, v13;
	(erf) = vpow2.f32 v7  }
0x11f: {  	v5 =	vmul.f32 $1.442695020e+00, v5;
	(erf) = vpow2.f32 v6;
	v6 =	vld [tilespmem:s12+$0x2900]  }
0x120: {  	v4 =	vmul.f32 $1.442695020e+00, v4  }
0x121: {  	s18 =	simm.s32 $0x0;
	(erf) = vpow2.f32 v5;
	v5 =	vshll.u32 v11, $0x10  }
0x122: {  	s19 =	simm.s32 $0x100;
	s9 =	smul.u32 $0xC00, s18;
	v11 =	vand.u32 $0xFFFF0000, v11;
	v13 =	vshll.u32 v12, $0x10;
	(erf) = vpow2.f32 v4  }
0x123: {  	s20 =	sand.u32 $0x380, s19;
	v7 =	vld [tilespmem:s12+$0x2D40];
	v4 =	vmul.f32 v5, v10;
	v5 =	vand.u32 $0xFFFF0000, v12;
	v12 =	vmul.f32 v13, v18  }
0x124: {  	s10 =	sor.u32 s20, s9;
	s21 =	simm.s32 $0x0;
	v11 =	vmul.f32 v11, v10;
	v13 =	vshll.u32 v6, $0x10  }
0x125: {  	s9 =	sor.u32 s20, s21;
	v31 =	vld [tilespmem:s10+$0xD00];
	v4 =	vadd.f32 v12, v4;
	v12 =	vmul.f32 v13, v9  }
0x126: {  	v32 =	vld [tilespmem:s9+$0x6D00];
	v5 =	vmul.f32 v5, v18;
	_ =	sdelay $0x1  }
0x127: {  	v35 =	vld [tilespmem:s10+$0x1140];
	v6 =	vand.u32 $0xFFFF0000, v6;
	v5 =	vadd.f32 v5, v11;
	v13 =	vshll.u32 v7, $0x10;
	v11 =	vpop (erf)  }
0x128: {  	v30 =	vld [tilespmem:s10+$0x2500];
	v6 =	vmul.f32 v6, v9;
	v13 =	vmul.f32 v13, v8;
	v4 =	vadd.f32 v12, v4;
	v12 =	vpop (erf)  }
0x129: {  	v29 =	vld [tilespmem:s10+$0x2940];
	v56 =	vshll.u32 v31, $0x10;
	v14 =	vadd.f32 v12, v11  }
0x12a: {  	v37 =	vmul.f32 v56, v32;
	v7 =	vand.u32 $0xFFFF0000, v7;
	v5 =	vadd.f32 v6, v5;
	v15 =	vpop (erf)  }
0x12b: {  	v56 =	vld [tilespmem:s9+$0x6D10];
	v6 =	vmul.f32 v7, v8;
	v4 =	vadd.f32 v13, v4;
	v7 =	vadd.f32 v14, v15  }
0x12c: {  	s18 =	simm.s32 $0x8E20;
	v62 =	vshll.u32 v35, $0x10;
	v13 =	vpop (erf)  }
0x12d: {  	v58 =	vld [tilespmem:s18+$0x10];
	v35 =	vand.u32 $0xFFFF0000, v35;
	v54 =	vshll.u32 v30, $0x10;
	[tilespmem:s0+$0x9D40] =	vst v4;
	v4 =	vadd.f32 v7, v13  }
0x12e: {  	v63 =	vld [tilespmem:s18+$0x0];
	v30 =	vand.u32 $0xFFFF0000, v30;
	v36 =	vmul.f32 v54, v32;
	v28 =	vshll.u32 v29, $0x10  }
0x12f: {  	v40 =	vld [tilespmem:s10+$0x2950];
	v29 =	vand.u32 $0xFFFF0000, v29;
	v5 =	vadd.f32 v6, v5;
	(erf) = vrcp.f32 v4  }
0x130: {  	v31 =	vand.u32 $0xFFFF0000, v31;
	v21 =	vld [tilespmem:s10+$0x2970];
	v29 =	vmul.f32 v29, v56;
	v30 =	vmul.f32 v30, v56  }
0x131: {  	v31 =	vmul.f32 v31, v56;
	v35 =	vmul.f32 v35, v56;
	v56 =	vld [tilespmem:s10+$0x1160];
	[tilespmem:s0+$0x9D50] =	vst v5  }
0x132: {  	v38 =	vmul.f32 v28, v32;
	v5 =	vld [tilespmem:s12+$0x1110]  }
0x133: {  	v36 =	vadd.f32 v36, v63;
	v4 =	vld [tilespmem:s12+$0x1550]  }
0x134: {  	v32 =	vmul.f32 v62, v32;
	v38 =	vadd.f32 v38, v58  }
0x135: {  	v62 =	vshll.u32 v40, $0x10;
	v40 =	vand.u32 $0xFFFF0000, v40;
	v58 =	vld [tilespmem:s10+$0xD10];
	v30 =	vadd.f32 v36, v30  }
0x136: {  	v29 =	vadd.f32 v38, v29;
	v28 =	vshll.u32 v21, $0x10;
	v21 =	vand.u32 $0xFFFF0000, v21;
	v6 =	vld [tilespmem:s12+$0x2910]  }
0x137: {  	v38 =	vand.u32 $0xFFFF0000, v56;
	v7 =	vshll.u32 v5, $0x10;
	v5 =	vand.u32 $0xFFFF0000, v5  }
0x138: {  	v25 =	vld [tilespmem:s10+$0x1510];
	v7 =	vmul.f32 v7, v10;
	v5 =	vmul.f32 v5, v10;
	v16 =	vshll.u32 v4, $0x10;
	v23 =	vpop (erf)  }
0x139: {  	v14 =	vld [tilespmem:s12+$0x2D50];
	v4 =	vand.u32 $0xFFFF0000, v4;
	v16 =	vmul.f32 v16, v18;
	v49 =	vmul.f32 v23, v11  }
0x13a: {  	s17 =	simm.s32 $0xBDA0;
	v24 =	vld [tilespmem:s10+$0xD50];
	v63 =	vshll.u32 v58, $0x10;
	v19 =	vmul.f32 v4, v18;
	v55 =	vmul.f32 v23, v12  }
0x13b: {  	v20 =	vld [tilespmem:s10+$0x2D00];
	v4 =	vshll.u32 v6, $0x10;
	v6 =	vand.u32 $0xFFFF0000, v6;
	v51 =	vmul.f32 v23, v15;
	[tilespmem:s17+$0xFFFFFFE0] =	vst v49  }
0x13c: {  	v22 =	vld [tilespmem:s10+$0x2550];
	v26 =	vmul.f32 v4, v9;
	v16 =	vadd.f32 v16, v7;
	v50 =	vmul.f32 v23, v13;
	[tilespmem:s17+$0xFFFFFFF0] =	vst v55  }
0x13d: {  	v17 =	vld [tilespmem:s10+$0x2D10];
	v58 =	vand.u32 $0xFFFF0000, v58;
	v27 =	vmul.f32 v6, v9;
	v11 =	vadd.f32 v19, v5;
	[tilespmem:s17+$0x0] =	vst v51  }
0x13e: {  	v19 =	vld [tilespmem:s10+$0x2530];
	v5 =	vshll.u32 v14, $0x10;
	v12 =	vadd.f32 v26, v16;
	v14 =	vand.u32 $0xFFFF0000, v14;
	[tilespmem:s17+$0x10] =	vst v50  }
0x13f: {  	v23 =	vand.u32 $0xFFFF0000, v24;
	v24 =	vshll.u32 v24, $0x10;
	v15 =	vmul.f32 v5, v8;
	v48 =	vld [tilespmem:s14+$0xD60]  }
0x140: {  	v26 =	vand.u32 $0xFFFF0000, v20;
	v13 =	vmul.f32 v14, v8;
	v11 =	vadd.f32 v27, v11;
	v53 =	vld [tilespmem:s14+$0x1520]  }
0x141: {  	v20 =	vshll.u32 v20, $0x10;
	v14 =	vand.u32 $0xFFFF0000, v25;
	v16 =	vadd.f32 v15, v12;
	v57 =	vld [tilespmem:s14+$0x2560]  }
0x142: {  	v12 =	vand.u32 $0xFFFF0000, v22;
	v15 =	vadd.f32 v13, v11;
	v11 =	vand.u32 $0xFFFF0000, v17  }
0x143: {  	v61 =	vld [tilespmem:s14+$0x2D20];
	v13 =	vshll.u32 v17, $0x10;
	v17 =	vshll.u32 v22, $0x10;
	v22 =	vshll.u32 v25, $0x10  }
0x144: {  	v27 =	vshll.u32 v19, $0x10;
	v19 =	vand.u32 $0xFFFF0000, v19;
	v59 =	vshll.u32 v48, $0x10  }
0x145: {  	v25 =	vld [tilespmem:s10+$0xD30];
	v33 =	vand.u32 $0xFFFF0000, v48;
	v60 =	vshll.u32 v53, $0x10;
	v34 =	vand.u32 $0xFFFF0000, v53  }
0x146: {  	v53 =	vld [tilespmem:s18+$0xFFFFFFE0];
	v54 =	vshll.u32 v57, $0x10;
	v42 =	vmul.f32 v59, v49;
	v43 =	vmul.f32 v60, v55  }
0x147: {  	v39 =	vand.u32 $0xFFFF0000, v57;
	v57 =	vld [tilespmem:s18+$0xFFFFFFF0];
	v33 =	vmul.f32 v33, v49;
	v34 =	vmul.f32 v34, v55  }
0x148: {  	v47 =	vmul.f32 v54, v51;
	v59 =	vshll.u32 v61, $0x10;
	v60 =	vld [tilespmem:s9+$0x6D20];
	v42 =	vadd.f32 v43, v42  }
0x149: {  	v39 =	vmul.f32 v39, v51;
	v46 =	vmul.f32 v59, v50;
	v59 =	vld [tilespmem:s9+$0x6D40];
	v33 =	vadd.f32 v34, v33  }
0x14a: {  	v44 =	vand.u32 $0xFFFF0000, v61;
	v48 =	vshll.u32 v25, $0x10;
	v34 =	vld [tilespmem:s10+$0x2510];
	v42 =	vadd.f32 v42, v47  }
0x14b: {  	v41 =	vld [tilespmem:s10+$0xD20];
	v44 =	vmul.f32 v44, v50;
	v33 =	vadd.f32 v33, v39;
	v37 =	vadd.f32 v37, v53  }
0x14c: {  	v25 =	vand.u32 $0xFFFF0000, v25;
	v32 =	vadd.f32 v32, v57;
	v53 =	vld [tilespmem:s9+$0x6D30];
	v42 =	vadd.f32 v42, v46  }
0x14d: {  	v39 =	vld [tilespmem:s10+$0x1150];
	v36 =	vmul.f32 v63, v60;
	v33 =	vadd.f32 v33, v44;
	v31 =	vadd.f32 v37, v31  }
0x14e: {  	v44 =	vmul.f32 v62, v60;
	v32 =	vadd.f32 v32, v35;
	v35 =	vshll.u32 v56, $0x10  }
0x14f: {  	v57 =	vld [tilespmem:s10+$0x2520];
	v61 =	vshll.u32 v34, $0x10;
	v34 =	vand.u32 $0xFFFF0000, v34;
	v35 =	vmul.f32 v35, v59  }
0x150: {  	v46 =	vld [tilespmem:s10+$0x2960];
	v43 =	vmul.f32 v61, v60;
	v29 =	vadd.f32 v29, v44;
	v44 =	vand.u32 $0xFFFF0000, v41  }
0x151: {  	[tilespmem:s16+$0x9D00] =	vst v42;
	v31 =	vadd.f32 v31, v36;
	v41 =	vshll.u32 v41, $0x10;
	v34 =	vmul.f32 v34, v53  }
0x152: {  	[tilespmem:s16+$0x9D10] =	vst v33;
	v54 =	vshll.u32 v39, $0x10;
	v61 =	vmul.f32 v40, v53;
	v62 =	vmul.f32 v58, v53  }
0x153: {  	v63 =	vld [tilespmem:s14+$0xD70];
	v41 =	vmul.f32 v41, v59;
	v37 =	vmul.f32 v54, v60;
	v60 =	vand.u32 $0xFFFF0000, v39  }
0x154: {  	v47 =	vld [tilespmem:s14+$0x1530];
	v30 =	vadd.f32 v30, v43;
	v39 =	vand.u32 $0xFFFF0000, v57;
	v33 =	vmul.f32 v60, v53  }
0x155: {  	v53 =	vshll.u32 v57, $0x10;
	v54 =	vshll.u32 v46, $0x10;
	v31 =	vadd.f32 v31, v62  }
0x156: {  	v56 =	vld [tilespmem:s14+$0x2570];
	v32 =	vadd.f32 v32, v37;
	v30 =	vadd.f32 v30, v34;
	v42 =	vmul.f32 v53, v59  }
0x157: {  	v29 =	vadd.f32 v29, v61;
	v43 =	vmul.f32 v54, v59;
	v31 =	vadd.f32 v31, v41  }
0x158: {  	v45 =	vand.u32 $0xFFFF0000, v46;
	v57 =	vld [tilespmem:s9+$0x6D50];
	v32 =	vadd.f32 v32, v33;
	v30 =	vadd.f32 v30, v42  }
0x159: {  	v60 =	vld [tilespmem:s14+$0x2D30];
	v29 =	vadd.f32 v29, v43;
	v58 =	vshll.u32 v63, $0x10;
	v59 =	vshll.u32 v47, $0x10  }
0x15a: {  	v62 =	vld [tilespmem:s9+$0x6D60];
	v37 =	vand.u32 $0xFFFF0000, v63;
	v34 =	vand.u32 $0xFFFF0000, v47;
	v36 =	vmul.f32 v58, v49  }
0x15b: {  	v61 =	vshll.u32 v56, $0x10;
	v42 =	vmul.f32 v59, v55;
	v37 =	vmul.f32 v37, v49  }
0x15c: {  	v33 =	vand.u32 $0xFFFF0000, v56;
	v34 =	vmul.f32 v34, v55;
	v41 =	vmul.f32 v61, v51  }
0x15d: {  	v53 =	vld [tilespmem:s10+$0xD40];
	v33 =	vmul.f32 v33, v51;
	v45 =	vmul.f32 v45, v57;
	v32 =	vadd.f32 v32, v35  }
0x15e: {  	v54 =	vld [tilespmem:s10+$0x2540];
	v63 =	vshll.u32 v60, $0x10;
	v39 =	vmul.f32 v39, v57;
	v44 =	vmul.f32 v44, v57  }
0x15f: {  	v56 =	vld [tilespmem:s10+$0x1500];
	v43 =	vand.u32 $0xFFFF0000, v60;
	v38 =	vmul.f32 v38, v57;
	v27 =	vmul.f32 v27, v62  }
0x160: {  	v58 =	vld [tilespmem:s9+$0x7110];
	v59 =	vmul.f32 v48, v62;
	v28 =	vmul.f32 v28, v62;
	v36 =	vadd.f32 v42, v36  }
0x161: {  	v60 =	vld [tilespmem:s9+$0x7100];
	v34 =	vadd.f32 v34, v37;
	v43 =	vmul.f32 v43, v50;
	v29 =	vadd.f32 v29, v45  }
0x162: {  	v42 =	vld [tilespmem:s10+$0x1170];
	v61 =	vand.u32 $0xFFFF0000, v53;
	v30 =	vadd.f32 v30, v39;
	v31 =	vadd.f32 v31, v44  }
0x163: {  	v37 =	vld [tilespmem:s9+$0x7130];
	v32 =	vadd.f32 v32, v38;
	v45 =	vshll.u32 v53, $0x10;
	v36 =	vadd.f32 v36, v41  }
0x164: {  	v39 =	vld [tilespmem:s9+$0x7120];
	v41 =	vmul.f32 v63, v50;
	v33 =	vadd.f32 v34, v33;
	v34 =	vshll.u32 v54, $0x10  }
0x165: {  	v40 =	vshll.u32 v56, $0x10;
	v31 =	vadd.f32 v31, v59;
	v27 =	vadd.f32 v30, v27  }
0x166: {  	v63 =	vld [tilespmem:s9+$0x6D70];
	v30 =	vand.u32 $0xFFFF0000, v56;
	v26 =	vmul.f32 v26, v58;
	v36 =	vadd.f32 v36, v41  }
0x167: {  	v33 =	vadd.f32 v33, v43;
	v20 =	vmul.f32 v20, v60;
	v34 =	vmul.f32 v34, v60  }
0x168: {  	v57 =	vshll.u32 v42, $0x10;
	v23 =	vmul.f32 v23, v37;
	v14 =	vmul.f32 v14, v37  }
0x169: {  	v28 =	vadd.f32 v29, v28;
	v35 =	vmul.f32 v57, v62;
	v24 =	vmul.f32 v24, v39;
	[tilespmem:s16+$0x9D20] =	vst v36  }
0x16a: {  	v42 =	vand.u32 $0xFFFF0000, v42;
	[tilespmem:s16+$0x9D30] =	vst v33;
	v22 =	vmul.f32 v22, v39;
	v17 =	vmul.f32 v17, v39  }
0x16b: {  	v62 =	vand.u32 $0xFFFF0000, v54;
	v19 =	vmul.f32 v19, v63;
	v25 =	vmul.f32 v25, v63;
	v48 =	vld [tilespmem:s14+$0x1100]  }
0x16c: {  	v21 =	vmul.f32 v21, v63;
	v47 =	vmul.f32 v42, v63;
	v53 =	vld [tilespmem:s14+$0x2900];
	v29 =	vadd.f32 v32, v35  }
0x16d: {  	v25 =	vadd.f32 v31, v25;
	v31 =	vmul.f32 v45, v60;
	v19 =	vadd.f32 v27, v19  }
0x16e: {  	v27 =	vld [tilespmem:s14+$0x1540];
	v21 =	vadd.f32 v28, v21;
	v28 =	vadd.f32 v29, v47;
	v29 =	vmul.f32 v40, v60  }
0x16f: {  	v41 =	vmul.f32 v62, v58;
	v25 =	vadd.f32 v25, v31;
	v19 =	vadd.f32 v19, v34  }
0x170: {  	v31 =	vmul.f32 v61, v58;
	v20 =	vadd.f32 v21, v20;
	v21 =	vadd.f32 v28, v29  }
0x171: {  	v28 =	vmul.f32 v30, v58;
	v30 =	vshll.u32 v48, $0x10;
	v56 =	vshll.u32 v53, $0x10  }
0x172: {  	v29 =	vld [tilespmem:s14+$0x2D40];
	v32 =	vand.u32 $0xFFFF0000, v53;
	v25 =	vadd.f32 v25, v31;
	v19 =	vadd.f32 v19, v41  }
0x173: {  	v31 =	vand.u32 $0xFFFF0000, v48;
	v30 =	vmul.f32 v30, v49;
	v54 =	vshll.u32 v27, $0x10  }
0x174: {  	v20 =	vadd.f32 v20, v26;
	v27 =	vand.u32 $0xFFFF0000, v27;
	v33 =	vmul.f32 v54, v55  }
0x175: {  	[tilespmem:s0+$0x9D60] =	vst v16;
	v31 =	vmul.f32 v31, v49;
	v16 =	vadd.f32 v21, v28;
	v27 =	vmul.f32 v27, v55  }
0x176: {  	[tilespmem:s0+$0x9D70] =	vst v15;
	v57 =	vmul.f32 v56, v51;
	v15 =	vadd.f32 v25, v24;
	v30 =	vadd.f32 v33, v30  }
0x177: {  	v27 =	vadd.f32 v27, v31;
	v31 =	vmul.f32 v32, v51;
	v58 =	vshll.u32 v29, $0x10  }
0x178: {  	v29 =	vand.u32 $0xFFFF0000, v29;
	v32 =	vmul.f32 v58, v50;
	v30 =	vadd.f32 v57, v30  }
0x179: {  	v17 =	vadd.f32 v19, v17;
	v21 =	vadd.f32 v31, v27;
	v27 =	vmul.f32 v29, v50  }
0x17a: {  	v12 =	vmul.f32 v12, v37;
	v16 =	vadd.f32 v16, v22;
	v24 =	vadd.f32 v32, v30  }
0x17b: {  	v13 =	vmul.f32 v13, v39;
	v25 =	vld [tilespmem:s12+$0x1120];
	v15 =	vadd.f32 v15, v23;
	v21 =	vadd.f32 v27, v21  }
0x17c: {  	v11 =	vmul.f32 v11, v37;
	v14 =	vadd.f32 v16, v14;
	[tilespmem:s16+$0x9D40] =	vst v24  }
0x17d: {  	v19 =	vld [tilespmem:s12+$0x1560];
	v13 =	vadd.f32 v20, v13;
	v12 =	vadd.f32 v17, v12;
	v20 =	vperm.xlane v15, v52;
	[tilespmem:s16+$0x9D50] =	vst v21  }
0x17e: {  	v21 =	vperm.xlane v14, v52;
	v16 =	vld [tilespmem:s14+$0x1110]  }
0x17f: {  	v11 =	vadd.f32 v13, v11;
	v13 =	vadd.f32 v15, v20;
	v15 =	vperm.xlane v12, v52;
	v17 =	vld [tilespmem:s14+$0x1550]  }
0x180: {  	v22 =	vshll.u32 v25, $0x10;
	v23 =	vld [tilespmem:s14+$0x2910];
	v14 =	vadd.f32 v14, v21  }
0x181: {  	v20 =	vand.u32 $0xFFFF0000, v25;
	v24 =	vperm.xlane v11, v52;
	v12 =	vadd.f32 v12, v15  }
0x182: {  	v22 =	vmul.f32 v22, v10;
	v20 =	vmul.f32 v20, v10;
	v25 =	vmax.f32 v13, v14  }
0x183: {  	v21 =	vshll.u32 v19, $0x10;
	v11 =	vadd.f32 v11, v24;
	v25 =	vmax.f32 v25, v12  }
0x184: {  	v15 =	vshll.u32 v16, $0x10;
	v16 =	vand.u32 $0xFFFF0000, v16;
	v26 =	vshll.u32 v17, $0x10  }
0x185: {  	v27 =	vld [tilespmem:s14+$0x2D50];
	v17 =	vand.u32 $0xFFFF0000, v17;
	v24 =	vshll.u32 v23, $0x10;
	v15 =	vmul.f32 v15, v49  }
0x186: {  	v25 =	vmax.f32 v25, v11;
	v26 =	vmul.f32 v26, v55;
	v16 =	vmul.f32 v16, v49  }
0x187: {  	v17 =	vmul.f32 v17, v55;
	v13 =	vsub.f32 v13, v25;
	v14 =	vsub.f32 v14, v25  }
0x188: {  	v23 =	vand.u32 $0xFFFF0000, v23;
	v12 =	vsub.f32 v12, v25;
	v11 =	vsub.f32 v11, v25  }
0x189: {  	v24 =	vmul.f32 v24, v51;
	v15 =	vadd.f32 v26, v15;
	v16 =	vadd.f32 v17, v16  }
0x18a: {  	v17 =	vmul.f32 v23, v51;
	v23 =	vshll.u32 v27, $0x10;
	v13 =	vmul.f32 $1.442695020e+00, v13  }
0x18b: {  	v26 =	vld [tilespmem:s12+$0x2920];
	v23 =	vmul.f32 v23, v50;
	v15 =	vadd.f32 v24, v15;
	v24 =	vand.u32 $0xFFFF0000, v27  }
0x18c: {  	v14 =	vmul.f32 $1.442695020e+00, v14;
	v16 =	vadd.f32 v17, v16;
	v17 =	vmul.f32 v24, v50  }
0x18d: {  	v12 =	vmul.f32 $1.442695020e+00, v12;
	(erf) = vpow2.f32 v13;
	v13 =	vld [tilespmem:s12+$0x2D60];
	v15 =	vadd.f32 v23, v15  }
0x18e: {  	(erf) = vpow2.f32 v14;
	v14 =	vmul.f32 v21, v18;
	v16 =	vadd.f32 v17, v16  }
0x18f: {  	v11 =	vmul.f32 $1.442695020e+00, v11;
	(erf) = vpow2.f32 v12;
	v17 =	vand.u32 $0xFFFF0000, v19;
	[tilespmem:s16+$0x9D60] =	vst v15  }
0x190: {  	v14 =	vadd.f32 v14, v22;
	v12 =	vmul.f32 v17, v18;
	v15 =	vshll.u32 v26, $0x10;
	[tilespmem:s16+$0x9D70] =	vst v16  }
0x191: {  	(erf) = vpow2.f32 v11;
	v16 =	vand.u32 $0xFFFF0000, v26;
	v15 =	vmul.f32 v15, v9;
	v17 =	vld [tilespmem:s14+$0x1120]  }
0x192: {  	v11 =	vadd.f32 v12, v20;
	v12 =	vmul.f32 v16, v9;
	v16 =	vshll.u32 v13, $0x10;
	v19 =	vld [tilespmem:s14+$0x1560]  }
0x193: {  	v14 =	vadd.f32 v15, v14;
	v15 =	vmul.f32 v16, v8  }
0x194: {  	v13 =	vand.u32 $0xFFFF0000, v13  }
0x195: {  	v11 =	vadd.f32 v12, v11;
	v12 =	vmul.f32 v13, v8;
	v13 =	vld [tilespmem:s14+$0x2920]  }
0x196: {  	v14 =	vadd.f32 v15, v14  }
0x197: {  	v11 =	vadd.f32 v12, v11;
	v15 =	vpop (erf);
	v12 =	vshll.u32 v17, $0x10;
	v21 =	vshll.u32 v19, $0x10  }
0x198: {  	v20 =	vld [tilespmem:s14+$0x2D60];
	v16 =	vand.u32 $0xFFFF0000, v17;
	[tilespmem:s0+$0xA100] =	vst v14;
	v14 =	vand.u32 $0xFFFF0000, v19;
	v17 =	vpop (erf);
	v19 =	vmul.f32 v21, v55  }
0x199: {  	v12 =	vmul.f32 v12, v49;
	v16 =	vmul.f32 v16, v49;
	v22 =	vadd.f32 v17, v15  }
0x19a: {  	[tilespmem:s0+$0xA110] =	vst v11;
	v11 =	vmul.f32 v14, v55;
	v14 =	vshll.u32 v13, $0x10;
	v13 =	vand.u32 $0xFFFF0000, v13;
	v21 =	vpop (erf)  }
0x19b: {  	v23 =	vld [tilespmem:s12+$0x1130];
	v12 =	vadd.f32 v19, v12;
	v14 =	vmul.f32 v14, v51;
	v22 =	vadd.f32 v22, v21  }
0x19c: {  	v27 =	vld [tilespmem:s12+$0x1570];
	v11 =	vadd.f32 v11, v16;
	v13 =	vmul.f32 v13, v51;
	v19 =	vpop (erf)  }
0x19d: {  	v12 =	vadd.f32 v14, v12;
	v14 =	vand.u32 $0xFFFF0000, v20;
	v16 =	vadd.f32 v22, v19  }
0x19e: {  	v28 =	vld [tilespmem:s12+$0x2930];
	v11 =	vadd.f32 v13, v11;
	v22 =	vshll.u32 v20, $0x10;
	v13 =	vmul.f32 v14, v50  }
0x19f: {  	s19 =	simm.s32 $0x0;
	v20 =	vmul.f32 v22, v50;
	(erf) = vrcp.f32 v16  }
0x1a0: {  	s30 =	simm.s32 $0x180;
	s15 =	smul.u32 $0xC00, s19;
	v22 =	vld [tilespmem:s12+$0x2D70];
	v11 =	vadd.f32 v13, v11  }
0x1a1: {  	s20 =	sand.u32 $0x380, s30;
	v14 =	vand.u32 $0xFFFF0000, v23;
	v16 =	vand.u32 $0xFFFF0000, v27;
	v12 =	vadd.f32 v20, v12  }
0x1a2: {  	s12 =	sor.u32 s20, s15;
	v13 =	vmul.f32 v14, v10;
	v14 =	vmul.f32 v16, v18;
	[tilespmem:s16+$0xA110] =	vst v11  }
0x1a3: {  	v24 =	vld [tilespmem:s12+$0x2D10];
	[tilespmem:s16+$0xA100] =	vst v12;
	v12 =	vand.u32 $0xFFFF0000, v28  }
0x1a4: {  	v11 =	vadd.f32 v14, v13;
	v12 =	vmul.f32 v12, v9;
	v13 =	vld [tilespmem:s14+$0x1130]  }
0x1a5: {  	v16 =	vand.u32 $0xFFFF0000, v22;
	v56 =	vld [tilespmem:s14+$0x1570]  }
0x1a6: {  	v23 =	vshll.u32 v23, $0x10;
	v25 =	vld [tilespmem:s12+$0xD40];
	v16 =	vmul.f32 v16, v8;
	v11 =	vadd.f32 v12, v11  }
0x1a7: {  	v23 =	vmul.f32 v23, v10;
	v22 =	vshll.u32 v22, $0x10;
	v12 =	vld [tilespmem:s14+$0x2930]  }
0x1a8: {  	v20 =	vld [tilespmem:s12+$0x2510];
	v46 =	vmul.f32 v22, v8;
	v6 =	vand.u32 $0xFFFF0000, v24;
	v26 =	vadd.f32 v16, v11;
	v29 =	vpop (erf)  }
0x1a9: {  	v48 =	vld [tilespmem:s14+$0x2D70];
	v10 =	vand.u32 $0xFFFF0000, v13;
	v16 =	vmul.f32 v29, v15;
	v15 =	vmul.f32 v29, v17  }
0x1aa: {  	s29 =	simm.s32 $0xBE20;
	v30 =	vld [tilespmem:s12+$0x2940];
	v31 =	vand.u32 $0xFFFF0000, v56;
	v59 =	vmul.f32 v10, v49;
	v17 =	vmul.f32 v29, v21  }
0x1ab: {  	v21 =	vshll.u32 v27, $0x10;
	v27 =	vmul.f32 v31, v55;
	v31 =	vld [tilespmem:s12+$0xD00];
	v10 =	vmul.f32 v29, v19;
	[tilespmem:s29+$0xFFFFFFE0] =	vst v16  }
0x1ac: {  	s21 =	simm.s32 $0x0;
	v19 =	vshll.u32 v28, $0x10;
	v28 =	vld [tilespmem:s12+$0x1140];
	v18 =	vmul.f32 v21, v18;
	v21 =	vand.u32 $0xFFFF0000, v12;
	[tilespmem:s29+$0xFFFFFFF0] =	vst v15  }
0x1ad: {  	v33 =	vld [tilespmem:s12+$0x2500];
	s14 =	sor.u32 s20, s21;
	v9 =	vmul.f32 v19, v9;
	[tilespmem:s29+$0x0] =	vst v17;
	v19 =	vadd.f32 v27, v59;
	v21 =	vmul.f32 v21, v51  }
0x1ae: {  	v34 =	vshll.u32 v20, $0x10;
	v27 =	vld [tilespmem:s14+$0x6D00];
	[tilespmem:s29+$0x10] =	vst v10;
	v18 =	vadd.f32 v18, v23;
	v23 =	vand.u32 $0xFFFF0000, v48  }
0x1af: {  	v20 =	vand.u32 $0xFFFF0000, v20;
	v60 =	vld [tilespmem:s10+$0xD60];
	v19 =	vadd.f32 v21, v19;
	v22 =	vmul.f32 v23, v50  }
0x1b0: {  	v62 =	vld [tilespmem:s10+$0x2560];
	v21 =	vshll.u32 v25, $0x10;
	v25 =	vand.u32 $0xFFFF0000, v25;
	v47 =	vadd.f32 v9, v18  }
0x1b1: {  	s17 =	simm.s32 $0x8EA0;
	v23 =	vld [tilespmem:s10+$0x1520];
	v61 =	vshll.u32 v31, $0x10;
	v45 =	vshll.u32 v28, $0x10;
	v31 =	vand.u32 $0xFFFF0000, v31  }
0x1b2: {  	v63 =	vld [tilespmem:s17+$0x10];
	v28 =	vand.u32 $0xFFFF0000, v28;
	v29 =	vadd.f32 v22, v19;
	v22 =	vshll.u32 v30, $0x10  }
0x1b3: {  	v57 =	vld [tilespmem:s17+$0x0];
	v19 =	vand.u32 $0xFFFF0000, v30;
	v30 =	vshll.u32 v33, $0x10;
	v22 =	vmul.f32 v22, v27  }
0x1b4: {  	v39 =	vld [tilespmem:s10+$0x2D20];
	v33 =	vand.u32 $0xFFFF0000, v33;
	v30 =	vmul.f32 v30, v27;
	v35 =	vmul.f32 v61, v27  }
0x1b5: {  	v58 =	vld [tilespmem:s17+$0xFFFFFFE0];
	v27 =	vmul.f32 v45, v27;
	v53 =	vshll.u32 v60, $0x10;
	v32 =	vand.u32 $0xFFFF0000, v60  }
0x1b6: {  	v43 =	vld [tilespmem:s12+$0x2950];
	v59 =	vshll.u32 v62, $0x10;
	v36 =	vand.u32 $0xFFFF0000, v62;
	v54 =	vshll.u32 v23, $0x10  }
0x1b7: {  	v60 =	vld [tilespmem:s14+$0x6D10];
	v40 =	vmul.f32 v53, v16;
	v23 =	vand.u32 $0xFFFF0000, v23;
	v32 =	vmul.f32 v32, v16  }
0x1b8: {  	v61 =	vld [tilespmem:s17+$0xFFFFFFF0];
	v44 =	vmul.f32 v59, v17;
	v22 =	vadd.f32 v22, v63;
	v62 =	vmul.f32 v36, v17  }
0x1b9: {  	v36 =	vld [tilespmem:s12+$0xD10];
	v63 =	vshll.u32 v39, $0x10;
	v30 =	vadd.f32 v30, v57;
	v41 =	vmul.f32 v54, v15  }
0x1ba: {  	v53 =	vld [tilespmem:s14+$0x6D20];
	v39 =	vand.u32 $0xFFFF0000, v39;
	v35 =	vadd.f32 v35, v58;
	v23 =	vmul.f32 v23, v15  }
0x1bb: {  	v57 =	vshll.u32 v43, $0x10;
	v59 =	vld [tilespmem:s14+$0x6D30];
	v39 =	vmul.f32 v39, v10;
	v40 =	vadd.f32 v41, v40  }
0x1bc: {  	v42 =	vld [tilespmem:s12+$0x1150];
	v23 =	vadd.f32 v23, v32;
	v19 =	vmul.f32 v19, v60;
	v33 =	vmul.f32 v33, v60  }
0x1bd: {  	v38 =	vld [tilespmem:s12+$0x2530];
	v27 =	vadd.f32 v27, v61;
	v31 =	vmul.f32 v31, v60;
	v28 =	vmul.f32 v28, v60  }
0x1be: {  	v54 =	vld [tilespmem:s12+$0x2960];
	v40 =	vadd.f32 v40, v44;
	v44 =	vmul.f32 v63, v10;
	v23 =	vadd.f32 v23, v62  }
0x1bf: {  	v58 =	vshll.u32 v36, $0x10;
	v34 =	vmul.f32 v34, v53;
	v41 =	vmul.f32 v57, v53  }
0x1c0: {  	v63 =	vand.u32 $0xFFFF0000, v43;
	v36 =	vand.u32 $0xFFFF0000, v36;
	v20 =	vmul.f32 v20, v59  }
0x1c1: {  	v61 =	vld [tilespmem:s12+$0x1160];
	v30 =	vadd.f32 v30, v33;
	v19 =	vadd.f32 v22, v19;
	v22 =	vshll.u32 v42, $0x10  }
0x1c2: {  	v37 =	vld [tilespmem:s12+$0x2520];
	v31 =	vadd.f32 v35, v31;
	v33 =	vmul.f32 v58, v53;
	v27 =	vadd.f32 v27, v28  }
0x1c3: {  	v60 =	vld [tilespmem:s14+$0x6D40];
	v28 =	vshll.u32 v38, $0x10;
	v32 =	vand.u32 $0xFFFF0000, v54;
	v45 =	vshll.u32 v54, $0x10  }
0x1c4: {  	v36 =	vmul.f32 v36, v59;
	v38 =	vand.u32 $0xFFFF0000, v38;
	v40 =	vadd.f32 v40, v44  }
0x1c5: {  	v23 =	vadd.f32 v23, v39;
	v39 =	vld [tilespmem:s12+$0xD20];
	v22 =	vmul.f32 v22, v53;
	v30 =	vadd.f32 v30, v34  }
0x1c6: {  	v19 =	vadd.f32 v19, v41;
	v31 =	vadd.f32 v31, v33;
	v54 =	vshll.u32 v61, $0x10;
	[tilespmem:s9+$0x9D00] =	vst v40  }
0x1c7: {  	v22 =	vadd.f32 v27, v22;
	v27 =	vshll.u32 v37, $0x10;
	[tilespmem:s9+$0x9D10] =	vst v23;
	v40 =	vmul.f32 v63, v59;
	v63 =	vld [tilespmem:s12+$0x2970]  }
0x1c8: {  	v23 =	vand.u32 $0xFFFF0000, v42;
	v42 =	vmul.f32 v45, v60;
	v37 =	vand.u32 $0xFFFF0000, v37;
	v53 =	vld [tilespmem:s10+$0xD70]  }
0x1c9: {  	v23 =	vmul.f32 v23, v59;
	v27 =	vmul.f32 v27, v60;
	v20 =	vadd.f32 v30, v20;
	v30 =	vld [tilespmem:s10+$0x1530]  }
0x1ca: {  	v31 =	vadd.f32 v31, v36;
	v57 =	vld [tilespmem:s10+$0x2570];
	v19 =	vadd.f32 v19, v40;
	v62 =	vshll.u32 v39, $0x10  }
0x1cb: {  	v59 =	vld [tilespmem:s14+$0x6D50];
	v22 =	vadd.f32 v22, v23;
	v23 =	vmul.f32 v54, v60;
	v58 =	vand.u32 $0xFFFF0000, v39  }
0x1cc: {  	v20 =	vadd.f32 v20, v27;
	v27 =	vand.u32 $0xFFFF0000, v61;
	v41 =	vmul.f32 v62, v60  }
0x1cd: {  	v45 =	vld [tilespmem:s12+$0xD30];
	v19 =	vadd.f32 v19, v42;
	v22 =	vadd.f32 v22, v23;
	v42 =	vand.u32 $0xFFFF0000, v63  }
0x1ce: {  	v31 =	vadd.f32 v31, v41;
	v23 =	vshll.u32 v53, $0x10;
	v35 =	vand.u32 $0xFFFF0000, v53  }
0x1cf: {  	v60 =	vshll.u32 v30, $0x10;
	v30 =	vand.u32 $0xFFFF0000, v30;
	v62 =	vshll.u32 v57, $0x10  }
0x1d0: {  	v61 =	vld [tilespmem:s10+$0x2D30];
	v32 =	vmul.f32 v32, v59;
	v34 =	vand.u32 $0xFFFF0000, v57;
	v37 =	vmul.f32 v37, v59  }
0x1d1: {  	v54 =	vld [tilespmem:s14+$0x6D60];
	v36 =	vmul.f32 v58, v59;
	v58 =	vshll.u32 v63, $0x10;
	v27 =	vmul.f32 v27, v59  }
0x1d2: {  	v59 =	vshll.u32 v45, $0x10;
	v23 =	vmul.f32 v23, v16;
	v39 =	vmul.f32 v60, v15  }
0x1d3: {  	v41 =	vand.u32 $0xFFFF0000, v45;
	v35 =	vmul.f32 v35, v16;
	v30 =	vmul.f32 v30, v15  }
0x1d4: {  	v53 =	vld [tilespmem:s12+$0x1170];
	v44 =	vmul.f32 v62, v17;
	v34 =	vmul.f32 v34, v17;
	v19 =	vadd.f32 v19, v32  }
0x1d5: {  	v63 =	vld [tilespmem:s12+$0xD50];
	v57 =	vshll.u32 v61, $0x10;
	v20 =	vadd.f32 v20, v37;
	v31 =	vadd.f32 v31, v36  }
0x1d6: {  	v60 =	vld [tilespmem:s14+$0x6D70];
	v28 =	vmul.f32 v28, v54;
	v22 =	vadd.f32 v22, v27;
	v33 =	vmul.f32 v59, v54  }
0x1d7: {  	v40 =	vand.u32 $0xFFFF0000, v61;
	v23 =	vadd.f32 v39, v23;
	v30 =	vadd.f32 v30, v35  }
0x1d8: {  	v62 =	vld [tilespmem:s12+$0x2550];
	v32 =	vmul.f32 v57, v10;
	v31 =	vadd.f32 v31, v33;
	v20 =	vadd.f32 v20, v28  }
0x1d9: {  	v40 =	vmul.f32 v40, v10;
	v23 =	vadd.f32 v23, v44;
	v30 =	vadd.f32 v30, v34  }
0x1da: {  	v27 =	vld [tilespmem:s12+$0x2D00];
	v61 =	vshll.u32 v53, $0x10;
	v34 =	vmul.f32 v58, v54;
	v35 =	vand.u32 $0xFFFF0000, v53  }
0x1db: {  	v39 =	vld [tilespmem:s12+$0x1500];
	v59 =	vand.u32 $0xFFFF0000, v63;
	v36 =	vmul.f32 v61, v54;
	v42 =	vmul.f32 v42, v60  }
0x1dc: {  	v41 =	vmul.f32 v41, v60;
	v38 =	vmul.f32 v38, v60;
	v32 =	vadd.f32 v23, v32;
	v23 =	vld [tilespmem:s14+$0x7100]  }
0x1dd: {  	v35 =	vmul.f32 v35, v60;
	v5 =	vand.u32 $0xFFFF0000, v62;
	v30 =	vadd.f32 v30, v40;
	v40 =	vld [tilespmem:s12+$0x2540]  }
0x1de: {  	v28 =	vld [tilespmem:s12+$0x1510];
	v60 =	vshll.u32 v24, $0x10;
	v3 =	vshll.u32 v62, $0x10;
	v19 =	vadd.f32 v19, v34  }
0x1df: {  	v53 =	vshll.u32 v27, $0x10;
	v22 =	vadd.f32 v22, v36;
	v0 =	vadd.f32 v20, v38;
	v20 =	vld [tilespmem:s14+$0x7120]  }
0x1e0: {  	v7 =	vld [tilespmem:s14+$0x7130];
	v62 =	vand.u32 $0xFFFF0000, v27;
	v31 =	vadd.f32 v31, v41;
	v54 =	vshll.u32 v39, $0x10  }
0x1e1: {  	v2 =	vand.u32 $0xFFFF0000, v39;
	v42 =	vadd.f32 v19, v42;
	v58 =	vadd.f32 v22, v35;
	v22 =	vld [tilespmem:s14+$0x7110]  }
0x1e2: {  	v45 =	vshll.u32 v40, $0x10;
	v37 =	vmul.f32 v53, v23;
	v57 =	vmul.f32 v21, v23  }
0x1e3: {  	[tilespmem:s16+$0xA130] =	vst v29;
	v61 =	vshll.u32 v28, $0x10;
	v41 =	vmul.f32 v54, v23;
	v36 =	vmul.f32 v45, v23  }
0x1e4: {  	v4 =	vand.u32 $0xFFFF0000, v28;
	[tilespmem:s9+$0x9D30] =	vst v30;
	v30 =	vmul.f32 v60, v20;
	v29 =	vmul.f32 v61, v20  }
0x1e5: {  	[tilespmem:s9+$0x9D20] =	vst v32;
	v42 =	vadd.f32 v42, v37;
	v35 =	vadd.f32 v31, v57;
	v31 =	vshll.u32 v63, $0x10  }
0x1e6: {  	v34 =	vld [tilespmem:s10+$0x1100];
	v63 =	vand.u32 $0xFFFF0000, v40;
	v40 =	vmul.f32 v59, v7;
	v1 =	vmul.f32 v62, v22  }
0x1e7: {  	v32 =	vld [tilespmem:s10+$0x1540];
	v33 =	vadd.f32 v58, v41;
	v31 =	vmul.f32 v31, v20;
	v36 =	vadd.f32 v0, v36  }
0x1e8: {  	s1 =	sadd.s32 s4, s1;
	s18 =	simm.s32 $0x4;
	s15 =	sshll.u32 s31, $0x1;
	[tilespmem:s0+$0xA130] =	vst v26;
	v39 =	vmul.f32 v63, v22;
	v37 =	vmul.f32 v25, v22;
	v25 =	vld [tilespmem:s10+$0x2900];
	v26 =	vadd.f32 v42, v1  }
.LBB2_3:
0x1e9: {  	_ =	sdelay $0x2  }
0x1ea: {  	v35 =	vadd.f32 v35, v37  }
0x1eb: {  	v53 =	vld [tilespmem:s10+$0x2D40];
	v13 =	vshll.u32 v13, $0x10;
	v27 =	vadd.f32 v36, v39;
	v22 =	vmul.f32 v2, v22  }
0x1ec: {  	v54 =	vshll.u32 v34, $0x10;
	v57 =	vand.u32 $0xFFFF0000, v34;
	v38 =	vshll.u32 v32, $0x10  }
0x1ed: {  	v58 =	vand.u32 $0xFFFF0000, v32;
	v37 =	vmul.f32 v54, v16;
	v38 =	vmul.f32 v38, v15  }
0x1ee: {  	v59 =	vshll.u32 v25, $0x10;
	v34 =	vmul.f32 v57, v16;
	v32 =	vmul.f32 v58, v15  }
0x1ef: {  	v25 =	vand.u32 $0xFFFF0000, v25;
	v60 =	vmul.f32 v59, v17;
	v37 =	vadd.f32 v38, v37  }
0x1f0: {  	v25 =	vmul.f32 v25, v17;
	v61 =	vshll.u32 v53, $0x10;
	v32 =	vadd.f32 v32, v34  }
0x1f1: {  	v36 =	vand.u32 $0xFFFF0000, v53;
	v34 =	vmul.f32 v61, v10;
	v37 =	vadd.f32 v60, v37  }
0x1f2: {  	v22 =	vadd.f32 v33, v22;
	v62 =	vmul.f32 v36, v10;
	v25 =	vadd.f32 v25, v32  }
0x1f3: {  	v31 =	vadd.f32 v35, v31;
	v20 =	vmul.f32 v3, v20;
	v24 =	vadd.f32 v34, v37  }
0x1f4: {  	v23 =	vmul.f32 v4, v7;
	v22 =	vadd.f32 v22, v29;
	v25 =	vadd.f32 v62, v25  }
0x1f5: {  	v26 =	vadd.f32 v26, v30;
	v18 =	vmul.f32 v6, v7;
	v20 =	vadd.f32 v27, v20;
	[tilespmem:s9+$0x9D40] =	vst v24  }
0x1f6: {  	v19 =	vmul.f32 v5, v7;
	v22 =	vadd.f32 v22, v23;
	v24 =	vadd.f32 v31, v40;
	[tilespmem:s9+$0x9D50] =	vst v25  }
0x1f7: {  	v14 =	vshll.u32 v56, $0x10;
	v13 =	vmul.f32 v13, v49;
	v18 =	vadd.f32 v26, v18;
	v21 =	vld [tilespmem:s10+$0x1110]  }
0x1f8: {  	v19 =	vadd.f32 v20, v19;
	v25 =	vperm.xlane v22, v52;
	v20 =	vld [tilespmem:s10+$0x1550];
	v23 =	vperm.xlane v24, v52  }
0x1f9: {  	v14 =	vmul.f32 v14, v55;
	v26 =	vperm.xlane v18, v52  }
0x1fa: {  	v35 =	vmovc v16;
	v16 =	vadd.f32 v24, v23;
	v23 =	vadd.f32 v22, v25;
	v22 =	vperm.xlane v19, v52;
	v24 =	vld [tilespmem:s10+$0x2910]  }
0x1fb: {  	v12 =	vshll.u32 v12, $0x10;
	s19 =	sshrl.u32 s18, $0x3;
	s30 =	sadd.s32 $0x80, s30;
	v11 =	vshll.u32 v48, $0x10;
	v13 =	vadd.f32 v14, v13  }
0x1fc: {  	v12 =	vmul.f32 v12, v51;
	v51 =	vmovc v17;
	s20 =	sshll.u32 s19, $0xB;
	s21 =	sand.u32 $0x380, s30;
	v26 =	vadd.f32 v18, v26;
	v18 =	vld [tilespmem:s10+$0x2D50];
	v17 =	vadd.f32 v19, v22  }
0x1fd: {  	v55 =	vmovc v15;
	s19 =	smul.u32 $0xC00, s19;
	s20 =	sor.u32 s21, s20;
	v22 =	vshll.u32 v21, $0x10;
	v21 =	vand.u32 $0xFFFF0000, v21;
	v25 =	vshll.u32 v20, $0x10  }
0x1fe: {  	v4 =	vld [tilespmem:s20+$0x7130];
	v27 =	vmul.f32 v22, v35;
	v22 =	vand.u32 $0xFFFF0000, v20;
	v25 =	vmul.f32 v25, v55  }
0x1ff: {  	s19 =	sor.u32 s21, s19;
	v7 =	vld [tilespmem:s20+$0x7100];
	v21 =	vmul.f32 v21, v35;
	v28 =	vmul.f32 v22, v55;
	v29 =	vshll.u32 v24, $0x10  }
0x200: {  	v30 =	vld [tilespmem:s19+$0x2D10];
	v27 =	vadd.f32 v25, v27;
	v24 =	vand.u32 $0xFFFF0000, v24;
	v29 =	vmul.f32 v29, v51  }
0x201: {  	v14 =	vld [tilespmem:s19+$0x1510];
	v21 =	vadd.f32 v28, v21;
	v24 =	vmul.f32 v24, v51;
	v28 =	vshll.u32 v18, $0x10  }
0x202: {  	v20 =	vld [tilespmem:s20+$0x7120];
	v18 =	vand.u32 $0xFFFF0000, v18;
	v28 =	vmul.f32 v28, v10;
	v27 =	vadd.f32 v29, v27  }
0x203: {  	v15 =	vmax.f32 v16, v23;
	v22 =	vld [tilespmem:s20+$0x7110];
	v18 =	vmul.f32 v18, v10;
	v21 =	vadd.f32 v24, v21  }
0x204: {  	v11 =	vmul.f32 v11, v50;
	v15 =	vmax.f32 v15, v17;
	v29 =	vld [tilespmem:s19+$0x2550];
	v27 =	vadd.f32 v28, v27  }
0x205: {  	v12 =	vadd.f32 v12, v13;
	v15 =	vmax.f32 v15, v26;
	v24 =	vld [tilespmem:s19+$0xD50];
	v18 =	vadd.f32 v18, v21  }
0x206: {  	v2 =	vmov v11;
	v16 =	vsub.f32 v16, v15;
	v11 =	vsub.f32 v17, v15;
	v28 =	vld [tilespmem:s19+$0x2D00];
	[tilespmem:s9+$0x9D60] =	vst v27  }
0x207: {  	v19 =	vmov v10;
	v10 =	vsub.f32 v23, v15;
	v23 =	vadd.f32 v46, v47;
	v13 =	vld [tilespmem:s19+$0x2540];
	[tilespmem:s9+$0x9D70] =	vst v18  }
0x208: {  	v0 =	vmov v12;
	v12 =	vsub.f32 v26, v15;
	v16 =	vmul.f32 $1.442695020e+00, v16;
	v17 =	vld [tilespmem:s10+$0x1120]  }
0x209: {  	v1 =	vand.u32 $0xFFFF0000, v30;
	v11 =	vmul.f32 $1.442695020e+00, v11;
	v10 =	vmul.f32 $1.442695020e+00, v10;
	v27 =	vld [tilespmem:s10+$0x1560];
	[tilespmem:s0+$0xA120] =	vst v23  }
0x20a: {  	[tilespmem:$0x1FEA0] =	vst v0;
	v12 =	vmul.f32 $1.442695020e+00, v12;
	(erf) = vpow2.f32 v16;
	v0 =	vand.u32 $0xFFFF0000, v29;
	v31 =	vld [tilespmem:s19+$0xD40]  }
0x20b: {  	v16 =	vshll.u32 v30, $0x10;
	(erf) = vpow2.f32 v10;
	[tilespmem:$0x1FF60] =	vst v0;
	v0 =	vand.u32 $0xFFFF0000, v14;
	v30 =	vld [tilespmem:s10+$0x2920]  }
0x20c: {  	(erf) = vpow2.f32 v11;
	[tilespmem:$0x1FFB0] =	vst v0;
	v0 =	vshll.u32 v29, $0x10;
	v37 =	vld [tilespmem:s19+$0xD30]  }
0x20d: {  	(erf) = vpow2.f32 v12;
	[tilespmem:$0x1FF80] =	vst v0;
	v0 =	vshll.u32 v14, $0x10  }
0x20e: {  	v11 =	vld [tilespmem:s10+$0x2D60];
	v14 =	vshll.u32 v17, $0x10;
	v17 =	vand.u32 $0xFFFF0000, v17;
	v29 =	vshll.u32 v27, $0x10  }
0x20f: {  	v33 =	vld [tilespmem:s19+$0x1500];
	v27 =	vand.u32 $0xFFFF0000, v27;
	v14 =	vmul.f32 v14, v35;
	v29 =	vmul.f32 v29, v55  }
0x210: {  	[tilespmem:$0x1FF30] =	vst v1;
	v12 =	vld [tilespmem:s19+$0x2970];
	v17 =	vmul.f32 v17, v35;
	v27 =	vmul.f32 v27, v55  }
0x211: {  	v45 =	vld [tilespmem:s19+$0xD20];
	[tilespmem:$0x1FFA0] =	vst v0;
	v63 =	vshll.u32 v30, $0x10;
	v0 =	vand.u32 $0xFFFF0000, v31;
	v1 =	vshll.u32 v37, $0x10  }
0x212: {  	v36 =	vld [tilespmem:s19+$0x2530];
	v14 =	vadd.f32 v29, v14;
	v29 =	vand.u32 $0xFFFF0000, v30;
	v30 =	vmul.f32 v63, v51  }
0x213: {  	v38 =	vld [tilespmem:s19+$0x1170];
	v42 =	vpop (erf);
	v17 =	vadd.f32 v27, v17;
	v27 =	vmul.f32 v29, v51;
	v29 =	vshll.u32 v11, $0x10  }
0x214: {  	[tilespmem:$0x1FE90] =	vst v2;
	v41 =	vld [tilespmem:s19+$0x2960];
	v44 =	vpop (erf);
	v11 =	vand.u32 $0xFFFF0000, v11;
	v14 =	vadd.f32 v30, v14;
	v30 =	vmul.f32 v29, v19  }
0x215: {  	v43 =	vld [tilespmem:s19+$0x2520];
	v46 =	vadd.f32 v44, v42;
	[tilespmem:$0x1FF70] =	vst v0;
	v11 =	vmul.f32 v11, v19;
	v17 =	vadd.f32 v27, v17  }
0x216: {  	v47 =	vld [tilespmem:s19+$0x1160];
	v3 =	vand.u32 $0xFFFF0000, v45;
	v52 =	vpop (erf);
	[tilespmem:$0x1FEE0] =	vst v1;
	v14 =	vadd.f32 v30, v14  }
0x217: {  	s0 =	smov.u32 s16;
	s16 =	smov.u32 s9;
	[tilespmem:$0x1FEC0] =	vst v3;
	v50 =	vadd.f32 v46, v52;
	v30 =	vld [tilespmem:s19+$0x2950];
	v11 =	vadd.f32 v11, v17  }
0x218: {  	v15 =	vand.u32 $0xFFFF0000, v24;
	v39 =	vshll.u32 v24, $0x10;
	v53 =	vpop (erf);
	v17 =	vld [tilespmem:s19+$0x2510];
	[tilespmem:s16+$0xA100] =	vst v14  }
0x219: {  	v40 =	vmul.f32 v15, v4;
	v0 =	vand.u32 $0xFFFF0000, v33;
	v14 =	vadd.f32 v50, v53;
	v60 =	vld [tilespmem:s19+$0xD10];
	[tilespmem:s16+$0xA110] =	vst v11  }
0x21a: {  	v10 =	vand.u32 $0xFFFF0000, v28;
	v59 =	vshll.u32 v28, $0x10;
	v1 =	vshll.u32 v38, $0x10;
	[tilespmem:$0x1FF90] =	vst v0;
	v26 =	vld [tilespmem:s10+$0x1130]  }
0x21b: {  	v49 =	vand.u32 $0xFFFF0000, v13;
	v3 =	vand.u32 $0xFFFF0000, v47;
	[tilespmem:$0x1FEF0] =	vst v1;
	(erf) = vrcp.f32 v14;
	v56 =	vld [tilespmem:s10+$0x1570]  }
0x21c: {  	v58 =	vshll.u32 v13, $0x10;
	v61 =	vand.u32 $0xFFFF0000, v12;
	v0 =	vshll.u32 v31, $0x10;
	[tilespmem:$0x1FED0] =	vst v3;
	v2 =	vld [tilespmem:s19+$0x1150]  }
0x21d: {  	s9 =	smov.u32 s14;
	s14 =	smov.u32 s20;
	v62 =	vand.u32 $0xFFFF0000, v36;
	v8 =	vshll.u32 v41, $0x10;
	v3 =	vand.u32 $0xFFFF0000, v43;
	[tilespmem:$0x1FF40] =	vst v0;
	v25 =	vld [tilespmem:s10+$0x2930]  }
0x21e: {  	v34 =	vshll.u32 v47, $0x10;
	v63 =	vshll.u32 v36, $0x10;
	v0 =	vshll.u32 v33, $0x10;
	[tilespmem:$0x1FEB0] =	vst v3;
	v36 =	vld [tilespmem:s14+$0x6D70]  }
0x21f: {  	v1 =	vand.u32 $0xFFFF0000, v41;
	v3 =	vshll.u32 v43, $0x10;
	[tilespmem:$0x1FF50] =	vst v0;
	v0 =	vand.u32 $0xFFFF0000, v37;
	v48 =	vld [tilespmem:s10+$0x2D70]  }
0x220: {  	[tilespmem:$0x1FF10] =	vst v0;
	v0 =	vand.u32 $0xFFFF0000, v38;
	v41 =	vld [tilespmem:s14+$0x6D60];
	v28 =	vand.u32 $0xFFFF0000, v26;
	v31 =	vand.u32 $0xFFFF0000, v56  }
0x221: {  	[tilespmem:$0x1FF20] =	vst v0;
	v0 =	vshll.u32 v12, $0x10;
	v43 =	vld [tilespmem:s14+$0x6D50];
	v38 =	vmul.f32 v28, v35;
	v31 =	vmul.f32 v31, v55  }
0x222: {  	v54 =	vld [tilespmem:s14+$0x6D40];
	v9 =	vand.u32 $0xFFFF0000, v17;
	v11 =	vshll.u32 v17, $0x10;
	v17 =	vand.u32 $0xFFFF0000, v25  }
0x223: {  	s10 =	smov.u32 s12;
	s12 =	smov.u32 s19;
	v57 =	vld [tilespmem:s14+$0x6D30];
	v5 =	vand.u32 $0xFFFF0000, v30;
	v17 =	vmul.f32 v17, v51;
	v15 =	vadd.f32 v31, v38  }
0x224: {  	v12 =	vshll.u32 v30, $0x10;
	v13 =	vld [tilespmem:s12+$0x2940];
	v30 =	vmul.f32 v16, v20;
	v47 =	vand.u32 $0xFFFF0000, v48;
	v14 =	vpop (erf)  }
0x225: {  	v18 =	vld [tilespmem:s12+$0x2500];
	v50 =	vmul.f32 v47, v19;
	v16 =	vmul.f32 v14, v42;
	v17 =	vadd.f32 v17, v15  }
0x226: {  	s29 =	sadd.s32 $0x80, s29;
	[tilespmem:$0x1FF00] =	vst v4;
	v33 =	vshll.u32 v45, $0x10;
	v45 =	vmul.f32 v58, v7;
	v4 =	vld [tilespmem:s12+$0xD00];
	v15 =	vmul.f32 v14, v44  }
0x227: {  	v6 =	vld [tilespmem:s12+$0x1140];
	v31 =	vmul.f32 v39, v20;
	v39 =	vmul.f32 v49, v22;
	[tilespmem:s29+$0xFFFFFFE0] =	vst v16;
	v49 =	vadd.f32 v50, v17  }
0x228: {  	v29 =	vand.u32 $0xFFFF0000, v60;
	v44 =	vmul.f32 v59, v7;
	v17 =	vmul.f32 v14, v52;
	v59 =	vld [tilespmem:s14+$0x6D20];
	[tilespmem:s29+$0xFFFFFFF0] =	vst v15  }
0x229: {  	v60 =	vshll.u32 v60, $0x10;
	v28 =	vmovc v7;
	v42 =	vmul.f32 v10, v22;
	v10 =	vmul.f32 v14, v53;
	v7 =	vld [tilespmem:s14+$0x6D10];
	[tilespmem:s16+$0xA130] =	vst v49  }
0x22a: {  	s17 =	sadd.s32 $0x80, s17;
	v32 =	vand.u32 $0xFFFF0000, v2;
	v37 =	vmul.f32 v61, v36;
	v58 =	vmul.f32 v1, v43;
	v14 =	vld [tilespmem:s14+$0x6D00];
	[tilespmem:s29+$0x0] =	vst v17  }
0x22b: {  	v2 =	vshll.u32 v2, $0x10;
	v8 =	vmul.f32 v8, v54;
	v5 =	vmul.f32 v5, v57;
	v46 =	vld [tilespmem:s17+$0x10];
	[tilespmem:s29+$0x10] =	vst v10  }
0x22c: {  	v21 =	vand.u32 $0xFFFF0000, v13;
	v1 =	vand.u32 $0xFFFF0000, v6;
	v13 =	vshll.u32 v13, $0x10;
	v47 =	vld [tilespmem:s10+$0xD60]  }
0x22d: {  	v6 =	vshll.u32 v6, $0x10;
	v38 =	vand.u32 $0xFFFF0000, v18;
	v53 =	vmul.f32 v0, v41;
	v23 =	vld [tilespmem:s10+$0x1520]  }
0x22e: {  	v18 =	vshll.u32 v18, $0x10;
	v52 =	vmul.f32 v63, v41;
	v49 =	vmul.f32 v62, v36  }
0x22f: {  	v0 =	vand.u32 $0xFFFF0000, v4;
	v24 =	vld [tilespmem:s10+$0x2560];
	v11 =	vmul.f32 v11, v59;
	v13 =	vmul.f32 v13, v14  }
0x230: {  	v4 =	vshll.u32 v4, $0x10;
	v61 =	vmul.f32 v38, v7;
	v18 =	vmul.f32 v18, v14  }
0x231: {  	v4 =	vmul.f32 v4, v14;
	v6 =	vmul.f32 v6, v14;
	v14 =	vld [tilespmem:s10+$0x2D20];
	v13 =	vadd.f32 v13, v46  }
0x232: {  	v50 =	vshll.u32 v47, $0x10;
	v63 =	vand.u32 $0xFFFF0000, v47;
	v27 =	vshll.u32 v23, $0x10  }
0x233: {  	v23 =	vand.u32 $0xFFFF0000, v23;
	v62 =	vmul.f32 v50, v16;
	v27 =	vmul.f32 v27, v15  }
0x234: {  	v38 =	vld [tilespmem:s17+$0x0];
	v47 =	vshll.u32 v24, $0x10;
	v63 =	vmul.f32 v63, v16;
	v23 =	vmul.f32 v23, v15  }
0x235: {  	v24 =	vand.u32 $0xFFFF0000, v24;
	v50 =	vld [tilespmem:s17+$0xFFFFFFF0];
	v47 =	vmul.f32 v47, v17;
	v27 =	vadd.f32 v27, v62  }
0x236: {  	v46 =	vld [tilespmem:s17+$0xFFFFFFE0];
	v24 =	vmul.f32 v24, v17;
	v23 =	vadd.f32 v23, v63;
	v62 =	vshll.u32 v14, $0x10  }
0x237: {  	v14 =	vand.u32 $0xFFFF0000, v14;
	v63 =	vmul.f32 v62, v10;
	v27 =	vadd.f32 v27, v47  }
0x238: {  	v21 =	vmul.f32 v21, v7;
	v14 =	vmul.f32 v14, v10;
	v23 =	vadd.f32 v23, v24  }
0x239: {  	v0 =	vmul.f32 v0, v7;
	v18 =	vadd.f32 v18, v38;
	v24 =	vadd.f32 v27, v63  }
0x23a: {  	v1 =	vmul.f32 v1, v7;
	v6 =	vadd.f32 v6, v50;
	v7 =	vadd.f32 v23, v14  }
0x23b: {  	v12 =	vmul.f32 v12, v59;
	v18 =	vadd.f32 v18, v61;
	v4 =	vadd.f32 v4, v46;
	[tilespmem:s9+$0x9D00] =	vst v24  }
0x23c: {  	v2 =	vmul.f32 v2, v59;
	v13 =	vadd.f32 v13, v21;
	v1 =	vadd.f32 v6, v1;
	[tilespmem:s9+$0x9D10] =	vst v7  }
0x23d: {  	v14 =	vmul.f32 v60, v59;
	v0 =	vadd.f32 v4, v0;
	v6 =	vadd.f32 v18, v11;
	v11 =	vld [tilespmem:s10+$0xD70]  }
0x23e: {  	v7 =	vadd.f32 v13, v12;
	v1 =	vadd.f32 v1, v2;
	v2 =	vmul.f32 v32, v57;
	v12 =	vld [tilespmem:s10+$0x1530]  }
0x23f: {  	v9 =	vmul.f32 v9, v57;
	v4 =	vmul.f32 v29, v57;
	v0 =	vadd.f32 v0, v14  }
0x240: {  	v5 =	vadd.f32 v7, v5;
	v1 =	vadd.f32 v1, v2;
	v2 =	vmul.f32 v34, v54  }
0x241: {  	v6 =	vadd.f32 v6, v9;
	v0 =	vadd.f32 v0, v4;
	v4 =	vld [tilespmem:s10+$0x2570]  }
0x242: {  	v3 =	vmul.f32 v3, v54;
	v5 =	vadd.f32 v5, v8;
	v1 =	vadd.f32 v1, v2  }
0x243: {  	v2 =	vld [tilespmem:s10+$0x2D30];
	v8 =	vshll.u32 v11, $0x10;
	v9 =	vand.u32 $0xFFFF0000, v11;
	v11 =	vshll.u32 v12, $0x10  }
0x244: {  	v12 =	vand.u32 $0xFFFF0000, v12;
	v8 =	vmul.f32 v8, v16;
	v11 =	vmul.f32 v11, v15  }
0x245: {  	v9 =	vmul.f32 v9, v16;
	v18 =	vmul.f32 v12, v15  }
0x246: {  	v7 =	vld [tilespmem:$0x1FEC0];
	v3 =	vadd.f32 v6, v3;
	v14 =	vshll.u32 v4, $0x10;
	v4 =	vand.u32 $0xFFFF0000, v4  }
0x247: {  	v6 =	vld [tilespmem:$0x1FEB0];
	v4 =	vmul.f32 v4, v17;
	v8 =	vadd.f32 v11, v8;
	v9 =	vadd.f32 v18, v9  }
0x248: {  	v11 =	vmul.f32 v14, v17;
	v14 =	vshll.u32 v2, $0x10;
	v2 =	vand.u32 $0xFFFF0000, v2  }
0x249: {  	v13 =	vmul.f32 v33, v54;
	v4 =	vadd.f32 v9, v4;
	v2 =	vmul.f32 v2, v10;
	v9 =	vld [tilespmem:$0x1FED0];
	_ =	sdelay $0x1  }
0x24a: {  	v0 =	vadd.f32 v0, v13;
	v7 =	vmul.f32 v7, v43;
	v2 =	vadd.f32 v4, v2;
	v4 =	vld [tilespmem:$0x1FEF0]  }
0x24b: {  	v6 =	vmul.f32 v6, v43;
	v8 =	vadd.f32 v8, v11;
	v11 =	vmul.f32 v14, v10  }
0x24c: {  	v5 =	vadd.f32 v5, v58;
	v0 =	vadd.f32 v0, v7  }
0x24d: {  	v7 =	vld [tilespmem:$0x1FEE0];
	v3 =	vadd.f32 v3, v6;
	v6 =	vadd.f32 v8, v11;
	v9 =	vmul.f32 v9, v43;
	_ =	sdelay $0x1  }
0x24e: {  	v5 =	vadd.f32 v5, v53;
	[tilespmem:s9+$0x9D20] =	vst v6;
	v6 =	vld [tilespmem:$0x1FF10];
	v1 =	vadd.f32 v1, v9;
	v4 =	vmul.f32 v4, v41;
	_ =	sdelay $0x1  }
0x24f: {  	v1 =	vadd.f32 v1, v4;
	v4 =	vadd.f32 v5, v37;
	v5 =	vld [tilespmem:$0x1FF40]  }
0x250: {  	v7 =	vmul.f32 v7, v41  }
0x251: {  	v46 =	vld [tilespmem:$0x1FE90]  }
0x252: {  	[tilespmem:s9+$0x9D30] =	vst v2;
	v2 =	vld [tilespmem:$0x1FF20];
	v0 =	vadd.f32 v0, v7;
	v6 =	vmul.f32 v6, v36  }
0x253: {  	v47 =	vld [tilespmem:$0x1FEA0]  }
0x254: {  	v3 =	vadd.f32 v3, v52;
	v52 =	vld [tilespmem:$0x1FFF0];
	v0 =	vadd.f32 v0, v6;
	v5 =	vmul.f32 v5, v28  }
0x255: {  	v7 =	vld [tilespmem:$0x1FF00]  }
0x256: {  	v3 =	vadd.f32 v3, v49;
	v49 =	vmov v35;
	v35 =	vadd.f32 v0, v5;
	v0 =	vld [tilespmem:$0x1FF70]  }
0x257: {  	v34 =	vld [tilespmem:s10+$0x1100];
	v2 =	vmul.f32 v2, v36  }
0x258: {  	v32 =	vld [tilespmem:s10+$0x1540]  }
0x259: {  	v1 =	vadd.f32 v1, v2;
	v2 =	vld [tilespmem:$0x1FF50]  }
0x25a: {  	v12 =	vmov v25;
	v25 =	vld [tilespmem:s10+$0x2900]  }
0x25b: {  	p1 =	sne.s32 s18, $0xF;
	v37 =	vmul.f32 v0, v22;
	v0 =	vld [tilespmem:$0x1FFA0]  }
.Ltmp0:
0x25c: {  	v36 =	vadd.f32 v3, v45;
	v3 =	vld [tilespmem:$0x1FF80];
	v4 =	vadd.f32 v4, v44;
	(pc) =	sbr.rel @p1 .LBB2_3-.Ltmp0, $4  }
0x25d: {  	v6 =	vld [tilespmem:$0x1FF30]  }
0x25e: {  	v13 =	vmov v26;
	v26 =	vadd.f32 v4, v42;
	v4 =	vld [tilespmem:$0x1FFB0];
	v2 =	vmul.f32 v2, v28  }
0x25f: {  	v5 =	vld [tilespmem:$0x1FF60]  }
0x260: {  	s18 =	sadd.s32 $0x1, s18;
	v50 =	vmov v19;
	v33 =	vadd.f32 v1, v2;
	v2 =	vld [tilespmem:$0x1FF90];
	v29 =	vmul.f32 v0, v20  }
0x261: {  	_ =	sdelay $0x3  }
0x262: {  	v0 =	vmul.f32 v2, v22  }
0x263: {  	v1 =	vadd.f32 v35, v37  }
0x264: {  	v0 =	vadd.f32 v33, v0  }
0x265: {  	v63 =	vadd.f32 v36, v39;
	v3 =	vmul.f32 v3, v20;
	v1 =	vadd.f32 v1, v31  }
0x266: {  	v4 =	vmul.f32 v4, v7;
	v0 =	vadd.f32 v0, v29  }
0x267: {  	v5 =	vmul.f32 v5, v7;
	v2 =	vadd.f32 v63, v3;
	v1 =	vadd.f32 v1, v40  }
0x268: {  	v6 =	vmul.f32 v6, v7;
	v33 =	vadd.f32 v26, v30;
	v0 =	vadd.f32 v0, v4  }
0x269: {  	v2 =	vadd.f32 v2, v5  }
0x26a: {  	v3 =	vadd.f32 v33, v6;
	v4 =	vperm.xlane v1, v52;
	v5 =	vperm.xlane v0, v52  }
0x26b: {  	v6 =	vperm.xlane v2, v52  }
0x26c: {  	v7 =	vperm.xlane v3, v52;
	v1 =	vadd.f32 v1, v4;
	v0 =	vadd.f32 v0, v5  }
0x26d: {  	v2 =	vadd.f32 v2, v6  }
0x26e: {  	v3 =	vadd.f32 v3, v7;
	v4 =	vmax.f32 v1, v0  }
0x26f: {  	v4 =	vmax.f32 v4, v2  }
0x270: {  	v4 =	vmax.f32 v4, v3  }
0x271: {  	v1 =	vsub.f32 v1, v4  }
0x272: {  	v0 =	vsub.f32 v0, v4  }
0x273: {  	v1 =	vmul.f32 $1.442695020e+00, v1  }
0x274: {  	v2 =	vsub.f32 v2, v4;
	v0 =	vmul.f32 $1.442695020e+00, v0  }
0x275: {  	(erf) = vpow2.f32 v1  }
0x276: {  	v35 =	vsub.f32 v3, v4;
	v2 =	vmul.f32 $1.442695020e+00, v2;
	(erf) = vpow2.f32 v0;
	_ =	sdelay $0x1  }
0x277: {  	v36 =	vmul.f32 $1.442695020e+00, v35;
	(erf) = vpow2.f32 v2;
	_ =	sdelay $0x1  }
0x278: {  	(erf) = vpow2.f32 v36;
	_ =	sdelay $0x3  }
0x279: {  	v37 =	vpop (erf)  }
0x27a: {  	v38 =	vpop (erf)  }
0x27b: {  	v39 =	vadd.f32 v38, v37  }
0x27c: {  	v40 =	vpop (erf)  }
0x27d: {  	v2 =	vadd.f32 v39, v40  }
0x27e: {  	v4 =	vpop (erf)  }
0x27f: {  	v2 =	vadd.f32 v2, v4;
	_ =	sdelay $0x1  }
0x280: {  	(erf) = vrcp.f32 v2;
	_ =	sdelay $0x8  }
0x281: {  	v2 =	vpop (erf)  }
0x282: {  	v20 =	vmul.f32 v2, v37  }
0x283: {  	s17 =	sadd.s32 $0x80, s29;
	v21 =	vmul.f32 v2, v38  }
0x284: {  	v19 =	vmul.f32 v2, v40;
	[tilespmem:s17+$0xFFFFFFE0] =	vst v20  }
0x285: {  	v18 =	vmul.f32 v2, v4;
	[tilespmem:s17+$0xFFFFFFF0] =	vst v21  }
0x286: {  	[tilespmem:s17+$0x0] =	vst v19  }
0x287: {  	[tilespmem:s17+$0x10] =	vst v18  }
0x288: {  	v41 =	vld [tilespmem:s12+$0xD60]  }
0x289: {  	v42 =	vld [tilespmem:s12+$0x1520];
	_ =	sdelay $0x1  }
0x28a: {  	v43 =	vld [tilespmem:s12+$0x2560];
	_ =	sdelay $0x1  }
0x28b: {  	v44 =	vld [tilespmem:s12+$0x2D20]  }
0x28c: {  	v4 =	vshll.u32 v41, $0x10;
	v0 =	vand.u32 $0xFFFF0000, v41;
	v5 =	vshll.u32 v42, $0x10  }
0x28d: {  	v1 =	vand.u32 $0xFFFF0000, v42;
	v4 =	vmul.f32 v4, v20;
	v5 =	vmul.f32 v5, v21  }
0x28e: {  	v6 =	vshll.u32 v43, $0x10;
	v0 =	vmul.f32 v0, v20;
	v1 =	vmul.f32 v1, v21  }
0x28f: {  	v2 =	vand.u32 $0xFFFF0000, v43;
	v4 =	vadd.f32 v5, v4;
	v5 =	vmul.f32 v6, v19  }
0x290: {  	v53 =	vshll.u32 v44, $0x10;
	v45 =	vmul.f32 v2, v19;
	v0 =	vadd.f32 v1, v0  }
0x291: {  	v3 =	vand.u32 $0xFFFF0000, v44;
	v2 =	vmul.f32 v53, v18;
	v4 =	vadd.f32 v4, v5  }
0x292: {  	v54 =	vmul.f32 v3, v18;
	v0 =	vadd.f32 v0, v45  }
0x293: {  	v2 =	vadd.f32 v4, v2  }
0x294: {  	v0 =	vadd.f32 v0, v54  }
0x295: {  	[tilespmem:s14+$0x9D00] =	vst v2  }
0x296: {  	[tilespmem:s14+$0x9D10] =	vst v0  }
0x297: {  	v0 =	vld [tilespmem:s12+$0xD70]  }
0x298: {  	v57 =	vld [tilespmem:s12+$0x1530];
	_ =	sdelay $0x1  }
0x299: {  	v2 =	vld [tilespmem:s12+$0x2570];
	_ =	sdelay $0x1  }
0x29a: {  	v58 =	vld [tilespmem:s12+$0x2D30]  }
0x29b: {  	v4 =	vshll.u32 v0, $0x10;
	v0 =	vand.u32 $0xFFFF0000, v0;
	v5 =	vshll.u32 v57, $0x10  }
0x29c: {  	v1 =	vand.u32 $0xFFFF0000, v57;
	v4 =	vmul.f32 v4, v20;
	v5 =	vmul.f32 v5, v21  }
0x29d: {  	v6 =	vshll.u32 v2, $0x10;
	v0 =	vmul.f32 v0, v20;
	v1 =	vmul.f32 v1, v21  }
0x29e: {  	v2 =	vand.u32 $0xFFFF0000, v2;
	v4 =	vadd.f32 v5, v4;
	v5 =	vmul.f32 v6, v19  }
0x29f: {  	v60 =	vshll.u32 v58, $0x10;
	v59 =	vmul.f32 v2, v19;
	v0 =	vadd.f32 v1, v0  }
0x2a0: {  	v3 =	vand.u32 $0xFFFF0000, v58;
	v2 =	vmul.f32 v60, v18;
	v4 =	vadd.f32 v4, v5  }
0x2a1: {  	v61 =	vmul.f32 v3, v18;
	v0 =	vadd.f32 v0, v59  }
0x2a2: {  	v62 =	vld [tilespmem:s10+$0x2D40];
	v6 =	vshll.u32 v32, $0x10;
	v2 =	vadd.f32 v4, v2  }
0x2a3: {  	v6 =	vmul.f32 v6, v15;
	v5 =	vshll.u32 v34, $0x10;
	v0 =	vadd.f32 v0, v61  }
0x2a4: {  	v63 =	vmul.f32 v5, v16;
	v5 =	vand.u32 $0xFFFF0000, v32;
	v4 =	vand.u32 $0xFFFF0000, v34;
	[tilespmem:s14+$0x9D20] =	vst v2  }
0x2a5: {  	v32 =	vmul.f32 v4, v16;
	v4 =	vmul.f32 v5, v15;
	v5 =	vshll.u32 v25, $0x10;
	[tilespmem:s14+$0x9D30] =	vst v0  }
0x2a6: {  	v34 =	vand.u32 $0xFFFF0000, v25;
	v33 =	vadd.f32 v6, v63;
	v5 =	vmul.f32 v5, v17;
	v6 =	vld [tilespmem:s12+$0x1100]  }
0x2a7: {  	v1 =	vmul.f32 v34, v17;
	v2 =	vadd.f32 v4, v32;
	v4 =	vshll.u32 v62, $0x10;
	v7 =	vld [tilespmem:s12+$0x1540]  }
0x2a8: {  	v3 =	vand.u32 $0xFFFF0000, v62;
	v0 =	vadd.f32 v5, v33;
	v4 =	vmul.f32 v4, v10  }
0x2a9: {  	v35 =	vmul.f32 v3, v10;
	v36 =	vld [tilespmem:s12+$0x2900];
	v1 =	vadd.f32 v1, v2  }
0x2aa: {  	v0 =	vadd.f32 v4, v0  }
0x2ab: {  	v37 =	vld [tilespmem:s12+$0x2D40];
	v1 =	vadd.f32 v35, v1  }
0x2ac: {  	[tilespmem:s9+$0x9D40] =	vst v0;
	v38 =	vshll.u32 v6, $0x10;
	v4 =	vand.u32 $0xFFFF0000, v6;
	v5 =	vshll.u32 v7, $0x10  }
0x2ad: {  	v39 =	vand.u32 $0xFFFF0000, v7;
	[tilespmem:s9+$0x9D50] =	vst v1;
	v0 =	vmul.f32 v38, v20;
	v5 =	vmul.f32 v5, v21  }
0x2ae: {  	v7 =	vshll.u32 v36, $0x10;
	v4 =	vmul.f32 v4, v20;
	v1 =	vmul.f32 v39, v21;
	v6 =	vld [tilespmem:s10+$0x1110]  }
0x2af: {  	v3 =	vand.u32 $0xFFFF0000, v36;
	v8 =	vld [tilespmem:s10+$0x1550];
	v0 =	vadd.f32 v5, v0;
	v5 =	vmul.f32 v7, v19  }
0x2b0: {  	v3 =	vmul.f32 v3, v19;
	v1 =	vadd.f32 v1, v4;
	v4 =	vshll.u32 v37, $0x10  }
0x2b1: {  	v2 =	vand.u32 $0xFFFF0000, v37;
	v40 =	vld [tilespmem:s10+$0x2D50];
	v4 =	vmul.f32 v4, v18;
	v0 =	vadd.f32 v5, v0  }
0x2b2: {  	v2 =	vmul.f32 v2, v18;
	v7 =	vld [tilespmem:s10+$0x2910];
	v1 =	vadd.f32 v3, v1  }
0x2b3: {  	v5 =	vshll.u32 v6, $0x10;
	v0 =	vadd.f32 v4, v0  }
0x2b4: {  	v4 =	vand.u32 $0xFFFF0000, v6;
	v6 =	vshll.u32 v8, $0x10;
	v1 =	vadd.f32 v2, v1  }
0x2b5: {  	v41 =	vmul.f32 v5, v16;
	v5 =	vand.u32 $0xFFFF0000, v8;
	v6 =	vmul.f32 v6, v15;
	[tilespmem:s14+$0x9D40] =	vst v0  }
0x2b6: {  	v3 =	vand.u32 $0xFFFF0000, v40;
	v42 =	vmul.f32 v4, v16;
	v4 =	vmul.f32 v5, v15;
	[tilespmem:s14+$0x9D50] =	vst v1  }
0x2b7: {  	v44 =	vand.u32 $0xFFFF0000, v7;
	v5 =	vshll.u32 v7, $0x10;
	v43 =	vadd.f32 v6, v41;
	v6 =	vld [tilespmem:s12+$0x1110]  }
0x2b8: {  	v2 =	vmul.f32 v44, v17;
	v5 =	vmul.f32 v5, v17;
	v7 =	vld [tilespmem:s12+$0x1550];
	v0 =	vadd.f32 v4, v42  }
0x2b9: {  	v45 =	vmul.f32 v3, v10;
	v4 =	vshll.u32 v40, $0x10  }
0x2ba: {  	v53 =	vld [tilespmem:s12+$0x2910];
	v1 =	vadd.f32 v5, v43;
	v4 =	vmul.f32 v4, v10;
	v0 =	vadd.f32 v2, v0  }
0x2bb: {  	v54 =	vld [tilespmem:s12+$0x2D50]  }
0x2bc: {  	v1 =	vadd.f32 v4, v1;
	v0 =	vadd.f32 v45, v0  }
0x2bd: {  	v57 =	vshll.u32 v6, $0x10;
	v4 =	vand.u32 $0xFFFF0000, v6;
	v5 =	vshll.u32 v7, $0x10  }
0x2be: {  	v59 =	vand.u32 $0xFFFF0000, v7;
	[tilespmem:s9+$0x9D60] =	vst v1;
	v58 =	vmul.f32 v57, v20;
	v5 =	vmul.f32 v5, v21  }
0x2bf: {  	v3 =	vand.u32 $0xFFFF0000, v53;
	v4 =	vmul.f32 v4, v20;
	v1 =	vmul.f32 v59, v21;
	[tilespmem:s9+$0x9D70] =	vst v0  }
0x2c0: {  	v7 =	vshll.u32 v53, $0x10;
	v2 =	vand.u32 $0xFFFF0000, v54;
	v3 =	vmul.f32 v3, v19;
	v6 =	vld [tilespmem:s10+$0x1120]  }
0x2c1: {  	v8 =	vld [tilespmem:s10+$0x1560];
	v0 =	vadd.f32 v5, v58;
	v5 =	vmul.f32 v7, v19;
	v1 =	vadd.f32 v1, v4  }
0x2c2: {  	v2 =	vmul.f32 v2, v18;
	v4 =	vshll.u32 v54, $0x10  }
0x2c3: {  	v7 =	vld [tilespmem:s10+$0x2920];
	v4 =	vmul.f32 v4, v18;
	v0 =	vadd.f32 v5, v0;
	v1 =	vadd.f32 v3, v1;
	_ =	sdelay $0x1  }
0x2c4: {  	v0 =	vadd.f32 v4, v0;
	v1 =	vadd.f32 v2, v1  }
0x2c5: {  	v4 =	vld [tilespmem:s10+$0x2D60];
	v60 =	vshll.u32 v6, $0x10;
	v5 =	vand.u32 $0xFFFF0000, v6;
	v6 =	vshll.u32 v8, $0x10  }
0x2c6: {  	v62 =	vand.u32 $0xFFFF0000, v8;
	v61 =	vmul.f32 v60, v16;
	v6 =	vmul.f32 v6, v15;
	[tilespmem:s14+$0x9D60] =	vst v0  }
0x2c7: {  	v63 =	vmul.f32 v5, v16;
	v3 =	vmul.f32 v62, v15;
	v5 =	vshll.u32 v7, $0x10;
	[tilespmem:s14+$0x9D70] =	vst v1  }
0x2c8: {  	v33 =	vand.u32 $0xFFFF0000, v7;
	v5 =	vmul.f32 v5, v17;
	v34 =	vld [tilespmem:s12+$0x1560];
	v32 =	vadd.f32 v6, v61  }
0x2c9: {  	v2 =	vmul.f32 v33, v17;
	v6 =	vld [tilespmem:s12+$0x1120];
	v0 =	vadd.f32 v3, v63  }
0x2ca: {  	v7 =	vshll.u32 v4, $0x10;
	v4 =	vand.u32 $0xFFFF0000, v4;
	v1 =	vadd.f32 v5, v32  }
0x2cb: {  	v5 =	vmul.f32 v7, v10;
	v0 =	vadd.f32 v2, v0;
	v35 =	vmul.f32 v4, v10;
	v4 =	vld [tilespmem:s12+$0x2920];
	_ =	sdelay $0x1  }
0x2cc: {  	v36 =	vld [tilespmem:s12+$0x2D60];
	v1 =	vadd.f32 v5, v1;
	v0 =	vadd.f32 v35, v0  }
0x2cd: {  	v7 =	vshll.u32 v34, $0x10;
	v3 =	vand.u32 $0xFFFF0000, v34;
	v5 =	vshll.u32 v6, $0x10  }
0x2ce: {  	v6 =	vand.u32 $0xFFFF0000, v6;
	[tilespmem:s9+$0xA100] =	vst v1;
	v37 =	vmul.f32 v5, v20;
	v5 =	vmul.f32 v7, v21  }
0x2cf: {  	v3 =	vmul.f32 v3, v21;
	[tilespmem:s9+$0xA110] =	vst v0;
	v38 =	vmul.f32 v6, v20;
	v6 =	vshll.u32 v4, $0x10  }
0x2d0: {  	v7 =	vld [tilespmem:s10+$0x1130];
	v4 =	vand.u32 $0xFFFF0000, v4;
	v1 =	vadd.f32 v5, v37;
	v5 =	vmul.f32 v6, v19  }
0x2d1: {  	v6 =	vld [tilespmem:s10+$0x1570];
	v0 =	vadd.f32 v3, v38;
	v39 =	vmul.f32 v4, v19;
	v4 =	vshll.u32 v36, $0x10  }
0x2d2: {  	v2 =	vand.u32 $0xFFFF0000, v36;
	v40 =	vld [tilespmem:s10+$0x2D70];
	v4 =	vmul.f32 v4, v18;
	v1 =	vadd.f32 v5, v1  }
0x2d3: {  	v2 =	vmul.f32 v2, v18;
	v5 =	vld [tilespmem:s10+$0x2930];
	v0 =	vadd.f32 v39, v0  }
0x2d4: {  	v11 =	vshll.u32 v12, $0x10;
	v1 =	vadd.f32 v4, v1  }
0x2d5: {  	v12 =	vshll.u32 v48, $0x10;
	v11 =	vmul.f32 v11, v51;
	v0 =	vadd.f32 v2, v0  }
0x2d6: {  	v41 =	vshll.u32 v13, $0x10;
	v4 =	vand.u32 $0xFFFF0000, v7;
	v8 =	vand.u32 $0xFFFF0000, v6;
	[tilespmem:s14+$0xA100] =	vst v1  }
0x2d7: {  	v42 =	vshll.u32 v56, $0x10;
	v4 =	vmul.f32 v4, v16;
	v8 =	vmul.f32 v8, v15;
	[tilespmem:s14+$0xA110] =	vst v0  }
0x2d8: {  	v43 =	vmul.f32 v41, v49;
	v45 =	vand.u32 $0xFFFF0000, v40;
	v44 =	vand.u32 $0xFFFF0000, v5;
	v9 =	vld [tilespmem:s12+$0x1130]  }
0x2d9: {  	v1 =	vmul.f32 v42, v55;
	v4 =	vadd.f32 v8, v4;
	v2 =	vmul.f32 v44, v17;
	v8 =	vld [tilespmem:s12+$0x1570]  }
0x2da: {  	v49 =	vshll.u32 v7, $0x10;
	v3 =	vshll.u32 v40, $0x10;
	v6 =	vshll.u32 v6, $0x10  }
0x2db: {  	v0 =	vadd.f32 v1, v43;
	v2 =	vadd.f32 v2, v4;
	v4 =	vmul.f32 v12, v50;
	v12 =	vld [tilespmem:s12+$0x2930]  }
0x2dc: {  	v3 =	vmul.f32 v3, v10;
	v6 =	vmul.f32 v6, v15;
	v5 =	vshll.u32 v5, $0x10  }
0x2dd: {  	v1 =	vmul.f32 v45, v10;
	v5 =	vmul.f32 v5, v17;
	v0 =	vadd.f32 v11, v0  }
0x2de: {  	v14 =	vld [tilespmem:s12+$0x2D70];
	v11 =	vadd.f32 v46, v47;
	v7 =	vand.u32 $0xFFFF0000, v9;
	v13 =	vand.u32 $0xFFFF0000, v8  }
0x2df: {  	v1 =	vadd.f32 v1, v2;
	v7 =	vmul.f32 v7, v20;
	v13 =	vmul.f32 v13, v21  }
0x2e0: {  	v2 =	vmul.f32 v49, v16;
	v9 =	vshll.u32 v9, $0x10;
	v10 =	vand.u32 $0xFFFF0000, v12  }
0x2e1: {  	v8 =	vshll.u32 v8, $0x10;
	v7 =	vadd.f32 v13, v7;
	v10 =	vmul.f32 v10, v19  }
0x2e2: {  	v2 =	vadd.f32 v6, v2;
	v6 =	vmul.f32 v9, v20;
	v8 =	vmul.f32 v8, v21  }
0x2e3: {  	v9 =	vand.u32 $0xFFFF0000, v14;
	v7 =	vadd.f32 v10, v7;
	v10 =	vshll.u32 v12, $0x10  }
0x2e4: {  	v6 =	vadd.f32 v8, v6;
	v2 =	vadd.f32 v5, v2;
	v10 =	vmul.f32 v10, v19  }
0x2e5: {  	[tilespmem:s0+$0xA120] =	vst v11;
	v0 =	vadd.f32 v4, v0;
	v4 =	vshll.u32 v14, $0x10;
	v9 =	vmul.f32 v9, v18  }
0x2e6: {  	v4 =	vmul.f32 v4, v18;
	[tilespmem:s9+$0xA130] =	vst v1;
	v51 =	vadd.f32 v3, v2;
	v5 =	vadd.f32 v10, v6  }
0x2e7: {  	[tilespmem:s16+$0xA120] =	vst v0;
	v50 =	vadd.f32 v9, v7  }
0x2e8: {  	[tilespmem:s9+$0xA120] =	vst v51;
	v53 =	vadd.f32 v4, v5  }
0x2e9: {  	s16 =	sshll.u32 s1, $0x5;
	[tilespmem:s14+$0xA130] =	vst v50  }
0x2ea: {  	s18 =	sshll.u32 s1, $0x4;
	s17 =	simm.s32 $0x9D00;
	s0 =	sadd.s32 s7, s16;
	[tilespmem:s14+$0xA120] =	vst v53  }
0x2eb: {  	[hbm4b:s0+s3] =	stream.linear.scatter [tilespmem:s17], [sflag:$0x3], $0x1000, $0x38;
	[tilespmem:$0xCD00] =	vst v63  }
0x2ec: {  	s19 =	simm.s32 $0xBD00;
	s20 =	smin.u32 s15, $0x5F;
	s0 =	sadd.s32 s8, s18  }
0x2ed: {  	[hbm4b:s0+s3] =	stream.linear.scatter [tilespmem:s19], [sflag:$0x3], $0x800, $0x38;
	[tilespmem:$0xCD00] =	vst v63  }
0x2ee: {  	s0 =	sshll.u32 s20, $0x4  }
0x2ef: {  	v0 =	vld [tilespmem:s0+$0x20];
	_ =	sdelay $0x3  }
0x2f0: {  	v55 =	vld [tilespmem:$0x1FFC0]  }
0x2f1: {  	v54 =	vshrl.u32 v0, $0x3  }
0x2f2: {  	v56 =	vld [tilespmem:$0x1FFD0];
	v1 =	vmul.u32 $0x18, v54  }
0x2f3: {  	v0 =	vand.u32 $0x7, v0  }
0x2f4: {  	v4 =	vld [tilespmem:$0x1FFE0];
	v0 =	vor.u32 v0, v1  }
0x2f5: {  	v1 =	vperm.xlane v0, v55;
	_ =	sdelay $0x1  }
0x2f6: {  	v1 =	vadd.s32 v56, v1;
	_ =	sdelay $0x1  }
0x2f7: {  	v0 =	vperm.xlane v0, v4;
	_ =	sdelay $0x1  }
0x2f8: {  	s21 =	simm.s32 $0xD00;
	v0 =	vadd.s32 v56, v0  }
0x2f9: {  	[tilespmem:s21], [sflag:$0x1] =	stream.indirect_vreg.gather [hbm4b:s5+s3], $0x80, v1, vm0, $0xb8;
	[tilespmem:$0xCD00] =	vst v63  }
0x2fa: {  	s30 =	simm.s32 $0x1500  }
0x2fb: {  	[tilespmem:s30], [sflag:$0x1] =	stream.indirect_vreg.gather [hbm4b:s11+s3], $0x80, v1, vm1, $0xb8;
	[tilespmem:$0xCD00] =	vst v63  }
0x2fc: {  	s10 =	simm.s32 $0x1900  }
0x2fd: {  	[tilespmem:s10], [sflag:$0x1] =	stream.indirect_vreg.gather [hbm4b:s5+s3], $0x80, v0, vm0, $0xb8;
	[tilespmem:$0xCD00] =	vst v63  }
0x2fe: {  	s12 =	simm.s32 $0x2100  }
0x2ff: {  	[tilespmem:s12], [sflag:$0x1] =	stream.indirect_vreg.gather [hbm4b:s11+s3], $0x80, v0, vm1, $0xb8;
	[tilespmem:$0xCD00] =	vst v63  }
0x300: {  	v0 =	vld [tilespmem:s0+$0x6A0];
	_ =	sdelay $0x4  }
0x301: {  	v57 =	vshrl.u32 v0, $0x3  }
0x302: {  	v1 =	vmul.u32 $0x18, v57  }
0x303: {  	v0 =	vand.u32 $0x7, v0  }
0x304: {  	v0 =	vor.u32 v0, v1  }
0x305: {  	v1 =	vperm.xlane v0, v55;
	_ =	sdelay $0x1  }
0x306: {  	v1 =	vadd.s32 v56, v1;
	_ =	sdelay $0x1  }
0x307: {  	v0 =	vperm.xlane v0, v4;
	_ =	sdelay $0x1  }
0x308: {  	s14 =	simm.s32 $0x2500;
	v0 =	vadd.s32 v56, v0  }
0x309: {  	[tilespmem:s14], [sflag:$0x1] =	stream.indirect_vreg.gather [hbm4b:s5+s3], $0x80, v1, vm0, $0xb8;
	[tilespmem:$0xCD00] =	vst v63  }
0x30a: {  	s0 =	sadd.s32 $0x20, s0  }
0x30b: {  	[tilespmem:s22], [sflag:$0x1] =	stream.indirect_vreg.gather [hbm4b:s11+s3], $0x80, v1, vm1, $0xb8;
	[tilespmem:$0xCD00] =	vst v63  }
0x30c: {  	s0 =	sadd.s32 s4, s0  }
0x30d: {  	[tilespmem:s23], [sflag:$0x1] =	stream.indirect_vreg.gather [hbm4b:s5+s3], $0x80, v0, vm0, $0xb8;
	[tilespmem:$0xCD00] =	vst v63  }
0x30e: {  	s15 =	sshll.u32 s0, $0x5  }
0x30f: {  	[tilespmem:s24], [sflag:$0x1] =	stream.indirect_vreg.gather [hbm4b:s11+s3], $0x80, v0, vm1, $0xb8;
	[tilespmem:$0xCD00] =	vst v63  }
0x310: {  	s0 =	sshll.u32 s0, $0x4;
	s9 =	sadd.s32 s6, s15  }
0x311: {  	[tilespmem:s25], [sflag:$0x1] =	stream.linear.gather [hbm4b:s9+s3], $0x1000, $0x38;
	[tilespmem:$0xCD00] =	vst v63  }
0x312: {  	s0 =	sadd.s32 s2, s0  }
0x313: {  	[tilespmem:s26], [sflag:$0x1] =	stream.linear.gather [hbm4b:s0+s3], $0x800, $0x38;
	[tilespmem:$0xCD00] =	vst v63  }
0x314: {  	_ =	swait.ge [sflag:s28], $0x1800  }
0x315: {  	[sflag:s28] =	ssyncset.done $0x0  }
0x316: {  	[sflag:s28] =	ssyncadd.s32 $0xFFFFE800  }
0x317: {  	_ =	swait.ge [sflag:s28], $0x1800  }
0x318: {  	[sflag:s28] =	ssyncset.done $0x0  }
0x319: {  	[sflag:s28] =	ssyncadd.s32 $0xFFFFE800  }
0x31a: {  	_ =	swait.ge [sflag:s28], $0x1000  }
0x31b: {  	[sflag:s28] =	ssyncset.done $0x0  }
0x31c: {  	[sflag:s28] =	ssyncadd.s32 $0xFFFFF000  }
0x31d: {  	_ =	swait.ge [sflag:s28], $0x800  }
0x31e: {  	[sflag:s28] =	ssyncset.done $0x0  }
0x31f: {  	s0 =	simm.s32 @!p0 $0x4;
	[sflag:s28] =	ssyncadd.s32 $0xFFFFF800  }
0x320: {  	_ =	swait.ge @!p0 [sflag:s0], $0x1000  }
0x321: {  	[sflag:s0] =	ssyncset.done @!p0 $0x0  }
0x322: {  	s16 =	simm.s32 $0x0;
	[sflag:s0] =	ssyncadd.s32 @!p0 $0xFFFFF000  }
0x323: {  	s17 =	simm.s32 $0x0;
	s9 =	smul.u32 $0xC00, s16;
	_ =	swait.ge @!p0 [sflag:s0], $0x800  }
0x324: {  	s10 =	sand.u32 $0x380, s17;
	[sflag:s0] =	ssyncset.done @!p0 $0x0  }
0x325: {  	s12 =	sor.u32 s10, s9;
	[sflag:s0] =	ssyncadd.s32 @!p0 $0xFFFFF800  }
0x326: {  	v58 =	vld [tilespmem:s12+$0x5D10]  }
0x327: {  	v59 =	vld [tilespmem:s12+$0x5550]  }
0x328: {  	v60 =	vld [tilespmem:s12+$0x3D50]  }
0x329: {  	v61 =	vld [tilespmem:s12+$0x4510]  }
0x32a: {  	v12 =	vld [tilespmem:s12+$0x5D00]  }
0x32b: {  	v13 =	vld [tilespmem:s12+$0x5540]  }
0x32c: {  	v14 =	vld [tilespmem:s12+$0x3D40]  }
0x32d: {  	v15 =	vld [tilespmem:s12+$0x4500]  }
0x32e: {  	v16 =	vld [tilespmem:s12+$0x5970]  }
0x32f: {  	v17 =	vld [tilespmem:s12+$0x5530]  }
0x330: {  	v18 =	vld [tilespmem:s12+$0x3D30]  }
0x331: {  	v19 =	vld [tilespmem:s12+$0x4170]  }
0x332: {  	v20 =	vld [tilespmem:s12+$0x5960]  }
0x333: {  	v21 =	vld [tilespmem:s12+$0x5950]  }
0x334: {  	v22 =	vld [tilespmem:s12+$0x5510];
	v4 =	vand.u32 $0xFFFF0000, v58  }
0x335: {  	v23 =	vld [tilespmem:s12+$0x3D10];
	v5 =	vand.u32 $0xFFFF0000, v59;
	v24 =	vand.u32 $0xFFFF0000, v60;
	v6 =	vand.u32 $0xFFFF0000, v61  }
0x336: {  	v25 =	vld [tilespmem:s12+$0x5940];
	v0 =	vshll.u32 v58, $0x10;
	v2 =	vshll.u32 v60, $0x10;
	v7 =	vshll.u32 v59, $0x10  }
0x337: {  	v62 =	vld [tilespmem:s12+$0x5500];
	v8 =	vshll.u32 v61, $0x10;
	v3 =	vand.u32 $0xFFFF0000, v12;
	v9 =	vand.u32 $0xFFFF0000, v14  }
0x338: {  	s18 =	simm.s32 $0x0;
	v26 =	vld [tilespmem:s12+$0x3D00];
	v10 =	vand.u32 $0xFFFF0000, v13;
	v11 =	vand.u32 $0xFFFF0000, v15;
	v14 =	vshll.u32 v14, $0x10  }
0x339: {  	s0 =	sor.u32 s10, s18;
	v27 =	vld [tilespmem:s12+$0x4140];
	v13 =	vshll.u32 v13, $0x10;
	v12 =	vshll.u32 v12, $0x10;
	v15 =	vshll.u32 v15, $0x10  }
0x33a: {  	v28 =	vld [tilespmem:s0+$0x7D00];
	v29 =	vand.u32 $0xFFFF0000, v16;
	v30 =	vand.u32 $0xFFFF0000, v18;
	v31 =	vand.u32 $0xFFFF0000, v19  }
0x33b: {  	v44 =	vld [tilespmem:s12+$0x4150];
	v33 =	vand.u32 $0xFFFF0000, v17;
	v17 =	vshll.u32 v17, $0x10;
	v16 =	vshll.u32 v16, $0x10  }
0x33c: {  	s19 =	simm.s32 $0x9520;
	v63 =	vld [tilespmem:s0+$0x7D10];
	v18 =	vshll.u32 v18, $0x10;
	v19 =	vshll.u32 v19, $0x10;
	v35 =	vand.u32 $0xFFFF0000, v20  }
0x33d: {  	v48 =	vld [tilespmem:s19+$0x10];
	v50 =	vshll.u32 v22, $0x10;
	v38 =	vshll.u32 v21, $0x10;
	v51 =	vshll.u32 v25, $0x10  }
0x33e: {  	v49 =	vld [tilespmem:s19+$0x0];
	v41 =	vshll.u32 v23, $0x10;
	v42 =	vshll.u32 v62, $0x10;
	v45 =	vshll.u32 v26, $0x10  }
0x33f: {  	v53 =	vld [tilespmem:s19+$0xFFFFFFE0];
	v54 =	vshll.u32 v27, $0x10;
	v25 =	vand.u32 $0xFFFF0000, v25;
	v1 =	vand.u32 $0xFFFF0000, v62  }
0x340: {  	v55 =	vld [tilespmem:s0+$0x7D20];
	v26 =	vand.u32 $0xFFFF0000, v26;
	v27 =	vand.u32 $0xFFFF0000, v27;
	v61 =	vshll.u32 v44, $0x10  }
0x341: {  	v57 =	vld [tilespmem:s12+$0x3D20];
	v22 =	vand.u32 $0xFFFF0000, v22;
	v39 =	vmul.f32 v51, v28;
	v42 =	vmul.f32 v42, v28  }
0x342: {  	v56 =	vld [tilespmem:s0+$0x8130];
	v21 =	vand.u32 $0xFFFF0000, v21;
	v45 =	vmul.f32 v45, v28;
	v28 =	vmul.f32 v54, v28  }
0x343: {  	v43 =	vld [tilespmem:s19+$0xFFFFFFF0];
	v23 =	vand.u32 $0xFFFF0000, v23;
	v1 =	vmul.f32 v1, v63;
	v25 =	vmul.f32 v25, v63  }
0x344: {  	v60 =	vld [tilespmem:s0+$0x7D30];
	v44 =	vand.u32 $0xFFFF0000, v44;
	v26 =	vmul.f32 v26, v63;
	v27 =	vmul.f32 v27, v63  }
0x345: {  	v58 =	vld [tilespmem:s12+$0x4160];
	v20 =	vshll.u32 v20, $0x10;
	v37 =	vmul.f32 v50, v55;
	v38 =	vmul.f32 v38, v55  }
0x346: {  	v59 =	vld [tilespmem:s0+$0x8120];
	v63 =	vand.u32 $0xFFFF0000, v57;
	v41 =	vmul.f32 v41, v55;
	v36 =	vadd.f32 v42, v49  }
0x347: {  	v62 =	vld [tilespmem:s0+$0x8110];
	v24 =	vmul.f32 v24, v56;
	v34 =	vadd.f32 v39, v48;
	v40 =	vadd.f32 v45, v53  }
0x348: {  	v50 =	vld [tilespmem:s0+$0x7D70];
	v28 =	vadd.f32 v28, v43;
	v1 =	vadd.f32 v36, v1;
	v36 =	vmul.f32 v61, v55  }
0x349: {  	v51 =	vld [tilespmem:s0+$0x7D60];
	v42 =	vshll.u32 v57, $0x10;
	v22 =	vmul.f32 v22, v60;
	v21 =	vmul.f32 v21, v60  }
0x34a: {  	v54 =	vld [tilespmem:s0+$0x7D40];
	v25 =	vadd.f32 v34, v25;
	v23 =	vmul.f32 v23, v60;
	v32 =	vmul.f32 v44, v60  }
0x34b: {  	v48 =	vld [tilespmem:s12+$0x5520];
	v26 =	vadd.f32 v40, v26;
	v2 =	vmul.f32 v2, v59;
	v0 =	vmul.f32 v0, v59  }
0x34c: {  	v53 =	vld [tilespmem:s0+$0x7D50];
	v27 =	vadd.f32 v28, v27;
	v3 =	vmul.f32 v3, v62;
	v9 =	vmul.f32 v9, v62  }
0x34d: {  	v49 =	vand.u32 $0xFFFF0000, v58;
	v29 =	vmul.f32 v29, v50;
	v33 =	vmul.f32 v33, v50  }
0x34e: {  	v45 =	vshll.u32 v58, $0x10;
	v16 =	vmul.f32 v16, v51;
	v17 =	vmul.f32 v17, v51  }
0x34f: {  	v20 =	vmul.f32 v20, v54;
	v42 =	vmul.f32 v42, v54;
	v1 =	vadd.f32 v1, v37  }
0x350: {  	v18 =	vmul.f32 v18, v51;
	v25 =	vadd.f32 v25, v38;
	v26 =	vadd.f32 v26, v41  }
0x351: {  	v27 =	vadd.f32 v27, v36;
	v46 =	vshll.u32 v48, $0x10;
	v35 =	vmul.f32 v35, v53  }
0x352: {  	v1 =	vadd.f32 v1, v22;
	v22 =	vand.u32 $0xFFFF0000, v48;
	v23 =	vadd.f32 v26, v23  }
0x353: {  	v21 =	vadd.f32 v25, v21;
	v25 =	vadd.f32 v27, v32;
	v26 =	vmul.f32 v45, v54  }
0x354: {  	v46 =	vmul.f32 v46, v54;
	v27 =	vmul.f32 v63, v53;
	v23 =	vadd.f32 v23, v42  }
0x355: {  	v28 =	vld [tilespmem:s0+$0x8100];
	v20 =	vadd.f32 v21, v20;
	v21 =	vadd.f32 v25, v26;
	v25 =	vmul.f32 v49, v53  }
0x356: {  	v22 =	vmul.f32 v22, v53;
	v1 =	vadd.f32 v1, v46;
	v23 =	vadd.f32 v23, v27  }
0x357: {  	v19 =	vmul.f32 v19, v51;
	v20 =	vadd.f32 v20, v35;
	v21 =	vadd.f32 v21, v25  }
0x358: {  	v1 =	vadd.f32 v1, v22;
	v22 =	vmul.f32 v30, v50;
	v18 =	vadd.f32 v23, v18  }
0x359: {  	v16 =	vadd.f32 v20, v16;
	v19 =	vadd.f32 v21, v19;
	v20 =	vmul.f32 v31, v50  }
0x35a: {  	v12 =	vmul.f32 v12, v28;
	v14 =	vmul.f32 v14, v28;
	v1 =	vadd.f32 v1, v17  }
0x35b: {  	v15 =	vmul.f32 v15, v28;
	v17 =	vadd.f32 v18, v22;
	v18 =	vadd.f32 v19, v20  }
0x35c: {  	v13 =	vmul.f32 v13, v28;
	v16 =	vadd.f32 v16, v29;
	v1 =	vadd.f32 v1, v33  }
0x35d: {  	v11 =	vmul.f32 v11, v62;
	v14 =	vadd.f32 v17, v14;
	v15 =	vadd.f32 v18, v15  }
0x35e: {  	v10 =	vmul.f32 v10, v62;
	v12 =	vadd.f32 v16, v12;
	v1 =	vadd.f32 v1, v13  }
0x35f: {  	v8 =	vmul.f32 v8, v59;
	v9 =	vadd.f32 v14, v9;
	v11 =	vadd.f32 v15, v11  }
0x360: {  	v7 =	vmul.f32 v7, v59;
	v3 =	vadd.f32 v12, v3;
	v1 =	vadd.f32 v1, v10  }
0x361: {  	v6 =	vmul.f32 v6, v56;
	v2 =	vadd.f32 v9, v2;
	v8 =	vadd.f32 v11, v8  }
0x362: {  	v55 =	vmul.f32 v5, v56;
	v1 =	vadd.f32 v1, v7;
	v0 =	vadd.f32 v3, v0  }
0x363: {  	v4 =	vmul.f32 v4, v56;
	v2 =	vadd.f32 v2, v24;
	v5 =	vadd.f32 v8, v6  }
0x364: {  	v1 =	vadd.f32 v1, v55  }
0x365: {  	v0 =	vadd.f32 v0, v4;
	v56 =	vperm.xlane v2, v52;
	v4 =	vperm.xlane v5, v52  }
0x366: {  	v6 =	vperm.xlane v1, v52  }
0x367: {  	v7 =	vperm.xlane v0, v52;
	v2 =	vadd.f32 v2, v56;
	v57 =	vadd.f32 v5, v4  }
0x368: {  	v1 =	vadd.f32 v1, v6  }
0x369: {  	v0 =	vadd.f32 v0, v7;
	v4 =	vmax.f32 v2, v57  }
0x36a: {  	v4 =	vmax.f32 v4, v1  }
0x36b: {  	v4 =	vmax.f32 v4, v0  }
0x36c: {  	v2 =	vsub.f32 v2, v4  }
0x36d: {  	v3 =	vsub.f32 v57, v4  }
0x36e: {  	v2 =	vmul.f32 $1.442695020e+00, v2  }
0x36f: {  	v1 =	vsub.f32 v1, v4;
	v3 =	vmul.f32 $1.442695020e+00, v3  }
0x370: {  	(erf) = vpow2.f32 v2  }
0x371: {  	v0 =	vsub.f32 v0, v4;
	v1 =	vmul.f32 $1.442695020e+00, v1;
	(erf) = vpow2.f32 v3  }
0x372: {  	s20 =	simm.s32 $0x0  }
0x373: {  	s21 =	simm.s32 $0x80;
	s9 =	smul.u32 $0xC00, s20;
	v0 =	vmul.f32 $1.442695020e+00, v0;
	(erf) = vpow2.f32 v1  }
0x374: {  	s10 =	sand.u32 $0x380, s21  }
0x375: {  	s14 =	sor.u32 s10, s9;
	(erf) = vpow2.f32 v0  }
0x376: {  	v39 =	vld [tilespmem:s14+$0x5520]  }
0x377: {  	s17 =	simm.s32 $0x0;
	v62 =	vld [tilespmem:s14+$0x5D10]  }
0x378: {  	s16 =	sor.u32 s10, s17;
	v63 =	vld [tilespmem:s14+$0x5500]  }
0x379: {  	v48 =	vld [tilespmem:s16+$0x7D00];
	v58 =	vpop (erf)  }
0x37a: {  	s18 =	simm.s32 $0x95A0;
	v32 =	vld [tilespmem:s14+$0x5960];
	v59 =	vpop (erf)  }
0x37b: {  	v54 =	vld [tilespmem:s18+$0x10];
	v60 =	vadd.f32 v59, v58  }
0x37c: {  	v23 =	vld [tilespmem:s14+$0x4500];
	v61 =	vpop (erf)  }
0x37d: {  	v19 =	vld [tilespmem:s14+$0x5D00];
	v2 =	vadd.f32 v60, v61  }
0x37e: {  	v20 =	vld [tilespmem:s14+$0x5540];
	v5 =	vpop (erf)  }
0x37f: {  	v33 =	vld [tilespmem:s14+$0x4140];
	v2 =	vadd.f32 v2, v5  }
0x380: {  	v16 =	vld [tilespmem:s14+$0x5970]  }
0x381: {  	v14 =	vld [tilespmem:s14+$0x3D30];
	(erf) = vrcp.f32 v2  }
0x382: {  	v11 =	vld [tilespmem:s14+$0x3D50]  }
0x383: {  	v49 =	vshll.u32 v63, $0x10;
	v46 =	vand.u32 $0xFFFF0000, v32;
	v0 =	vld [tilespmem:s14+$0x5940]  }
0x384: {  	v34 =	vmul.f32 v49, v48;
	v22 =	vshll.u32 v62, $0x10;
	v13 =	vand.u32 $0xFFFF0000, v23;
	v3 =	vld [tilespmem:s14+$0x3D00]  }
0x385: {  	v25 =	vand.u32 $0xFFFF0000, v19;
	v26 =	vand.u32 $0xFFFF0000, v20;
	v4 =	vand.u32 $0xFFFF0000, v62;
	v62 =	vld [tilespmem:s16+$0x7D10]  }
0x386: {  	v17 =	vld [tilespmem:s14+$0x3D40];
	v27 =	vshll.u32 v20, $0x10;
	v29 =	vshll.u32 v19, $0x10;
	v19 =	vshll.u32 v23, $0x10  }
0x387: {  	v12 =	vld [tilespmem:s14+$0x4510];
	v28 =	vand.u32 $0xFFFF0000, v16;
	v16 =	vshll.u32 v16, $0x10;
	v20 =	vand.u32 $0xFFFF0000, v14  }
0x388: {  	v15 =	vld [tilespmem:s14+$0x4170];
	v14 =	vshll.u32 v14, $0x10;
	v21 =	vand.u32 $0xFFFF0000, v11;
	v23 =	vshll.u32 v0, $0x10  }
0x389: {  	v1 =	vand.u32 $0xFFFF0000, v63;
	v50 =	vshll.u32 v3, $0x10;
	v51 =	vmul.f32 v23, v48;
	v60 =	vld [tilespmem:s18+$0xFFFFFFE0]  }
0x38a: {  	v24 =	vshll.u32 v11, $0x10;
	v1 =	vmul.f32 v1, v62;
	v35 =	vmul.f32 v50, v48;
	v50 =	vld [tilespmem:s14+$0x4150];
	v6 =	vpop (erf)  }
0x38b: {  	v3 =	vand.u32 $0xFFFF0000, v3;
	v36 =	vadd.f32 v51, v54;
	v51 =	vld [tilespmem:s16+$0x7D20];
	v10 =	vmul.f32 v6, v58  }
0x38c: {  	s30 =	simm.s32 $0xC520;
	v11 =	vshll.u32 v12, $0x10;
	v7 =	vld [tilespmem:s14+$0x5550];
	v3 =	vmul.f32 v3, v62;
	v18 =	vmul.f32 v6, v59  }
0x38d: {  	v63 =	vld [tilespmem:s18+$0xFFFFFFF0];
	v0 =	vand.u32 $0xFFFF0000, v0;
	v23 =	vand.u32 $0xFFFF0000, v15;
	v9 =	vmul.f32 v6, v61;
	[tilespmem:s30+$0xFFFFFFE0] =	vst v10  }
0x38e: {  	v35 =	vadd.f32 v35, v60;
	v8 =	vmul.f32 v6, v5;
	v58 =	vshll.u32 v33, $0x10;
	v59 =	vld [tilespmem:s18+$0x0];
	[tilespmem:s30+$0xFFFFFFF0] =	vst v18  }
0x38f: {  	v0 =	vmul.f32 v0, v62;
	v2 =	vmul.f32 v58, v48;
	v48 =	vld [tilespmem:s14+$0x3D10];
	v58 =	vshll.u32 v50, $0x10;
	[tilespmem:s30+$0x0] =	vst v9  }
0x390: {  	v15 =	vshll.u32 v15, $0x10;
	v3 =	vadd.f32 v35, v3;
	[tilespmem:s30+$0x10] =	vst v8;
	v35 =	vmul.f32 v58, v51;
	v58 =	vld [tilespmem:s16+$0x8100]  }
0x391: {  	v0 =	vadd.f32 v36, v0;
	v5 =	vand.u32 $0xFFFF0000, v7;
	v33 =	vand.u32 $0xFFFF0000, v33;
	v30 =	vld [tilespmem:s12+$0x3D60]  }
0x392: {  	v6 =	vand.u32 $0xFFFF0000, v12;
	v33 =	vmul.f32 v33, v62;
	v31 =	vld [tilespmem:s12+$0x4520];
	v2 =	vadd.f32 v2, v63  }
0x393: {  	v7 =	vshll.u32 v7, $0x10;
	v12 =	vand.u32 $0xFFFF0000, v17;
	v53 =	vld [tilespmem:s12+$0x5560];
	v34 =	vadd.f32 v34, v59  }
0x394: {  	v17 =	vshll.u32 v17, $0x10;
	v57 =	vld [tilespmem:s12+$0x5D20];
	v2 =	vadd.f32 v2, v33;
	v59 =	vshll.u32 v39, $0x10  }
0x395: {  	v39 =	vand.u32 $0xFFFF0000, v39;
	v62 =	vand.u32 $0xFFFF0000, v48;
	v1 =	vadd.f32 v34, v1  }
0x396: {  	v29 =	vmul.f32 v29, v58;
	v27 =	vmul.f32 v27, v58;
	v55 =	vshll.u32 v30, $0x10  }
0x397: {  	v30 =	vand.u32 $0xFFFF0000, v30;
	v56 =	vshll.u32 v31, $0x10;
	v31 =	vand.u32 $0xFFFF0000, v31  }
0x398: {  	v38 =	vld [tilespmem:s14+$0x5950];
	v61 =	vshll.u32 v53, $0x10;
	v37 =	vand.u32 $0xFFFF0000, v53;
	v40 =	vmul.f32 v55, v10  }
0x399: {  	v33 =	vld [tilespmem:s14+$0x4160];
	v49 =	vshll.u32 v57, $0x10;
	v41 =	vmul.f32 v56, v18;
	v30 =	vmul.f32 v30, v10  }
0x39a: {  	v42 =	vand.u32 $0xFFFF0000, v57;
	v53 =	vld [tilespmem:s14+$0x3D20];
	v31 =	vmul.f32 v31, v18;
	v45 =	vmul.f32 v61, v9  }
0x39b: {  	v57 =	vld [tilespmem:s16+$0x7D30];
	v37 =	vmul.f32 v37, v9;
	v44 =	vmul.f32 v49, v8;
	v56 =	vshll.u32 v48, $0x10  }
0x39c: {  	v2 =	vadd.f32 v2, v35;
	v42 =	vmul.f32 v42, v8;
	v34 =	vmul.f32 v56, v51  }
0x39d: {  	v55 =	vshll.u32 v38, $0x10;
	v40 =	vadd.f32 v41, v40;
	v30 =	vadd.f32 v31, v30;
	v31 =	vld [tilespmem:s14+$0x5510]  }
0x39e: {  	v61 =	vand.u32 $0xFFFF0000, v38;
	v49 =	vshll.u32 v33, $0x10;
	v3 =	vadd.f32 v3, v34  }
0x39f: {  	v60 =	vld [tilespmem:s16+$0x7D40];
	v33 =	vand.u32 $0xFFFF0000, v33;
	v40 =	vadd.f32 v40, v45;
	v30 =	vadd.f32 v30, v37  }
0x3a0: {  	v43 =	vand.u32 $0xFFFF0000, v53;
	v37 =	vand.u32 $0xFFFF0000, v50;
	v38 =	vmul.f32 v62, v57  }
0x3a1: {  	v50 =	vld [tilespmem:s16+$0x7D50];
	v36 =	vmul.f32 v37, v57;
	v40 =	vadd.f32 v40, v44;
	v30 =	vadd.f32 v30, v42  }
0x3a2: {  	v42 =	vmul.f32 v55, v51;
	v54 =	vshll.u32 v31, $0x10;
	v31 =	vand.u32 $0xFFFF0000, v31  }
0x3a3: {  	v62 =	vld [tilespmem:s16+$0x7D60];
	v44 =	vshll.u32 v53, $0x10;
	v41 =	vmul.f32 v54, v51;
	[tilespmem:s0+$0xAD00] =	vst v40;
	v31 =	vmul.f32 v31, v57  }
0x3a4: {  	[tilespmem:s0+$0xAD10] =	vst v30;
	v30 =	vshll.u32 v32, $0x10;
	v32 =	vmul.f32 v61, v57;
	v40 =	vmul.f32 v59, v60  }
0x3a5: {  	v3 =	vadd.f32 v3, v38;
	v53 =	vld [tilespmem:s14+$0x5530];
	v51 =	vmul.f32 v44, v60;
	v54 =	vmul.f32 v49, v60  }
0x3a6: {  	v55 =	vld [tilespmem:s16+$0x8120];
	v2 =	vadd.f32 v2, v36;
	v30 =	vmul.f32 v30, v60;
	v60 =	vmul.f32 v46, v50  }
0x3a7: {  	v0 =	vadd.f32 v0, v42;
	v39 =	vmul.f32 v39, v50;
	v43 =	vmul.f32 v43, v50  }
0x3a8: {  	v57 =	vld [tilespmem:s16+$0x8110];
	v16 =	vmul.f32 v16, v62;
	v14 =	vmul.f32 v14, v62;
	v1 =	vadd.f32 v1, v41  }
0x3a9: {  	v59 =	vld [tilespmem:s16+$0x7D70];
	v15 =	vmul.f32 v15, v62;
	v0 =	vadd.f32 v0, v32;
	v3 =	vadd.f32 v3, v51  }
0x3aa: {  	v63 =	vld [tilespmem:s12+$0x3D70];
	v2 =	vadd.f32 v2, v54;
	v32 =	vmul.f32 v33, v50;
	v61 =	vand.u32 $0xFFFF0000, v53  }
0x3ab: {  	v48 =	vld [tilespmem:s12+$0x4530];
	v38 =	vshll.u32 v53, $0x10;
	v24 =	vmul.f32 v24, v55;
	v22 =	vmul.f32 v22, v55  }
0x3ac: {  	v11 =	vmul.f32 v11, v55;
	v7 =	vmul.f32 v7, v55;
	v1 =	vadd.f32 v1, v31  }
0x3ad: {  	v0 =	vadd.f32 v0, v30;
	v38 =	vmul.f32 v38, v62;
	v25 =	vmul.f32 v25, v57  }
0x3ae: {  	v3 =	vadd.f32 v3, v43;
	v26 =	vmul.f32 v26, v57;
	v28 =	vmul.f32 v28, v59  }
0x3af: {  	v2 =	vadd.f32 v2, v32;
	v12 =	vmul.f32 v12, v57;
	v13 =	vmul.f32 v13, v57  }
0x3b0: {  	v1 =	vadd.f32 v1, v40;
	v30 =	vshll.u32 v63, $0x10;
	v56 =	vshll.u32 v48, $0x10  }
0x3b1: {  	v34 =	vand.u32 $0xFFFF0000, v63;
	v35 =	vand.u32 $0xFFFF0000, v48;
	v3 =	vadd.f32 v3, v14  }
0x3b2: {  	v14 =	vmul.f32 v20, v59;
	v2 =	vadd.f32 v2, v15;
	v15 =	vmul.f32 v23, v59  }
0x3b3: {  	v31 =	vld [tilespmem:s16+$0x8130];
	v0 =	vadd.f32 v0, v60;
	v30 =	vmul.f32 v30, v10;
	v40 =	vmul.f32 v56, v18  }
0x3b4: {  	v34 =	vmul.f32 v34, v10;
	v35 =	vmul.f32 v35, v18;
	v1 =	vadd.f32 v1, v39  }
0x3b5: {  	v0 =	vadd.f32 v0, v16;
	v3 =	vadd.f32 v3, v14;
	v14 =	vmul.f32 v17, v58  }
0x3b6: {  	v30 =	vadd.f32 v40, v30;
	v40 =	vmul.f32 v61, v59;
	v1 =	vadd.f32 v1, v38  }
0x3b7: {  	v63 =	vld [tilespmem:s12+$0x5570];
	v2 =	vadd.f32 v2, v15;
	v15 =	vmul.f32 v19, v58;
	v0 =	vadd.f32 v0, v28  }
0x3b8: {  	v21 =	vmul.f32 v21, v31;
	v3 =	vadd.f32 v3, v14;
	v1 =	vadd.f32 v1, v40  }
0x3b9: {  	v6 =	vmul.f32 v6, v31;
	v2 =	vadd.f32 v2, v15;
	v0 =	vadd.f32 v0, v29  }
0x3ba: {  	v5 =	vmul.f32 v5, v31;
	v3 =	vadd.f32 v3, v12;
	v1 =	vadd.f32 v1, v27  }
0x3bb: {  	v4 =	vmul.f32 v4, v31;
	v2 =	vadd.f32 v2, v13;
	v12 =	vld [tilespmem:s12+$0x5D30];
	v0 =	vadd.f32 v0, v25  }
0x3bc: {  	v16 =	vshll.u32 v63, $0x10;
	v3 =	vadd.f32 v3, v24;
	v1 =	vadd.f32 v1, v26  }
0x3bd: {  	v14 =	vand.u32 $0xFFFF0000, v63;
	v2 =	vadd.f32 v2, v11;
	v0 =	vadd.f32 v0, v22  }
0x3be: {  	v11 =	vmul.f32 v14, v9;
	v3 =	vadd.f32 v3, v21;
	v1 =	vadd.f32 v1, v7  }
0x3bf: {  	v2 =	vadd.f32 v2, v6;
	v6 =	vmul.f32 v16, v9;
	v0 =	vadd.f32 v0, v4  }
0x3c0: {  	v13 =	vshll.u32 v12, $0x10;
	v4 =	vperm.xlane v3, v52;
	v1 =	vadd.f32 v1, v5  }
0x3c1: {  	v7 =	vadd.f32 v35, v34;
	v5 =	vperm.xlane v2, v52;
	v15 =	vperm.xlane v0, v52  }
0x3c2: {  	v3 =	vadd.f32 v3, v4;
	v4 =	vadd.f32 v30, v6;
	v14 =	vperm.xlane v1, v52  }
0x3c3: {  	v6 =	vmul.f32 v13, v8;
	v2 =	vadd.f32 v2, v5;
	v5 =	vand.u32 $0xFFFF0000, v12  }
0x3c4: {  	v7 =	vadd.f32 v7, v11;
	v5 =	vmul.f32 v5, v8;
	v1 =	vadd.f32 v1, v14  }
0x3c5: {  	v0 =	vadd.f32 v0, v15;
	v4 =	vadd.f32 v4, v6;
	v12 =	vmax.f32 v3, v2  }
0x3c6: {  	v5 =	vadd.f32 v7, v5;
	v11 =	vmax.f32 v12, v1  }
0x3c7: {  	[tilespmem:s0+$0xAD20] =	vst v4;
	v6 =	vmax.f32 v11, v0  }
0x3c8: {  	[tilespmem:s0+$0xAD30] =	vst v5;
	v3 =	vsub.f32 v3, v6  }
0x3c9: {  	v2 =	vsub.f32 v2, v6;
	v4 =	vld [tilespmem:s12+$0x4100]  }
0x3ca: {  	v5 =	vld [tilespmem:s12+$0x4540];
	v3 =	vmul.f32 $1.442695020e+00, v3  }
0x3cb: {  	v1 =	vsub.f32 v1, v6;
	v2 =	vmul.f32 $1.442695020e+00, v2  }
0x3cc: {  	v0 =	vsub.f32 v0, v6;
	v36 =	vld [tilespmem:s12+$0x5900];
	(erf) = vpow2.f32 v3  }
0x3cd: {  	v1 =	vmul.f32 $1.442695020e+00, v1;
	(erf) = vpow2.f32 v2  }
0x3ce: {  	v0 =	vmul.f32 $1.442695020e+00, v0;
	v37 =	vshll.u32 v4, $0x10  }
0x3cf: {  	v4 =	vand.u32 $0xFFFF0000, v4;
	v6 =	vshll.u32 v5, $0x10;
	(erf) = vpow2.f32 v1  }
0x3d0: {  	v40 =	vand.u32 $0xFFFF0000, v5;
	v39 =	vmul.f32 v37, v10;
	v5 =	vmul.f32 v6, v18  }
0x3d1: {  	v38 =	vld [tilespmem:s12+$0x5D40];
	v4 =	vmul.f32 v4, v10;
	v6 =	vshll.u32 v36, $0x10;
	(erf) = vpow2.f32 v0  }
0x3d2: {  	v0 =	vadd.f32 v5, v39;
	v5 =	vmul.f32 v6, v9  }
0x3d3: {  	s19 =	simm.s32 $0x0;
	v1 =	vmul.f32 v40, v18  }
0x3d4: {  	s20 =	simm.s32 $0x100;
	s9 =	smul.u32 $0xC00, s19  }
0x3d5: {  	s21 =	sand.u32 $0x380, s20;
	s19 =	simm.s32 $0x9620;
	v2 =	vand.u32 $0xFFFF0000, v36;
	v1 =	vadd.f32 v1, v4;
	v4 =	vpop (erf)  }
0x3d6: {  	s10 =	sor.u32 s21, s9;
	s18 =	simm.s32 $0x0;
	v48 =	vld [tilespmem:s19+$0x10];
	v2 =	vmul.f32 v2, v9;
	v6 =	vshll.u32 v38, $0x10;
	v0 =	vadd.f32 v5, v0;
	v5 =	vpop (erf)  }
0x3d7: {  	s9 =	sor.u32 s21, s18;
	v19 =	vld [tilespmem:s10+$0x5530];
	v3 =	vand.u32 $0xFFFF0000, v38;
	v6 =	vmul.f32 v6, v8;
	v7 =	vadd.f32 v5, v4  }
0x3d8: {  	v58 =	vld [tilespmem:s9+$0x7D00];
	v41 =	vmul.f32 v3, v8;
	v1 =	vadd.f32 v2, v1;
	v42 =	vpop (erf)  }
0x3d9: {  	v29 =	vld [tilespmem:s10+$0x5940];
	v0 =	vadd.f32 v6, v0;
	v6 =	vadd.f32 v7, v42  }
0x3da: {  	v22 =	vld [tilespmem:s10+$0x3D50];
	v1 =	vadd.f32 v41, v1;
	v43 =	vpop (erf)  }
0x3db: {  	v30 =	vld [tilespmem:s10+$0x5500];
	[tilespmem:s0+$0xAD40] =	vst v0;
	v45 =	vadd.f32 v6, v43  }
0x3dc: {  	v2 =	vld [tilespmem:s10+$0x3D00];
	[tilespmem:s0+$0xAD50] =	vst v1  }
0x3dd: {  	v1 =	vld [tilespmem:s12+$0x4110];
	(erf) = vrcp.f32 v45  }
0x3de: {  	v28 =	vshll.u32 v29, $0x10;
	v46 =	vld [tilespmem:s12+$0x4550]  }
0x3df: {  	v63 =	vmul.f32 v28, v58  }
0x3e0: {  	v27 =	vshll.u32 v19, $0x10;
	v19 =	vand.u32 $0xFFFF0000, v19;
	v11 =	vld [tilespmem:s12+$0x5D50]  }
0x3e1: {  	v31 =	vld [tilespmem:s10+$0x4140];
	v34 =	vadd.f32 v63, v48;
	v23 =	vand.u32 $0xFFFF0000, v22;
	v61 =	vshll.u32 v30, $0x10  }
0x3e2: {  	v24 =	vshll.u32 v22, $0x10;
	v32 =	vmul.f32 v61, v58;
	v62 =	vshll.u32 v2, $0x10;
	v6 =	vld [tilespmem:s12+$0x5910]  }
0x3e3: {  	v20 =	vld [tilespmem:s10+$0x5D00];
	v33 =	vmul.f32 v62, v58;
	v7 =	vshll.u32 v1, $0x10;
	v12 =	vshll.u32 v46, $0x10  }
0x3e4: {  	v17 =	vld [tilespmem:s10+$0x5550];
	v1 =	vand.u32 $0xFFFF0000, v1;
	v0 =	vand.u32 $0xFFFF0000, v46;
	v7 =	vmul.f32 v7, v10  }
0x3e5: {  	v25 =	vld [tilespmem:s10+$0x4510];
	v56 =	vand.u32 $0xFFFF0000, v11;
	v12 =	vmul.f32 v12, v18;
	v1 =	vmul.f32 v1, v10  }
0x3e6: {  	v21 =	vld [tilespmem:s10+$0x5970];
	v0 =	vmul.f32 v0, v18;
	v57 =	vmul.f32 v56, v8;
	v56 =	vshll.u32 v31, $0x10;
	v15 =	vpop (erf)  }
0x3e7: {  	v13 =	vld [tilespmem:s10+$0x5D10];
	v14 =	vshll.u32 v6, $0x10;
	v6 =	vand.u32 $0xFFFF0000, v6;
	v45 =	vmul.f32 v15, v4  }
0x3e8: {  	s30 =	simm.s32 $0xC5A0;
	v63 =	vld [tilespmem:s10+$0x3D10];
	v0 =	vadd.f32 v0, v1;
	v47 =	vmul.f32 v6, v9;
	v55 =	vmul.f32 v15, v5  }
0x3e9: {  	v62 =	vld [tilespmem:s19+$0xFFFFFFF0];
	v12 =	vadd.f32 v12, v7;
	v14 =	vmul.f32 v14, v9;
	v51 =	vmul.f32 v15, v42;
	[tilespmem:s30+$0xFFFFFFE0] =	vst v45  }
0x3ea: {  	v3 =	vmul.f32 v56, v58;
	v58 =	vld [tilespmem:s19+$0xFFFFFFE0];
	v0 =	vadd.f32 v47, v0;
	v50 =	vmul.f32 v15, v43;
	[tilespmem:s30+$0xFFFFFFF0] =	vst v55  }
0x3eb: {  	v22 =	vshll.u32 v25, $0x10;
	v12 =	vadd.f32 v14, v12;
	v14 =	vand.u32 $0xFFFF0000, v25;
	v25 =	vld [tilespmem:s10+$0x3D30];
	[tilespmem:s30+$0x0] =	vst v51  }
0x3ec: {  	v26 =	vand.u32 $0xFFFF0000, v20;
	v20 =	vshll.u32 v20, $0x10;
	v15 =	vadd.f32 v57, v0;
	v57 =	vld [tilespmem:s19+$0x0];
	[tilespmem:s30+$0x10] =	vst v50  }
0x3ed: {  	v29 =	vand.u32 $0xFFFF0000, v29;
	v28 =	vshll.u32 v21, $0x10;
	v21 =	vand.u32 $0xFFFF0000, v21;
	v59 =	vld [tilespmem:s14+$0x3D60]  }
0x3ee: {  	v30 =	vand.u32 $0xFFFF0000, v30;
	v2 =	vand.u32 $0xFFFF0000, v2;
	v5 =	vshll.u32 v11, $0x10;
	v60 =	vld [tilespmem:s14+$0x4520]  }
0x3ef: {  	v31 =	vand.u32 $0xFFFF0000, v31;
	v56 =	vshll.u32 v63, $0x10;
	v11 =	vmul.f32 v5, v8;
	v47 =	vld [tilespmem:s14+$0x5560]  }
0x3f0: {  	v3 =	vadd.f32 v3, v62;
	v33 =	vadd.f32 v33, v58;
	v44 =	vshll.u32 v25, $0x10;
	v54 =	vld [tilespmem:s14+$0x5D20]  }
0x3f1: {  	v25 =	vand.u32 $0xFFFF0000, v25;
	v16 =	vadd.f32 v11, v12;
	v11 =	vand.u32 $0xFFFF0000, v13  }
0x3f2: {  	v36 =	vld [tilespmem:s10+$0x5950];
	v12 =	vand.u32 $0xFFFF0000, v17;
	v13 =	vshll.u32 v13, $0x10;
	v17 =	vshll.u32 v17, $0x10  }
0x3f3: {  	v48 =	vld [tilespmem:s9+$0x7D20];
	v32 =	vadd.f32 v32, v57;
	v49 =	vshll.u32 v59, $0x10;
	v0 =	vand.u32 $0xFFFF0000, v59  }
0x3f4: {  	v61 =	vld [tilespmem:s10+$0x5510];
	v53 =	vshll.u32 v60, $0x10;
	v1 =	vand.u32 $0xFFFF0000, v60;
	v59 =	vshll.u32 v47, $0x10  }
0x3f5: {  	v57 =	vld [tilespmem:s9+$0x7D30];
	v35 =	vand.u32 $0xFFFF0000, v47;
	v46 =	vshll.u32 v54, $0x10;
	v38 =	vmul.f32 v49, v45  }
0x3f6: {  	v60 =	vld [tilespmem:s9+$0x7D10];
	v40 =	vand.u32 $0xFFFF0000, v54;
	v39 =	vmul.f32 v53, v55;
	v0 =	vmul.f32 v0, v45  }
0x3f7: {  	v54 =	vshll.u32 v36, $0x10;
	v1 =	vmul.f32 v1, v55;
	v43 =	vmul.f32 v59, v51  }
0x3f8: {  	v47 =	vld [tilespmem:s10+$0x4150];
	v36 =	vand.u32 $0xFFFF0000, v36;
	v35 =	vmul.f32 v35, v51;
	v42 =	vmul.f32 v46, v50  }
0x3f9: {  	v40 =	vmul.f32 v40, v50;
	v53 =	vshll.u32 v61, $0x10;
	v38 =	vadd.f32 v39, v38  }
0x3fa: {  	v0 =	vadd.f32 v1, v0;
	v39 =	vmul.f32 v53, v48;
	v1 =	vand.u32 $0xFFFF0000, v61  }
0x3fb: {  	v49 =	vld [tilespmem:s10+$0x3D20];
	v1 =	vmul.f32 v1, v57;
	v38 =	vadd.f32 v38, v43;
	v29 =	vmul.f32 v29, v60  }
0x3fc: {  	v59 =	vld [tilespmem:s10+$0x5520];
	v0 =	vadd.f32 v0, v35;
	v30 =	vmul.f32 v30, v60;
	v2 =	vmul.f32 v2, v60  }
0x3fd: {  	v61 =	vld [tilespmem:s9+$0x7D40];
	v31 =	vmul.f32 v31, v60;
	v58 =	vshll.u32 v47, $0x10;
	v60 =	vand.u32 $0xFFFF0000, v63  }
0x3fe: {  	v62 =	vand.u32 $0xFFFF0000, v47;
	v63 =	vmul.f32 v36, v57;
	v38 =	vadd.f32 v38, v42  }
0x3ff: {  	v43 =	vmul.f32 v60, v57;
	v0 =	vadd.f32 v0, v40;
	v30 =	vadd.f32 v32, v30  }
0x400: {  	v37 =	vshll.u32 v49, $0x10;
	v29 =	vadd.f32 v34, v29;
	v2 =	vadd.f32 v33, v2  }
0x401: {  	v42 =	vld [tilespmem:s10+$0x5960];
	v40 =	vmul.f32 v54, v48;
	v32 =	vmul.f32 v56, v48;
	v3 =	vadd.f32 v3, v31  }
0x402: {  	v31 =	vld [tilespmem:s10+$0x4160];
	v33 =	vmul.f32 v58, v48;
	v48 =	vand.u32 $0xFFFF0000, v59;
	v37 =	vmul.f32 v37, v61  }
0x403: {  	v56 =	vld [tilespmem:s9+$0x7D50];
	v30 =	vadd.f32 v30, v39;
	v29 =	vadd.f32 v29, v40;
	v40 =	vand.u32 $0xFFFF0000, v49  }
0x404: {  	v2 =	vadd.f32 v2, v32;
	[tilespmem:s16+$0xAD10] =	vst v0;
	v3 =	vadd.f32 v3, v33;
	v0 =	vmul.f32 v62, v57  }
0x405: {  	[tilespmem:s16+$0xAD00] =	vst v38;
	v49 =	vshll.u32 v59, $0x10;
	v1 =	vadd.f32 v30, v1;
	v29 =	vadd.f32 v29, v63  }
0x406: {  	v46 =	vld [tilespmem:s14+$0x3D70];
	v38 =	vmul.f32 v49, v61;
	v2 =	vadd.f32 v2, v43;
	v0 =	vadd.f32 v3, v0  }
0x407: {  	v54 =	vld [tilespmem:s14+$0x5570];
	v41 =	vand.u32 $0xFFFF0000, v42;
	v47 =	vand.u32 $0xFFFF0000, v31;
	v53 =	vshll.u32 v42, $0x10  }
0x408: {  	v59 =	vld [tilespmem:s14+$0x5D30];
	v31 =	vshll.u32 v31, $0x10;
	v35 =	vmul.f32 v48, v56;
	v40 =	vmul.f32 v40, v56  }
0x409: {  	v49 =	vld [tilespmem:s9+$0x8110];
	v39 =	vmul.f32 v53, v61;
	v31 =	vmul.f32 v31, v61;
	v1 =	vadd.f32 v1, v38  }
0x40a: {  	v30 =	vld [tilespmem:s14+$0x4530];
	v2 =	vadd.f32 v2, v37;
	v41 =	vmul.f32 v41, v56;
	v34 =	vmul.f32 v47, v56  }
0x40b: {  	v29 =	vadd.f32 v29, v39;
	v57 =	vshll.u32 v46, $0x10;
	v33 =	vand.u32 $0xFFFF0000, v46  }
0x40c: {  	v63 =	vld [tilespmem:s10+$0x3D40];
	v60 =	vshll.u32 v54, $0x10;
	v3 =	vand.u32 $0xFFFF0000, v54;
	v0 =	vadd.f32 v0, v31  }
0x40d: {  	v61 =	vld [tilespmem:s10+$0x4170];
	v62 =	vshll.u32 v59, $0x10;
	v39 =	vand.u32 $0xFFFF0000, v59;
	v1 =	vadd.f32 v1, v35  }
0x40e: {  	v47 =	vld [tilespmem:s9+$0x8120];
	v2 =	vadd.f32 v2, v40;
	v26 =	vmul.f32 v26, v49;
	v32 =	vmul.f32 v57, v45  }
0x40f: {  	v58 =	vshll.u32 v30, $0x10;
	v33 =	vmul.f32 v33, v45;
	v37 =	vmul.f32 v60, v51  }
0x410: {  	v31 =	vld [tilespmem:s9+$0x7D60];
	v30 =	vand.u32 $0xFFFF0000, v30;
	v3 =	vmul.f32 v3, v51;
	v39 =	vmul.f32 v39, v50  }
0x411: {  	v46 =	vld [tilespmem:s10+$0x4500];
	v56 =	vand.u32 $0xFFFF0000, v63;
	v38 =	vmul.f32 v58, v55;
	v30 =	vmul.f32 v30, v55  }
0x412: {  	v54 =	vld [tilespmem:s9+$0x8100];
	v29 =	vadd.f32 v29, v41;
	v0 =	vadd.f32 v0, v34;
	v41 =	vshll.u32 v63, $0x10  }
0x413: {  	v48 =	vshll.u32 v61, $0x10;
	v24 =	vmul.f32 v24, v47;
	v59 =	vand.u32 $0xFFFF0000, v61  }
0x414: {  	[tilespmem:s0+$0xAD70] =	vst v15;
	v61 =	vmul.f32 v22, v47;
	v15 =	vmul.f32 v17, v47;
	v32 =	vadd.f32 v38, v32  }
0x415: {  	v58 =	vld [tilespmem:s9+$0x7D70];
	v30 =	vadd.f32 v30, v33;
	v27 =	vmul.f32 v27, v31;
	v53 =	vmul.f32 v44, v31  }
0x416: {  	v28 =	vmul.f32 v28, v31;
	v31 =	vmul.f32 v48, v31;
	v36 =	vshll.u32 v46, $0x10  }
0x417: {  	v20 =	vmul.f32 v20, v54;
	v32 =	vadd.f32 v32, v37;
	v37 =	vmul.f32 v62, v50  }
0x418: {  	v3 =	vadd.f32 v30, v3;
	v30 =	vld [tilespmem:s10+$0x5540];
	v60 =	vmul.f32 v36, v54;
	v2 =	vadd.f32 v2, v53  }
0x419: {  	v1 =	vadd.f32 v1, v27;
	v27 =	vand.u32 $0xFFFF0000, v46;
	v32 =	vadd.f32 v32, v37  }
0x41a: {  	v33 =	vld [tilespmem:s9+$0x8130];
	v19 =	vmul.f32 v19, v58;
	v25 =	vmul.f32 v25, v58;
	v3 =	vadd.f32 v3, v39  }
0x41b: {  	v21 =	vmul.f32 v21, v58;
	v28 =	vadd.f32 v29, v28;
	v0 =	vadd.f32 v0, v31;
	[tilespmem:s16+$0xAD20] =	vst v32  }
0x41c: {  	v2 =	vadd.f32 v2, v25;
	v25 =	vmul.f32 v41, v54;
	v1 =	vadd.f32 v1, v19;
	[tilespmem:s16+$0xAD30] =	vst v3  }
0x41d: {  	v3 =	vmul.f32 v59, v58;
	v57 =	vand.u32 $0xFFFF0000, v30;
	v30 =	vshll.u32 v30, $0x10;
	v29 =	vld [tilespmem:s14+$0x4100]  }
0x41e: {  	v19 =	vld [tilespmem:s14+$0x4540];
	v2 =	vadd.f32 v2, v25;
	v25 =	vmul.f32 v56, v49;
	v30 =	vmul.f32 v30, v54  }
0x41f: {  	v23 =	vmul.f32 v23, v33;
	v21 =	vadd.f32 v28, v21;
	v28 =	vld [tilespmem:s14+$0x5900];
	v0 =	vadd.f32 v0, v3  }
0x420: {  	v37 =	vmul.f32 v57, v49;
	v2 =	vadd.f32 v2, v25;
	v1 =	vadd.f32 v1, v30  }
0x421: {  	v20 =	vadd.f32 v21, v20;
	v21 =	vmul.f32 v27, v49;
	v0 =	vadd.f32 v0, v60  }
0x422: {  	v22 =	vld [tilespmem:s14+$0x5D40];
	v2 =	vadd.f32 v2, v24;
	v1 =	vadd.f32 v1, v37;
	v25 =	vshll.u32 v29, $0x10  }
0x423: {  	v27 =	vand.u32 $0xFFFF0000, v29;
	v29 =	vshll.u32 v19, $0x10;
	v19 =	vand.u32 $0xFFFF0000, v19  }
0x424: {  	v30 =	vshll.u32 v28, $0x10;
	v25 =	vmul.f32 v25, v45;
	v29 =	vmul.f32 v29, v55  }
0x425: {  	v28 =	vand.u32 $0xFFFF0000, v28;
	v27 =	vmul.f32 v27, v45;
	v19 =	vmul.f32 v19, v55  }
0x426: {  	v0 =	vadd.f32 v0, v21;
	v25 =	vadd.f32 v29, v25;
	v29 =	vmul.f32 v30, v51  }
0x427: {  	v19 =	vadd.f32 v19, v27;
	v27 =	vmul.f32 v28, v51;
	v28 =	vshll.u32 v22, $0x10  }
0x428: {  	[tilespmem:s0+$0xAD60] =	vst v16;
	v22 =	vand.u32 $0xFFFF0000, v22;
	v28 =	vmul.f32 v28, v50;
	v25 =	vadd.f32 v29, v25  }
0x429: {  	v21 =	vld [tilespmem:s12+$0x4120];
	v0 =	vadd.f32 v0, v61;
	v16 =	vadd.f32 v27, v19;
	v19 =	vmul.f32 v22, v50  }
0x42a: {  	v62 =	vmul.f32 v14, v33;
	v1 =	vadd.f32 v1, v15;
	v17 =	vadd.f32 v28, v25  }
0x42b: {  	v13 =	vmul.f32 v13, v47;
	v15 =	vld [tilespmem:s12+$0x4560];
	v14 =	vadd.f32 v19, v16;
	v16 =	vadd.f32 v20, v26  }
0x42c: {  	v2 =	vadd.f32 v2, v23;
	v0 =	vadd.f32 v0, v62;
	[tilespmem:s16+$0xAD40] =	vst v17  }
0x42d: {  	v63 =	vmul.f32 v12, v33;
	v11 =	vmul.f32 v11, v33;
	[tilespmem:s16+$0xAD50] =	vst v14;
	v12 =	vadd.f32 v16, v13  }
0x42e: {  	v14 =	vperm.xlane v2, v52;
	v16 =	vperm.xlane v0, v52;
	v17 =	vshll.u32 v21, $0x10;
	v13 =	vld [tilespmem:s14+$0x4110]  }
0x42f: {  	v1 =	vadd.f32 v1, v63;
	v32 =	vld [tilespmem:s14+$0x4550];
	v17 =	vmul.f32 v17, v10;
	v11 =	vadd.f32 v12, v11  }
0x430: {  	v19 =	vld [tilespmem:s14+$0x5910];
	v2 =	vadd.f32 v2, v14;
	v0 =	vadd.f32 v0, v16;
	v16 =	vshll.u32 v15, $0x10  }
0x431: {  	v12 =	vperm.xlane v1, v52;
	v14 =	vand.u32 $0xFFFF0000, v21;
	v34 =	vmul.f32 v16, v18  }
0x432: {  	v14 =	vmul.f32 v14, v10;
	v20 =	vperm.xlane v11, v52;
	v21 =	vmax.f32 v2, v0  }
0x433: {  	v1 =	vadd.f32 v1, v12;
	v12 =	vshll.u32 v13, $0x10;
	v13 =	vand.u32 $0xFFFF0000, v13  }
0x434: {  	v23 =	vld [tilespmem:s14+$0x5D50];
	v22 =	vshll.u32 v32, $0x10;
	v3 =	vand.u32 $0xFFFF0000, v32;
	v11 =	vadd.f32 v11, v20  }
0x435: {  	v20 =	vshll.u32 v19, $0x10;
	v12 =	vmul.f32 v12, v45;
	v22 =	vmul.f32 v22, v55  }
0x436: {  	v21 =	vmax.f32 v21, v1;
	v13 =	vmul.f32 v13, v45;
	v3 =	vmul.f32 v3, v55  }
0x437: {  	v19 =	vand.u32 $0xFFFF0000, v19;
	v20 =	vmul.f32 v20, v51;
	v21 =	vmax.f32 v21, v11  }
0x438: {  	v12 =	vadd.f32 v22, v12;
	v3 =	vadd.f32 v3, v13;
	v13 =	vmul.f32 v19, v51  }
0x439: {  	v2 =	vsub.f32 v2, v21;
	v19 =	vshll.u32 v23, $0x10;
	v0 =	vsub.f32 v0, v21  }
0x43a: {  	v19 =	vmul.f32 v19, v50;
	v12 =	vadd.f32 v20, v12;
	v20 =	vand.u32 $0xFFFF0000, v23  }
0x43b: {  	v22 =	vld [tilespmem:s12+$0x5920];
	v1 =	vsub.f32 v1, v21;
	v3 =	vadd.f32 v13, v3;
	v13 =	vmul.f32 v20, v50  }
0x43c: {  	v11 =	vsub.f32 v11, v21;
	v2 =	vmul.f32 $1.442695020e+00, v2;
	v12 =	vadd.f32 v19, v12  }
0x43d: {  	v33 =	vld [tilespmem:s12+$0x5D60];
	v0 =	vmul.f32 $1.442695020e+00, v0;
	v1 =	vmul.f32 $1.442695020e+00, v1;
	v3 =	vadd.f32 v13, v3  }
0x43e: {  	v11 =	vmul.f32 $1.442695020e+00, v11;
	(erf) = vpow2.f32 v2;
	v13 =	vand.u32 $0xFFFF0000, v15;
	[tilespmem:s16+$0xAD60] =	vst v12  }
0x43f: {  	(erf) = vpow2.f32 v0;
	v35 =	vmul.f32 v13, v18;
	[tilespmem:s16+$0xAD70] =	vst v3  }
0x440: {  	v0 =	vadd.f32 v34, v17;
	v36 =	vand.u32 $0xFFFF0000, v22;
	v12 =	vshll.u32 v22, $0x10;
	v13 =	vld [tilespmem:s14+$0x4120]  }
0x441: {  	(erf) = vpow2.f32 v1;
	v12 =	vmul.f32 v12, v9;
	v1 =	vadd.f32 v35, v14;
	v14 =	vld [tilespmem:s14+$0x4560]  }
0x442: {  	(erf) = vpow2.f32 v11;
	v3 =	vmul.f32 v36, v9;
	v11 =	vshll.u32 v33, $0x10;
	v37 =	vld [tilespmem:s14+$0x5920]  }
0x443: {  	v2 =	vand.u32 $0xFFFF0000, v33;
	v11 =	vmul.f32 v11, v8;
	v0 =	vadd.f32 v12, v0  }
0x444: {  	v2 =	vmul.f32 v2, v8;
	v1 =	vadd.f32 v3, v1  }
0x445: {  	v0 =	vadd.f32 v11, v0  }
0x446: {  	v12 =	vld [tilespmem:s14+$0x5D60];
	v1 =	vadd.f32 v2, v1;
	v38 =	vshll.u32 v13, $0x10;
	v11 =	vand.u32 $0xFFFF0000, v13  }
0x447: {  	v15 =	vpop (erf);
	v13 =	vshll.u32 v14, $0x10;
	v39 =	vand.u32 $0xFFFF0000, v14;
	v40 =	vshll.u32 v37, $0x10  }
0x448: {  	v3 =	vand.u32 $0xFFFF0000, v37;
	v17 =	vpop (erf);
	v2 =	vmul.f32 v38, v45;
	v13 =	vmul.f32 v13, v55  }
0x449: {  	[tilespmem:s0+$0xB100] =	vst v0;
	v11 =	vmul.f32 v11, v45;
	v0 =	vmul.f32 v39, v55;
	v16 =	vadd.f32 v17, v15  }
0x44a: {  	[tilespmem:s0+$0xB110] =	vst v1;
	v1 =	vmul.f32 v40, v51;
	v3 =	vmul.f32 v3, v51;
	v19 =	vpop (erf);
	v2 =	vadd.f32 v13, v2  }
0x44b: {  	v21 =	vld [tilespmem:s12+$0x4570];
	v0 =	vadd.f32 v0, v11;
	v13 =	vshll.u32 v12, $0x10;
	v14 =	vadd.f32 v16, v19  }
0x44c: {  	s20 =	simm.s32 $0x0;
	v20 =	vpop (erf);
	v12 =	vand.u32 $0xFFFF0000, v12;
	v16 =	vld [tilespmem:s12+$0x4130];
	v13 =	vmul.f32 v13, v50;
	v1 =	vadd.f32 v1, v2  }
0x44d: {  	s29 =	simm.s32 $0x180;
	s15 =	smul.u32 $0xC00, s20;
	v47 =	vmul.f32 v12, v50;
	v0 =	vadd.f32 v3, v0;
	v11 =	vadd.f32 v14, v20  }
0x44e: {  	s21 =	sand.u32 $0x380, s29;
	v41 =	vld [tilespmem:s12+$0x5930];
	v1 =	vadd.f32 v13, v1  }
0x44f: {  	v22 =	vld [tilespmem:s12+$0x5D70];
	s12 =	sor.u32 s21, s15;
	v0 =	vadd.f32 v47, v0;
	(erf) = vrcp.f32 v11  }
0x450: {  	v24 =	vld [tilespmem:s12+$0x5D10];
	[tilespmem:s16+$0xB100] =	vst v1  }
0x451: {  	v27 =	vld [tilespmem:s12+$0x5940];
	v12 =	vand.u32 $0xFFFF0000, v21;
	v11 =	vand.u32 $0xFFFF0000, v16;
	[tilespmem:s16+$0xB110] =	vst v0  }
0x452: {  	v48 =	vmul.f32 v11, v10;
	v11 =	vmul.f32 v12, v18;
	v12 =	vld [tilespmem:s14+$0x4130]  }
0x453: {  	v25 =	vld [tilespmem:s12+$0x3D40];
	v49 =	vand.u32 $0xFFFF0000, v41  }
0x454: {  	v54 =	vand.u32 $0xFFFF0000, v22;
	v1 =	vmul.f32 v49, v9;
	v14 =	vld [tilespmem:s14+$0x4570];
	v53 =	vadd.f32 v11, v48  }
0x455: {  	v3 =	vld [tilespmem:s12+$0x5510];
	v2 =	vshll.u32 v41, $0x10;
	v56 =	vmul.f32 v54, v8  }
0x456: {  	v2 =	vmul.f32 v2, v9;
	v57 =	vshll.u32 v16, $0x10;
	v11 =	vld [tilespmem:s14+$0x5930];
	v0 =	vadd.f32 v1, v53  }
0x457: {  	v4 =	vld [tilespmem:s12+$0x4500];
	v6 =	vand.u32 $0xFFFF0000, v24;
	v59 =	vshll.u32 v27, $0x10;
	v58 =	vand.u32 $0xFFFF0000, v12  }
0x458: {  	v44 =	vld [tilespmem:s14+$0x5D70];
	v26 =	vadd.f32 v56, v0;
	v0 =	vmul.f32 v57, v10;
	v1 =	vmul.f32 v58, v45;
	v23 =	vpop (erf)  }
0x459: {  	v28 =	vld [tilespmem:s12+$0x5500];
	v10 =	vand.u32 $0xFFFF0000, v14;
	v16 =	vmul.f32 v23, v15;
	v15 =	vmul.f32 v23, v17  }
0x45a: {  	s30 =	simm.s32 $0x0;
	v30 =	vld [tilespmem:s12+$0x3D00];
	v17 =	vmul.f32 v23, v19;
	v19 =	vshll.u32 v21, $0x10;
	v21 =	vmul.f32 v10, v55  }
0x45b: {  	s15 =	simm.s32 $0xC620;
	s14 =	sor.u32 s21, s30;
	v10 =	vmul.f32 v23, v20;
	v20 =	vld [tilespmem:s12+$0x4140];
	v18 =	vmul.f32 v19, v18;
	v19 =	vand.u32 $0xFFFF0000, v11  }
0x45c: {  	v13 =	vand.u32 $0xFFFF0000, v4;
	v53 =	vld [tilespmem:s14+$0x7D10];
	[tilespmem:s15+$0xFFFFFFE0] =	vst v16;
	v1 =	vadd.f32 v21, v1;
	v9 =	vmul.f32 v19, v51  }
0x45d: {  	[tilespmem:s15+$0xFFFFFFF0] =	vst v15;
	v19 =	vld [tilespmem:s14+$0x7D00];
	v21 =	vshll.u32 v22, $0x10;
	v0 =	vadd.f32 v18, v0;
	v18 =	vand.u32 $0xFFFF0000, v44  }
0x45e: {  	s17 =	simm.s32 $0x96A0;
	[tilespmem:s15+$0x0] =	vst v17;
	v42 =	vmul.f32 v21, v8;
	v21 =	vshll.u32 v25, $0x10;
	v25 =	vand.u32 $0xFFFF0000, v25  }
0x45f: {  	v46 =	vld [tilespmem:s17+$0x0];
	[tilespmem:s15+$0x10] =	vst v10;
	v1 =	vadd.f32 v9, v1;
	v23 =	vmul.f32 v18, v50;
	v43 =	vadd.f32 v2, v0  }
0x460: {  	v22 =	vld [tilespmem:s10+$0x3D60];
	v0 =	vshll.u32 v3, $0x10;
	v62 =	vshll.u32 v20, $0x10;
	v20 =	vand.u32 $0xFFFF0000, v20  }
0x461: {  	v31 =	vld [tilespmem:s10+$0x4520];
	v29 =	vadd.f32 v23, v1;
	v1 =	vand.u32 $0xFFFF0000, v27;
	v23 =	vshll.u32 v28, $0x10  }
0x462: {  	v60 =	vld [tilespmem:s10+$0x5560];
	v27 =	vshll.u32 v30, $0x10;
	v20 =	vmul.f32 v20, v53;
	v2 =	vmul.f32 v59, v19  }
0x463: {  	v63 =	vld [tilespmem:s10+$0x5D20];
	v28 =	vand.u32 $0xFFFF0000, v28;
	v23 =	vmul.f32 v23, v19;
	v27 =	vmul.f32 v27, v19  }
0x464: {  	v58 =	vld [tilespmem:s12+$0x4150];
	v30 =	vand.u32 $0xFFFF0000, v30;
	v19 =	vmul.f32 v62, v19;
	v1 =	vmul.f32 v1, v53  }
0x465: {  	v61 =	vld [tilespmem:s17+$0x10];
	v3 =	vand.u32 $0xFFFF0000, v3;
	v28 =	vmul.f32 v28, v53;
	v30 =	vmul.f32 v30, v53  }
0x466: {  	v47 =	vld [tilespmem:s12+$0x5950];
	v40 =	vshll.u32 v22, $0x10;
	v41 =	vshll.u32 v31, $0x10;
	v22 =	vand.u32 $0xFFFF0000, v22  }
0x467: {  	v48 =	vld [tilespmem:s17+$0xFFFFFFE0];
	v31 =	vand.u32 $0xFFFF0000, v31;
	v49 =	vshll.u32 v60, $0x10;
	v32 =	vand.u32 $0xFFFF0000, v60  }
0x468: {  	v54 =	vld [tilespmem:s17+$0xFFFFFFF0];
	v57 =	vshll.u32 v63, $0x10;
	v35 =	vand.u32 $0xFFFF0000, v63;
	v36 =	vmul.f32 v40, v16  }
0x469: {  	v63 =	vshll.u32 v58, $0x10;
	v22 =	vmul.f32 v22, v16;
	v31 =	vmul.f32 v31, v15  }
0x46a: {  	v34 =	vld [tilespmem:s12+$0x5530];
	v37 =	vmul.f32 v41, v15;
	v40 =	vmul.f32 v49, v17;
	v2 =	vadd.f32 v2, v61  }
0x46b: {  	v56 =	vld [tilespmem:s12+$0x3D10];
	v23 =	vadd.f32 v23, v46;
	v22 =	vadd.f32 v31, v22;
	v31 =	vmul.f32 v32, v17  }
0x46c: {  	v59 =	vld [tilespmem:s12+$0x5960];
	v27 =	vadd.f32 v27, v48;
	v35 =	vmul.f32 v35, v10;
	v36 =	vadd.f32 v37, v36  }
0x46d: {  	v19 =	vadd.f32 v19, v54;
	v61 =	vshll.u32 v47, $0x10;
	v22 =	vadd.f32 v22, v31;
	v31 =	vld [tilespmem:s14+$0x7D20]  }
0x46e: {  	v62 =	vld [tilespmem:s12+$0x3D20];
	v23 =	vadd.f32 v23, v28;
	v36 =	vadd.f32 v36, v40;
	v40 =	vmul.f32 v57, v10  }
0x46f: {  	v60 =	vld [tilespmem:s12+$0x5520];
	v46 =	vand.u32 $0xFFFF0000, v47;
	v1 =	vadd.f32 v2, v1;
	v27 =	vadd.f32 v27, v30  }
0x470: {  	v28 =	vshll.u32 v56, $0x10;
	v30 =	vld [tilespmem:s14+$0x7D30];
	v19 =	vadd.f32 v19, v20;
	v36 =	vadd.f32 v36, v40  }
0x471: {  	v20 =	vshll.u32 v34, $0x10;
	v32 =	vand.u32 $0xFFFF0000, v56;
	v22 =	vadd.f32 v22, v35  }
0x472: {  	v34 =	vand.u32 $0xFFFF0000, v34;
	[tilespmem:s9+$0xAD00] =	vst v36;
	v0 =	vmul.f32 v0, v31;
	v37 =	vmul.f32 v61, v31  }
0x473: {  	v41 =	vshll.u32 v62, $0x10;
	[tilespmem:s9+$0xAD10] =	vst v22;
	v28 =	vmul.f32 v28, v31;
	v2 =	vmul.f32 v63, v31;
	v31 =	vld [tilespmem:s14+$0x7D40]  }
0x474: {  	v47 =	vshll.u32 v59, $0x10;
	v53 =	vand.u32 $0xFFFF0000, v62;
	v33 =	vand.u32 $0xFFFF0000, v60;
	v48 =	vld [tilespmem:s10+$0x4530]  }
0x475: {  	v3 =	vmul.f32 v3, v30;
	v32 =	vmul.f32 v32, v30;
	v22 =	vand.u32 $0xFFFF0000, v58;
	v56 =	vld [tilespmem:s10+$0x5D30]  }
0x476: {  	v36 =	vmul.f32 v46, v30;
	v22 =	vmul.f32 v22, v30;
	v61 =	vld [tilespmem:s14+$0x7D60];
	v0 =	vadd.f32 v23, v0  }
0x477: {  	v63 =	vld [tilespmem:s12+$0x5540];
	v23 =	vand.u32 $0xFFFF0000, v59;
	v1 =	vadd.f32 v1, v37;
	v27 =	vadd.f32 v27, v28  }
0x478: {  	v28 =	vld [tilespmem:s12+$0x4160];
	v2 =	vadd.f32 v19, v2;
	v19 =	vshll.u32 v60, $0x10;
	v0 =	vadd.f32 v0, v3  }
0x479: {  	v1 =	vadd.f32 v1, v36;
	v27 =	vadd.f32 v27, v32;
	v19 =	vmul.f32 v19, v31  }
0x47a: {  	v46 =	vld [tilespmem:s12+$0x5D00];
	v2 =	vadd.f32 v2, v22;
	v38 =	vmul.f32 v47, v31;
	v37 =	vmul.f32 v41, v31  }
0x47b: {  	v30 =	vld [tilespmem:s10+$0x3D70];
	v54 =	vshll.u32 v48, $0x10;
	v3 =	vand.u32 $0xFFFF0000, v48;
	v36 =	vand.u32 $0xFFFF0000, v56  }
0x47c: {  	v60 =	vld [tilespmem:s12+$0x3D30];
	v20 =	vmul.f32 v20, v61;
	v48 =	vshll.u32 v63, $0x10;
	v35 =	vmul.f32 v54, v15  }
0x47d: {  	v49 =	vshll.u32 v28, $0x10;
	v0 =	vadd.f32 v0, v19;
	v19 =	vand.u32 $0xFFFF0000, v28;
	v28 =	vld [tilespmem:s14+$0x7D50]  }
0x47e: {  	v63 =	vand.u32 $0xFFFF0000, v63;
	v3 =	vmul.f32 v3, v15;
	v22 =	vmul.f32 v49, v31  }
0x47f: {  	v36 =	vmul.f32 v36, v10;
	v1 =	vadd.f32 v1, v38;
	v27 =	vadd.f32 v27, v37;
	v31 =	vld [tilespmem:s10+$0x5570]  }
0x480: {  	v62 =	vld [tilespmem:s14+$0x7D70];
	v2 =	vadd.f32 v2, v22;
	v22 =	vshll.u32 v30, $0x10;
	v30 =	vand.u32 $0xFFFF0000, v30  }
0x481: {  	v47 =	vand.u32 $0xFFFF0000, v60;
	v22 =	vmul.f32 v22, v16;
	v30 =	vmul.f32 v30, v16  }
0x482: {  	v58 =	vld [tilespmem:s12+$0x5970];
	v49 =	vshll.u32 v46, $0x10;
	v23 =	vmul.f32 v23, v28;
	v33 =	vmul.f32 v33, v28  }
0x483: {  	v32 =	vmul.f32 v53, v28;
	v19 =	vmul.f32 v19, v28;
	v28 =	vshll.u32 v60, $0x10  }
0x484: {  	v57 =	vshll.u32 v31, $0x10;
	v22 =	vadd.f32 v35, v22;
	v31 =	vand.u32 $0xFFFF0000, v31  }
0x485: {  	v3 =	vadd.f32 v3, v30;
	v28 =	vmul.f32 v28, v61;
	v35 =	vmul.f32 v47, v62  }
0x486: {  	v59 =	vmul.f32 v57, v17;
	v31 =	vmul.f32 v31, v17;
	v1 =	vadd.f32 v1, v23  }
0x487: {  	v30 =	vld [tilespmem:s12+$0x4170];
	v23 =	vshll.u32 v56, $0x10;
	v2 =	vadd.f32 v2, v19;
	v19 =	vand.u32 $0xFFFF0000, v58  }
0x488: {  	v0 =	vadd.f32 v0, v33;
	v23 =	vmul.f32 v23, v10;
	v19 =	vmul.f32 v19, v62  }
0x489: {  	v22 =	vadd.f32 v22, v59;
	v3 =	vadd.f32 v3, v31;
	v31 =	vshll.u32 v58, $0x10  }
0x48a: {  	v56 =	vld [tilespmem:s14+$0x8130];
	v0 =	vadd.f32 v0, v20;
	v20 =	vmul.f32 v34, v62;
	v58 =	vshll.u32 v4, $0x10  }
0x48b: {  	v31 =	vmul.f32 v31, v61;
	v39 =	vadd.f32 v22, v23;
	v23 =	vld [tilespmem:s14+$0x8100];
	v22 =	vadd.f32 v27, v32  }
0x48c: {  	v27 =	vshll.u32 v30, $0x10;
	v3 =	vadd.f32 v3, v36;
	v0 =	vadd.f32 v0, v20;
	v20 =	vld [tilespmem:s14+$0x8120]  }
0x48d: {  	v30 =	vand.u32 $0xFFFF0000, v30;
	v27 =	vmul.f32 v27, v61;
	v1 =	vadd.f32 v1, v31;
	v31 =	vld [tilespmem:s12+$0x5550]  }
0x48e: {  	v36 =	vand.u32 $0xFFFF0000, v46;
	v30 =	vmul.f32 v30, v62;
	v22 =	vadd.f32 v22, v28;
	v28 =	vld [tilespmem:s12+$0x3D50]  }
0x48f: {  	v61 =	vshll.u32 v24, $0x10;
	v2 =	vadd.f32 v2, v27;
	v27 =	vld [tilespmem:s12+$0x4510];
	v1 =	vadd.f32 v1, v19  }
0x490: {  	v53 =	vadd.f32 v22, v35;
	v22 =	vld [tilespmem:s14+$0x8110];
	v33 =	vmul.f32 v49, v23;
	v37 =	vmul.f32 v48, v23  }
0x491: {  	v59 =	vmul.f32 v21, v23;
	v2 =	vadd.f32 v2, v30;
	v60 =	vmul.f32 v58, v23  }
0x492: {  	[tilespmem:s9+$0xAD20] =	vst v39;
	v7 =	vand.u32 $0xFFFF0000, v31;
	v9 =	vshll.u32 v31, $0x10;
	v1 =	vadd.f32 v1, v33  }
0x493: {  	[tilespmem:s9+$0xAD30] =	vst v3;
	v30 =	vand.u32 $0xFFFF0000, v28;
	v35 =	vadd.f32 v53, v59;
	v62 =	vshll.u32 v28, $0x10  }
0x494: {  	v34 =	vld [tilespmem:s10+$0x4100];
	v33 =	vadd.f32 v2, v60;
	v8 =	vand.u32 $0xFFFF0000, v27;
	v28 =	vmul.f32 v30, v56  }
0x495: {  	v32 =	vld [tilespmem:s10+$0x4540];
	v5 =	vshll.u32 v27, $0x10;
	v31 =	vmul.f32 v62, v20;
	v4 =	vmul.f32 v36, v22  }
0x496: {  	[tilespmem:s0+$0xB130] =	vst v26;
	v30 =	vmul.f32 v61, v20;
	v36 =	vadd.f32 v0, v37;
	v39 =	vmul.f32 v63, v22  }
0x497: {  	s18 =	simm.s32 $0x4;
	[tilespmem:s16+$0xB130] =	vst v29;
	v37 =	vmul.f32 v25, v22;
	v25 =	vld [tilespmem:s10+$0x5900];
	v29 =	vmul.f32 v5, v20;
	v26 =	vadd.f32 v1, v4  }
.LBB2_5:
0x498: {  	v14 =	vshll.u32 v14, $0x10  }
0x499: {  	v3 =	vld [tilespmem:s10+$0x5D40];
	v0 =	vadd.f32 v35, v37;
	v2 =	vadd.f32 v36, v39;
	v1 =	vmul.f32 v13, v22  }
0x49a: {  	v22 =	vshll.u32 v34, $0x10;
	v27 =	vand.u32 $0xFFFF0000, v34;
	v38 =	vshll.u32 v32, $0x10  }
0x49b: {  	v39 =	vand.u32 $0xFFFF0000, v32;
	v22 =	vmul.f32 v22, v16;
	v34 =	vmul.f32 v38, v15  }
0x49c: {  	v40 =	vshll.u32 v25, $0x10;
	v27 =	vmul.f32 v27, v16;
	v32 =	vmul.f32 v39, v15  }
0x49d: {  	v25 =	vand.u32 $0xFFFF0000, v25;
	v41 =	vmul.f32 v40, v17;
	v22 =	vadd.f32 v34, v22  }
0x49e: {  	v25 =	vmul.f32 v25, v17;
	v46 =	vshll.u32 v3, $0x10;
	v27 =	vadd.f32 v32, v27  }
0x49f: {  	v3 =	vand.u32 $0xFFFF0000, v3;
	v32 =	vmul.f32 v46, v10;
	v22 =	vadd.f32 v41, v22  }
0x4a0: {  	v1 =	vadd.f32 v33, v1;
	v3 =	vmul.f32 v3, v10;
	v25 =	vadd.f32 v25, v27  }
0x4a1: {  	v0 =	vadd.f32 v0, v31;
	v20 =	vmul.f32 v9, v20;
	v22 =	vadd.f32 v32, v22  }
0x4a2: {  	v23 =	vmul.f32 v8, v56;
	v1 =	vadd.f32 v1, v29;
	v3 =	vadd.f32 v3, v25  }
0x4a3: {  	v18 =	vmul.f32 v6, v56;
	v2 =	vadd.f32 v2, v20;
	v20 =	vadd.f32 v26, v30;
	[tilespmem:s9+$0xAD40] =	vst v22  }
0x4a4: {  	v19 =	vmul.f32 v7, v56;
	v0 =	vadd.f32 v0, v28;
	v1 =	vadd.f32 v1, v23;
	[tilespmem:s9+$0xAD50] =	vst v3  }
0x4a5: {  	v14 =	vmul.f32 v14, v55;
	v13 =	vshll.u32 v12, $0x10;
	v47 =	vadd.f32 v20, v18;
	v18 =	vld [tilespmem:s10+$0x4110]  }
0x4a6: {  	v20 =	vperm.xlane v0, v52;
	v2 =	vadd.f32 v2, v19;
	v21 =	vperm.xlane v1, v52;
	v22 =	vld [tilespmem:s10+$0x4550]  }
0x4a7: {  	v12 =	vshll.u32 v11, $0x10;
	v13 =	vmul.f32 v13, v45;
	v19 =	vperm.xlane v47, v52  }
0x4a8: {  	v33 =	vmovc v16;
	v0 =	vadd.f32 v0, v20;
	v16 =	vperm.xlane v2, v52;
	v1 =	vadd.f32 v1, v21;
	v21 =	vld [tilespmem:s10+$0x5910]  }
0x4a9: {  	s19 =	sshrl.u32 s18, $0x3;
	s29 =	sadd.s32 $0x80, s29;
	v12 =	vmul.f32 v12, v51;
	v13 =	vadd.f32 v14, v13  }
0x4aa: {  	v55 =	vmovc v15;
	s20 =	sshll.u32 s19, $0xB;
	s21 =	sand.u32 $0x380, s29;
	v2 =	vadd.f32 v2, v16;
	v3 =	vadd.f32 v47, v19;
	v16 =	vld [tilespmem:s10+$0x5D50];
	v15 =	vmax.f32 v0, v1  }
0x4ab: {  	s19 =	smul.u32 $0xC00, s19;
	s20 =	sor.u32 s21, s20;
	v51 =	vmovc v17;
	v17 =	vshll.u32 v18, $0x10;
	v18 =	vand.u32 $0xFFFF0000, v18;
	v20 =	vshll.u32 v22, $0x10  }
0x4ac: {  	v56 =	vld [tilespmem:s20+$0x8130];
	v22 =	vand.u32 $0xFFFF0000, v22;
	v17 =	vmul.f32 v17, v33;
	v23 =	vmul.f32 v20, v55  }
0x4ad: {  	s19 =	sor.u32 s21, s19;
	v35 =	vld [tilespmem:s20+$0x8100];
	v25 =	vshll.u32 v21, $0x10;
	v18 =	vmul.f32 v18, v33;
	v24 =	vmul.f32 v22, v55  }
0x4ae: {  	v26 =	vld [tilespmem:s19+$0x5D10];
	v21 =	vand.u32 $0xFFFF0000, v21;
	v17 =	vadd.f32 v23, v17;
	v23 =	vmul.f32 v25, v51  }
0x4af: {  	v27 =	vld [tilespmem:s19+$0x3D50];
	v21 =	vmul.f32 v21, v51;
	v18 =	vadd.f32 v24, v18;
	v24 =	vshll.u32 v16, $0x10  }
0x4b0: {  	v14 =	vld [tilespmem:s19+$0x4510];
	v16 =	vand.u32 $0xFFFF0000, v16;
	v17 =	vadd.f32 v23, v17;
	v23 =	vmul.f32 v24, v10  }
0x4b1: {  	v28 =	vld [tilespmem:s19+$0x5D00];
	v15 =	vmax.f32 v15, v2;
	v16 =	vmul.f32 v16, v10;
	v18 =	vadd.f32 v21, v18  }
0x4b2: {  	v15 =	vmax.f32 v15, v3;
	v20 =	vld [tilespmem:s20+$0x8120];
	v17 =	vadd.f32 v23, v17  }
0x4b3: {  	v11 =	vshll.u32 v44, $0x10;
	v0 =	vsub.f32 v0, v15;
	v22 =	vld [tilespmem:s20+$0x8110];
	v16 =	vadd.f32 v16, v18  }
0x4b4: {  	v11 =	vmul.f32 v11, v50;
	v1 =	vsub.f32 v1, v15;
	v24 =	vld [tilespmem:s19+$0x5550];
	[tilespmem:s9+$0xAD60] =	vst v17  }
0x4b5: {  	v50 =	vmovc v10;
	v0 =	vmul.f32 $1.442695020e+00, v0;
	v10 =	vadd.f32 v12, v13;
	v13 =	vadd.f32 v42, v43;
	v12 =	vld [tilespmem:s19+$0x5540];
	[tilespmem:s9+$0xAD70] =	vst v16  }
0x4b6: {  	v6 =	vmov v11;
	v2 =	vsub.f32 v2, v15;
	v1 =	vmul.f32 $1.442695020e+00, v1;
	v11 =	vld [tilespmem:s10+$0x4120]  }
0x4b7: {  	v3 =	vsub.f32 v3, v15;
	(erf) = vpow2.f32 v0;
	v57 =	vld [tilespmem:s10+$0x4560];
	[tilespmem:s0+$0xB120] =	vst v13  }
0x4b8: {  	v2 =	vmul.f32 $1.442695020e+00, v2;
	(erf) = vpow2.f32 v1;
	v13 =	vld [tilespmem:s19+$0x3D40]  }
0x4b9: {  	v5 =	vand.u32 $0xFFFF0000, v26;
	v15 =	vand.u32 $0xFFFF0000, v27;
	v59 =	vmul.f32 $1.442695020e+00, v3;
	v60 =	vld [tilespmem:s10+$0x5920]  }
0x4ba: {  	v58 =	vand.u32 $0xFFFF0000, v14;
	v61 =	vshll.u32 v14, $0x10;
	(erf) = vpow2.f32 v2;
	v4 =	vmovc v10;
	v30 =	vld [tilespmem:s19+$0x4500]  }
0x4bb: {  	(erf) = vpow2.f32 v59;
	[tilespmem:$0x1FDB0] =	vst v4;
	v17 =	vshll.u32 v27, $0x10;
	v4 =	vand.u32 $0xFFFF0000, v24;
	v62 =	vld [tilespmem:s10+$0x5D60]  }
0x4bc: {  	v2 =	vld [tilespmem:s19+$0x5970];
	v14 =	vshll.u32 v11, $0x10;
	v11 =	vand.u32 $0xFFFF0000, v11;
	v27 =	vshll.u32 v57, $0x10  }
0x4bd: {  	v31 =	vld [tilespmem:s19+$0x5530];
	v0 =	vand.u32 $0xFFFF0000, v57;
	v14 =	vmul.f32 v14, v33;
	v27 =	vmul.f32 v27, v55  }
0x4be: {  	v36 =	vld [tilespmem:s19+$0x3D30];
	v11 =	vmul.f32 v11, v33;
	v0 =	vmul.f32 v0, v55;
	v29 =	vshll.u32 v60, $0x10  }
0x4bf: {  	v37 =	vld [tilespmem:s19+$0x4170];
	v3 =	vand.u32 $0xFFFF0000, v60;
	v14 =	vadd.f32 v27, v14;
	v27 =	vmul.f32 v29, v51  }
0x4c0: {  	[tilespmem:$0x1FE30] =	vst v5;
	v39 =	vld [tilespmem:s19+$0x5960];
	v42 =	vpop (erf);
	v3 =	vmul.f32 v3, v51;
	v0 =	vadd.f32 v0, v11;
	v11 =	vshll.u32 v62, $0x10  }
0x4c1: {  	[tilespmem:$0x1FDC0] =	vst v58;
	v41 =	vld [tilespmem:s19+$0x5520];
	v44 =	vpop (erf);
	v1 =	vand.u32 $0xFFFF0000, v62;
	v11 =	vmul.f32 v11, v50;
	v14 =	vadd.f32 v27, v14  }
0x4c2: {  	[tilespmem:$0x1FE70] =	vst v61;
	v43 =	vld [tilespmem:s19+$0x3D20];
	v63 =	vadd.f32 v44, v42;
	v1 =	vmul.f32 v1, v50;
	v0 =	vadd.f32 v3, v0  }
0x4c3: {  	[tilespmem:$0x1FE00] =	vst v4;
	v4 =	vshll.u32 v24, $0x10;
	v49 =	vld [tilespmem:s19+$0x5950];
	v48 =	vpop (erf);
	v11 =	vadd.f32 v11, v14  }
0x4c4: {  	v58 =	vshll.u32 v28, $0x10;
	s0 =	smov.u32 s16;
	s16 =	smov.u32 s9;
	[tilespmem:$0x1FDE0] =	vst v4;
	v3 =	vld [tilespmem:s19+$0x4160];
	v14 =	vadd.f32 v63, v48;
	v0 =	vadd.f32 v1, v0  }
0x4c5: {  	v10 =	vand.u32 $0xFFFF0000, v28;
	v16 =	vshll.u32 v26, $0x10;
	v45 =	vand.u32 $0xFFFF0000, v12;
	v52 =	vpop (erf);
	v1 =	vld [tilespmem:s19+$0x5510];
	[tilespmem:s16+$0xB100] =	vst v11  }
0x4c6: {  	v53 =	vshll.u32 v12, $0x10;
	v4 =	vand.u32 $0xFFFF0000, v30;
	v11 =	vadd.f32 v14, v52;
	v59 =	vld [tilespmem:s19+$0x3D10];
	[tilespmem:s16+$0xB110] =	vst v0  }
0x4c7: {  	v38 =	vand.u32 $0xFFFF0000, v13;
	v40 =	vshll.u32 v13, $0x10;
	[tilespmem:$0x1FD90] =	vst v4;
	v4 =	vshll.u32 v30, $0x10;
	v26 =	vld [tilespmem:s10+$0x4130]  }
0x4c8: {  	v60 =	vand.u32 $0xFFFF0000, v2;
	[tilespmem:$0x1FE50] =	vst v4;
	v4 =	vshll.u32 v36, $0x10;
	(erf) = vrcp.f32 v11;
	v19 =	vld [tilespmem:s10+$0x4570]  }
0x4c9: {  	v46 =	vand.u32 $0xFFFF0000, v36;
	v47 =	vand.u32 $0xFFFF0000, v37;
	[tilespmem:$0x1FDD0] =	vst v4;
	v4 =	vshll.u32 v37, $0x10;
	v25 =	vld [tilespmem:s10+$0x5930]  }
0x4ca: {  	s9 =	smov.u32 s14;
	s14 =	smov.u32 s20;
	v61 =	vshll.u32 v31, $0x10;
	v2 =	vshll.u32 v2, $0x10;
	[tilespmem:$0x1FDF0] =	vst v4;
	v4 =	vand.u32 $0xFFFF0000, v43;
	v62 =	vld [tilespmem:s19+$0x4150]  }
0x4cb: {  	v34 =	vshll.u32 v43, $0x10;
	v8 =	vshll.u32 v41, $0x10;
	[tilespmem:$0x1FD80] =	vst v4;
	v4 =	vand.u32 $0xFFFF0000, v3;
	v36 =	vld [tilespmem:s14+$0x7D70]  }
0x4cc: {  	v5 =	vand.u32 $0xFFFF0000, v49;
	v0 =	vand.u32 $0xFFFF0000, v31;
	[tilespmem:$0x1FDA0] =	vst v4;
	v4 =	vand.u32 $0xFFFF0000, v41;
	v37 =	vld [tilespmem:s10+$0x5D70]  }
0x4cd: {  	v41 =	vld [tilespmem:s14+$0x7D60];
	v11 =	vshll.u32 v49, $0x10;
	v28 =	vand.u32 $0xFFFF0000, v26;
	v30 =	vand.u32 $0xFFFF0000, v19  }
0x4ce: {  	v43 =	vld [tilespmem:s14+$0x7D50];
	v49 =	vand.u32 $0xFFFF0000, v25;
	v31 =	vmul.f32 v28, v33;
	v30 =	vmul.f32 v30, v55  }
0x4cf: {  	[tilespmem:$0x1FE80] =	vst v6;
	v9 =	vshll.u32 v39, $0x10;
	v63 =	vand.u32 $0xFFFF0000, v39;
	v3 =	vshll.u32 v3, $0x10;
	v54 =	vld [tilespmem:s14+$0x7D40]  }
0x4d0: {  	[tilespmem:$0x1FE40] =	vst v40;
	s10 =	smov.u32 s12;
	s12 =	smov.u32 s19;
	v57 =	vld [tilespmem:s14+$0x7D30];
	v28 =	vmul.f32 v15, v56;
	v39 =	vmul.f32 v49, v51;
	v15 =	vadd.f32 v30, v31  }
0x4d1: {  	[tilespmem:$0x1FE10] =	vst v46;
	v12 =	vld [tilespmem:s12+$0x5940];
	v31 =	vmul.f32 v17, v20;
	v30 =	vmul.f32 v16, v20;
	v17 =	vand.u32 $0xFFFF0000, v37;
	v49 =	vpop (erf)  }
0x4d2: {  	[tilespmem:$0x1FD60] =	vst v3;
	v13 =	vld [tilespmem:s12+$0x5500];
	v17 =	vmul.f32 v17, v50;
	v16 =	vmul.f32 v49, v42;
	v14 =	vadd.f32 v39, v15  }
0x4d3: {  	s15 =	sadd.s32 $0x80, s15;
	[tilespmem:$0x1FD70] =	vst v4;
	v3 =	vand.u32 $0xFFFF0000, v1;
	v1 =	vshll.u32 v1, $0x10;
	v18 =	vld [tilespmem:s12+$0x3D00];
	v15 =	vmul.f32 v49, v44  }
0x4d4: {  	v4 =	vld [tilespmem:s12+$0x4140];
	v29 =	vand.u32 $0xFFFF0000, v59;
	v59 =	vshll.u32 v59, $0x10;
	[tilespmem:s15+$0xFFFFFFE0] =	vst v16;
	v14 =	vadd.f32 v17, v14  }
0x4d5: {  	v32 =	vand.u32 $0xFFFF0000, v62;
	v42 =	vmul.f32 v10, v22;
	v17 =	vmul.f32 v49, v48;
	v6 =	vld [tilespmem:s14+$0x7D20];
	[tilespmem:s15+$0xFFFFFFF0] =	vst v15  }
0x4d6: {  	v21 =	vand.u32 $0xFFFF0000, v12;
	v39 =	vmul.f32 v45, v22;
	v10 =	vmul.f32 v49, v52;
	v7 =	vld [tilespmem:s14+$0x7D10];
	[tilespmem:s16+$0xB130] =	vst v14  }
0x4d7: {  	s17 =	sadd.s32 $0x80, s17;
	v40 =	vand.u32 $0xFFFF0000, v13;
	v44 =	vmul.f32 v58, v35;
	v45 =	vmul.f32 v53, v35;
	v14 =	vld [tilespmem:s14+$0x7D00];
	[tilespmem:s15+$0x0] =	vst v17  }
0x4d8: {  	v12 =	vshll.u32 v12, $0x10;
	v53 =	vmul.f32 v2, v41;
	v52 =	vmul.f32 v61, v41;
	v46 =	vld [tilespmem:s17+$0x10];
	[tilespmem:s15+$0x10] =	vst v10  }
0x4d9: {  	[tilespmem:$0x1FE20] =	vst v47;
	v13 =	vshll.u32 v13, $0x10;
	v58 =	vmul.f32 v63, v43;
	v48 =	vmul.f32 v60, v36;
	v47 =	vld [tilespmem:s10+$0x3D60]  }
0x4da: {  	[tilespmem:$0x1FE60] =	vst v38;
	v61 =	vand.u32 $0xFFFF0000, v4;
	v49 =	vmul.f32 v0, v36;
	v38 =	vld [tilespmem:s10+$0x4520];
	v1 =	vmul.f32 v1, v6  }
0x4db: {  	v0 =	vand.u32 $0xFFFF0000, v18;
	v23 =	vld [tilespmem:s10+$0x5560];
	v21 =	vmul.f32 v21, v7;
	v60 =	vmul.f32 v40, v7  }
0x4dc: {  	v18 =	vshll.u32 v18, $0x10;
	v0 =	vmul.f32 v0, v7;
	v12 =	vmul.f32 v12, v14  }
0x4dd: {  	v4 =	vshll.u32 v4, $0x10;
	v13 =	vmul.f32 v13, v14;
	v18 =	vmul.f32 v18, v14  }
0x4de: {  	v4 =	vmul.f32 v4, v14;
	v2 =	vadd.f32 v12, v46;
	v12 =	vld [tilespmem:s10+$0x5D20];
	v14 =	vshll.u32 v47, $0x10  }
0x4df: {  	v63 =	vand.u32 $0xFFFF0000, v47;
	v40 =	vshll.u32 v38, $0x10;
	v38 =	vand.u32 $0xFFFF0000, v38;
	v47 =	vld [tilespmem:s17+$0xFFFFFFF0]  }
0x4e0: {  	v46 =	vshll.u32 v23, $0x10;
	v14 =	vmul.f32 v14, v16;
	v40 =	vmul.f32 v40, v15  }
0x4e1: {  	v23 =	vand.u32 $0xFFFF0000, v23;
	v63 =	vmul.f32 v63, v16;
	v38 =	vmul.f32 v38, v15  }
0x4e2: {  	v62 =	vshll.u32 v62, $0x10;
	v7 =	vmul.f32 v61, v7;
	v23 =	vmul.f32 v23, v17  }
0x4e3: {  	v24 =	vld [tilespmem:s17+$0x0];
	v14 =	vadd.f32 v40, v14;
	v40 =	vmul.f32 v46, v17;
	v38 =	vadd.f32 v38, v63  }
0x4e4: {  	v63 =	vshll.u32 v12, $0x10;
	v12 =	vand.u32 $0xFFFF0000, v12;
	v4 =	vadd.f32 v4, v47  }
0x4e5: {  	v11 =	vmul.f32 v11, v6;
	v23 =	vadd.f32 v38, v23;
	v12 =	vmul.f32 v12, v10  }
0x4e6: {  	v14 =	vadd.f32 v14, v40;
	v46 =	vmul.f32 v63, v10;
	v4 =	vadd.f32 v4, v7  }
0x4e7: {  	v27 =	vld [tilespmem:s17+$0xFFFFFFE0];
	v12 =	vadd.f32 v23, v12;
	v23 =	vmul.f32 v59, v6;
	v6 =	vmul.f32 v62, v6  }
0x4e8: {  	v13 =	vadd.f32 v13, v24  }
0x4e9: {  	v24 =	vadd.f32 v14, v46;
	v4 =	vadd.f32 v4, v6;
	v6 =	vmul.f32 v32, v57  }
0x4ea: {  	v13 =	vadd.f32 v13, v60  }
0x4eb: {  	v2 =	vadd.f32 v2, v21;
	[tilespmem:s9+$0xAD00] =	vst v24;
	v61 =	vadd.f32 v4, v6;
	v4 =	vld [tilespmem:$0x1FD60]  }
0x4ec: {  	v3 =	vmul.f32 v3, v57;
	v18 =	vadd.f32 v18, v27;
	[tilespmem:s9+$0xAD10] =	vst v12  }
0x4ed: {  	v5 =	vmul.f32 v5, v57;
	v1 =	vadd.f32 v13, v1;
	v2 =	vadd.f32 v2, v11;
	v11 =	vld [tilespmem:s10+$0x3D70]  }
0x4ee: {  	v8 =	vmul.f32 v8, v54;
	v0 =	vadd.f32 v18, v0;
	v12 =	vld [tilespmem:s10+$0x4530]  }
0x4ef: {  	v9 =	vmul.f32 v9, v54;
	v1 =	vadd.f32 v1, v3;
	v2 =	vadd.f32 v2, v5  }
0x4f0: {  	v7 =	vmul.f32 v29, v57;
	v0 =	vadd.f32 v0, v23;
	v5 =	vld [tilespmem:s10+$0x5570];
	v4 =	vmul.f32 v4, v54  }
0x4f1: {  	v13 =	vmul.f32 v34, v54;
	v1 =	vadd.f32 v1, v8;
	v2 =	vadd.f32 v2, v9  }
0x4f2: {  	v0 =	vadd.f32 v0, v7;
	v8 =	vshll.u32 v11, $0x10;
	v3 =	vadd.f32 v61, v4;
	v4 =	vld [tilespmem:s10+$0x5D30]  }
0x4f3: {  	v9 =	vand.u32 $0xFFFF0000, v11;
	v11 =	vshll.u32 v12, $0x10;
	v12 =	vand.u32 $0xFFFF0000, v12  }
0x4f4: {  	v14 =	vmovc v19;
	v2 =	vadd.f32 v2, v58;
	v6 =	vld [tilespmem:$0x1FD70];
	v9 =	vmul.f32 v9, v16;
	v19 =	vmul.f32 v12, v15  }
0x4f5: {  	v7 =	vld [tilespmem:$0x1FD80];
	v0 =	vadd.f32 v0, v13;
	v13 =	vshll.u32 v5, $0x10;
	v5 =	vand.u32 $0xFFFF0000, v5  }
0x4f6: {  	v5 =	vmul.f32 v5, v17;
	v9 =	vadd.f32 v19, v9  }
0x4f7: {  	v63 =	vld [tilespmem:$0x1FE70];
	v2 =	vadd.f32 v2, v53;
	v18 =	vshll.u32 v4, $0x10;
	v4 =	vand.u32 $0xFFFF0000, v4  }
0x4f8: {  	v5 =	vadd.f32 v9, v5;
	v9 =	vld [tilespmem:$0x1FDA0];
	v4 =	vmul.f32 v4, v10  }
0x4f9: {  	v62 =	vld [tilespmem:$0x1FE60];
	v2 =	vadd.f32 v2, v48;
	v8 =	vmul.f32 v8, v16;
	v11 =	vmul.f32 v11, v15  }
0x4fa: {  	v6 =	vmul.f32 v6, v43;
	v7 =	vmul.f32 v7, v43;
	v4 =	vadd.f32 v5, v4;
	v5 =	vld [tilespmem:$0x1FDF0]  }
0x4fb: {  	v2 =	vadd.f32 v2, v44;
	v8 =	vadd.f32 v11, v8;
	v11 =	vmul.f32 v13, v17;
	v13 =	vld [tilespmem:$0x1FD90]  }
0x4fc: {  	v1 =	vadd.f32 v1, v6;
	v0 =	vadd.f32 v0, v7;
	[tilespmem:s9+$0xAD30] =	vst v4;
	v4 =	vld [tilespmem:$0x1FE20]  }
0x4fd: {  	v7 =	vld [tilespmem:$0x1FDD0];
	v8 =	vadd.f32 v8, v11;
	v18 =	vmul.f32 v18, v10;
	v9 =	vmul.f32 v9, v43  }
0x4fe: {  	v12 =	vmov v26;
	v26 =	vadd.f32 v2, v42;
	v42 =	vld [tilespmem:$0x1FE80];
	v1 =	vadd.f32 v1, v52  }
0x4ff: {  	v52 =	vld [tilespmem:$0x1FFF0];
	v6 =	vadd.f32 v8, v18;
	v3 =	vadd.f32 v3, v9;
	v5 =	vmul.f32 v5, v41  }
0x500: {  	v43 =	vld [tilespmem:$0x1FDB0]  }
0x501: {  	[tilespmem:s9+$0xAD20] =	vst v6;
	v6 =	vld [tilespmem:$0x1FE10];
	v3 =	vadd.f32 v3, v5;
	v4 =	vmul.f32 v4, v36  }
0x502: {  	v7 =	vmul.f32 v7, v41;
	v5 =	vld [tilespmem:$0x1FE40]  }
0x503: {  	v3 =	vadd.f32 v3, v4;
	v4 =	vld [tilespmem:$0x1FE50]  }
0x504: {  	v0 =	vadd.f32 v0, v7;
	v7 =	vld [tilespmem:$0x1FE00]  }
0x505: {  	p0 =	sne.s32 s18, $0xF;
	v8 =	vld [tilespmem:$0x1FDC0]  }
.Ltmp1:
0x506: {  	v9 =	vld [tilespmem:$0x1FDE0];
	v6 =	vmul.f32 v6, v36;
	(pc) =	sbr.rel @p0 .LBB2_5-.Ltmp1, $4  }
0x507: {  	v1 =	vadd.f32 v1, v49;
	v34 =	vld [tilespmem:s10+$0x4100]  }
0x508: {  	v32 =	vld [tilespmem:s10+$0x4540];
	v0 =	vadd.f32 v0, v6;
	v5 =	vmul.f32 v5, v35;
	v4 =	vmul.f32 v4, v35  }
0x509: {  	v29 =	vmul.f32 v63, v20;
	v44 =	vmovc v37;
	v11 =	vmov v25;
	v25 =	vld [tilespmem:s10+$0x5900];
	v36 =	vadd.f32 v1, v45  }
0x50a: {  	s18 =	sadd.s32 $0x1, s18;
	v37 =	vmul.f32 v62, v22;
	v45 =	vmovc v33;
	v6 =	vld [tilespmem:$0x1FE30];
	v35 =	vadd.f32 v0, v5;
	v33 =	vadd.f32 v3, v4  }
0x50b: {  	v0 =	vmul.f32 v13, v22;
	_ =	sdelay $0x1  }
0x50c: {  	v1 =	vadd.f32 v35, v37;
	v0 =	vadd.f32 v33, v0  }
0x50d: {  	v2 =	vadd.f32 v36, v39;
	v3 =	vmul.f32 v9, v20  }
0x50e: {  	v4 =	vmul.f32 v8, v56;
	v1 =	vadd.f32 v1, v31;
	v0 =	vadd.f32 v0, v29  }
0x50f: {  	v21 =	vadd.f32 v26, v30;
	v5 =	vmul.f32 v7, v56;
	v2 =	vadd.f32 v2, v3  }
0x510: {  	v6 =	vmul.f32 v6, v56;
	v1 =	vadd.f32 v1, v28;
	v0 =	vadd.f32 v0, v4  }
0x511: {  	v2 =	vadd.f32 v2, v5  }
0x512: {  	v3 =	vadd.f32 v21, v6;
	v22 =	vperm.xlane v1, v52;
	v23 =	vperm.xlane v0, v52  }
0x513: {  	v24 =	vperm.xlane v2, v52  }
0x514: {  	v26 =	vperm.xlane v3, v52;
	v1 =	vadd.f32 v1, v22;
	v0 =	vadd.f32 v0, v23  }
0x515: {  	v2 =	vadd.f32 v2, v24  }
0x516: {  	v3 =	vadd.f32 v3, v26;
	v4 =	vmax.f32 v1, v0  }
0x517: {  	v4 =	vmax.f32 v4, v2  }
0x518: {  	v4 =	vmax.f32 v4, v3  }
0x519: {  	v1 =	vsub.f32 v1, v4  }
0x51a: {  	v0 =	vsub.f32 v0, v4  }
0x51b: {  	v1 =	vmul.f32 $1.442695020e+00, v1  }
0x51c: {  	v2 =	vsub.f32 v2, v4;
	v0 =	vmul.f32 $1.442695020e+00, v0  }
0x51d: {  	(erf) = vpow2.f32 v1  }
0x51e: {  	v27 =	vsub.f32 v3, v4;
	v2 =	vmul.f32 $1.442695020e+00, v2;
	(erf) = vpow2.f32 v0;
	_ =	sdelay $0x1  }
0x51f: {  	v28 =	vmul.f32 $1.442695020e+00, v27;
	(erf) = vpow2.f32 v2;
	_ =	sdelay $0x1  }
0x520: {  	(erf) = vpow2.f32 v28;
	_ =	sdelay $0x3  }
0x521: {  	v29 =	vpop (erf)  }
0x522: {  	v30 =	vpop (erf)  }
0x523: {  	v31 =	vadd.f32 v30, v29  }
0x524: {  	v33 =	vpop (erf)  }
0x525: {  	v2 =	vadd.f32 v31, v33  }
0x526: {  	v35 =	vpop (erf)  }
0x527: {  	v2 =	vadd.f32 v2, v35;
	_ =	sdelay $0x1  }
0x528: {  	(erf) = vrcp.f32 v2;
	_ =	sdelay $0x8  }
0x529: {  	v2 =	vpop (erf)  }
0x52a: {  	v20 =	vmul.f32 v2, v29  }
0x52b: {  	s15 =	sadd.s32 $0x80, s15;
	v21 =	vmul.f32 v2, v30  }
0x52c: {  	v19 =	vmul.f32 v2, v33;
	[tilespmem:s15+$0xFFFFFFE0] =	vst v20  }
0x52d: {  	v18 =	vmul.f32 v2, v35;
	[tilespmem:s15+$0xFFFFFFF0] =	vst v21  }
0x52e: {  	[tilespmem:s15+$0x0] =	vst v19  }
0x52f: {  	[tilespmem:s15+$0x10] =	vst v18  }
0x530: {  	v36 =	vld [tilespmem:s12+$0x3D60]  }
0x531: {  	v37 =	vld [tilespmem:s12+$0x4520];
	_ =	sdelay $0x1  }
0x532: {  	v38 =	vld [tilespmem:s12+$0x5560];
	_ =	sdelay $0x1  }
0x533: {  	v39 =	vld [tilespmem:s12+$0x5D20]  }
0x534: {  	v40 =	vshll.u32 v36, $0x10;
	v0 =	vand.u32 $0xFFFF0000, v36;
	v41 =	vshll.u32 v37, $0x10  }
0x535: {  	v1 =	vand.u32 $0xFFFF0000, v37;
	v4 =	vmul.f32 v40, v20;
	v5 =	vmul.f32 v41, v21  }
0x536: {  	v46 =	vshll.u32 v38, $0x10;
	v0 =	vmul.f32 v0, v20;
	v1 =	vmul.f32 v1, v21  }
0x537: {  	v2 =	vand.u32 $0xFFFF0000, v38;
	v47 =	vmul.f32 v46, v19;
	v4 =	vadd.f32 v5, v4  }
0x538: {  	v49 =	vshll.u32 v39, $0x10;
	v48 =	vmul.f32 v2, v19;
	v0 =	vadd.f32 v1, v0  }
0x539: {  	v3 =	vand.u32 $0xFFFF0000, v39;
	v2 =	vmul.f32 v49, v18;
	v4 =	vadd.f32 v4, v47  }
0x53a: {  	v53 =	vmul.f32 v3, v18;
	v0 =	vadd.f32 v0, v48  }
0x53b: {  	v2 =	vadd.f32 v4, v2  }
0x53c: {  	v0 =	vadd.f32 v0, v53  }
0x53d: {  	[tilespmem:s14+$0xAD00] =	vst v2  }
0x53e: {  	[tilespmem:s14+$0xAD10] =	vst v0  }
0x53f: {  	v0 =	vld [tilespmem:s12+$0x3D70]  }
0x540: {  	v54 =	vld [tilespmem:s12+$0x4530];
	_ =	sdelay $0x1  }
0x541: {  	v2 =	vld [tilespmem:s12+$0x5570];
	_ =	sdelay $0x1  }
0x542: {  	v56 =	vld [tilespmem:s12+$0x5D30]  }
0x543: {  	v57 =	vshll.u32 v0, $0x10;
	v0 =	vand.u32 $0xFFFF0000, v0;
	v58 =	vshll.u32 v54, $0x10  }
0x544: {  	v1 =	vand.u32 $0xFFFF0000, v54;
	v4 =	vmul.f32 v57, v20;
	v5 =	vmul.f32 v58, v21  }
0x545: {  	v59 =	vshll.u32 v2, $0x10;
	v0 =	vmul.f32 v0, v20;
	v1 =	vmul.f32 v1, v21  }
0x546: {  	v2 =	vand.u32 $0xFFFF0000, v2;
	v60 =	vmul.f32 v59, v19;
	v4 =	vadd.f32 v5, v4  }
0x547: {  	v62 =	vshll.u32 v56, $0x10;
	v61 =	vmul.f32 v2, v19;
	v0 =	vadd.f32 v1, v0  }
0x548: {  	v3 =	vand.u32 $0xFFFF0000, v56;
	v2 =	vmul.f32 v62, v18;
	v4 =	vadd.f32 v4, v60  }
0x549: {  	v63 =	vmul.f32 v3, v18;
	v0 =	vadd.f32 v0, v61  }
0x54a: {  	v9 =	vld [tilespmem:s10+$0x5D40];
	v13 =	vshll.u32 v34, $0x10;
	v2 =	vadd.f32 v4, v2  }
0x54b: {  	v24 =	vmul.f32 v13, v16;
	v23 =	vshll.u32 v32, $0x10;
	v0 =	vadd.f32 v0, v63  }
0x54c: {  	v22 =	vand.u32 $0xFFFF0000, v34;
	v26 =	vand.u32 $0xFFFF0000, v32;
	v6 =	vmul.f32 v23, v15;
	[tilespmem:s14+$0xAD20] =	vst v2  }
0x54d: {  	v27 =	vmul.f32 v22, v16;
	v28 =	vmul.f32 v26, v15;
	v29 =	vshll.u32 v25, $0x10;
	[tilespmem:s14+$0xAD30] =	vst v0  }
0x54e: {  	v31 =	vand.u32 $0xFFFF0000, v25;
	v30 =	vadd.f32 v6, v24;
	v5 =	vmul.f32 v29, v17;
	v32 =	vld [tilespmem:s12+$0x4100]  }
0x54f: {  	v33 =	vshll.u32 v9, $0x10;
	v1 =	vmul.f32 v31, v17;
	v2 =	vadd.f32 v28, v27;
	v34 =	vld [tilespmem:s12+$0x4540]  }
0x550: {  	v3 =	vand.u32 $0xFFFF0000, v9;
	v4 =	vmul.f32 v33, v10;
	v0 =	vadd.f32 v5, v30  }
0x551: {  	v35 =	vmul.f32 v3, v10;
	v36 =	vld [tilespmem:s12+$0x5900];
	v1 =	vadd.f32 v1, v2  }
0x552: {  	v0 =	vadd.f32 v4, v0  }
0x553: {  	v37 =	vld [tilespmem:s12+$0x5D40];
	v1 =	vadd.f32 v35, v1  }
0x554: {  	[tilespmem:s9+$0xAD40] =	vst v0;
	v38 =	vshll.u32 v32, $0x10;
	v39 =	vand.u32 $0xFFFF0000, v32;
	v40 =	vshll.u32 v34, $0x10  }
0x555: {  	[tilespmem:s9+$0xAD50] =	vst v1;
	v41 =	vand.u32 $0xFFFF0000, v34;
	v0 =	vmul.f32 v38, v20;
	v5 =	vmul.f32 v40, v21  }
0x556: {  	v47 =	vshll.u32 v36, $0x10;
	v46 =	vld [tilespmem:s10+$0x4110];
	v4 =	vmul.f32 v39, v20;
	v1 =	vmul.f32 v41, v21  }
0x557: {  	v3 =	vand.u32 $0xFFFF0000, v36;
	v48 =	vld [tilespmem:s10+$0x4550];
	v49 =	vmul.f32 v47, v19;
	v0 =	vadd.f32 v5, v0  }
0x558: {  	v53 =	vshll.u32 v37, $0x10;
	v3 =	vmul.f32 v3, v19;
	v1 =	vadd.f32 v1, v4  }
0x559: {  	v2 =	vand.u32 $0xFFFF0000, v37;
	v54 =	vld [tilespmem:s10+$0x5910];
	v4 =	vmul.f32 v53, v18;
	v0 =	vadd.f32 v49, v0  }
0x55a: {  	v2 =	vmul.f32 v2, v18;
	v1 =	vadd.f32 v3, v1  }
0x55b: {  	v56 =	vld [tilespmem:s10+$0x5D50];
	v57 =	vshll.u32 v46, $0x10;
	v0 =	vadd.f32 v4, v0  }
0x55c: {  	v58 =	vand.u32 $0xFFFF0000, v46;
	v59 =	vshll.u32 v48, $0x10;
	v1 =	vadd.f32 v2, v1  }
0x55d: {  	v61 =	vand.u32 $0xFFFF0000, v48;
	v60 =	vmul.f32 v57, v16;
	v6 =	vmul.f32 v59, v15;
	[tilespmem:s14+$0xAD40] =	vst v0  }
0x55e: {  	v9 =	vshll.u32 v54, $0x10;
	v62 =	vmul.f32 v58, v16;
	v63 =	vmul.f32 v61, v15;
	[tilespmem:s14+$0xAD50] =	vst v1  }
0x55f: {  	v22 =	vand.u32 $0xFFFF0000, v54;
	v5 =	vmul.f32 v9, v17;
	v13 =	vadd.f32 v6, v60;
	v23 =	vld [tilespmem:s12+$0x4110]  }
0x560: {  	v24 =	vshll.u32 v56, $0x10;
	v2 =	vmul.f32 v22, v17;
	v0 =	vadd.f32 v63, v62;
	v25 =	vld [tilespmem:s12+$0x4550]  }
0x561: {  	v3 =	vand.u32 $0xFFFF0000, v56;
	v4 =	vmul.f32 v24, v10;
	v1 =	vadd.f32 v5, v13  }
0x562: {  	v26 =	vmul.f32 v3, v10;
	v27 =	vld [tilespmem:s12+$0x5910];
	v0 =	vadd.f32 v2, v0  }
0x563: {  	v1 =	vadd.f32 v4, v1  }
0x564: {  	v28 =	vld [tilespmem:s12+$0x5D50];
	v0 =	vadd.f32 v26, v0  }
0x565: {  	[tilespmem:s9+$0xAD60] =	vst v1;
	v29 =	vshll.u32 v23, $0x10;
	v30 =	vand.u32 $0xFFFF0000, v23;
	v31 =	vshll.u32 v25, $0x10  }
0x566: {  	[tilespmem:s9+$0xAD70] =	vst v0;
	v33 =	vand.u32 $0xFFFF0000, v25;
	v32 =	vmul.f32 v29, v20;
	v5 =	vmul.f32 v31, v21  }
0x567: {  	v35 =	vshll.u32 v27, $0x10;
	v34 =	vld [tilespmem:s10+$0x4120];
	v4 =	vmul.f32 v30, v20;
	v1 =	vmul.f32 v33, v21  }
0x568: {  	v3 =	vand.u32 $0xFFFF0000, v27;
	v36 =	vld [tilespmem:s10+$0x4560];
	v37 =	vmul.f32 v35, v19;
	v0 =	vadd.f32 v5, v32  }
0x569: {  	v38 =	vshll.u32 v28, $0x10;
	v3 =	vmul.f32 v3, v19;
	v1 =	vadd.f32 v1, v4  }
0x56a: {  	v2 =	vand.u32 $0xFFFF0000, v28;
	v39 =	vld [tilespmem:s10+$0x5920];
	v4 =	vmul.f32 v38, v18;
	v0 =	vadd.f32 v37, v0  }
0x56b: {  	v2 =	vmul.f32 v2, v18;
	v41 =	vld [tilespmem:s10+$0x5D60];
	v1 =	vadd.f32 v3, v1  }
0x56c: {  	v40 =	vshll.u32 v34, $0x10;
	v0 =	vadd.f32 v4, v0  }
0x56d: {  	v46 =	vand.u32 $0xFFFF0000, v34;
	v47 =	vshll.u32 v36, $0x10;
	v1 =	vadd.f32 v2, v1  }
0x56e: {  	v49 =	vand.u32 $0xFFFF0000, v36;
	v48 =	vmul.f32 v40, v16;
	v6 =	vmul.f32 v47, v15;
	[tilespmem:s14+$0xAD60] =	vst v0  }
0x56f: {  	v54 =	vshll.u32 v39, $0x10;
	v53 =	vmul.f32 v46, v16;
	v3 =	vmul.f32 v49, v15;
	[tilespmem:s14+$0xAD70] =	vst v1  }
0x570: {  	v57 =	vand.u32 $0xFFFF0000, v39;
	v60 =	vshll.u32 v41, $0x10;
	v5 =	vmul.f32 v54, v17;
	v58 =	vld [tilespmem:s12+$0x4120]  }
0x571: {  	v2 =	vmul.f32 v57, v17;
	v56 =	vadd.f32 v6, v48;
	v0 =	vadd.f32 v3, v53;
	v59 =	vld [tilespmem:s12+$0x4560]  }
0x572: {  	v4 =	vand.u32 $0xFFFF0000, v41;
	v61 =	vmul.f32 v60, v10  }
0x573: {  	v62 =	vmul.f32 v4, v10;
	v63 =	vld [tilespmem:s12+$0x5920];
	v1 =	vadd.f32 v5, v56;
	v0 =	vadd.f32 v2, v0;
	_ =	sdelay $0x1  }
0x574: {  	v9 =	vld [tilespmem:s12+$0x5D60];
	v1 =	vadd.f32 v61, v1;
	v0 =	vadd.f32 v62, v0  }
0x575: {  	v13 =	vshll.u32 v58, $0x10;
	v6 =	vand.u32 $0xFFFF0000, v58;
	v22 =	vshll.u32 v59, $0x10  }
0x576: {  	v3 =	vand.u32 $0xFFFF0000, v59;
	v23 =	vmul.f32 v13, v20;
	v24 =	vmul.f32 v22, v21  }
0x577: {  	[tilespmem:s9+$0xB100] =	vst v1;
	v26 =	vshll.u32 v63, $0x10;
	v25 =	vmul.f32 v6, v20;
	v3 =	vmul.f32 v3, v21  }
0x578: {  	[tilespmem:s9+$0xB110] =	vst v0;
	v4 =	vand.u32 $0xFFFF0000, v63;
	v28 =	vmul.f32 v26, v19;
	v1 =	vadd.f32 v24, v23  }
0x579: {  	v31 =	vshll.u32 v9, $0x10;
	v27 =	vld [tilespmem:s10+$0x4130];
	v30 =	vmul.f32 v4, v19;
	v0 =	vadd.f32 v3, v25  }
0x57a: {  	v2 =	vand.u32 $0xFFFF0000, v9;
	v29 =	vld [tilespmem:s10+$0x4570];
	v4 =	vmul.f32 v31, v18;
	v1 =	vadd.f32 v28, v1  }
0x57b: {  	v32 =	vld [tilespmem:s10+$0x5930];
	v2 =	vmul.f32 v2, v18;
	v0 =	vadd.f32 v30, v0  }
0x57c: {  	v11 =	vshll.u32 v11, $0x10;
	v33 =	vld [tilespmem:s10+$0x5D70];
	v1 =	vadd.f32 v4, v1  }
0x57d: {  	v11 =	vmul.f32 v11, v51;
	v34 =	vshll.u32 v12, $0x10;
	v0 =	vadd.f32 v2, v0  }
0x57e: {  	v37 =	vshll.u32 v14, $0x10;
	v38 =	vmul.f32 v34, v45;
	v46 =	vshll.u32 v44, $0x10;
	[tilespmem:s14+$0xB100] =	vst v1  }
0x57f: {  	v47 =	vmul.f32 v46, v50;
	v35 =	vand.u32 $0xFFFF0000, v27;
	v36 =	vand.u32 $0xFFFF0000, v29;
	[tilespmem:s14+$0xB110] =	vst v0  }
0x580: {  	v48 =	vadd.f32 v42, v43;
	v4 =	vmul.f32 v35, v16;
	v8 =	vmul.f32 v36, v15;
	v40 =	vld [tilespmem:s12+$0x4130]  }
0x581: {  	v39 =	vand.u32 $0xFFFF0000, v32;
	v45 =	vand.u32 $0xFFFF0000, v33;
	v6 =	vshll.u32 v29, $0x10;
	v41 =	vld [tilespmem:s12+$0x4570]  }
0x582: {  	v2 =	vmul.f32 v39, v17;
	v1 =	vmul.f32 v37, v55;
	v4 =	vadd.f32 v8, v4;
	v49 =	vld [tilespmem:s12+$0x5930]  }
0x583: {  	v5 =	vshll.u32 v32, $0x10;
	v3 =	vshll.u32 v33, $0x10;
	v6 =	vmul.f32 v6, v15  }
0x584: {  	v0 =	vadd.f32 v1, v38;
	v2 =	vadd.f32 v2, v4;
	v1 =	vmul.f32 v45, v10  }
0x585: {  	v50 =	vshll.u32 v27, $0x10;
	v5 =	vmul.f32 v5, v17;
	v3 =	vmul.f32 v3, v10  }
0x586: {  	v54 =	vld [tilespmem:s12+$0x5D70];
	v0 =	vadd.f32 v11, v0;
	v1 =	vadd.f32 v1, v2;
	v2 =	vmul.f32 v50, v16  }
0x587: {  	v51 =	vand.u32 $0xFFFF0000, v40;
	v53 =	vand.u32 $0xFFFF0000, v41;
	v55 =	vand.u32 $0xFFFF0000, v49  }
0x588: {  	v9 =	vshll.u32 v40, $0x10;
	v7 =	vmul.f32 v51, v20;
	v13 =	vmul.f32 v53, v21  }
0x589: {  	v8 =	vshll.u32 v41, $0x10;
	v2 =	vadd.f32 v6, v2;
	v10 =	vmul.f32 v55, v19  }
0x58a: {  	v56 =	vmul.f32 v9, v20;
	v8 =	vmul.f32 v8, v21;
	v7 =	vadd.f32 v13, v7  }
0x58b: {  	v57 =	vand.u32 $0xFFFF0000, v54;
	v58 =	vshll.u32 v49, $0x10;
	v2 =	vadd.f32 v5, v2  }
0x58c: {  	v6 =	vadd.f32 v8, v56;
	v7 =	vadd.f32 v10, v7;
	v10 =	vmul.f32 v58, v19  }
0x58d: {  	[tilespmem:s0+$0xB120] =	vst v48;
	v0 =	vadd.f32 v47, v0;
	v59 =	vshll.u32 v54, $0x10;
	v9 =	vmul.f32 v57, v18  }
0x58e: {  	s20 =	sshrl.u32 s1, $0x3;
	[tilespmem:s9+$0xB130] =	vst v1;
	v4 =	vmul.f32 v59, v18;
	v62 =	vadd.f32 v3, v2;
	v61 =	vadd.f32 v10, v6  }
0x58f: {  	s31 =	sadd.s32 $0x1, s31;
	s0 =	sor.u32 $0x2, s20;
	[tilespmem:s16+$0xB120] =	vst v0;
	v60 =	vadd.f32 v9, v7  }
0x590: {  	p0 =	sne.s32 s31, $0x31;
	s21 =	sshll.u32 s0, $0x8;
	[tilespmem:s9+$0xB120] =	vst v62;
	v63 =	vadd.f32 v4, v61  }
.Ltmp2:
0x591: {  	s0 =	sshll.u32 s0, $0x7;
	s1 =	sand.u32 $0x1FFFFE00, s21;
	[tilespmem:s14+$0xB130] =	vst v60;
	(pc) =	sbr.rel @p0 .LBB2_2-.Ltmp2, $4  }
0x592: {  	s29 =	simm.s32 $0xAD00;
	s0 =	sand.u32 $0x1FFFFF00, s0;
	s1 =	sadd.s32 s7, s1;
	[tilespmem:s14+$0xB120] =	vst v63  }
0x593: {  	[hbm4b:s1+s3] =	stream.linear.scatter [tilespmem:s29], [sflag:$0x4], $0x1000, $0x38;
	[tilespmem:$0xCD00] =	vst v63  }
0x594: {  	s30 =	simm.s32 $0xC500;
	s0 =	sadd.s32 s8, s0  }
0x595: {  	[hbm4b:s0+s3] =	stream.linear.scatter [tilespmem:s30], [sflag:$0x4], $0x800, $0x38;
	[tilespmem:$0xCD00] =	vst v63  }
0x596: {  	_ =	swait.ge [sflag:s13], $0x1800  }
0x597: {  	[sflag:s13] =	ssyncset.done $0x0  }
0x598: {  	[sflag:s13] =	ssyncadd.s32 $0xFFFFE800  }
0x599: {  	_ =	swait.ge [sflag:s13], $0x1800  }
0x59a: {  	[sflag:s13] =	ssyncset.done $0x0  }
0x59b: {  	[sflag:s13] =	ssyncadd.s32 $0xFFFFE800  }
0x59c: {  	_ =	swait.ge [sflag:s13], $0x1000  }
0x59d: {  	[sflag:s13] =	ssyncset.done $0x0  }
0x59e: {  	[sflag:s13] =	ssyncadd.s32 $0xFFFFF000  }
0x59f: {  	_ =	swait.ge [sflag:s13], $0x800  }
0x5a0: {  	[sflag:s13] =	ssyncset.done $0x0  }
0x5a1: {  	s0 =	simm.s32 $0x3;
	[sflag:s13] =	ssyncadd.s32 $0xFFFFF800  }
0x5a2: {  	_ =	swait.ge [sflag:s0], $0x1000  }
0x5a3: {  	[sflag:s0] =	ssyncset.done $0x0  }
0x5a4: {  	[sflag:s0] =	ssyncadd.s32 $0xFFFFF000  }
0x5a5: {  	_ =	swait.ge [sflag:s0], $0x800  }
0x5a6: {  	[sflag:s0] =	ssyncset.done $0x0  }
0x5a7: {  	s1 =	simm.s32 $0x4;
	[sflag:s0] =	ssyncadd.s32 $0xFFFFF800  }
0x5a8: {  	_ =	swait.ge [sflag:s1], $0x1000  }
0x5a9: {  	[sflag:s1] =	ssyncset.done $0x0  }
0x5aa: {  	[sflag:s1] =	ssyncadd.s32 $0xFFFFF000  }
0x5ab: {  	_ =	swait.ge [sflag:s1], $0x800  }
0x5ac: {  	s9 =	rddreg [dreg:$0x8]  }
0x5ad: {  	s31 =	rddreg [dreg:$0x7];
	s9 =	sadd.s32 $0x1, s9  }
0x5ae: {  	p0 =	sne.s32 s9, s31  }
.Ltmp3:
0x5af: {  	_ = 	snop;
	(pc) =	sbr.rel @p0 .LBB2_1-.Ltmp3, $3  }
0x5b0: {  	_ =	sdelay $0x1  }
0x5b1: {  	[sflag:s1] =	ssyncset.done $0x0  }
0x5b2: {  	[sflag:s1] =	ssyncadd.s32 $0xFFFFF800  }
0x5b3: {  	_ =	sfence.sel $0x180000  }
0x5b4: {  	[bflag:$0x0] =	sbarrier.arrive $0xFFFF  }
0x5b5: {  	_ =	strace $0x90000047  }
0x5b6: {  	s0 =	stileid.u32;
	[bflag:$0x2] =	sbarrier.arrive $0xFFFF  }
0x5b7: {  	p0 =	sne.s32 s0, $0x0;
	s0 =	rddreg [dreg:$0x2]  }
0x5b8: {  	s0 =	sadd.s32 @!p0 $0x100000, s0  }
0x5b9: {  	[sflag:s0] =	ssyncadd.tile.s32 @!p0 $0x1;
	_ =	shalt  }
.Lfunc_end2:
_tile_overlayer_lowered:
.L_overlay_start_2:
0x5ba: {  	(tag) =	ssettag $0x2  }
0x5bb: {  	s0 =	rddreg [dreg:$0x0];
	s2 =	stileid.u32  }
0x5bc: {  	s1 =	rddreg [dreg:$0x1];
	p0 =	sne.s32 s2, $0x0  }
0x5bd: {  	s3 =	rddreg [dreg:$0x2];
	[bflag:$0x3] =	sbarrier.arrive $0xFFFF;
	s2 =	simm.s32 @!p0 $0x1C05  }
0x5be: {  	[timem:s3], [sflag:s2] =	dma.local @!p0 [hbm:s0], s1  }
0x5bf: {  	s0 =	simm.s32 @!p0 $0x5  }
0x5c0: {  	_ =	swait.ge @!p0 [sflag:s0], s1  }
0x5c1: {  	s1 =	ssub.s32 @!p0 $0x0, s1;
	[sflag:s0] =	ssyncset.done @!p0 $0x0  }
0x5c2: {  	[sflag:s0] =	ssyncadd.s32 @!p0 s1  }
0x5c3: {  	[bflag:$0x3] =	sbarrier.arrive $0xFFFF  }
0x5c4: {  	_ =	shalt  }

</sc_bundles>
